<compile_context>
chip_gen: v7x
topology: tpu7x:2x2x1
jax: 0.10.2.dev20260603
libtpu: 0.0.44.dev20260713+nightly
codegen_flags: <defaults>
</compile_context>

<pallas_src>
import functools

import jax
import jax.numpy as jnp
from jax import lax
from jax.experimental import pallas as pl
from jax.experimental.pallas import tpu as pltpu
from jax.experimental.pallas import tpu_sc as plsc

N_NODES = 10000
IN_DIM = 256
HID_DIM = 512
OUT_DIM = 256
HW = 128
NH = 2

NC = 2
NS = 16
NW = NC * NS
K = 128
NBUF = 2
NPAD = 10240
RPT = NPAD // NS

_MESH = plsc.VectorSubcoreMesh(core_axis_name="c", subcore_axis_name="s")


def _deg_body(dst_hbm, zeros1_hbm, out_hbm, deg_sp, ones_v, dst_v, sem):
    del sem
    cid = lax.axis_index("c")
    sid = lax.axis_index("s")
    wid = cid * NS + sid
    rowbase = sid * RPT
    n_chunks = dst_hbm.shape[1]
    pltpu.sync_copy(zeros1_hbm.at[pl.ds(rowbase, RPT)],
                    deg_sp.at[pl.ds(rowbase, RPT)])
    for k in range(K // 16):
        ones_v[pl.ds(k * 16, 16)] = jnp.ones((16,), jnp.float32)
    plsc.subcore_barrier()

    def step(j, carry):
        pltpu.sync_copy(dst_hbm.at[wid, j], dst_v)
        pltpu.sync_copy(ones_v, deg_sp.at[dst_v], add=True)
        return carry

    lax.fori_loop(0, n_chunks, step, 0)
    plsc.subcore_barrier()
    pltpu.sync_copy(deg_sp.at[pl.ds(rowbase, RPT)],
                    out_hbm.at[cid, pl.ds(rowbase, RPT)])


def _deg_call(n_chunks):
    del n_chunks
    return pl.kernel(
        _deg_body,
        out_type=jax.ShapeDtypeStruct((NC, NPAD), jnp.float32),
        mesh=_MESH,
        scratch_types=[
            pltpu.VMEM_SHARED((NPAD,), jnp.float32),
            pltpu.VMEM((K,), jnp.float32),
            pltpu.VMEM((K,), jnp.int32),
            pltpu.SemaphoreType.DMA,
        ],
    )


def _scatter_body(n0, n1, t0, t1, src_hbm, dst_hbm,
                  o0, o1,
                  acc_sp, srcs_v, dsts_v, rows0_v, rows1_v,
                  gsem0, gsem1, ssem0, ssem1):
    cid = lax.axis_index("c")
    sid = lax.axis_index("s")
    wid = cid * NS + sid
    rowbase = sid * RPT
    n_chunks = jnp.where(cid == 0, n0, n1)
    tables = (t0, t1)
    outs = (o0, o1)
    bufs = (rows0_v, rows1_v)
    gsems = (gsem0, gsem1)
    ssems = (ssem0, ssem1)

    pltpu.sync_copy(src_hbm.at[wid], srcs_v)
    pltpu.sync_copy(dst_hbm.at[wid], dsts_v)

    def run_half(q):
        table = tables[q]

        def zrow(r, carry):
            for c in range(HW // 16):
                rows0_v[r, pl.ds(c * 16, 16)] = jnp.zeros((16,), jnp.float32)
            return carry

        lax.fori_loop(0, K, zrow, 0)
        for t in range(RPT // K):
            pltpu.sync_copy(rows0_v, acc_sp.at[pl.ds(rowbase + t * K, K)])
        plsc.subcore_barrier()

        def gather(j, b, table=table):
            return pltpu.async_copy(table.at[srcs_v.at[j]], bufs[b], gsems[b])

        def wait_gather(j, b, table=table):
            pltpu.make_async_copy(table.at[srcs_v.at[j]], bufs[b],
                                  gsems[b]).wait()

        def scatter(j, b):
            return pltpu.async_copy(bufs[b], acc_sp.at[dsts_v.at[j]],
                                    ssems[b], add=True)

        def wait_scatter(j, b):
            pltpu.make_async_copy(bufs[b], acc_sp.at[dsts_v.at[j]],
                                  ssems[b]).wait()

        def step(i, carry):
            for u in range(NBUF):
                j = NBUF * i + u

                if u == 0:
                    @pl.when(i >= 1)
                    def _():
                        wait_scatter(j - NBUF, 0)
                        wait_gather(j - 1, NBUF - 1)
                        scatter(j - 1, NBUF - 1)
                else:
                    @pl.when(i >= 1)
                    def _():
                        wait_scatter(j - NBUF, u)

                gather(j, u)

                if u >= 1:
                    wait_gather(j - 1, u - 1)
                    scatter(j - 1, u - 1)
            return carry

        lax.fori_loop(0, n_chunks // NBUF, step, 0)
        last = n_chunks - 1
        wait_gather(last, NBUF - 1)
        scatter(last, NBUF - 1)
        for u in range(NBUF):
            wait_scatter(n_chunks - NBUF + u, u)
        plsc.subcore_barrier()
        pltpu.sync_copy(acc_sp.at[pl.ds(rowbase, RPT)],
                        outs[q].at[cid, pl.ds(rowbase, RPT)])

    @pl.when(cid == 0)
    def _():
        run_half(0)
        run_half(1)

    @pl.when(cid == 1)
    def _():
        run_half(1)
        run_half(0)


def _scatter_call(n0, n1, nmax):
    part = jax.ShapeDtypeStruct((NC, NPAD, HW), jnp.float32)
    return pl.kernel(
        functools.partial(_scatter_body, n0, n1),
        out_type=[part, part],
        mesh=_MESH,
        scratch_types=[
            pltpu.VMEM_SHARED((NPAD, HW), jnp.float32),
            pltpu.VMEM((nmax, K), jnp.int32),
            pltpu.VMEM((nmax, K), jnp.int32),
        ] + [pltpu.VMEM((K, HW), jnp.float32)] * NBUF
          + [pltpu.SemaphoreType.DMA] * (2 * NBUF),
    )


def _prep_body(degp_ref, x_ref, dinv_ref, y0, y1):
    deg = degp_ref[:, 0:1] + degp_ref[:, 1:2] + 1.0
    dinv = lax.rsqrt(deg)
    dinv_ref[...] = dinv
    d = dinv[:N_NODES]
    x = x_ref[...]
    ys = (y0, y1)
    for q in range(NH):
        ys[q][...] = x[:, q * HW:(q + 1) * HW] * d


def _mid_body(s0, s1, x0, x1, dinv_ref,
              W1_ref, b1_ref, W2_ref, y0, y1):
    d = dinv_ref[...]
    ss = (s0, s1)
    xs = (x0, x1)
    agg1 = jnp.concatenate(
        [(ss[q][0] + ss[q][1] + xs[q][...]) * d for q in range(NH)], axis=1)
    h = jnp.dot(agg1, W1_ref[...], preferred_element_type=jnp.float32)
    h = jnp.maximum(h + b1_ref[...], 0.0)
    p = jnp.dot(h, W2_ref[...], preferred_element_type=jnp.float32)
    y = p * d
    ys = (y0, y1)
    for q in range(NH):
        ys[q][...] = y[:, q * HW:(q + 1) * HW]


def _out_body(s0, s1, x0, x1, dinv_ref,
              b2_ref, linW_ref, linb_ref, emb_ref, score_ref):
    d = dinv_ref[...]
    ss = (s0, s1)
    xs = (x0, x1)
    emb = jnp.concatenate(
        [(ss[q][0] + ss[q][1] + xs[q][...]) * d for q in range(NH)], axis=1)
    emb = emb + b2_ref[...]
    emb_ref[...] = emb
    z = jnp.dot(emb, linW_ref[...], preferred_element_type=jnp.float32)
    score_ref[...] = jax.nn.sigmoid(z + linb_ref[...])


F0 = 0.65


def _skew_split(idx_row, e, n, pad_val):
    e0 = int(round(F0 * e))
    n0 = -(-e0 // (NS * K))
    n0 += n0 % 2
    e0 = min(e, NS * K * n0)
    n1 = -(-(e - e0) // (NS * K))
    n1 += n1 % 2
    n1 = max(n1, 2)
    nmax = max(n0, n1)
    part0 = jnp.concatenate(
        [idx_row[:e0], jnp.full((NS * K * n0 - e0,), pad_val, jnp.int32)]
    ).reshape(NS, n0, K)
    part1 = jnp.concatenate(
        [idx_row[e0:], jnp.full((NS * K * n1 - (e - e0),), pad_val, jnp.int32)]
    ).reshape(NS, n1, K)
    part0 = jnp.pad(part0, ((0, 0), (0, nmax - n0), (0, 0)),
                    constant_values=pad_val)
    part1 = jnp.pad(part1, ((0, 0), (0, nmax - n1), (0, 0)),
                    constant_values=pad_val)
    return jnp.concatenate([part0, part1], axis=0), n0, n1, nmax


def kernel(x, edge_index, W1, b1, W2, b2, lin_W, lin_b):
    n = x.shape[0]
    assert n == N_NODES
    e = edge_index.shape[1]
    epad = -(-e // (NW * K * NBUF)) * (NW * K * NBUF)
    n_chunks = epad // (NW * K)

    src = edge_index[0].astype(jnp.int32)
    dst = edge_index[1].astype(jnp.int32)
    srcS, n0, n1, nmax = _skew_split(src, e, n, 0)
    dstS, _, _, _ = _skew_split(dst, e, n, n)
    dst3 = jnp.concatenate(
        [dst, jnp.full((epad - e,), n, jnp.int32)]).reshape(NW, n_chunks, K)
    zeros1 = jnp.zeros((NPAD,), jnp.float32)
    b1_2d = b1.reshape(1, HID_DIM)
    b2_2d = b2.reshape(1, OUT_DIM)
    linb_2d = lin_b.reshape(1, 1)

    degp = _deg_call(n_chunks)(dst3, zeros1)
    degp_t = degp.T

    qshape = jax.ShapeDtypeStruct((n, HW), jnp.float32)
    dinv, x10, x11 = pl.pallas_call(
        _prep_body,
        out_shape=[jax.ShapeDtypeStruct((NPAD, 1), jnp.float32),
                   qshape, qshape],
    )(degp_t, x)

    scat = _scatter_call(n0, n1, nmax)

    s10, s11 = scat(x10, x11, srcS, dstS)

    R = 2000
    grid = (n // R,)
    part_spec = pl.BlockSpec((NC, R, HW), lambda r: (0, r, 0))
    q_spec = pl.BlockSpec((R, HW), lambda r: (r, 0))
    dinv_spec = pl.BlockSpec((R, 1), lambda r: (r, 0))
    x20, x21 = pl.pallas_call(
        _mid_body,
        grid=grid,
        in_specs=[
            part_spec, part_spec,
            q_spec, q_spec, dinv_spec,
            pl.BlockSpec((IN_DIM, HID_DIM), lambda r: (0, 0)),
            pl.BlockSpec((1, HID_DIM), lambda r: (0, 0)),
            pl.BlockSpec((HID_DIM, OUT_DIM), lambda r: (0, 0)),
        ],
        out_specs=[q_spec, q_spec],
        out_shape=[qshape, qshape],
    )(s10, s11, x10, x11, dinv, W1, b1_2d, W2)

    s20, s21 = scat(x20, x21, srcS, dstS)

    emb, score = pl.pallas_call(
        _out_body,
        grid=grid,
        in_specs=[
            part_spec, part_spec,
            q_spec, q_spec, dinv_spec,
            pl.BlockSpec((1, OUT_DIM), lambda r: (0, 0)),
            pl.BlockSpec((OUT_DIM, 1), lambda r: (0, 0)),
            pl.BlockSpec((1, 1), lambda r: (0, 0)),
        ],
        out_specs=[
            pl.BlockSpec((R, OUT_DIM), lambda r: (r, 0)),
            pl.BlockSpec((R, 1), lambda r: (r, 0)),
        ],
        out_shape=[
            jax.ShapeDtypeStruct((n, OUT_DIM), jnp.float32),
            jax.ShapeDtypeStruct((n, 1), jnp.float32),
        ],
    )(s20, s21, x20, x21, dinv, b2_2d, lin_W, linb_2d)

    return emb, score[:, 0]

# --- scband reference (transcript-rebuilt; emitter-appended) ---
"""Pipeline reference for scband-gcnnet-16415365005927 (READ-ONLY COPY).

The authoritative reference and input builder live on the scoring server;
editing this copy changes nothing except your own understanding.
"""

import jax, jax.numpy as jnp
import numpy as np

N_NODES = 10000
IN_DIM = 256
HID_DIM = 512
OUT_DIM = 256
N_EDGES = 160000


def gcn_conv(x, edge_index, W, b, num_nodes):
    # Linear transform first (PyG GCNConv default)
    h = x @ W
    src = edge_index[0]
    dst = edge_index[1]
    # add self-loops
    loop = jnp.arange(num_nodes, dtype=src.dtype)
    src = jnp.concatenate([src, loop])
    dst = jnp.concatenate([dst, loop])
    # symmetric normalization D^{-1/2} A_hat D^{-1/2}
    deg = jnp.zeros((num_nodes,), dtype=h.dtype).at[dst].add(1.0)
    dinv = jnp.where(deg > 0, deg ** -0.5, 0.0)
    norm = dinv[src] * dinv[dst]
    msgs = h[src] * norm[:, None]
    out = jax.ops.segment_sum(msgs, dst, num_segments=num_nodes)
    return out + b


def setup_inputs(seed: int = 0) -> dict:
    key = jax.random.key(seed)
    k_x, k_e, k1, k2, k3 = jax.random.split(key, 5)
    x = jax.random.normal(k_x, (N_NODES, IN_DIM), dtype=jnp.float32)
    edge_index = jax.random.randint(k_e, (2, N_EDGES), 0, N_NODES, dtype=jnp.int64)
    s1 = (6.0 / (IN_DIM + HID_DIM)) ** 0.5
    W1 = jax.random.uniform(k1, (IN_DIM, HID_DIM), minval=-s1, maxval=s1, dtype=jnp.float32)
    b1 = jnp.zeros((HID_DIM,), dtype=jnp.float32)
    s2 = (6.0 / (HID_DIM + OUT_DIM)) ** 0.5
    W2 = jax.random.uniform(k2, (HID_DIM, OUT_DIM), minval=-s2, maxval=s2, dtype=jnp.float32)
    b2 = jnp.zeros((OUT_DIM,), dtype=jnp.float32)
    s3 = (1.0 / OUT_DIM) ** 0.5
    lin_W = jax.random.uniform(k3, (OUT_DIM, 1), minval=-s3, maxval=s3, dtype=jnp.float32)
    lin_b = jnp.zeros((1,), dtype=jnp.float32)
    return {"x": x, "edge_index": edge_index, "W1": W1, "b1": b1, "W2": W2, "b2": b2, "lin_W": lin_W, "lin_b": lin_b}


def reference(x, edge_index, W1, b1, W2, b2, lin_W, lin_b):
    num_nodes = x.shape[0]
    h = gcn_conv(x, edge_index, W1, b1, num_nodes)
    h = jax.nn.relu(h)
    # dropout p=0.3 is identity in eval mode
    emb = gcn_conv(h, edge_index, W2, b2, num_nodes)
    score = jax.nn.sigmoid(emb @ lin_W + lin_b).squeeze(-1)
    return (emb, score)

if __name__ == "__main__":
    import jax
    _d = setup_inputs()
    print(jax.jit(kernel)(*tuple(_d.values())))

</pallas_src>

<mosaic_0001>
#map = affine_map<(d0, d1) -> (0, 0, 0)>
#map1 = affine_map<(d0, d1) -> (0)>
#map2 = affine_map<(d0, d1) -> (0, 0)>
module attributes {stable_mosaic.version = 14 : i64} {
  func.func @_deg_body(%arg0: i32, %arg1: i32, %arg2: memref<32x40x128xi32, #tpu.memory_space<hbm>>, %arg3: memref<10240xf32, #tpu.memory_space<hbm>>, %arg4: memref<2x10240xf32, #tpu.memory_space<hbm>>, %arg5: memref<10240xf32, #tpu.memory_space<vmem_shared>>, %arg6: memref<128xf32, #tpu.memory_space<vmem>>, %arg7: memref<128xi32, #tpu.memory_space<vmem>>, %arg8: memref<!tpu.dma_semaphore, #tpu.memory_space<semaphore_mem>>) attributes {dimension_semantics = [#tpu.dimension_semantics<core_parallel>, #tpu.dimension_semantics<subcore_parallel>], iteration_bounds = array<i64: 2, 16>, scalar_prefetch = 0 : i64, scratch_operands = 4 : i64, tpu.core_type = #tpu.core_type<sc_vector_subcore>, window_params = [{transform_indices = #map}, {transform_indices = #map1}, {transform_indices = #map2}]} {
    %mul3A = arith.constant 16 : i32
    %mul3A_0 = arith.muli %arg0, %mul3A : i32
    %add3A = arith.addi %mul3A_0, %arg1 : i32
    %mul3A_1 = arith.constant 640 : i32
    %mul3A_2 = arith.muli %arg1, %mul3A_1 : i32
    "tpu.region"() ({
      %run_scoped3A = tpu.sem_alloc : memref<!tpu.dma_semaphore, #tpu.memory_space<semaphore_mem>>
      %dma_start3A = tpu.memref_slice %arg5[%mul3A_2] : memref<10240xf32, #tpu.memory_space<vmem_shared>> -> memref<640xf32, #tpu.memory_space<vmem_shared>>
      %dma_start3A_55 = tpu.memref_slice %arg3[%mul3A_2] : memref<10240xf32, #tpu.memory_space<hbm>> -> memref<640xf32, #tpu.memory_space<hbm>>
      tpu.enqueue_dma source(%dma_start3A_55 : memref<640xf32, #tpu.memory_space<hbm>>) target(%dma_start3A : memref<640xf32, #tpu.memory_space<vmem_shared>>) target_semaphore(%run_scoped3A : memref<!tpu.dma_semaphore, #tpu.memory_space<semaphore_mem>>)
      %dma_wait3A = tpu.memref_slice %arg5[%mul3A_2] : memref<10240xf32, #tpu.memory_space<vmem_shared>> -> memref<640xf32, #tpu.memory_space<vmem_shared>>
      %dma_wait3A_56 = tpu.memref_slice %arg3[%mul3A_2] : memref<10240xf32, #tpu.memory_space<hbm>> -> memref<640xf32, #tpu.memory_space<hbm>>
      tpu.wait_dma2 semaphore(%run_scoped3A : memref<!tpu.dma_semaphore, #tpu.memory_space<semaphore_mem>>) src(%dma_wait3A_56 : memref<640xf32, #tpu.memory_space<hbm>>) dst(%dma_wait3A : memref<640xf32, #tpu.memory_space<vmem_shared>>)
      tpu.yield
    }) : () -> ()
    %broadcast_in_dim3A = arith.constant 1.000000e+00 : f32
    %broadcast_in_dim3A_3 = vector.broadcast %broadcast_in_dim3A : f32 to vector<16xf32>
    %swap3A = arith.constant 0 : index
    %swap3A_4 = tpu.vector_load %arg6[%swap3A] {strides = array<i32>} : memref<128xf32, #tpu.memory_space<vmem>>, vector<16xf32>,
    %swap3A_5 = vector.shape_cast %swap3A_4 : vector<16xf32> to vector<16xf32>
    %swap3A_6 = vector.shape_cast %broadcast_in_dim3A_3 : vector<16xf32> to vector<16xf32>
    tpu.vector_store %arg6[%swap3A], %swap3A_6 {strides = array<i32>} : memref<128xf32, #tpu.memory_space<vmem>>, vector<16xf32>,
    %broadcast_in_dim3A_7 = arith.constant 1.000000e+00 : f32
    %broadcast_in_dim3A_8 = vector.broadcast %broadcast_in_dim3A_7 : f32 to vector<16xf32>
    %swap3A_9 = arith.constant 16 : index
    %swap3A_10 = tpu.vector_load %arg6[%swap3A_9] {strides = array<i32>} : memref<128xf32, #tpu.memory_space<vmem>>, vector<16xf32>,
    %swap3A_11 = vector.shape_cast %swap3A_10 : vector<16xf32> to vector<16xf32>
    %swap3A_12 = vector.shape_cast %broadcast_in_dim3A_8 : vector<16xf32> to vector<16xf32>
    tpu.vector_store %arg6[%swap3A_9], %swap3A_12 {strides = array<i32>} : memref<128xf32, #tpu.memory_space<vmem>>, vector<16xf32>,
    %broadcast_in_dim3A_13 = arith.constant 1.000000e+00 : f32
    %broadcast_in_dim3A_14 = vector.broadcast %broadcast_in_dim3A_13 : f32 to vector<16xf32>
    %swap3A_15 = arith.constant 32 : index
    %swap3A_16 = tpu.vector_load %arg6[%swap3A_15] {strides = array<i32>} : memref<128xf32, #tpu.memory_space<vmem>>, vector<16xf32>,
    %swap3A_17 = vector.shape_cast %swap3A_16 : vector<16xf32> to vector<16xf32>
    %swap3A_18 = vector.shape_cast %broadcast_in_dim3A_14 : vector<16xf32> to vector<16xf32>
    tpu.vector_store %arg6[%swap3A_15], %swap3A_18 {strides = array<i32>} : memref<128xf32, #tpu.memory_space<vmem>>, vector<16xf32>,
    %broadcast_in_dim3A_19 = arith.constant 1.000000e+00 : f32
    %broadcast_in_dim3A_20 = vector.broadcast %broadcast_in_dim3A_19 : f32 to vector<16xf32>
    %swap3A_21 = arith.constant 48 : index
    %swap3A_22 = tpu.vector_load %arg6[%swap3A_21] {strides = array<i32>} : memref<128xf32, #tpu.memory_space<vmem>>, vector<16xf32>,
    %swap3A_23 = vector.shape_cast %swap3A_22 : vector<16xf32> to vector<16xf32>
    %swap3A_24 = vector.shape_cast %broadcast_in_dim3A_20 : vector<16xf32> to vector<16xf32>
    tpu.vector_store %arg6[%swap3A_21], %swap3A_24 {strides = array<i32>} : memref<128xf32, #tpu.memory_space<vmem>>, vector<16xf32>,
    %broadcast_in_dim3A_25 = arith.constant 1.000000e+00 : f32
    %broadcast_in_dim3A_26 = vector.broadcast %broadcast_in_dim3A_25 : f32 to vector<16xf32>
    %swap3A_27 = arith.constant 64 : index
    %swap3A_28 = tpu.vector_load %arg6[%swap3A_27] {strides = array<i32>} : memref<128xf32, #tpu.memory_space<vmem>>, vector<16xf32>,
    %swap3A_29 = vector.shape_cast %swap3A_28 : vector<16xf32> to vector<16xf32>
    %swap3A_30 = vector.shape_cast %broadcast_in_dim3A_26 : vector<16xf32> to vector<16xf32>
    tpu.vector_store %arg6[%swap3A_27], %swap3A_30 {strides = array<i32>} : memref<128xf32, #tpu.memory_space<vmem>>, vector<16xf32>,
    %broadcast_in_dim3A_31 = arith.constant 1.000000e+00 : f32
    %broadcast_in_dim3A_32 = vector.broadcast %broadcast_in_dim3A_31 : f32 to vector<16xf32>
    %swap3A_33 = arith.constant 80 : index
    %swap3A_34 = tpu.vector_load %arg6[%swap3A_33] {strides = array<i32>} : memref<128xf32, #tpu.memory_space<vmem>>, vector<16xf32>,
    %swap3A_35 = vector.shape_cast %swap3A_34 : vector<16xf32> to vector<16xf32>
    %swap3A_36 = vector.shape_cast %broadcast_in_dim3A_32 : vector<16xf32> to vector<16xf32>
    tpu.vector_store %arg6[%swap3A_33], %swap3A_36 {strides = array<i32>} : memref<128xf32, #tpu.memory_space<vmem>>, vector<16xf32>,
    %broadcast_in_dim3A_37 = arith.constant 1.000000e+00 : f32
    %broadcast_in_dim3A_38 = vector.broadcast %broadcast_in_dim3A_37 : f32 to vector<16xf32>
    %swap3A_39 = arith.constant 96 : index
    %swap3A_40 = tpu.vector_load %arg6[%swap3A_39] {strides = array<i32>} : memref<128xf32, #tpu.memory_space<vmem>>, vector<16xf32>,
    %swap3A_41 = vector.shape_cast %swap3A_40 : vector<16xf32> to vector<16xf32>
    %swap3A_42 = vector.shape_cast %broadcast_in_dim3A_38 : vector<16xf32> to vector<16xf32>
    tpu.vector_store %arg6[%swap3A_39], %swap3A_42 {strides = array<i32>} : memref<128xf32, #tpu.memory_space<vmem>>, vector<16xf32>,
    %broadcast_in_dim3A_43 = arith.constant 1.000000e+00 : f32
    %broadcast_in_dim3A_44 = vector.broadcast %broadcast_in_dim3A_43 : f32 to vector<16xf32>
    %swap3A_45 = arith.constant 112 : index
    %swap3A_46 = tpu.vector_load %arg6[%swap3A_45] {strides = array<i32>} : memref<128xf32, #tpu.memory_space<vmem>>, vector<16xf32>,
    %swap3A_47 = vector.shape_cast %swap3A_46 : vector<16xf32> to vector<16xf32>
    %swap3A_48 = vector.shape_cast %broadcast_in_dim3A_44 : vector<16xf32> to vector<16xf32>
    tpu.vector_store %arg6[%swap3A_45], %swap3A_48 {strides = array<i32>} : memref<128xf32, #tpu.memory_space<vmem>>, vector<16xf32>,
    %barrier3A = arith.constant 0 : index
    tpu.barrier barrier_id(%barrier3A)
    %scan3A = arith.constant 0 : i32
    %scan3A_49 = arith.constant 0 : i32
    %scan3A_50 = arith.constant 40 : i32
    %scan3A_51 = arith.addi %scan3A_49, %scan3A_50 : i32
    %scan3A_52 = arith.constant 1 : i32
    scf.for %scan3A_55 = %scan3A_49 to %scan3A_51 step %scan3A_52  : i32 {
      "tpu.region"() ({
        %run_scoped3A = tpu.sem_alloc : memref<!tpu.dma_semaphore, #tpu.memory_space<semaphore_mem>>
        %dma_start3A = arith.constant 0 : i32
        %dma_start3A_56 = tpu.memref_slice %arg2[%add3A, %scan3A_55, %dma_start3A] : memref<32x40x128xi32, #tpu.memory_space<hbm>> -> memref<1x1x128xi32, #tpu.memory_space<hbm>>
        %dma_start3A_57 = tpu.memref_squeeze %dma_start3A_56 : memref<1x1x128xi32, #tpu.memory_space<hbm>> -> memref<128xi32, #tpu.memory_space<hbm>>
        %dma_start3A_58 = arith.constant 0 : i32
        %dma_start3A_59 = tpu.memref_slice %arg2[%add3A, %scan3A_55, %dma_start3A_58] : memref<32x40x128xi32, #tpu.memory_space<hbm>> -> memref<1x1x128xi32, #tpu.memory_space<hbm>>
        %dma_start3A_60 = tpu.memref_squeeze %dma_start3A_59 : memref<1x1x128xi32, #tpu.memory_space<hbm>> -> memref<128xi32, #tpu.memory_space<hbm>>
        tpu.enqueue_dma source(%dma_start3A_60 : memref<128xi32, #tpu.memory_space<hbm>>) target(%arg7 : memref<128xi32, #tpu.memory_space<vmem>>) target_semaphore(%run_scoped3A : memref<!tpu.dma_semaphore, #tpu.memory_space<semaphore_mem>>)
        %dma_wait3A = arith.constant 0 : i32
        %dma_wait3A_61 = tpu.memref_slice %arg2[%add3A, %scan3A_55, %dma_wait3A] : memref<32x40x128xi32, #tpu.memory_space<hbm>> -> memref<1x1x128xi32, #tpu.memory_space<hbm>>
        %dma_wait3A_62 = tpu.memref_squeeze %dma_wait3A_61 : memref<1x1x128xi32, #tpu.memory_space<hbm>> -> memref<128xi32, #tpu.memory_space<hbm>>
        %dma_wait3A_63 = arith.constant 0 : i32
        %dma_wait3A_64 = tpu.memref_slice %arg2[%add3A, %scan3A_55, %dma_wait3A_63] : memref<32x40x128xi32, #tpu.memory_space<hbm>> -> memref<1x1x128xi32, #tpu.memory_space<hbm>>
        %dma_wait3A_65 = tpu.memref_squeeze %dma_wait3A_64 : memref<1x1x128xi32, #tpu.memory_space<hbm>> -> memref<128xi32, #tpu.memory_space<hbm>>
        tpu.wait_dma2 semaphore(%run_scoped3A : memref<!tpu.dma_semaphore, #tpu.memory_space<semaphore_mem>>) src(%dma_wait3A_65 : memref<128xi32, #tpu.memory_space<hbm>>) dst(%arg7 : memref<128xi32, #tpu.memory_space<vmem>>)
        tpu.yield
      }) : () -> ()
      "tpu.region"() ({
        %run_scoped3A = tpu.sem_alloc : memref<!tpu.dma_semaphore, #tpu.memory_space<semaphore_mem>>
        %dma_start3A = arith.constant 0 : i32
        %dma_start3A_56 = tpu.memref_slice %arg5[%dma_start3A] : memref<10240xf32, #tpu.memory_space<vmem_shared>> -> memref<10240xf32, #tpu.memory_space<vmem_shared>>
        tpu.enqueue_indirect_dma source(%arg6 : memref<128xf32, #tpu.memory_space<vmem>>) target(%dma_start3A_56 : memref<10240xf32, #tpu.memory_space<vmem_shared>>) offsets(%arg7 : memref<128xi32, #tpu.memory_space<vmem>>) semaphore(%run_scoped3A : memref<!tpu.dma_semaphore, #tpu.memory_space<semaphore_mem>>) {add = true}
        %dma_wait3A = arith.constant 0 : i32
        %dma_wait3A_57 = tpu.memref_slice %arg5[%dma_wait3A] : memref<10240xf32, #tpu.memory_space<vmem_shared>> -> memref<10240xf32, #tpu.memory_space<vmem_shared>>
        tpu.wait_indirect_dma semaphore(%run_scoped3A : memref<!tpu.dma_semaphore, #tpu.memory_space<semaphore_mem>>) src(%arg6 : memref<128xf32, #tpu.memory_space<vmem>>) dst(%dma_wait3A_57 : memref<10240xf32, #tpu.memory_space<vmem_shared>>)
        tpu.yield
      }) : () -> ()
    }
    %scan3A_53 = arith.constant 40 : i32
    %barrier3A_54 = arith.constant 0 : index
    tpu.barrier barrier_id(%barrier3A_54)
    "tpu.region"() ({
      %run_scoped3A = tpu.sem_alloc : memref<!tpu.dma_semaphore, #tpu.memory_space<semaphore_mem>>
      %dma_start3A = tpu.memref_slice %arg4[%arg0, %mul3A_2] : memref<2x10240xf32, #tpu.memory_space<hbm>> -> memref<1x640xf32, #tpu.memory_space<hbm>>
      %dma_start3A_55 = tpu.memref_squeeze %dma_start3A : memref<1x640xf32, #tpu.memory_space<hbm>> -> memref<640xf32, #tpu.memory_space<hbm>>
      %dma_start3A_56 = tpu.memref_slice %arg5[%mul3A_2] : memref<10240xf32, #tpu.memory_space<vmem_shared>> -> memref<640xf32, #tpu.memory_space<vmem_shared>>
      tpu.enqueue_dma source(%dma_start3A_56 : memref<640xf32, #tpu.memory_space<vmem_shared>>) target(%dma_start3A_55 : memref<640xf32, #tpu.memory_space<hbm>>) target_semaphore(%run_scoped3A : memref<!tpu.dma_semaphore, #tpu.memory_space<semaphore_mem>>)
      %dma_wait3A = tpu.memref_slice %arg4[%arg0, %mul3A_2] : memref<2x10240xf32, #tpu.memory_space<hbm>> -> memref<1x640xf32, #tpu.memory_space<hbm>>
      %dma_wait3A_57 = tpu.memref_squeeze %dma_wait3A : memref<1x640xf32, #tpu.memory_space<hbm>> -> memref<640xf32, #tpu.memory_space<hbm>>
      %dma_wait3A_58 = tpu.memref_slice %arg5[%mul3A_2] : memref<10240xf32, #tpu.memory_space<vmem_shared>> -> memref<640xf32, #tpu.memory_space<vmem_shared>>
      tpu.wait_dma2 semaphore(%run_scoped3A : memref<!tpu.dma_semaphore, #tpu.memory_space<semaphore_mem>>) src(%dma_wait3A_58 : memref<640xf32, #tpu.memory_space<vmem_shared>>) dst(%dma_wait3A_57 : memref<640xf32, #tpu.memory_space<hbm>>)
      tpu.yield
    }) : () -> ()
    return
  }
}

#map = affine_map<(d0, d1) -> (0, 0)>
#map1 = affine_map<(d0, d1) -> (0, 0, 0)>
module attributes {stable_mosaic.version = 14 : i64} {
  func.func @_scatter_body(%arg0: i32, %arg1: i32, %arg2: memref<10000x128xf32, #tpu.memory_space<hbm>>, %arg3: memref<10000x128xf32, #tpu.memory_space<hbm>>, %arg4: memref<32x52x128xi32, #tpu.memory_space<hbm>>, %arg5: memref<32x52x128xi32, #tpu.memory_space<hbm>>, %arg6: memref<2x10240x128xf32, #tpu.memory_space<hbm>>, %arg7: memref<2x10240x128xf32, #tpu.memory_space<hbm>>, %arg8: memref<10240x128xf32, #tpu.memory_space<vmem_shared>>, %arg9: memref<52x128xi32, #tpu.memory_space<vmem>>, %arg10: memref<52x128xi32, #tpu.memory_space<vmem>>, %arg11: memref<128x128xf32, #tpu.memory_space<vmem>>, %arg12: memref<128x128xf32, #tpu.memory_space<vmem>>, %arg13: memref<!tpu.dma_semaphore, #tpu.memory_space<semaphore_mem>>, %arg14: memref<!tpu.dma_semaphore, #tpu.memory_space<semaphore_mem>>, %arg15: memref<!tpu.dma_semaphore, #tpu.memory_space<semaphore_mem>>, %arg16: memref<!tpu.dma_semaphore, #tpu.memory_space<semaphore_mem>>) attributes {dimension_semantics = [#tpu.dimension_semantics<core_parallel>, #tpu.dimension_semantics<subcore_parallel>], iteration_bounds = array<i64: 2, 16>, scalar_prefetch = 0 : i64, scratch_operands = 9 : i64, tpu.core_type = #tpu.core_type<sc_vector_subcore>, window_params = [{transform_indices = #map}, {transform_indices = #map}, {transform_indices = #map1}, {transform_indices = #map1}, {transform_indices = #map1}, {transform_indices = #map1}]} {
    %mul3A = arith.constant 16 : i32
    %mul3A_0 = arith.muli %arg0, %mul3A : i32
    %add3A = arith.addi %mul3A_0, %arg1 : i32
    %mul3A_1 = arith.constant 640 : i32
    %mul3A_2 = arith.muli %arg1, %mul3A_1 : i32
    %eq3A = arith.constant 0 : i32
    %eq3A_3 = arith.cmpi eq, %arg0, %eq3A : i32
    %jit3A = arith.constant 52 : i32
    %jit3A_4 = arith.constant 28 : i32
    %select_n3A = arith.select %eq3A_3, %jit3A, %jit3A_4 : i32
    "tpu.region"() ({
      %run_scoped3A = tpu.sem_alloc : memref<!tpu.dma_semaphore, #tpu.memory_space<semaphore_mem>>
      %dma_start3A = arith.constant 0 : i32
      %dma_start3A_13 = arith.constant 0 : i32
      %dma_start3A_14 = tpu.memref_slice %arg4[%add3A, %dma_start3A, %dma_start3A_13] : memref<32x52x128xi32, #tpu.memory_space<hbm>> -> memref<1x52x128xi32, #tpu.memory_space<hbm>>
      %dma_start3A_15 = tpu.memref_squeeze %dma_start3A_14 : memref<1x52x128xi32, #tpu.memory_space<hbm>> -> memref<52x128xi32, #tpu.memory_space<hbm>>
      %dma_start3A_16 = arith.constant 0 : i32
      %dma_start3A_17 = arith.constant 0 : i32
      %dma_start3A_18 = tpu.memref_slice %arg4[%add3A, %dma_start3A_16, %dma_start3A_17] : memref<32x52x128xi32, #tpu.memory_space<hbm>> -> memref<1x52x128xi32, #tpu.memory_space<hbm>>
      %dma_start3A_19 = tpu.memref_squeeze %dma_start3A_18 : memref<1x52x128xi32, #tpu.memory_space<hbm>> -> memref<52x128xi32, #tpu.memory_space<hbm>>
      tpu.enqueue_dma source(%dma_start3A_19 : memref<52x128xi32, #tpu.memory_space<hbm>>) target(%arg9 : memref<52x128xi32, #tpu.memory_space<vmem>>) target_semaphore(%run_scoped3A : memref<!tpu.dma_semaphore, #tpu.memory_space<semaphore_mem>>)
      %dma_wait3A = arith.constant 0 : i32
      %dma_wait3A_20 = arith.constant 0 : i32
      %dma_wait3A_21 = tpu.memref_slice %arg4[%add3A, %dma_wait3A, %dma_wait3A_20] : memref<32x52x128xi32, #tpu.memory_space<hbm>> -> memref<1x52x128xi32, #tpu.memory_space<hbm>>
      %dma_wait3A_22 = tpu.memref_squeeze %dma_wait3A_21 : memref<1x52x128xi32, #tpu.memory_space<hbm>> -> memref<52x128xi32, #tpu.memory_space<hbm>>
      %dma_wait3A_23 = arith.constant 0 : i32
      %dma_wait3A_24 = arith.constant 0 : i32
      %dma_wait3A_25 = tpu.memref_slice %arg4[%add3A, %dma_wait3A_23, %dma_wait3A_24] : memref<32x52x128xi32, #tpu.memory_space<hbm>> -> memref<1x52x128xi32, #tpu.memory_space<hbm>>
      %dma_wait3A_26 = tpu.memref_squeeze %dma_wait3A_25 : memref<1x52x128xi32, #tpu.memory_space<hbm>> -> memref<52x128xi32, #tpu.memory_space<hbm>>
      tpu.wait_dma2 semaphore(%run_scoped3A : memref<!tpu.dma_semaphore, #tpu.memory_space<semaphore_mem>>) src(%dma_wait3A_26 : memref<52x128xi32, #tpu.memory_space<hbm>>) dst(%arg9 : memref<52x128xi32, #tpu.memory_space<vmem>>)
      tpu.yield
    }) : () -> ()
    "tpu.region"() ({
      %run_scoped3A = tpu.sem_alloc : memref<!tpu.dma_semaphore, #tpu.memory_space<semaphore_mem>>
      %dma_start3A = arith.constant 0 : i32
      %dma_start3A_13 = arith.constant 0 : i32
      %dma_start3A_14 = tpu.memref_slice %arg5[%add3A, %dma_start3A, %dma_start3A_13] : memref<32x52x128xi32, #tpu.memory_space<hbm>> -> memref<1x52x128xi32, #tpu.memory_space<hbm>>
      %dma_start3A_15 = tpu.memref_squeeze %dma_start3A_14 : memref<1x52x128xi32, #tpu.memory_space<hbm>> -> memref<52x128xi32, #tpu.memory_space<hbm>>
      %dma_start3A_16 = arith.constant 0 : i32
      %dma_start3A_17 = arith.constant 0 : i32
      %dma_start3A_18 = tpu.memref_slice %arg5[%add3A, %dma_start3A_16, %dma_start3A_17] : memref<32x52x128xi32, #tpu.memory_space<hbm>> -> memref<1x52x128xi32, #tpu.memory_space<hbm>>
      %dma_start3A_19 = tpu.memref_squeeze %dma_start3A_18 : memref<1x52x128xi32, #tpu.memory_space<hbm>> -> memref<52x128xi32, #tpu.memory_space<hbm>>
      tpu.enqueue_dma source(%dma_start3A_19 : memref<52x128xi32, #tpu.memory_space<hbm>>) target(%arg10 : memref<52x128xi32, #tpu.memory_space<vmem>>) target_semaphore(%run_scoped3A : memref<!tpu.dma_semaphore, #tpu.memory_space<semaphore_mem>>)
      %dma_wait3A = arith.constant 0 : i32
      %dma_wait3A_20 = arith.constant 0 : i32
      %dma_wait3A_21 = tpu.memref_slice %arg5[%add3A, %dma_wait3A, %dma_wait3A_20] : memref<32x52x128xi32, #tpu.memory_space<hbm>> -> memref<1x52x128xi32, #tpu.memory_space<hbm>>
      %dma_wait3A_22 = tpu.memref_squeeze %dma_wait3A_21 : memref<1x52x128xi32, #tpu.memory_space<hbm>> -> memref<52x128xi32, #tpu.memory_space<hbm>>
      %dma_wait3A_23 = arith.constant 0 : i32
      %dma_wait3A_24 = arith.constant 0 : i32
      %dma_wait3A_25 = tpu.memref_slice %arg5[%add3A, %dma_wait3A_23, %dma_wait3A_24] : memref<32x52x128xi32, #tpu.memory_space<hbm>> -> memref<1x52x128xi32, #tpu.memory_space<hbm>>
      %dma_wait3A_26 = tpu.memref_squeeze %dma_wait3A_25 : memref<1x52x128xi32, #tpu.memory_space<hbm>> -> memref<52x128xi32, #tpu.memory_space<hbm>>
      tpu.wait_dma2 semaphore(%run_scoped3A : memref<!tpu.dma_semaphore, #tpu.memory_space<semaphore_mem>>) src(%dma_wait3A_26 : memref<52x128xi32, #tpu.memory_space<hbm>>) dst(%arg10 : memref<52x128xi32, #tpu.memory_space<vmem>>)
      tpu.yield
    }) : () -> ()
    %eq3A_5 = arith.constant 0 : i32
    %eq3A_6 = arith.cmpi eq, %arg0, %eq3A_5 : i32
    %convert_element_type3A = arith.extui %eq3A_6 : i1 to i32
    %cond3A = arith.constant 0 : i32
    %cond3A_7 = arith.cmpi ne, %convert_element_type3A, %cond3A : i32
    scf.if %cond3A_7 {
      %scan3A = arith.constant 0 : i32
      %scan3A_13 = arith.constant 0 : i32
      %scan3A_14 = arith.constant 128 : i32
      %scan3A_15 = arith.addi %scan3A_13, %scan3A_14 : i32
      %scan3A_16 = arith.constant 1 : i32
      scf.for %scan3A_174 = %scan3A_13 to %scan3A_15 step %scan3A_16  : i32 {
        %broadcast_in_dim3A = arith.constant 0.000000e+00 : f32
        %broadcast_in_dim3A_175 = vector.broadcast %broadcast_in_dim3A : f32 to vector<16xf32>
        %swap3A = arith.index_cast %scan3A_174 : i32 to index
        %swap3A_176 = arith.constant 0 : index
        %swap3A_177 = tpu.vector_load %arg11[%swap3A, %swap3A_176] {strides = array<i32>} : memref<128x128xf32, #tpu.memory_space<vmem>>, vector<1x16xf32>,
        %swap3A_178 = vector.shape_cast %swap3A_177 : vector<1x16xf32> to vector<16xf32>
        %swap3A_179 = vector.shape_cast %broadcast_in_dim3A_175 : vector<16xf32> to vector<1x16xf32>
        tpu.vector_store %arg11[%swap3A, %swap3A_176], %swap3A_179 {strides = array<i32>} : memref<128x128xf32, #tpu.memory_space<vmem>>, vector<1x16xf32>,
        %broadcast_in_dim3A_180 = arith.constant 0.000000e+00 : f32
        %broadcast_in_dim3A_181 = vector.broadcast %broadcast_in_dim3A_180 : f32 to vector<16xf32>
        %swap3A_182 = arith.index_cast %scan3A_174 : i32 to index
        %swap3A_183 = arith.constant 16 : index
        %swap3A_184 = tpu.vector_load %arg11[%swap3A_182, %swap3A_183] {strides = array<i32>} : memref<128x128xf32, #tpu.memory_space<vmem>>, vector<1x16xf32>,
        %swap3A_185 = vector.shape_cast %swap3A_184 : vector<1x16xf32> to vector<16xf32>
        %swap3A_186 = vector.shape_cast %broadcast_in_dim3A_181 : vector<16xf32> to vector<1x16xf32>
        tpu.vector_store %arg11[%swap3A_182, %swap3A_183], %swap3A_186 {strides = array<i32>} : memref<128x128xf32, #tpu.memory_space<vmem>>, vector<1x16xf32>,
        %broadcast_in_dim3A_187 = arith.constant 0.000000e+00 : f32
        %broadcast_in_dim3A_188 = vector.broadcast %broadcast_in_dim3A_187 : f32 to vector<16xf32>
        %swap3A_189 = arith.index_cast %scan3A_174 : i32 to index
        %swap3A_190 = arith.constant 32 : index
        %swap3A_191 = tpu.vector_load %arg11[%swap3A_189, %swap3A_190] {strides = array<i32>} : memref<128x128xf32, #tpu.memory_space<vmem>>, vector<1x16xf32>,
        %swap3A_192 = vector.shape_cast %swap3A_191 : vector<1x16xf32> to vector<16xf32>
        %swap3A_193 = vector.shape_cast %broadcast_in_dim3A_188 : vector<16xf32> to vector<1x16xf32>
        tpu.vector_store %arg11[%swap3A_189, %swap3A_190], %swap3A_193 {strides = array<i32>} : memref<128x128xf32, #tpu.memory_space<vmem>>, vector<1x16xf32>,
        %broadcast_in_dim3A_194 = arith.constant 0.000000e+00 : f32
        %broadcast_in_dim3A_195 = vector.broadcast %broadcast_in_dim3A_194 : f32 to vector<16xf32>
        %swap3A_196 = arith.index_cast %scan3A_174 : i32 to index
        %swap3A_197 = arith.constant 48 : index
        %swap3A_198 = tpu.vector_load %arg11[%swap3A_196, %swap3A_197] {strides = array<i32>} : memref<128x128xf32, #tpu.memory_space<vmem>>, vector<1x16xf32>,
        %swap3A_199 = vector.shape_cast %swap3A_198 : vector<1x16xf32> to vector<16xf32>
        %swap3A_200 = vector.shape_cast %broadcast_in_dim3A_195 : vector<16xf32> to vector<1x16xf32>
        tpu.vector_store %arg11[%swap3A_196, %swap3A_197], %swap3A_200 {strides = array<i32>} : memref<128x128xf32, #tpu.memory_space<vmem>>, vector<1x16xf32>,
        %broadcast_in_dim3A_201 = arith.constant 0.000000e+00 : f32
        %broadcast_in_dim3A_202 = vector.broadcast %broadcast_in_dim3A_201 : f32 to vector<16xf32>
        %swap3A_203 = arith.index_cast %scan3A_174 : i32 to index
        %swap3A_204 = arith.constant 64 : index
        %swap3A_205 = tpu.vector_load %arg11[%swap3A_203, %swap3A_204] {strides = array<i32>} : memref<128x128xf32, #tpu.memory_space<vmem>>, vector<1x16xf32>,
        %swap3A_206 = vector.shape_cast %swap3A_205 : vector<1x16xf32> to vector<16xf32>
        %swap3A_207 = vector.shape_cast %broadcast_in_dim3A_202 : vector<16xf32> to vector<1x16xf32>
        tpu.vector_store %arg11[%swap3A_203, %swap3A_204], %swap3A_207 {strides = array<i32>} : memref<128x128xf32, #tpu.memory_space<vmem>>, vector<1x16xf32>,
        %broadcast_in_dim3A_208 = arith.constant 0.000000e+00 : f32
        %broadcast_in_dim3A_209 = vector.broadcast %broadcast_in_dim3A_208 : f32 to vector<16xf32>
        %swap3A_210 = arith.index_cast %scan3A_174 : i32 to index
        %swap3A_211 = arith.constant 80 : index
        %swap3A_212 = tpu.vector_load %arg11[%swap3A_210, %swap3A_211] {strides = array<i32>} : memref<128x128xf32, #tpu.memory_space<vmem>>, vector<1x16xf32>,
        %swap3A_213 = vector.shape_cast %swap3A_212 : vector<1x16xf32> to vector<16xf32>
        %swap3A_214 = vector.shape_cast %broadcast_in_dim3A_209 : vector<16xf32> to vector<1x16xf32>
        tpu.vector_store %arg11[%swap3A_210, %swap3A_211], %swap3A_214 {strides = array<i32>} : memref<128x128xf32, #tpu.memory_space<vmem>>, vector<1x16xf32>,
        %broadcast_in_dim3A_215 = arith.constant 0.000000e+00 : f32
        %broadcast_in_dim3A_216 = vector.broadcast %broadcast_in_dim3A_215 : f32 to vector<16xf32>
        %swap3A_217 = arith.index_cast %scan3A_174 : i32 to index
        %swap3A_218 = arith.constant 96 : index
        %swap3A_219 = tpu.vector_load %arg11[%swap3A_217, %swap3A_218] {strides = array<i32>} : memref<128x128xf32, #tpu.memory_space<vmem>>, vector<1x16xf32>,
        %swap3A_220 = vector.shape_cast %swap3A_219 : vector<1x16xf32> to vector<16xf32>
        %swap3A_221 = vector.shape_cast %broadcast_in_dim3A_216 : vector<16xf32> to vector<1x16xf32>
        tpu.vector_store %arg11[%swap3A_217, %swap3A_218], %swap3A_221 {strides = array<i32>} : memref<128x128xf32, #tpu.memory_space<vmem>>, vector<1x16xf32>,
        %broadcast_in_dim3A_222 = arith.constant 0.000000e+00 : f32
        %broadcast_in_dim3A_223 = vector.broadcast %broadcast_in_dim3A_222 : f32 to vector<16xf32>
        %swap3A_224 = arith.index_cast %scan3A_174 : i32 to index
        %swap3A_225 = arith.constant 112 : index
        %swap3A_226 = tpu.vector_load %arg11[%swap3A_224, %swap3A_225] {strides = array<i32>} : memref<128x128xf32, #tpu.memory_space<vmem>>, vector<1x16xf32>,
        %swap3A_227 = vector.shape_cast %swap3A_226 : vector<1x16xf32> to vector<16xf32>
        %swap3A_228 = vector.shape_cast %broadcast_in_dim3A_223 : vector<16xf32> to vector<1x16xf32>
        tpu.vector_store %arg11[%swap3A_224, %swap3A_225], %swap3A_228 {strides = array<i32>} : memref<128x128xf32, #tpu.memory_space<vmem>>, vector<1x16xf32>,
      }
      %scan3A_17 = arith.constant 128 : i32
      %add3A_18 = arith.constant 0 : i32
      %add3A_19 = arith.addi %mul3A_2, %add3A_18 : i32
      "tpu.region"() ({
        %run_scoped3A = tpu.sem_alloc : memref<!tpu.dma_semaphore, #tpu.memory_space<semaphore_mem>>
        %dma_start3A_174 = arith.constant 0 : i32
        %dma_start3A_175 = tpu.memref_slice %arg8[%add3A_19, %dma_start3A_174] : memref<10240x128xf32, #tpu.memory_space<vmem_shared>> -> memref<128x128xf32, #tpu.memory_space<vmem_shared>>
        %dma_start3A_176 = arith.constant 0 : i32
        %dma_start3A_177 = tpu.memref_slice %arg8[%add3A_19, %dma_start3A_176] : memref<10240x128xf32, #tpu.memory_space<vmem_shared>> -> memref<128x128xf32, #tpu.memory_space<vmem_shared>>
        tpu.enqueue_dma source(%arg11 : memref<128x128xf32, #tpu.memory_space<vmem>>) target(%dma_start3A_177 : memref<128x128xf32, #tpu.memory_space<vmem_shared>>) target_semaphore(%run_scoped3A : memref<!tpu.dma_semaphore, #tpu.memory_space<semaphore_mem>>)
        %dma_wait3A_178 = arith.constant 0 : i32
        %dma_wait3A_179 = tpu.memref_slice %arg8[%add3A_19, %dma_wait3A_178] : memref<10240x128xf32, #tpu.memory_space<vmem_shared>> -> memref<128x128xf32, #tpu.memory_space<vmem_shared>>
        %dma_wait3A_180 = arith.constant 0 : i32
        %dma_wait3A_181 = tpu.memref_slice %arg8[%add3A_19, %dma_wait3A_180] : memref<10240x128xf32, #tpu.memory_space<vmem_shared>> -> memref<128x128xf32, #tpu.memory_space<vmem_shared>>
        tpu.wait_dma2 semaphore(%run_scoped3A : memref<!tpu.dma_semaphore, #tpu.memory_space<semaphore_mem>>) src(%arg11 : memref<128x128xf32, #tpu.memory_space<vmem>>) dst(%dma_wait3A_181 : memref<128x128xf32, #tpu.memory_space<vmem_shared>>)
        tpu.yield
      }) : () -> ()
      %add3A_20 = arith.constant 128 : i32
      %add3A_21 = arith.addi %mul3A_2, %add3A_20 : i32
      "tpu.region"() ({
        %run_scoped3A = tpu.sem_alloc : memref<!tpu.dma_semaphore, #tpu.memory_space<semaphore_mem>>
        %dma_start3A_174 = arith.constant 0 : i32
        %dma_start3A_175 = tpu.memref_slice %arg8[%add3A_21, %dma_start3A_174] : memref<10240x128xf32, #tpu.memory_space<vmem_shared>> -> memref<128x128xf32, #tpu.memory_space<vmem_shared>>
        %dma_start3A_176 = arith.constant 0 : i32
        %dma_start3A_177 = tpu.memref_slice %arg8[%add3A_21, %dma_start3A_176] : memref<10240x128xf32, #tpu.memory_space<vmem_shared>> -> memref<128x128xf32, #tpu.memory_space<vmem_shared>>
        tpu.enqueue_dma source(%arg11 : memref<128x128xf32, #tpu.memory_space<vmem>>) target(%dma_start3A_177 : memref<128x128xf32, #tpu.memory_space<vmem_shared>>) target_semaphore(%run_scoped3A : memref<!tpu.dma_semaphore, #tpu.memory_space<semaphore_mem>>)
        %dma_wait3A_178 = arith.constant 0 : i32
        %dma_wait3A_179 = tpu.memref_slice %arg8[%add3A_21, %dma_wait3A_178] : memref<10240x128xf32, #tpu.memory_space<vmem_shared>> -> memref<128x128xf32, #tpu.memory_space<vmem_shared>>
        %dma_wait3A_180 = arith.constant 0 : i32
        %dma_wait3A_181 = tpu.memref_slice %arg8[%add3A_21, %dma_wait3A_180] : memref<10240x128xf32, #tpu.memory_space<vmem_shared>> -> memref<128x128xf32, #tpu.memory_space<vmem_shared>>
        tpu.wait_dma2 semaphore(%run_scoped3A : memref<!tpu.dma_semaphore, #tpu.memory_space<semaphore_mem>>) src(%arg11 : memref<128x128xf32, #tpu.memory_space<vmem>>) dst(%dma_wait3A_181 : memref<128x128xf32, #tpu.memory_space<vmem_shared>>)
        tpu.yield
      }) : () -> ()
      %add3A_22 = arith.constant 256 : i32
      %add3A_23 = arith.addi %mul3A_2, %add3A_22 : i32
      "tpu.region"() ({
        %run_scoped3A = tpu.sem_alloc : memref<!tpu.dma_semaphore, #tpu.memory_space<semaphore_mem>>
        %dma_start3A_174 = arith.constant 0 : i32
        %dma_start3A_175 = tpu.memref_slice %arg8[%add3A_23, %dma_start3A_174] : memref<10240x128xf32, #tpu.memory_space<vmem_shared>> -> memref<128x128xf32, #tpu.memory_space<vmem_shared>>
        %dma_start3A_176 = arith.constant 0 : i32
        %dma_start3A_177 = tpu.memref_slice %arg8[%add3A_23, %dma_start3A_176] : memref<10240x128xf32, #tpu.memory_space<vmem_shared>> -> memref<128x128xf32, #tpu.memory_space<vmem_shared>>
        tpu.enqueue_dma source(%arg11 : memref<128x128xf32, #tpu.memory_space<vmem>>) target(%dma_start3A_177 : memref<128x128xf32, #tpu.memory_space<vmem_shared>>) target_semaphore(%run_scoped3A : memref<!tpu.dma_semaphore, #tpu.memory_space<semaphore_mem>>)
        %dma_wait3A_178 = arith.constant 0 : i32
        %dma_wait3A_179 = tpu.memref_slice %arg8[%add3A_23, %dma_wait3A_178] : memref<10240x128xf32, #tpu.memory_space<vmem_shared>> -> memref<128x128xf32, #tpu.memory_space<vmem_shared>>
        %dma_wait3A_180 = arith.constant 0 : i32
        %dma_wait3A_181 = tpu.memref_slice %arg8[%add3A_23, %dma_wait3A_180] : memref<10240x128xf32, #tpu.memory_space<vmem_shared>> -> memref<128x128xf32, #tpu.memory_space<vmem_shared>>
        tpu.wait_dma2 semaphore(%run_scoped3A : memref<!tpu.dma_semaphore, #tpu.memory_space<semaphore_mem>>) src(%arg11 : memref<128x128xf32, #tpu.memory_space<vmem>>) dst(%dma_wait3A_181 : memref<128x128xf32, #tpu.memory_space<vmem_shared>>)
        tpu.yield
      }) : () -> ()
      %add3A_24 = arith.constant 384 : i32
      %add3A_25 = arith.addi %mul3A_2, %add3A_24 : i32
      "tpu.region"() ({
        %run_scoped3A = tpu.sem_alloc : memref<!tpu.dma_semaphore, #tpu.memory_space<semaphore_mem>>
        %dma_start3A_174 = arith.constant 0 : i32
        %dma_start3A_175 = tpu.memref_slice %arg8[%add3A_25, %dma_start3A_174] : memref<10240x128xf32, #tpu.memory_space<vmem_shared>> -> memref<128x128xf32, #tpu.memory_space<vmem_shared>>
        %dma_start3A_176 = arith.constant 0 : i32
        %dma_start3A_177 = tpu.memref_slice %arg8[%add3A_25, %dma_start3A_176] : memref<10240x128xf32, #tpu.memory_space<vmem_shared>> -> memref<128x128xf32, #tpu.memory_space<vmem_shared>>
        tpu.enqueue_dma source(%arg11 : memref<128x128xf32, #tpu.memory_space<vmem>>) target(%dma_start3A_177 : memref<128x128xf32, #tpu.memory_space<vmem_shared>>) target_semaphore(%run_scoped3A : memref<!tpu.dma_semaphore, #tpu.memory_space<semaphore_mem>>)
        %dma_wait3A_178 = arith.constant 0 : i32
        %dma_wait3A_179 = tpu.memref_slice %arg8[%add3A_25, %dma_wait3A_178] : memref<10240x128xf32, #tpu.memory_space<vmem_shared>> -> memref<128x128xf32, #tpu.memory_space<vmem_shared>>
        %dma_wait3A_180 = arith.constant 0 : i32
        %dma_wait3A_181 = tpu.memref_slice %arg8[%add3A_25, %dma_wait3A_180] : memref<10240x128xf32, #tpu.memory_space<vmem_shared>> -> memref<128x128xf32, #tpu.memory_space<vmem_shared>>
        tpu.wait_dma2 semaphore(%run_scoped3A : memref<!tpu.dma_semaphore, #tpu.memory_space<semaphore_mem>>) src(%arg11 : memref<128x128xf32, #tpu.memory_space<vmem>>) dst(%dma_wait3A_181 : memref<128x128xf32, #tpu.memory_space<vmem_shared>>)
        tpu.yield
      }) : () -> ()
      %add3A_26 = arith.constant 512 : i32
      %add3A_27 = arith.addi %mul3A_2, %add3A_26 : i32
      "tpu.region"() ({
        %run_scoped3A = tpu.sem_alloc : memref<!tpu.dma_semaphore, #tpu.memory_space<semaphore_mem>>
        %dma_start3A_174 = arith.constant 0 : i32
        %dma_start3A_175 = tpu.memref_slice %arg8[%add3A_27, %dma_start3A_174] : memref<10240x128xf32, #tpu.memory_space<vmem_shared>> -> memref<128x128xf32, #tpu.memory_space<vmem_shared>>
        %dma_start3A_176 = arith.constant 0 : i32
        %dma_start3A_177 = tpu.memref_slice %arg8[%add3A_27, %dma_start3A_176] : memref<10240x128xf32, #tpu.memory_space<vmem_shared>> -> memref<128x128xf32, #tpu.memory_space<vmem_shared>>
        tpu.enqueue_dma source(%arg11 : memref<128x128xf32, #tpu.memory_space<vmem>>) target(%dma_start3A_177 : memref<128x128xf32, #tpu.memory_space<vmem_shared>>) target_semaphore(%run_scoped3A : memref<!tpu.dma_semaphore, #tpu.memory_space<semaphore_mem>>)
        %dma_wait3A_178 = arith.constant 0 : i32
        %dma_wait3A_179 = tpu.memref_slice %arg8[%add3A_27, %dma_wait3A_178] : memref<10240x128xf32, #tpu.memory_space<vmem_shared>> -> memref<128x128xf32, #tpu.memory_space<vmem_shared>>
        %dma_wait3A_180 = arith.constant 0 : i32
        %dma_wait3A_181 = tpu.memref_slice %arg8[%add3A_27, %dma_wait3A_180] : memref<10240x128xf32, #tpu.memory_space<vmem_shared>> -> memref<128x128xf32, #tpu.memory_space<vmem_shared>>
        tpu.wait_dma2 semaphore(%run_scoped3A : memref<!tpu.dma_semaphore, #tpu.memory_space<semaphore_mem>>) src(%arg11 : memref<128x128xf32, #tpu.memory_space<vmem>>) dst(%dma_wait3A_181 : memref<128x128xf32, #tpu.memory_space<vmem_shared>>)
        tpu.yield
      }) : () -> ()
      %barrier3A = arith.constant 0 : index
      tpu.barrier barrier_id(%barrier3A)
      %jit3A_28 = arith.constant 2 : i32
      %div3A = arith.divsi %select_n3A, %jit3A_28 : i32
      %sign3A = arith.constant 0 : i32
      %sign3A_29 = arith.cmpi sgt, %select_n3A, %sign3A : i32
      %sign3A_30 = arith.extui %sign3A_29 : i1 to i32
      %sign3A_31 = arith.constant 0 : i32
      %sign3A_32 = arith.cmpi slt, %select_n3A, %sign3A_31 : i32
      %sign3A_33 = arith.extui %sign3A_32 : i1 to i32
      %sign3A_34 = arith.subi %sign3A_30, %sign3A_33 : i32
      %sign3A_35 = arith.constant 0 : i32
      %sign3A_36 = arith.cmpi sgt, %jit3A_28, %sign3A_35 : i32
      %sign3A_37 = arith.extui %sign3A_36 : i1 to i32
      %sign3A_38 = arith.constant 0 : i32
      %sign3A_39 = arith.cmpi slt, %jit3A_28, %sign3A_38 : i32
      %sign3A_40 = arith.extui %sign3A_39 : i1 to i32
      %sign3A_41 = arith.subi %sign3A_37, %sign3A_40 : i32
      %ne3A = arith.cmpi ne, %sign3A_34, %sign3A_41 : i32
      %rem3A = arith.remsi %select_n3A, %jit3A_28 : i32
      %ne3A_42 = arith.constant 0 : i32
      %ne3A_43 = arith.cmpi ne, %rem3A, %ne3A_42 : i32
      %and3A = arith.andi %ne3A, %ne3A_43 : i1
      %sub3A = arith.constant 1 : i32
      %sub3A_44 = arith.subi %div3A, %sub3A : i32
      %select_n3A_45 = arith.select %and3A, %sub3A_44, %div3A : i32
      %while3A = arith.constant 0 : i32
      %while3A_46 = arith.constant 0 : i32
      %while3A_47 = arith.subi %select_n3A_45, %while3A_46 : i32
      %while3A_48 = arith.addi %while3A_46, %while3A_47 : i32
      %while3A_49 = arith.constant 1 : i32
      %while3A_50 = arith.divsi %while3A_47, %while3A_49 : i32
      %while3A_51 = arith.muli %while3A_50, %while3A_49 : i32
      %while3A_52 = arith.addi %while3A_46, %while3A_51 : i32
      %while3A_53 = arith.constant 1 : i32
      scf.for %while3A_174 = %while3A_46 to %while3A_52 step %while3A_53  : i32 {
        %mul3A_175 = arith.constant 2 : i32
        %mul3A_176 = arith.muli %mul3A_175, %while3A_174 : i32
        %add3A_177 = arith.constant 0 : i32
        %add3A_178 = arith.addi %mul3A_176, %add3A_177 : i32
        %ge3A = arith.constant 1 : i32
        %ge3A_179 = arith.cmpi sge, %while3A_174, %ge3A : i32
        %convert_element_type3A_180 = arith.extui %ge3A_179 : i1 to i32
        %cond3A_181 = arith.constant 0 : i32
        %cond3A_182 = arith.cmpi ne, %convert_element_type3A_180, %cond3A_181 : i32
        scf.if %cond3A_182 {
          %sub3A_220 = arith.constant 2 : i32
          %sub3A_221 = arith.subi %add3A_178, %sub3A_220 : i32
          %dma_wait3A_222 = arith.constant 0 : i32
          %dma_wait3A_223 = tpu.memref_slice %arg10[%sub3A_221, %dma_wait3A_222] : memref<52x128xi32, #tpu.memory_space<vmem>> -> memref<1x128xi32, #tpu.memory_space<vmem>>
          %dma_wait3A_224 = tpu.memref_squeeze %dma_wait3A_223 : memref<1x128xi32, #tpu.memory_space<vmem>> -> memref<128xi32, #tpu.memory_space<vmem>>
          %dma_wait3A_225 = arith.constant 0 : i32
          %dma_wait3A_226 = arith.constant 0 : i32
          %dma_wait3A_227 = tpu.memref_slice %arg8[%dma_wait3A_225, %dma_wait3A_226] : memref<10240x128xf32, #tpu.memory_space<vmem_shared>> -> memref<10240x128xf32, #tpu.memory_space<vmem_shared>>
          tpu.wait_indirect_dma semaphore(%arg15 : memref<!tpu.dma_semaphore, #tpu.memory_space<semaphore_mem>>) src(%arg11 : memref<128x128xf32, #tpu.memory_space<vmem>>) dst(%dma_wait3A_227 : memref<10240x128xf32, #tpu.memory_space<vmem_shared>>)
          %sub3A_228 = arith.constant 1 : i32
          %sub3A_229 = arith.subi %add3A_178, %sub3A_228 : i32
          %dma_wait3A_230 = arith.constant 0 : i32
          %dma_wait3A_231 = tpu.memref_slice %arg9[%sub3A_229, %dma_wait3A_230] : memref<52x128xi32, #tpu.memory_space<vmem>> -> memref<1x128xi32, #tpu.memory_space<vmem>>
          %dma_wait3A_232 = tpu.memref_squeeze %dma_wait3A_231 : memref<1x128xi32, #tpu.memory_space<vmem>> -> memref<128xi32, #tpu.memory_space<vmem>>
          %dma_wait3A_233 = arith.constant 0 : i32
          %dma_wait3A_234 = arith.constant 0 : i32
          %dma_wait3A_235 = tpu.memref_slice %arg2[%dma_wait3A_233, %dma_wait3A_234] : memref<10000x128xf32, #tpu.memory_space<hbm>> -> memref<10000x128xf32, #tpu.memory_space<hbm>>
          tpu.wait_indirect_dma semaphore(%arg14 : memref<!tpu.dma_semaphore, #tpu.memory_space<semaphore_mem>>) src(%dma_wait3A_235 : memref<10000x128xf32, #tpu.memory_space<hbm>>) dst(%arg12 : memref<128x128xf32, #tpu.memory_space<vmem>>)
          %sub3A_236 = arith.constant 1 : i32
          %sub3A_237 = arith.subi %add3A_178, %sub3A_236 : i32
          %dma_start3A_238 = arith.constant 0 : i32
          %dma_start3A_239 = tpu.memref_slice %arg10[%sub3A_237, %dma_start3A_238] : memref<52x128xi32, #tpu.memory_space<vmem>> -> memref<1x128xi32, #tpu.memory_space<vmem>>
          %dma_start3A_240 = tpu.memref_squeeze %dma_start3A_239 : memref<1x128xi32, #tpu.memory_space<vmem>> -> memref<128xi32, #tpu.memory_space<vmem>>
          %dma_start3A_241 = arith.constant 0 : i32
          %dma_start3A_242 = arith.constant 0 : i32
          %dma_start3A_243 = tpu.memref_slice %arg8[%dma_start3A_241, %dma_start3A_242] : memref<10240x128xf32, #tpu.memory_space<vmem_shared>> -> memref<10240x128xf32, #tpu.memory_space<vmem_shared>>
          tpu.enqueue_indirect_dma source(%arg12 : memref<128x128xf32, #tpu.memory_space<vmem>>) target(%dma_start3A_243 : memref<10240x128xf32, #tpu.memory_space<vmem_shared>>) offsets(%dma_start3A_240 : memref<128xi32, #tpu.memory_space<vmem>>) semaphore(%arg16 : memref<!tpu.dma_semaphore, #tpu.memory_space<semaphore_mem>>) {add = true}
        } else {
        }
        %dma_start3A_183 = arith.constant 0 : i32
        %dma_start3A_184 = tpu.memref_slice %arg9[%add3A_178, %dma_start3A_183] : memref<52x128xi32, #tpu.memory_space<vmem>> -> memref<1x128xi32, #tpu.memory_space<vmem>>
        %dma_start3A_185 = tpu.memref_squeeze %dma_start3A_184 : memref<1x128xi32, #tpu.memory_space<vmem>> -> memref<128xi32, #tpu.memory_space<vmem>>
        %dma_start3A_186 = arith.constant 0 : i32
        %dma_start3A_187 = arith.constant 0 : i32
        %dma_start3A_188 = tpu.memref_slice %arg2[%dma_start3A_186, %dma_start3A_187] : memref<10000x128xf32, #tpu.memory_space<hbm>> -> memref<10000x128xf32, #tpu.memory_space<hbm>>
        tpu.enqueue_indirect_dma source(%dma_start3A_188 : memref<10000x128xf32, #tpu.memory_space<hbm>>) target(%arg11 : memref<128x128xf32, #tpu.memory_space<vmem>>) offsets(%dma_start3A_185 : memref<128xi32, #tpu.memory_space<vmem>>) semaphore(%arg13 : memref<!tpu.dma_semaphore, #tpu.memory_space<semaphore_mem>>)
        %mul3A_189 = arith.constant 2 : i32
        %mul3A_190 = arith.muli %mul3A_189, %while3A_174 : i32
        %add3A_191 = arith.constant 1 : i32
        %add3A_192 = arith.addi %mul3A_190, %add3A_191 : i32
        %ge3A_193 = arith.constant 1 : i32
        %ge3A_194 = arith.cmpi sge, %while3A_174, %ge3A_193 : i32
        %convert_element_type3A_195 = arith.extui %ge3A_194 : i1 to i32
        %cond3A_196 = arith.constant 0 : i32
        %cond3A_197 = arith.cmpi ne, %convert_element_type3A_195, %cond3A_196 : i32
        scf.if %cond3A_197 {
          %sub3A_220 = arith.constant 2 : i32
          %sub3A_221 = arith.subi %add3A_192, %sub3A_220 : i32
          %dma_wait3A_222 = arith.constant 0 : i32
          %dma_wait3A_223 = tpu.memref_slice %arg10[%sub3A_221, %dma_wait3A_222] : memref<52x128xi32, #tpu.memory_space<vmem>> -> memref<1x128xi32, #tpu.memory_space<vmem>>
          %dma_wait3A_224 = tpu.memref_squeeze %dma_wait3A_223 : memref<1x128xi32, #tpu.memory_space<vmem>> -> memref<128xi32, #tpu.memory_space<vmem>>
          %dma_wait3A_225 = arith.constant 0 : i32
          %dma_wait3A_226 = arith.constant 0 : i32
          %dma_wait3A_227 = tpu.memref_slice %arg8[%dma_wait3A_225, %dma_wait3A_226] : memref<10240x128xf32, #tpu.memory_space<vmem_shared>> -> memref<10240x128xf32, #tpu.memory_space<vmem_shared>>
          tpu.wait_indirect_dma semaphore(%arg16 : memref<!tpu.dma_semaphore, #tpu.memory_space<semaphore_mem>>) src(%arg12 : memref<128x128xf32, #tpu.memory_space<vmem>>) dst(%dma_wait3A_227 : memref<10240x128xf32, #tpu.memory_space<vmem_shared>>)
        } else {
        }
        %dma_start3A_198 = arith.constant 0 : i32
        %dma_start3A_199 = tpu.memref_slice %arg9[%add3A_192, %dma_start3A_198] : memref<52x128xi32, #tpu.memory_space<vmem>> -> memref<1x128xi32, #tpu.memory_space<vmem>>
        %dma_start3A_200 = tpu.memref_squeeze %dma_start3A_199 : memref<1x128xi32, #tpu.memory_space<vmem>> -> memref<128xi32, #tpu.memory_space<vmem>>
        %dma_start3A_201 = arith.constant 0 : i32
        %dma_start3A_202 = arith.constant 0 : i32
        %dma_start3A_203 = tpu.memref_slice %arg2[%dma_start3A_201, %dma_start3A_202] : memref<10000x128xf32, #tpu.memory_space<hbm>> -> memref<10000x128xf32, #tpu.memory_space<hbm>>
        tpu.enqueue_indirect_dma source(%dma_start3A_203 : memref<10000x128xf32, #tpu.memory_space<hbm>>) target(%arg12 : memref<128x128xf32, #tpu.memory_space<vmem>>) offsets(%dma_start3A_200 : memref<128xi32, #tpu.memory_space<vmem>>) semaphore(%arg14 : memref<!tpu.dma_semaphore, #tpu.memory_space<semaphore_mem>>)
        %sub3A_204 = arith.constant 1 : i32
        %sub3A_205 = arith.subi %add3A_192, %sub3A_204 : i32
        %dma_wait3A_206 = arith.constant 0 : i32
        %dma_wait3A_207 = tpu.memref_slice %arg9[%sub3A_205, %dma_wait3A_206] : memref<52x128xi32, #tpu.memory_space<vmem>> -> memref<1x128xi32, #tpu.memory_space<vmem>>
        %dma_wait3A_208 = tpu.memref_squeeze %dma_wait3A_207 : memref<1x128xi32, #tpu.memory_space<vmem>> -> memref<128xi32, #tpu.memory_space<vmem>>
        %dma_wait3A_209 = arith.constant 0 : i32
        %dma_wait3A_210 = arith.constant 0 : i32
        %dma_wait3A_211 = tpu.memref_slice %arg2[%dma_wait3A_209, %dma_wait3A_210] : memref<10000x128xf32, #tpu.memory_space<hbm>> -> memref<10000x128xf32, #tpu.memory_space<hbm>>
        tpu.wait_indirect_dma semaphore(%arg13 : memref<!tpu.dma_semaphore, #tpu.memory_space<semaphore_mem>>) src(%dma_wait3A_211 : memref<10000x128xf32, #tpu.memory_space<hbm>>) dst(%arg11 : memref<128x128xf32, #tpu.memory_space<vmem>>)
        %sub3A_212 = arith.constant 1 : i32
        %sub3A_213 = arith.subi %add3A_192, %sub3A_212 : i32
        %dma_start3A_214 = arith.constant 0 : i32
        %dma_start3A_215 = tpu.memref_slice %arg10[%sub3A_213, %dma_start3A_214] : memref<52x128xi32, #tpu.memory_space<vmem>> -> memref<1x128xi32, #tpu.memory_space<vmem>>
        %dma_start3A_216 = tpu.memref_squeeze %dma_start3A_215 : memref<1x128xi32, #tpu.memory_space<vmem>> -> memref<128xi32, #tpu.memory_space<vmem>>
        %dma_start3A_217 = arith.constant 0 : i32
        %dma_start3A_218 = arith.constant 0 : i32
        %dma_start3A_219 = tpu.memref_slice %arg8[%dma_start3A_217, %dma_start3A_218] : memref<10240x128xf32, #tpu.memory_space<vmem_shared>> -> memref<10240x128xf32, #tpu.memory_space<vmem_shared>>
        tpu.enqueue_indirect_dma source(%arg11 : memref<128x128xf32, #tpu.memory_space<vmem>>) target(%dma_start3A_219 : memref<10240x128xf32, #tpu.memory_space<vmem_shared>>) offsets(%dma_start3A_216 : memref<128xi32, #tpu.memory_space<vmem>>) semaphore(%arg15 : memref<!tpu.dma_semaphore, #tpu.memory_space<semaphore_mem>>) {add = true}
      }
      %while3A_54 = arith.constant 1 : i32
      scf.for %while3A_174 = %while3A_52 to %while3A_48 step %while3A_54  : i32 {
        %mul3A_175 = arith.constant 2 : i32
        %mul3A_176 = arith.muli %mul3A_175, %while3A_174 : i32
        %add3A_177 = arith.constant 0 : i32
        %add3A_178 = arith.addi %mul3A_176, %add3A_177 : i32
        %ge3A = arith.constant 1 : i32
        %ge3A_179 = arith.cmpi sge, %while3A_174, %ge3A : i32
        %convert_element_type3A_180 = arith.extui %ge3A_179 : i1 to i32
        %cond3A_181 = arith.constant 0 : i32
        %cond3A_182 = arith.cmpi ne, %convert_element_type3A_180, %cond3A_181 : i32
        scf.if %cond3A_182 {
          %sub3A_220 = arith.constant 2 : i32
          %sub3A_221 = arith.subi %add3A_178, %sub3A_220 : i32
          %dma_wait3A_222 = arith.constant 0 : i32
          %dma_wait3A_223 = tpu.memref_slice %arg10[%sub3A_221, %dma_wait3A_222] : memref<52x128xi32, #tpu.memory_space<vmem>> -> memref<1x128xi32, #tpu.memory_space<vmem>>
          %dma_wait3A_224 = tpu.memref_squeeze %dma_wait3A_223 : memref<1x128xi32, #tpu.memory_space<vmem>> -> memref<128xi32, #tpu.memory_space<vmem>>
          %dma_wait3A_225 = arith.constant 0 : i32
          %dma_wait3A_226 = arith.constant 0 : i32
          %dma_wait3A_227 = tpu.memref_slice %arg8[%dma_wait3A_225, %dma_wait3A_226] : memref<10240x128xf32, #tpu.memory_space<vmem_shared>> -> memref<10240x128xf32, #tpu.memory_space<vmem_shared>>
          tpu.wait_indirect_dma semaphore(%arg15 : memref<!tpu.dma_semaphore, #tpu.memory_space<semaphore_mem>>) src(%arg11 : memref<128x128xf32, #tpu.memory_space<vmem>>) dst(%dma_wait3A_227 : memref<10240x128xf32, #tpu.memory_space<vmem_shared>>)
          %sub3A_228 = arith.constant 1 : i32
          %sub3A_229 = arith.subi %add3A_178, %sub3A_228 : i32
          %dma_wait3A_230 = arith.constant 0 : i32
          %dma_wait3A_231 = tpu.memref_slice %arg9[%sub3A_229, %dma_wait3A_230] : memref<52x128xi32, #tpu.memory_space<vmem>> -> memref<1x128xi32, #tpu.memory_space<vmem>>
          %dma_wait3A_232 = tpu.memref_squeeze %dma_wait3A_231 : memref<1x128xi32, #tpu.memory_space<vmem>> -> memref<128xi32, #tpu.memory_space<vmem>>
          %dma_wait3A_233 = arith.constant 0 : i32
          %dma_wait3A_234 = arith.constant 0 : i32
          %dma_wait3A_235 = tpu.memref_slice %arg2[%dma_wait3A_233, %dma_wait3A_234] : memref<10000x128xf32, #tpu.memory_space<hbm>> -> memref<10000x128xf32, #tpu.memory_space<hbm>>
          tpu.wait_indirect_dma semaphore(%arg14 : memref<!tpu.dma_semaphore, #tpu.memory_space<semaphore_mem>>) src(%dma_wait3A_235 : memref<10000x128xf32, #tpu.memory_space<hbm>>) dst(%arg12 : memref<128x128xf32, #tpu.memory_space<vmem>>)
          %sub3A_236 = arith.constant 1 : i32
          %sub3A_237 = arith.subi %add3A_178, %sub3A_236 : i32
          %dma_start3A_238 = arith.constant 0 : i32
          %dma_start3A_239 = tpu.memref_slice %arg10[%sub3A_237, %dma_start3A_238] : memref<52x128xi32, #tpu.memory_space<vmem>> -> memref<1x128xi32, #tpu.memory_space<vmem>>
          %dma_start3A_240 = tpu.memref_squeeze %dma_start3A_239 : memref<1x128xi32, #tpu.memory_space<vmem>> -> memref<128xi32, #tpu.memory_space<vmem>>
          %dma_start3A_241 = arith.constant 0 : i32
          %dma_start3A_242 = arith.constant 0 : i32
          %dma_start3A_243 = tpu.memref_slice %arg8[%dma_start3A_241, %dma_start3A_242] : memref<10240x128xf32, #tpu.memory_space<vmem_shared>> -> memref<10240x128xf32, #tpu.memory_space<vmem_shared>>
          tpu.enqueue_indirect_dma source(%arg12 : memref<128x128xf32, #tpu.memory_space<vmem>>) target(%dma_start3A_243 : memref<10240x128xf32, #tpu.memory_space<vmem_shared>>) offsets(%dma_start3A_240 : memref<128xi32, #tpu.memory_space<vmem>>) semaphore(%arg16 : memref<!tpu.dma_semaphore, #tpu.memory_space<semaphore_mem>>) {add = true}
        } else {
        }
        %dma_start3A_183 = arith.constant 0 : i32
        %dma_start3A_184 = tpu.memref_slice %arg9[%add3A_178, %dma_start3A_183] : memref<52x128xi32, #tpu.memory_space<vmem>> -> memref<1x128xi32, #tpu.memory_space<vmem>>
        %dma_start3A_185 = tpu.memref_squeeze %dma_start3A_184 : memref<1x128xi32, #tpu.memory_space<vmem>> -> memref<128xi32, #tpu.memory_space<vmem>>
        %dma_start3A_186 = arith.constant 0 : i32
        %dma_start3A_187 = arith.constant 0 : i32
        %dma_start3A_188 = tpu.memref_slice %arg2[%dma_start3A_186, %dma_start3A_187] : memref<10000x128xf32, #tpu.memory_space<hbm>> -> memref<10000x128xf32, #tpu.memory_space<hbm>>
        tpu.enqueue_indirect_dma source(%dma_start3A_188 : memref<10000x128xf32, #tpu.memory_space<hbm>>) target(%arg11 : memref<128x128xf32, #tpu.memory_space<vmem>>) offsets(%dma_start3A_185 : memref<128xi32, #tpu.memory_space<vmem>>) semaphore(%arg13 : memref<!tpu.dma_semaphore, #tpu.memory_space<semaphore_mem>>)
        %mul3A_189 = arith.constant 2 : i32
        %mul3A_190 = arith.muli %mul3A_189, %while3A_174 : i32
        %add3A_191 = arith.constant 1 : i32
        %add3A_192 = arith.addi %mul3A_190, %add3A_191 : i32
        %ge3A_193 = arith.constant 1 : i32
        %ge3A_194 = arith.cmpi sge, %while3A_174, %ge3A_193 : i32
        %convert_element_type3A_195 = arith.extui %ge3A_194 : i1 to i32
        %cond3A_196 = arith.constant 0 : i32
        %cond3A_197 = arith.cmpi ne, %convert_element_type3A_195, %cond3A_196 : i32
        scf.if %cond3A_197 {
          %sub3A_220 = arith.constant 2 : i32
          %sub3A_221 = arith.subi %add3A_192, %sub3A_220 : i32
          %dma_wait3A_222 = arith.constant 0 : i32
          %dma_wait3A_223 = tpu.memref_slice %arg10[%sub3A_221, %dma_wait3A_222] : memref<52x128xi32, #tpu.memory_space<vmem>> -> memref<1x128xi32, #tpu.memory_space<vmem>>
          %dma_wait3A_224 = tpu.memref_squeeze %dma_wait3A_223 : memref<1x128xi32, #tpu.memory_space<vmem>> -> memref<128xi32, #tpu.memory_space<vmem>>
          %dma_wait3A_225 = arith.constant 0 : i32
          %dma_wait3A_226 = arith.constant 0 : i32
          %dma_wait3A_227 = tpu.memref_slice %arg8[%dma_wait3A_225, %dma_wait3A_226] : memref<10240x128xf32, #tpu.memory_space<vmem_shared>> -> memref<10240x128xf32, #tpu.memory_space<vmem_shared>>
          tpu.wait_indirect_dma semaphore(%arg16 : memref<!tpu.dma_semaphore, #tpu.memory_space<semaphore_mem>>) src(%arg12 : memref<128x128xf32, #tpu.memory_space<vmem>>) dst(%dma_wait3A_227 : memref<10240x128xf32, #tpu.memory_space<vmem_shared>>)
        } else {
        }
        %dma_start3A_198 = arith.constant 0 : i32
        %dma_start3A_199 = tpu.memref_slice %arg9[%add3A_192, %dma_start3A_198] : memref<52x128xi32, #tpu.memory_space<vmem>> -> memref<1x128xi32, #tpu.memory_space<vmem>>
        %dma_start3A_200 = tpu.memref_squeeze %dma_start3A_199 : memref<1x128xi32, #tpu.memory_space<vmem>> -> memref<128xi32, #tpu.memory_space<vmem>>
        %dma_start3A_201 = arith.constant 0 : i32
        %dma_start3A_202 = arith.constant 0 : i32
        %dma_start3A_203 = tpu.memref_slice %arg2[%dma_start3A_201, %dma_start3A_202] : memref<10000x128xf32, #tpu.memory_space<hbm>> -> memref<10000x128xf32, #tpu.memory_space<hbm>>
        tpu.enqueue_indirect_dma source(%dma_start3A_203 : memref<10000x128xf32, #tpu.memory_space<hbm>>) target(%arg12 : memref<128x128xf32, #tpu.memory_space<vmem>>) offsets(%dma_start3A_200 : memref<128xi32, #tpu.memory_space<vmem>>) semaphore(%arg14 : memref<!tpu.dma_semaphore, #tpu.memory_space<semaphore_mem>>)
        %sub3A_204 = arith.constant 1 : i32
        %sub3A_205 = arith.subi %add3A_192, %sub3A_204 : i32
        %dma_wait3A_206 = arith.constant 0 : i32
        %dma_wait3A_207 = tpu.memref_slice %arg9[%sub3A_205, %dma_wait3A_206] : memref<52x128xi32, #tpu.memory_space<vmem>> -> memref<1x128xi32, #tpu.memory_space<vmem>>
        %dma_wait3A_208 = tpu.memref_squeeze %dma_wait3A_207 : memref<1x128xi32, #tpu.memory_space<vmem>> -> memref<128xi32, #tpu.memory_space<vmem>>
        %dma_wait3A_209 = arith.constant 0 : i32
        %dma_wait3A_210 = arith.constant 0 : i32
        %dma_wait3A_211 = tpu.memref_slice %arg2[%dma_wait3A_209, %dma_wait3A_210] : memref<10000x128xf32, #tpu.memory_space<hbm>> -> memref<10000x128xf32, #tpu.memory_space<hbm>>
        tpu.wait_indirect_dma semaphore(%arg13 : memref<!tpu.dma_semaphore, #tpu.memory_space<semaphore_mem>>) src(%dma_wait3A_211 : memref<10000x128xf32, #tpu.memory_space<hbm>>) dst(%arg11 : memref<128x128xf32, #tpu.memory_space<vmem>>)
        %sub3A_212 = arith.constant 1 : i32
        %sub3A_213 = arith.subi %add3A_192, %sub3A_212 : i32
        %dma_start3A_214 = arith.constant 0 : i32
        %dma_start3A_215 = tpu.memref_slice %arg10[%sub3A_213, %dma_start3A_214] : memref<52x128xi32, #tpu.memory_space<vmem>> -> memref<1x128xi32, #tpu.memory_space<vmem>>
        %dma_start3A_216 = tpu.memref_squeeze %dma_start3A_215 : memref<1x128xi32, #tpu.memory_space<vmem>> -> memref<128xi32, #tpu.memory_space<vmem>>
        %dma_start3A_217 = arith.constant 0 : i32
        %dma_start3A_218 = arith.constant 0 : i32
        %dma_start3A_219 = tpu.memref_slice %arg8[%dma_start3A_217, %dma_start3A_218] : memref<10240x128xf32, #tpu.memory_space<vmem_shared>> -> memref<10240x128xf32, #tpu.memory_space<vmem_shared>>
        tpu.enqueue_indirect_dma source(%arg11 : memref<128x128xf32, #tpu.memory_space<vmem>>) target(%dma_start3A_219 : memref<10240x128xf32, #tpu.memory_space<vmem_shared>>) offsets(%dma_start3A_216 : memref<128xi32, #tpu.memory_space<vmem>>) semaphore(%arg15 : memref<!tpu.dma_semaphore, #tpu.memory_space<semaphore_mem>>) {add = true}
      }
      %sub3A_55 = arith.constant 1 : i32
      %sub3A_56 = arith.subi %select_n3A, %sub3A_55 : i32
      %dma_wait3A = arith.constant 0 : i32
      %dma_wait3A_57 = tpu.memref_slice %arg9[%sub3A_56, %dma_wait3A] : memref<52x128xi32, #tpu.memory_space<vmem>> -> memref<1x128xi32, #tpu.memory_space<vmem>>
      %dma_wait3A_58 = tpu.memref_squeeze %dma_wait3A_57 : memref<1x128xi32, #tpu.memory_space<vmem>> -> memref<128xi32, #tpu.memory_space<vmem>>
      %dma_wait3A_59 = arith.constant 0 : i32
      %dma_wait3A_60 = arith.constant 0 : i32
      %dma_wait3A_61 = tpu.memref_slice %arg2[%dma_wait3A_59, %dma_wait3A_60] : memref<10000x128xf32, #tpu.memory_space<hbm>> -> memref<10000x128xf32, #tpu.memory_space<hbm>>
      tpu.wait_indirect_dma semaphore(%arg14 : memref<!tpu.dma_semaphore, #tpu.memory_space<semaphore_mem>>) src(%dma_wait3A_61 : memref<10000x128xf32, #tpu.memory_space<hbm>>) dst(%arg12 : memref<128x128xf32, #tpu.memory_space<vmem>>)
      %dma_start3A = arith.constant 0 : i32
      %dma_start3A_62 = tpu.memref_slice %arg10[%sub3A_56, %dma_start3A] : memref<52x128xi32, #tpu.memory_space<vmem>> -> memref<1x128xi32, #tpu.memory_space<vmem>>
      %dma_start3A_63 = tpu.memref_squeeze %dma_start3A_62 : memref<1x128xi32, #tpu.memory_space<vmem>> -> memref<128xi32, #tpu.memory_space<vmem>>
      %dma_start3A_64 = arith.constant 0 : i32
      %dma_start3A_65 = arith.constant 0 : i32
      %dma_start3A_66 = tpu.memref_slice %arg8[%dma_start3A_64, %dma_start3A_65] : memref<10240x128xf32, #tpu.memory_space<vmem_shared>> -> memref<10240x128xf32, #tpu.memory_space<vmem_shared>>
      tpu.enqueue_indirect_dma source(%arg12 : memref<128x128xf32, #tpu.memory_space<vmem>>) target(%dma_start3A_66 : memref<10240x128xf32, #tpu.memory_space<vmem_shared>>) offsets(%dma_start3A_63 : memref<128xi32, #tpu.memory_space<vmem>>) semaphore(%arg16 : memref<!tpu.dma_semaphore, #tpu.memory_space<semaphore_mem>>) {add = true}
      %sub3A_67 = arith.constant 2 : i32
      %sub3A_68 = arith.subi %select_n3A, %sub3A_67 : i32
      %add3A_69 = arith.constant 0 : i32
      %add3A_70 = arith.addi %sub3A_68, %add3A_69 : i32
      %dma_wait3A_71 = arith.constant 0 : i32
      %dma_wait3A_72 = tpu.memref_slice %arg10[%add3A_70, %dma_wait3A_71] : memref<52x128xi32, #tpu.memory_space<vmem>> -> memref<1x128xi32, #tpu.memory_space<vmem>>
      %dma_wait3A_73 = tpu.memref_squeeze %dma_wait3A_72 : memref<1x128xi32, #tpu.memory_space<vmem>> -> memref<128xi32, #tpu.memory_space<vmem>>
      %dma_wait3A_74 = arith.constant 0 : i32
      %dma_wait3A_75 = arith.constant 0 : i32
      %dma_wait3A_76 = tpu.memref_slice %arg8[%dma_wait3A_74, %dma_wait3A_75] : memref<10240x128xf32, #tpu.memory_space<vmem_shared>> -> memref<10240x128xf32, #tpu.memory_space<vmem_shared>>
      tpu.wait_indirect_dma semaphore(%arg15 : memref<!tpu.dma_semaphore, #tpu.memory_space<semaphore_mem>>) src(%arg11 : memref<128x128xf32, #tpu.memory_space<vmem>>) dst(%dma_wait3A_76 : memref<10240x128xf32, #tpu.memory_space<vmem_shared>>)
      %sub3A_77 = arith.constant 2 : i32
      %sub3A_78 = arith.subi %select_n3A, %sub3A_77 : i32
      %add3A_79 = arith.constant 1 : i32
      %add3A_80 = arith.addi %sub3A_78, %add3A_79 : i32
      %dma_wait3A_81 = arith.constant 0 : i32
      %dma_wait3A_82 = tpu.memref_slice %arg10[%add3A_80, %dma_wait3A_81] : memref<52x128xi32, #tpu.memory_space<vmem>> -> memref<1x128xi32, #tpu.memory_space<vmem>>
      %dma_wait3A_83 = tpu.memref_squeeze %dma_wait3A_82 : memref<1x128xi32, #tpu.memory_space<vmem>> -> memref<128xi32, #tpu.memory_space<vmem>>
      %dma_wait3A_84 = arith.constant 0 : i32
      %dma_wait3A_85 = arith.constant 0 : i32
      %dma_wait3A_86 = tpu.memref_slice %arg8[%dma_wait3A_84, %dma_wait3A_85] : memref<10240x128xf32, #tpu.memory_space<vmem_shared>> -> memref<10240x128xf32, #tpu.memory_space<vmem_shared>>
      tpu.wait_indirect_dma semaphore(%arg16 : memref<!tpu.dma_semaphore, #tpu.memory_space<semaphore_mem>>) src(%arg12 : memref<128x128xf32, #tpu.memory_space<vmem>>) dst(%dma_wait3A_86 : memref<10240x128xf32, #tpu.memory_space<vmem_shared>>)
      %barrier3A_87 = arith.constant 0 : index
      tpu.barrier barrier_id(%barrier3A_87)
      "tpu.region"() ({
        %run_scoped3A = tpu.sem_alloc : memref<!tpu.dma_semaphore, #tpu.memory_space<semaphore_mem>>
        %dma_start3A_174 = arith.constant 0 : i32
        %dma_start3A_175 = tpu.memref_slice %arg6[%arg0, %mul3A_2, %dma_start3A_174] : memref<2x10240x128xf32, #tpu.memory_space<hbm>> -> memref<1x640x128xf32, #tpu.memory_space<hbm>>
        %dma_start3A_176 = tpu.memref_squeeze %dma_start3A_175 : memref<1x640x128xf32, #tpu.memory_space<hbm>> -> memref<640x128xf32, #tpu.memory_space<hbm>>
        %dma_start3A_177 = arith.constant 0 : i32
        %dma_start3A_178 = tpu.memref_slice %arg8[%mul3A_2, %dma_start3A_177] : memref<10240x128xf32, #tpu.memory_space<vmem_shared>> -> memref<640x128xf32, #tpu.memory_space<vmem_shared>>
        tpu.enqueue_dma source(%dma_start3A_178 : memref<640x128xf32, #tpu.memory_space<vmem_shared>>) target(%dma_start3A_176 : memref<640x128xf32, #tpu.memory_space<hbm>>) target_semaphore(%run_scoped3A : memref<!tpu.dma_semaphore, #tpu.memory_space<semaphore_mem>>)
        %dma_wait3A_179 = arith.constant 0 : i32
        %dma_wait3A_180 = tpu.memref_slice %arg6[%arg0, %mul3A_2, %dma_wait3A_179] : memref<2x10240x128xf32, #tpu.memory_space<hbm>> -> memref<1x640x128xf32, #tpu.memory_space<hbm>>
        %dma_wait3A_181 = tpu.memref_squeeze %dma_wait3A_180 : memref<1x640x128xf32, #tpu.memory_space<hbm>> -> memref<640x128xf32, #tpu.memory_space<hbm>>
        %dma_wait3A_182 = arith.constant 0 : i32
        %dma_wait3A_183 = tpu.memref_slice %arg8[%mul3A_2, %dma_wait3A_182] : memref<10240x128xf32, #tpu.memory_space<vmem_shared>> -> memref<640x128xf32, #tpu.memory_space<vmem_shared>>
        tpu.wait_dma2 semaphore(%run_scoped3A : memref<!tpu.dma_semaphore, #tpu.memory_space<semaphore_mem>>) src(%dma_wait3A_183 : memref<640x128xf32, #tpu.memory_space<vmem_shared>>) dst(%dma_wait3A_181 : memref<640x128xf32, #tpu.memory_space<hbm>>)
        tpu.yield
      }) : () -> ()
      %scan3A_88 = arith.constant 0 : i32
      %scan3A_89 = arith.constant 0 : i32
      %scan3A_90 = arith.constant 128 : i32
      %scan3A_91 = arith.addi %scan3A_89, %scan3A_90 : i32
      %scan3A_92 = arith.constant 1 : i32
      scf.for %scan3A_174 = %scan3A_89 to %scan3A_91 step %scan3A_92  : i32 {
        %broadcast_in_dim3A = arith.constant 0.000000e+00 : f32
        %broadcast_in_dim3A_175 = vector.broadcast %broadcast_in_dim3A : f32 to vector<16xf32>
        %swap3A = arith.index_cast %scan3A_174 : i32 to index
        %swap3A_176 = arith.constant 0 : index
        %swap3A_177 = tpu.vector_load %arg11[%swap3A, %swap3A_176] {strides = array<i32>} : memref<128x128xf32, #tpu.memory_space<vmem>>, vector<1x16xf32>,
        %swap3A_178 = vector.shape_cast %swap3A_177 : vector<1x16xf32> to vector<16xf32>
        %swap3A_179 = vector.shape_cast %broadcast_in_dim3A_175 : vector<16xf32> to vector<1x16xf32>
        tpu.vector_store %arg11[%swap3A, %swap3A_176], %swap3A_179 {strides = array<i32>} : memref<128x128xf32, #tpu.memory_space<vmem>>, vector<1x16xf32>,
        %broadcast_in_dim3A_180 = arith.constant 0.000000e+00 : f32
        %broadcast_in_dim3A_181 = vector.broadcast %broadcast_in_dim3A_180 : f32 to vector<16xf32>
        %swap3A_182 = arith.index_cast %scan3A_174 : i32 to index
        %swap3A_183 = arith.constant 16 : index
        %swap3A_184 = tpu.vector_load %arg11[%swap3A_182, %swap3A_183] {strides = array<i32>} : memref<128x128xf32, #tpu.memory_space<vmem>>, vector<1x16xf32>,
        %swap3A_185 = vector.shape_cast %swap3A_184 : vector<1x16xf32> to vector<16xf32>
        %swap3A_186 = vector.shape_cast %broadcast_in_dim3A_181 : vector<16xf32> to vector<1x16xf32>
        tpu.vector_store %arg11[%swap3A_182, %swap3A_183], %swap3A_186 {strides = array<i32>} : memref<128x128xf32, #tpu.memory_space<vmem>>, vector<1x16xf32>,
        %broadcast_in_dim3A_187 = arith.constant 0.000000e+00 : f32
        %broadcast_in_dim3A_188 = vector.broadcast %broadcast_in_dim3A_187 : f32 to vector<16xf32>
        %swap3A_189 = arith.index_cast %scan3A_174 : i32 to index
        %swap3A_190 = arith.constant 32 : index
        %swap3A_191 = tpu.vector_load %arg11[%swap3A_189, %swap3A_190] {strides = array<i32>} : memref<128x128xf32, #tpu.memory_space<vmem>>, vector<1x16xf32>,
        %swap3A_192 = vector.shape_cast %swap3A_191 : vector<1x16xf32> to vector<16xf32>
        %swap3A_193 = vector.shape_cast %broadcast_in_dim3A_188 : vector<16xf32> to vector<1x16xf32>
        tpu.vector_store %arg11[%swap3A_189, %swap3A_190], %swap3A_193 {strides = array<i32>} : memref<128x128xf32, #tpu.memory_space<vmem>>, vector<1x16xf32>,
        %broadcast_in_dim3A_194 = arith.constant 0.000000e+00 : f32
        %broadcast_in_dim3A_195 = vector.broadcast %broadcast_in_dim3A_194 : f32 to vector<16xf32>
        %swap3A_196 = arith.index_cast %scan3A_174 : i32 to index
        %swap3A_197 = arith.constant 48 : index
        %swap3A_198 = tpu.vector_load %arg11[%swap3A_196, %swap3A_197] {strides = array<i32>} : memref<128x128xf32, #tpu.memory_space<vmem>>, vector<1x16xf32>,
        %swap3A_199 = vector.shape_cast %swap3A_198 : vector<1x16xf32> to vector<16xf32>
        %swap3A_200 = vector.shape_cast %broadcast_in_dim3A_195 : vector<16xf32> to vector<1x16xf32>
        tpu.vector_store %arg11[%swap3A_196, %swap3A_197], %swap3A_200 {strides = array<i32>} : memref<128x128xf32, #tpu.memory_space<vmem>>, vector<1x16xf32>,
        %broadcast_in_dim3A_201 = arith.constant 0.000000e+00 : f32
        %broadcast_in_dim3A_202 = vector.broadcast %broadcast_in_dim3A_201 : f32 to vector<16xf32>
        %swap3A_203 = arith.index_cast %scan3A_174 : i32 to index
        %swap3A_204 = arith.constant 64 : index
        %swap3A_205 = tpu.vector_load %arg11[%swap3A_203, %swap3A_204] {strides = array<i32>} : memref<128x128xf32, #tpu.memory_space<vmem>>, vector<1x16xf32>,
        %swap3A_206 = vector.shape_cast %swap3A_205 : vector<1x16xf32> to vector<16xf32>
        %swap3A_207 = vector.shape_cast %broadcast_in_dim3A_202 : vector<16xf32> to vector<1x16xf32>
        tpu.vector_store %arg11[%swap3A_203, %swap3A_204], %swap3A_207 {strides = array<i32>} : memref<128x128xf32, #tpu.memory_space<vmem>>, vector<1x16xf32>,
        %broadcast_in_dim3A_208 = arith.constant 0.000000e+00 : f32
        %broadcast_in_dim3A_209 = vector.broadcast %broadcast_in_dim3A_208 : f32 to vector<16xf32>
        %swap3A_210 = arith.index_cast %scan3A_174 : i32 to index
        %swap3A_211 = arith.constant 80 : index
        %swap3A_212 = tpu.vector_load %arg11[%swap3A_210, %swap3A_211] {strides = array<i32>} : memref<128x128xf32, #tpu.memory_space<vmem>>, vector<1x16xf32>,
        %swap3A_213 = vector.shape_cast %swap3A_212 : vector<1x16xf32> to vector<16xf32>
        %swap3A_214 = vector.shape_cast %broadcast_in_dim3A_209 : vector<16xf32> to vector<1x16xf32>
        tpu.vector_store %arg11[%swap3A_210, %swap3A_211], %swap3A_214 {strides = array<i32>} : memref<128x128xf32, #tpu.memory_space<vmem>>, vector<1x16xf32>,
        %broadcast_in_dim3A_215 = arith.constant 0.000000e+00 : f32
        %broadcast_in_dim3A_216 = vector.broadcast %broadcast_in_dim3A_215 : f32 to vector<16xf32>
        %swap3A_217 = arith.index_cast %scan3A_174 : i32 to index
        %swap3A_218 = arith.constant 96 : index
        %swap3A_219 = tpu.vector_load %arg11[%swap3A_217, %swap3A_218] {strides = array<i32>} : memref<128x128xf32, #tpu.memory_space<vmem>>, vector<1x16xf32>,
        %swap3A_220 = vector.shape_cast %swap3A_219 : vector<1x16xf32> to vector<16xf32>
        %swap3A_221 = vector.shape_cast %broadcast_in_dim3A_216 : vector<16xf32> to vector<1x16xf32>
        tpu.vector_store %arg11[%swap3A_217, %swap3A_218], %swap3A_221 {strides = array<i32>} : memref<128x128xf32, #tpu.memory_space<vmem>>, vector<1x16xf32>,
        %broadcast_in_dim3A_222 = arith.constant 0.000000e+00 : f32
        %broadcast_in_dim3A_223 = vector.broadcast %broadcast_in_dim3A_222 : f32 to vector<16xf32>
        %swap3A_224 = arith.index_cast %scan3A_174 : i32 to index
        %swap3A_225 = arith.constant 112 : index
        %swap3A_226 = tpu.vector_load %arg11[%swap3A_224, %swap3A_225] {strides = array<i32>} : memref<128x128xf32, #tpu.memory_space<vmem>>, vector<1x16xf32>,
        %swap3A_227 = vector.shape_cast %swap3A_226 : vector<1x16xf32> to vector<16xf32>
        %swap3A_228 = vector.shape_cast %broadcast_in_dim3A_223 : vector<16xf32> to vector<1x16xf32>
        tpu.vector_store %arg11[%swap3A_224, %swap3A_225], %swap3A_228 {strides = array<i32>} : memref<128x128xf32, #tpu.memory_space<vmem>>, vector<1x16xf32>,
      }
      %scan3A_93 = arith.constant 128 : i32
      %add3A_94 = arith.constant 0 : i32
      %add3A_95 = arith.addi %mul3A_2, %add3A_94 : i32
      "tpu.region"() ({
        %run_scoped3A = tpu.sem_alloc : memref<!tpu.dma_semaphore, #tpu.memory_space<semaphore_mem>>
        %dma_start3A_174 = arith.constant 0 : i32
        %dma_start3A_175 = tpu.memref_slice %arg8[%add3A_95, %dma_start3A_174] : memref<10240x128xf32, #tpu.memory_space<vmem_shared>> -> memref<128x128xf32, #tpu.memory_space<vmem_shared>>
        %dma_start3A_176 = arith.constant 0 : i32
        %dma_start3A_177 = tpu.memref_slice %arg8[%add3A_95, %dma_start3A_176] : memref<10240x128xf32, #tpu.memory_space<vmem_shared>> -> memref<128x128xf32, #tpu.memory_space<vmem_shared>>
        tpu.enqueue_dma source(%arg11 : memref<128x128xf32, #tpu.memory_space<vmem>>) target(%dma_start3A_177 : memref<128x128xf32, #tpu.memory_space<vmem_shared>>) target_semaphore(%run_scoped3A : memref<!tpu.dma_semaphore, #tpu.memory_space<semaphore_mem>>)
        %dma_wait3A_178 = arith.constant 0 : i32
        %dma_wait3A_179 = tpu.memref_slice %arg8[%add3A_95, %dma_wait3A_178] : memref<10240x128xf32, #tpu.memory_space<vmem_shared>> -> memref<128x128xf32, #tpu.memory_space<vmem_shared>>
        %dma_wait3A_180 = arith.constant 0 : i32
        %dma_wait3A_181 = tpu.memref_slice %arg8[%add3A_95, %dma_wait3A_180] : memref<10240x128xf32, #tpu.memory_space<vmem_shared>> -> memref<128x128xf32, #tpu.memory_space<vmem_shared>>
        tpu.wait_dma2 semaphore(%run_scoped3A : memref<!tpu.dma_semaphore, #tpu.memory_space<semaphore_mem>>) src(%arg11 : memref<128x128xf32, #tpu.memory_space<vmem>>) dst(%dma_wait3A_181 : memref<128x128xf32, #tpu.memory_space<vmem_shared>>)
        tpu.yield
      }) : () -> ()
      %add3A_96 = arith.constant 128 : i32
      %add3A_97 = arith.addi %mul3A_2, %add3A_96 : i32
      "tpu.region"() ({
        %run_scoped3A = tpu.sem_alloc : memref<!tpu.dma_semaphore, #tpu.memory_space<semaphore_mem>>
        %dma_start3A_174 = arith.constant 0 : i32
        %dma_start3A_175 = tpu.memref_slice %arg8[%add3A_97, %dma_start3A_174] : memref<10240x128xf32, #tpu.memory_space<vmem_shared>> -> memref<128x128xf32, #tpu.memory_space<vmem_shared>>
        %dma_start3A_176 = arith.constant 0 : i32
        %dma_start3A_177 = tpu.memref_slice %arg8[%add3A_97, %dma_start3A_176] : memref<10240x128xf32, #tpu.memory_space<vmem_shared>> -> memref<128x128xf32, #tpu.memory_space<vmem_shared>>
        tpu.enqueue_dma source(%arg11 : memref<128x128xf32, #tpu.memory_space<vmem>>) target(%dma_start3A_177 : memref<128x128xf32, #tpu.memory_space<vmem_shared>>) target_semaphore(%run_scoped3A : memref<!tpu.dma_semaphore, #tpu.memory_space<semaphore_mem>>)
        %dma_wait3A_178 = arith.constant 0 : i32
        %dma_wait3A_179 = tpu.memref_slice %arg8[%add3A_97, %dma_wait3A_178] : memref<10240x128xf32, #tpu.memory_space<vmem_shared>> -> memref<128x128xf32, #tpu.memory_space<vmem_shared>>
        %dma_wait3A_180 = arith.constant 0 : i32
        %dma_wait3A_181 = tpu.memref_slice %arg8[%add3A_97, %dma_wait3A_180] : memref<10240x128xf32, #tpu.memory_space<vmem_shared>> -> memref<128x128xf32, #tpu.memory_space<vmem_shared>>
        tpu.wait_dma2 semaphore(%run_scoped3A : memref<!tpu.dma_semaphore, #tpu.memory_space<semaphore_mem>>) src(%arg11 : memref<128x128xf32, #tpu.memory_space<vmem>>) dst(%dma_wait3A_181 : memref<128x128xf32, #tpu.memory_space<vmem_shared>>)
        tpu.yield
      }) : () -> ()
      %add3A_98 = arith.constant 256 : i32
      %add3A_99 = arith.addi %mul3A_2, %add3A_98 : i32
      "tpu.region"() ({
        %run_scoped3A = tpu.sem_alloc : memref<!tpu.dma_semaphore, #tpu.memory_space<semaphore_mem>>
        %dma_start3A_174 = arith.constant 0 : i32
        %dma_start3A_175 = tpu.memref_slice %arg8[%add3A_99, %dma_start3A_174] : memref<10240x128xf32, #tpu.memory_space<vmem_shared>> -> memref<128x128xf32, #tpu.memory_space<vmem_shared>>
        %dma_start3A_176 = arith.constant 0 : i32
        %dma_start3A_177 = tpu.memref_slice %arg8[%add3A_99, %dma_start3A_176] : memref<10240x128xf32, #tpu.memory_space<vmem_shared>> -> memref<128x128xf32, #tpu.memory_space<vmem_shared>>
        tpu.enqueue_dma source(%arg11 : memref<128x128xf32, #tpu.memory_space<vmem>>) target(%dma_start3A_177 : memref<128x128xf32, #tpu.memory_space<vmem_shared>>) target_semaphore(%run_scoped3A : memref<!tpu.dma_semaphore, #tpu.memory_space<semaphore_mem>>)
        %dma_wait3A_178 = arith.constant 0 : i32
        %dma_wait3A_179 = tpu.memref_slice %arg8[%add3A_99, %dma_wait3A_178] : memref<10240x128xf32, #tpu.memory_space<vmem_shared>> -> memref<128x128xf32, #tpu.memory_space<vmem_shared>>
        %dma_wait3A_180 = arith.constant 0 : i32
        %dma_wait3A_181 = tpu.memref_slice %arg8[%add3A_99, %dma_wait3A_180] : memref<10240x128xf32, #tpu.memory_space<vmem_shared>> -> memref<128x128xf32, #tpu.memory_space<vmem_shared>>
        tpu.wait_dma2 semaphore(%run_scoped3A : memref<!tpu.dma_semaphore, #tpu.memory_space<semaphore_mem>>) src(%arg11 : memref<128x128xf32, #tpu.memory_space<vmem>>) dst(%dma_wait3A_181 : memref<128x128xf32, #tpu.memory_space<vmem_shared>>)
        tpu.yield
      }) : () -> ()
      %add3A_100 = arith.constant 384 : i32
      %add3A_101 = arith.addi %mul3A_2, %add3A_100 : i32
      "tpu.region"() ({
        %run_scoped3A = tpu.sem_alloc : memref<!tpu.dma_semaphore, #tpu.memory_space<semaphore_mem>>
        %dma_start3A_174 = arith.constant 0 : i32
        %dma_start3A_175 = tpu.memref_slice %arg8[%add3A_101, %dma_start3A_174] : memref<10240x128xf32, #tpu.memory_space<vmem_shared>> -> memref<128x128xf32, #tpu.memory_space<vmem_shared>>
        %dma_start3A_176 = arith.constant 0 : i32
        %dma_start3A_177 = tpu.memref_slice %arg8[%add3A_101, %dma_start3A_176] : memref<10240x128xf32, #tpu.memory_space<vmem_shared>> -> memref<128x128xf32, #tpu.memory_space<vmem_shared>>
        tpu.enqueue_dma source(%arg11 : memref<128x128xf32, #tpu.memory_space<vmem>>) target(%dma_start3A_177 : memref<128x128xf32, #tpu.memory_space<vmem_shared>>) target_semaphore(%run_scoped3A : memref<!tpu.dma_semaphore, #tpu.memory_space<semaphore_mem>>)
        %dma_wait3A_178 = arith.constant 0 : i32
        %dma_wait3A_179 = tpu.memref_slice %arg8[%add3A_101, %dma_wait3A_178] : memref<10240x128xf32, #tpu.memory_space<vmem_shared>> -> memref<128x128xf32, #tpu.memory_space<vmem_shared>>
        %dma_wait3A_180 = arith.constant 0 : i32
        %dma_wait3A_181 = tpu.memref_slice %arg8[%add3A_101, %dma_wait3A_180] : memref<10240x128xf32, #tpu.memory_space<vmem_shared>> -> memref<128x128xf32, #tpu.memory_space<vmem_shared>>
        tpu.wait_dma2 semaphore(%run_scoped3A : memref<!tpu.dma_semaphore, #tpu.memory_space<semaphore_mem>>) src(%arg11 : memref<128x128xf32, #tpu.memory_space<vmem>>) dst(%dma_wait3A_181 : memref<128x128xf32, #tpu.memory_space<vmem_shared>>)
        tpu.yield
      }) : () -> ()
      %add3A_102 = arith.constant 512 : i32
      %add3A_103 = arith.addi %mul3A_2, %add3A_102 : i32
      "tpu.region"() ({
        %run_scoped3A = tpu.sem_alloc : memref<!tpu.dma_semaphore, #tpu.memory_space<semaphore_mem>>
        %dma_start3A_174 = arith.constant 0 : i32
        %dma_start3A_175 = tpu.memref_slice %arg8[%add3A_103, %dma_start3A_174] : memref<10240x128xf32, #tpu.memory_space<vmem_shared>> -> memref<128x128xf32, #tpu.memory_space<vmem_shared>>
        %dma_start3A_176 = arith.constant 0 : i32
        %dma_start3A_177 = tpu.memref_slice %arg8[%add3A_103, %dma_start3A_176] : memref<10240x128xf32, #tpu.memory_space<vmem_shared>> -> memref<128x128xf32, #tpu.memory_space<vmem_shared>>
        tpu.enqueue_dma source(%arg11 : memref<128x128xf32, #tpu.memory_space<vmem>>) target(%dma_start3A_177 : memref<128x128xf32, #tpu.memory_space<vmem_shared>>) target_semaphore(%run_scoped3A : memref<!tpu.dma_semaphore, #tpu.memory_space<semaphore_mem>>)
        %dma_wait3A_178 = arith.constant 0 : i32
        %dma_wait3A_179 = tpu.memref_slice %arg8[%add3A_103, %dma_wait3A_178] : memref<10240x128xf32, #tpu.memory_space<vmem_shared>> -> memref<128x128xf32, #tpu.memory_space<vmem_shared>>
        %dma_wait3A_180 = arith.constant 0 : i32
        %dma_wait3A_181 = tpu.memref_slice %arg8[%add3A_103, %dma_wait3A_180] : memref<10240x128xf32, #tpu.memory_space<vmem_shared>> -> memref<128x128xf32, #tpu.memory_space<vmem_shared>>
        tpu.wait_dma2 semaphore(%run_scoped3A : memref<!tpu.dma_semaphore, #tpu.memory_space<semaphore_mem>>) src(%arg11 : memref<128x128xf32, #tpu.memory_space<vmem>>) dst(%dma_wait3A_181 : memref<128x128xf32, #tpu.memory_space<vmem_shared>>)
        tpu.yield
      }) : () -> ()
      %barrier3A_104 = arith.constant 0 : index
      tpu.barrier barrier_id(%barrier3A_104)
      %jit3A_105 = arith.constant 2 : i32
      %div3A_106 = arith.divsi %select_n3A, %jit3A_105 : i32
      %sign3A_107 = arith.constant 0 : i32
      %sign3A_108 = arith.cmpi sgt, %select_n3A, %sign3A_107 : i32
      %sign3A_109 = arith.extui %sign3A_108 : i1 to i32
      %sign3A_110 = arith.constant 0 : i32
      %sign3A_111 = arith.cmpi slt, %select_n3A, %sign3A_110 : i32
      %sign3A_112 = arith.extui %sign3A_111 : i1 to i32
      %sign3A_113 = arith.subi %sign3A_109, %sign3A_112 : i32
      %sign3A_114 = arith.constant 0 : i32
      %sign3A_115 = arith.cmpi sgt, %jit3A_105, %sign3A_114 : i32
      %sign3A_116 = arith.extui %sign3A_115 : i1 to i32
      %sign3A_117 = arith.constant 0 : i32
      %sign3A_118 = arith.cmpi slt, %jit3A_105, %sign3A_117 : i32
      %sign3A_119 = arith.extui %sign3A_118 : i1 to i32
      %sign3A_120 = arith.subi %sign3A_116, %sign3A_119 : i32
      %ne3A_121 = arith.cmpi ne, %sign3A_113, %sign3A_120 : i32
      %rem3A_122 = arith.remsi %select_n3A, %jit3A_105 : i32
      %ne3A_123 = arith.constant 0 : i32
      %ne3A_124 = arith.cmpi ne, %rem3A_122, %ne3A_123 : i32
      %and3A_125 = arith.andi %ne3A_121, %ne3A_124 : i1
      %sub3A_126 = arith.constant 1 : i32
      %sub3A_127 = arith.subi %div3A_106, %sub3A_126 : i32
      %select_n3A_128 = arith.select %and3A_125, %sub3A_127, %div3A_106 : i32
      %while3A_129 = arith.constant 0 : i32
      %while3A_130 = arith.constant 0 : i32
      %while3A_131 = arith.subi %select_n3A_128, %while3A_130 : i32
      %while3A_132 = arith.addi %while3A_130, %while3A_131 : i32
      %while3A_133 = arith.constant 1 : i32
      %while3A_134 = arith.divsi %while3A_131, %while3A_133 : i32
      %while3A_135 = arith.muli %while3A_134, %while3A_133 : i32
      %while3A_136 = arith.addi %while3A_130, %while3A_135 : i32
      %while3A_137 = arith.constant 1 : i32
      scf.for %while3A_174 = %while3A_130 to %while3A_136 step %while3A_137  : i32 {
        %mul3A_175 = arith.constant 2 : i32
        %mul3A_176 = arith.muli %mul3A_175, %while3A_174 : i32
        %add3A_177 = arith.constant 0 : i32
        %add3A_178 = arith.addi %mul3A_176, %add3A_177 : i32
        %ge3A = arith.constant 1 : i32
        %ge3A_179 = arith.cmpi sge, %while3A_174, %ge3A : i32
        %convert_element_type3A_180 = arith.extui %ge3A_179 : i1 to i32
        %cond3A_181 = arith.constant 0 : i32
        %cond3A_182 = arith.cmpi ne, %convert_element_type3A_180, %cond3A_181 : i32
        scf.if %cond3A_182 {
          %sub3A_220 = arith.constant 2 : i32
          %sub3A_221 = arith.subi %add3A_178, %sub3A_220 : i32
          %dma_wait3A_222 = arith.constant 0 : i32
          %dma_wait3A_223 = tpu.memref_slice %arg10[%sub3A_221, %dma_wait3A_222] : memref<52x128xi32, #tpu.memory_space<vmem>> -> memref<1x128xi32, #tpu.memory_space<vmem>>
          %dma_wait3A_224 = tpu.memref_squeeze %dma_wait3A_223 : memref<1x128xi32, #tpu.memory_space<vmem>> -> memref<128xi32, #tpu.memory_space<vmem>>
          %dma_wait3A_225 = arith.constant 0 : i32
          %dma_wait3A_226 = arith.constant 0 : i32
          %dma_wait3A_227 = tpu.memref_slice %arg8[%dma_wait3A_225, %dma_wait3A_226] : memref<10240x128xf32, #tpu.memory_space<vmem_shared>> -> memref<10240x128xf32, #tpu.memory_space<vmem_shared>>
          tpu.wait_indirect_dma semaphore(%arg15 : memref<!tpu.dma_semaphore, #tpu.memory_space<semaphore_mem>>) src(%arg11 : memref<128x128xf32, #tpu.memory_space<vmem>>) dst(%dma_wait3A_227 : memref<10240x128xf32, #tpu.memory_space<vmem_shared>>)
          %sub3A_228 = arith.constant 1 : i32
          %sub3A_229 = arith.subi %add3A_178, %sub3A_228 : i32
          %dma_wait3A_230 = arith.constant 0 : i32
          %dma_wait3A_231 = tpu.memref_slice %arg9[%sub3A_229, %dma_wait3A_230] : memref<52x128xi32, #tpu.memory_space<vmem>> -> memref<1x128xi32, #tpu.memory_space<vmem>>
          %dma_wait3A_232 = tpu.memref_squeeze %dma_wait3A_231 : memref<1x128xi32, #tpu.memory_space<vmem>> -> memref<128xi32, #tpu.memory_space<vmem>>
          %dma_wait3A_233 = arith.constant 0 : i32
          %dma_wait3A_234 = arith.constant 0 : i32
          %dma_wait3A_235 = tpu.memref_slice %arg3[%dma_wait3A_233, %dma_wait3A_234] : memref<10000x128xf32, #tpu.memory_space<hbm>> -> memref<10000x128xf32, #tpu.memory_space<hbm>>
          tpu.wait_indirect_dma semaphore(%arg14 : memref<!tpu.dma_semaphore, #tpu.memory_space<semaphore_mem>>) src(%dma_wait3A_235 : memref<10000x128xf32, #tpu.memory_space<hbm>>) dst(%arg12 : memref<128x128xf32, #tpu.memory_space<vmem>>)
          %sub3A_236 = arith.constant 1 : i32
          %sub3A_237 = arith.subi %add3A_178, %sub3A_236 : i32
          %dma_start3A_238 = arith.constant 0 : i32
          %dma_start3A_239 = tpu.memref_slice %arg10[%sub3A_237, %dma_start3A_238] : memref<52x128xi32, #tpu.memory_space<vmem>> -> memref<1x128xi32, #tpu.memory_space<vmem>>
          %dma_start3A_240 = tpu.memref_squeeze %dma_start3A_239 : memref<1x128xi32, #tpu.memory_space<vmem>> -> memref<128xi32, #tpu.memory_space<vmem>>
          %dma_start3A_241 = arith.constant 0 : i32
          %dma_start3A_242 = arith.constant 0 : i32
          %dma_start3A_243 = tpu.memref_slice %arg8[%dma_start3A_241, %dma_start3A_242] : memref<10240x128xf32, #tpu.memory_space<vmem_shared>> -> memref<10240x128xf32, #tpu.memory_space<vmem_shared>>
          tpu.enqueue_indirect_dma source(%arg12 : memref<128x128xf32, #tpu.memory_space<vmem>>) target(%dma_start3A_243 : memref<10240x128xf32, #tpu.memory_space<vmem_shared>>) offsets(%dma_start3A_240 : memref<128xi32, #tpu.memory_space<vmem>>) semaphore(%arg16 : memref<!tpu.dma_semaphore, #tpu.memory_space<semaphore_mem>>) {add = true}
        } else {
        }
        %dma_start3A_183 = arith.constant 0 : i32
        %dma_start3A_184 = tpu.memref_slice %arg9[%add3A_178, %dma_start3A_183] : memref<52x128xi32, #tpu.memory_space<vmem>> -> memref<1x128xi32, #tpu.memory_space<vmem>>
        %dma_start3A_185 = tpu.memref_squeeze %dma_start3A_184 : memref<1x128xi32, #tpu.memory_space<vmem>> -> memref<128xi32, #tpu.memory_space<vmem>>
        %dma_start3A_186 = arith.constant 0 : i32
        %dma_start3A_187 = arith.constant 0 : i32
        %dma_start3A_188 = tpu.memref_slice %arg3[%dma_start3A_186, %dma_start3A_187] : memref<10000x128xf32, #tpu.memory_space<hbm>> -> memref<10000x128xf32, #tpu.memory_space<hbm>>
        tpu.enqueue_indirect_dma source(%dma_start3A_188 : memref<10000x128xf32, #tpu.memory_space<hbm>>) target(%arg11 : memref<128x128xf32, #tpu.memory_space<vmem>>) offsets(%dma_start3A_185 : memref<128xi32, #tpu.memory_space<vmem>>) semaphore(%arg13 : memref<!tpu.dma_semaphore, #tpu.memory_space<semaphore_mem>>)
        %mul3A_189 = arith.constant 2 : i32
        %mul3A_190 = arith.muli %mul3A_189, %while3A_174 : i32
        %add3A_191 = arith.constant 1 : i32
        %add3A_192 = arith.addi %mul3A_190, %add3A_191 : i32
        %ge3A_193 = arith.constant 1 : i32
        %ge3A_194 = arith.cmpi sge, %while3A_174, %ge3A_193 : i32
        %convert_element_type3A_195 = arith.extui %ge3A_194 : i1 to i32
        %cond3A_196 = arith.constant 0 : i32
        %cond3A_197 = arith.cmpi ne, %convert_element_type3A_195, %cond3A_196 : i32
        scf.if %cond3A_197 {
          %sub3A_220 = arith.constant 2 : i32
          %sub3A_221 = arith.subi %add3A_192, %sub3A_220 : i32
          %dma_wait3A_222 = arith.constant 0 : i32
          %dma_wait3A_223 = tpu.memref_slice %arg10[%sub3A_221, %dma_wait3A_222] : memref<52x128xi32, #tpu.memory_space<vmem>> -> memref<1x128xi32, #tpu.memory_space<vmem>>
          %dma_wait3A_224 = tpu.memref_squeeze %dma_wait3A_223 : memref<1x128xi32, #tpu.memory_space<vmem>> -> memref<128xi32, #tpu.memory_space<vmem>>
          %dma_wait3A_225 = arith.constant 0 : i32
          %dma_wait3A_226 = arith.constant 0 : i32
          %dma_wait3A_227 = tpu.memref_slice %arg8[%dma_wait3A_225, %dma_wait3A_226] : memref<10240x128xf32, #tpu.memory_space<vmem_shared>> -> memref<10240x128xf32, #tpu.memory_space<vmem_shared>>
          tpu.wait_indirect_dma semaphore(%arg16 : memref<!tpu.dma_semaphore, #tpu.memory_space<semaphore_mem>>) src(%arg12 : memref<128x128xf32, #tpu.memory_space<vmem>>) dst(%dma_wait3A_227 : memref<10240x128xf32, #tpu.memory_space<vmem_shared>>)
        } else {
        }
        %dma_start3A_198 = arith.constant 0 : i32
        %dma_start3A_199 = tpu.memref_slice %arg9[%add3A_192, %dma_start3A_198] : memref<52x128xi32, #tpu.memory_space<vmem>> -> memref<1x128xi32, #tpu.memory_space<vmem>>
        %dma_start3A_200 = tpu.memref_squeeze %dma_start3A_199 : memref<1x128xi32, #tpu.memory_space<vmem>> -> memref<128xi32, #tpu.memory_space<vmem>>
        %dma_start3A_201 = arith.constant 0 : i32
        %dma_start3A_202 = arith.constant 0 : i32
        %dma_start3A_203 = tpu.memref_slice %arg3[%dma_start3A_201, %dma_start3A_202] : memref<10000x128xf32, #tpu.memory_space<hbm>> -> memref<10000x128xf32, #tpu.memory_space<hbm>>
        tpu.enqueue_indirect_dma source(%dma_start3A_203 : memref<10000x128xf32, #tpu.memory_space<hbm>>) target(%arg12 : memref<128x128xf32, #tpu.memory_space<vmem>>) offsets(%dma_start3A_200 : memref<128xi32, #tpu.memory_space<vmem>>) semaphore(%arg14 : memref<!tpu.dma_semaphore, #tpu.memory_space<semaphore_mem>>)
        %sub3A_204 = arith.constant 1 : i32
        %sub3A_205 = arith.subi %add3A_192, %sub3A_204 : i32
        %dma_wait3A_206 = arith.constant 0 : i32
        %dma_wait3A_207 = tpu.memref_slice %arg9[%sub3A_205, %dma_wait3A_206] : memref<52x128xi32, #tpu.memory_space<vmem>> -> memref<1x128xi32, #tpu.memory_space<vmem>>
        %dma_wait3A_208 = tpu.memref_squeeze %dma_wait3A_207 : memref<1x128xi32, #tpu.memory_space<vmem>> -> memref<128xi32, #tpu.memory_space<vmem>>
        %dma_wait3A_209 = arith.constant 0 : i32
        %dma_wait3A_210 = arith.constant 0 : i32
        %dma_wait3A_211 = tpu.memref_slice %arg3[%dma_wait3A_209, %dma_wait3A_210] : memref<10000x128xf32, #tpu.memory_space<hbm>> -> memref<10000x128xf32, #tpu.memory_space<hbm>>
        tpu.wait_indirect_dma semaphore(%arg13 : memref<!tpu.dma_semaphore, #tpu.memory_space<semaphore_mem>>) src(%dma_wait3A_211 : memref<10000x128xf32, #tpu.memory_space<hbm>>) dst(%arg11 : memref<128x128xf32, #tpu.memory_space<vmem>>)
        %sub3A_212 = arith.constant 1 : i32
        %sub3A_213 = arith.subi %add3A_192, %sub3A_212 : i32
        %dma_start3A_214 = arith.constant 0 : i32
        %dma_start3A_215 = tpu.memref_slice %arg10[%sub3A_213, %dma_start3A_214] : memref<52x128xi32, #tpu.memory_space<vmem>> -> memref<1x128xi32, #tpu.memory_space<vmem>>
        %dma_start3A_216 = tpu.memref_squeeze %dma_start3A_215 : memref<1x128xi32, #tpu.memory_space<vmem>> -> memref<128xi32, #tpu.memory_space<vmem>>
        %dma_start3A_217 = arith.constant 0 : i32
        %dma_start3A_218 = arith.constant 0 : i32
        %dma_start3A_219 = tpu.memref_slice %arg8[%dma_start3A_217, %dma_start3A_218] : memref<10240x128xf32, #tpu.memory_space<vmem_shared>> -> memref<10240x128xf32, #tpu.memory_space<vmem_shared>>
        tpu.enqueue_indirect_dma source(%arg11 : memref<128x128xf32, #tpu.memory_space<vmem>>) target(%dma_start3A_219 : memref<10240x128xf32, #tpu.memory_space<vmem_shared>>) offsets(%dma_start3A_216 : memref<128xi32, #tpu.memory_space<vmem>>) semaphore(%arg15 : memref<!tpu.dma_semaphore, #tpu.memory_space<semaphore_mem>>) {add = true}
      }
      %while3A_138 = arith.constant 1 : i32
      scf.for %while3A_174 = %while3A_136 to %while3A_132 step %while3A_138  : i32 {
        %mul3A_175 = arith.constant 2 : i32
        %mul3A_176 = arith.muli %mul3A_175, %while3A_174 : i32
        %add3A_177 = arith.constant 0 : i32
        %add3A_178 = arith.addi %mul3A_176, %add3A_177 : i32
        %ge3A = arith.constant 1 : i32
        %ge3A_179 = arith.cmpi sge, %while3A_174, %ge3A : i32
        %convert_element_type3A_180 = arith.extui %ge3A_179 : i1 to i32
        %cond3A_181 = arith.constant 0 : i32
        %cond3A_182 = arith.cmpi ne, %convert_element_type3A_180, %cond3A_181 : i32
        scf.if %cond3A_182 {
          %sub3A_220 = arith.constant 2 : i32
          %sub3A_221 = arith.subi %add3A_178, %sub3A_220 : i32
          %dma_wait3A_222 = arith.constant 0 : i32
          %dma_wait3A_223 = tpu.memref_slice %arg10[%sub3A_221, %dma_wait3A_222] : memref<52x128xi32, #tpu.memory_space<vmem>> -> memref<1x128xi32, #tpu.memory_space<vmem>>
          %dma_wait3A_224 = tpu.memref_squeeze %dma_wait3A_223 : memref<1x128xi32, #tpu.memory_space<vmem>> -> memref<128xi32, #tpu.memory_space<vmem>>
          %dma_wait3A_225 = arith.constant 0 : i32
          %dma_wait3A_226 = arith.constant 0 : i32
          %dma_wait3A_227 = tpu.memref_slice %arg8[%dma_wait3A_225, %dma_wait3A_226] : memref<10240x128xf32, #tpu.memory_space<vmem_shared>> -> memref<10240x128xf32, #tpu.memory_space<vmem_shared>>
          tpu.wait_indirect_dma semaphore(%arg15 : memref<!tpu.dma_semaphore, #tpu.memory_space<semaphore_mem>>) src(%arg11 : memref<128x128xf32, #tpu.memory_space<vmem>>) dst(%dma_wait3A_227 : memref<10240x128xf32, #tpu.memory_space<vmem_shared>>)
          %sub3A_228 = arith.constant 1 : i32
          %sub3A_229 = arith.subi %add3A_178, %sub3A_228 : i32
          %dma_wait3A_230 = arith.constant 0 : i32
          %dma_wait3A_231 = tpu.memref_slice %arg9[%sub3A_229, %dma_wait3A_230] : memref<52x128xi32, #tpu.memory_space<vmem>> -> memref<1x128xi32, #tpu.memory_space<vmem>>
          %dma_wait3A_232 = tpu.memref_squeeze %dma_wait3A_231 : memref<1x128xi32, #tpu.memory_space<vmem>> -> memref<128xi32, #tpu.memory_space<vmem>>
          %dma_wait3A_233 = arith.constant 0 : i32
          %dma_wait3A_234 = arith.constant 0 : i32
          %dma_wait3A_235 = tpu.memref_slice %arg3[%dma_wait3A_233, %dma_wait3A_234] : memref<10000x128xf32, #tpu.memory_space<hbm>> -> memref<10000x128xf32, #tpu.memory_space<hbm>>
          tpu.wait_indirect_dma semaphore(%arg14 : memref<!tpu.dma_semaphore, #tpu.memory_space<semaphore_mem>>) src(%dma_wait3A_235 : memref<10000x128xf32, #tpu.memory_space<hbm>>) dst(%arg12 : memref<128x128xf32, #tpu.memory_space<vmem>>)
          %sub3A_236 = arith.constant 1 : i32
          %sub3A_237 = arith.subi %add3A_178, %sub3A_236 : i32
          %dma_start3A_238 = arith.constant 0 : i32
          %dma_start3A_239 = tpu.memref_slice %arg10[%sub3A_237, %dma_start3A_238] : memref<52x128xi32, #tpu.memory_space<vmem>> -> memref<1x128xi32, #tpu.memory_space<vmem>>
          %dma_start3A_240 = tpu.memref_squeeze %dma_start3A_239 : memref<1x128xi32, #tpu.memory_space<vmem>> -> memref<128xi32, #tpu.memory_space<vmem>>
          %dma_start3A_241 = arith.constant 0 : i32
          %dma_start3A_242 = arith.constant 0 : i32
          %dma_start3A_243 = tpu.memref_slice %arg8[%dma_start3A_241, %dma_start3A_242] : memref<10240x128xf32, #tpu.memory_space<vmem_shared>> -> memref<10240x128xf32, #tpu.memory_space<vmem_shared>>
          tpu.enqueue_indirect_dma source(%arg12 : memref<128x128xf32, #tpu.memory_space<vmem>>) target(%dma_start3A_243 : memref<10240x128xf32, #tpu.memory_space<vmem_shared>>) offsets(%dma_start3A_240 : memref<128xi32, #tpu.memory_space<vmem>>) semaphore(%arg16 : memref<!tpu.dma_semaphore, #tpu.memory_space<semaphore_mem>>) {add = true}
        } else {
        }
        %dma_start3A_183 = arith.constant 0 : i32
        %dma_start3A_184 = tpu.memref_slice %arg9[%add3A_178, %dma_start3A_183] : memref<52x128xi32, #tpu.memory_space<vmem>> -> memref<1x128xi32, #tpu.memory_space<vmem>>
        %dma_start3A_185 = tpu.memref_squeeze %dma_start3A_184 : memref<1x128xi32, #tpu.memory_space<vmem>> -> memref<128xi32, #tpu.memory_space<vmem>>
        %dma_start3A_186 = arith.constant 0 : i32
        %dma_start3A_187 = arith.constant 0 : i32
        %dma_start3A_188 = tpu.memref_slice %arg3[%dma_start3A_186, %dma_start3A_187] : memref<10000x128xf32, #tpu.memory_space<hbm>> -> memref<10000x128xf32, #tpu.memory_space<hbm>>
        tpu.enqueue_indirect_dma source(%dma_start3A_188 : memref<10000x128xf32, #tpu.memory_space<hbm>>) target(%arg11 : memref<128x128xf32, #tpu.memory_space<vmem>>) offsets(%dma_start3A_185 : memref<128xi32, #tpu.memory_space<vmem>>) semaphore(%arg13 : memref<!tpu.dma_semaphore, #tpu.memory_space<semaphore_mem>>)
        %mul3A_189 = arith.constant 2 : i32
        %mul3A_190 = arith.muli %mul3A_189, %while3A_174 : i32
        %add3A_191 = arith.constant 1 : i32
        %add3A_192 = arith.addi %mul3A_190, %add3A_191 : i32
        %ge3A_193 = arith.constant 1 : i32
        %ge3A_194 = arith.cmpi sge, %while3A_174, %ge3A_193 : i32
        %convert_element_type3A_195 = arith.extui %ge3A_194 : i1 to i32
        %cond3A_196 = arith.constant 0 : i32
        %cond3A_197 = arith.cmpi ne, %convert_element_type3A_195, %cond3A_196 : i32
        scf.if %cond3A_197 {
          %sub3A_220 = arith.constant 2 : i32
          %sub3A_221 = arith.subi %add3A_192, %sub3A_220 : i32
          %dma_wait3A_222 = arith.constant 0 : i32
          %dma_wait3A_223 = tpu.memref_slice %arg10[%sub3A_221, %dma_wait3A_222] : memref<52x128xi32, #tpu.memory_space<vmem>> -> memref<1x128xi32, #tpu.memory_space<vmem>>
          %dma_wait3A_224 = tpu.memref_squeeze %dma_wait3A_223 : memref<1x128xi32, #tpu.memory_space<vmem>> -> memref<128xi32, #tpu.memory_space<vmem>>
          %dma_wait3A_225 = arith.constant 0 : i32
          %dma_wait3A_226 = arith.constant 0 : i32
          %dma_wait3A_227 = tpu.memref_slice %arg8[%dma_wait3A_225, %dma_wait3A_226] : memref<10240x128xf32, #tpu.memory_space<vmem_shared>> -> memref<10240x128xf32, #tpu.memory_space<vmem_shared>>
          tpu.wait_indirect_dma semaphore(%arg16 : memref<!tpu.dma_semaphore, #tpu.memory_space<semaphore_mem>>) src(%arg12 : memref<128x128xf32, #tpu.memory_space<vmem>>) dst(%dma_wait3A_227 : memref<10240x128xf32, #tpu.memory_space<vmem_shared>>)
        } else {
        }
        %dma_start3A_198 = arith.constant 0 : i32
        %dma_start3A_199 = tpu.memref_slice %arg9[%add3A_192, %dma_start3A_198] : memref<52x128xi32, #tpu.memory_space<vmem>> -> memref<1x128xi32, #tpu.memory_space<vmem>>
        %dma_start3A_200 = tpu.memref_squeeze %dma_start3A_199 : memref<1x128xi32, #tpu.memory_space<vmem>> -> memref<128xi32, #tpu.memory_space<vmem>>
        %dma_start3A_201 = arith.constant 0 : i32
        %dma_start3A_202 = arith.constant 0 : i32
        %dma_start3A_203 = tpu.memref_slice %arg3[%dma_start3A_201, %dma_start3A_202] : memref<10000x128xf32, #tpu.memory_space<hbm>> -> memref<10000x128xf32, #tpu.memory_space<hbm>>
        tpu.enqueue_indirect_dma source(%dma_start3A_203 : memref<10000x128xf32, #tpu.memory_space<hbm>>) target(%arg12 : memref<128x128xf32, #tpu.memory_space<vmem>>) offsets(%dma_start3A_200 : memref<128xi32, #tpu.memory_space<vmem>>) semaphore(%arg14 : memref<!tpu.dma_semaphore, #tpu.memory_space<semaphore_mem>>)
        %sub3A_204 = arith.constant 1 : i32
        %sub3A_205 = arith.subi %add3A_192, %sub3A_204 : i32
        %dma_wait3A_206 = arith.constant 0 : i32
        %dma_wait3A_207 = tpu.memref_slice %arg9[%sub3A_205, %dma_wait3A_206] : memref<52x128xi32, #tpu.memory_space<vmem>> -> memref<1x128xi32, #tpu.memory_space<vmem>>
        %dma_wait3A_208 = tpu.memref_squeeze %dma_wait3A_207 : memref<1x128xi32, #tpu.memory_space<vmem>> -> memref<128xi32, #tpu.memory_space<vmem>>
        %dma_wait3A_209 = arith.constant 0 : i32
        %dma_wait3A_210 = arith.constant 0 : i32
        %dma_wait3A_211 = tpu.memref_slice %arg3[%dma_wait3A_209, %dma_wait3A_210] : memref<10000x128xf32, #tpu.memory_space<hbm>> -> memref<10000x128xf32, #tpu.memory_space<hbm>>
        tpu.wait_indirect_dma semaphore(%arg13 : memref<!tpu.dma_semaphore, #tpu.memory_space<semaphore_mem>>) src(%dma_wait3A_211 : memref<10000x128xf32, #tpu.memory_space<hbm>>) dst(%arg11 : memref<128x128xf32, #tpu.memory_space<vmem>>)
        %sub3A_212 = arith.constant 1 : i32
        %sub3A_213 = arith.subi %add3A_192, %sub3A_212 : i32
        %dma_start3A_214 = arith.constant 0 : i32
        %dma_start3A_215 = tpu.memref_slice %arg10[%sub3A_213, %dma_start3A_214] : memref<52x128xi32, #tpu.memory_space<vmem>> -> memref<1x128xi32, #tpu.memory_space<vmem>>
        %dma_start3A_216 = tpu.memref_squeeze %dma_start3A_215 : memref<1x128xi32, #tpu.memory_space<vmem>> -> memref<128xi32, #tpu.memory_space<vmem>>
        %dma_start3A_217 = arith.constant 0 : i32
        %dma_start3A_218 = arith.constant 0 : i32
        %dma_start3A_219 = tpu.memref_slice %arg8[%dma_start3A_217, %dma_start3A_218] : memref<10240x128xf32, #tpu.memory_space<vmem_shared>> -> memref<10240x128xf32, #tpu.memory_space<vmem_shared>>
        tpu.enqueue_indirect_dma source(%arg11 : memref<128x128xf32, #tpu.memory_space<vmem>>) target(%dma_start3A_219 : memref<10240x128xf32, #tpu.memory_space<vmem_shared>>) offsets(%dma_start3A_216 : memref<128xi32, #tpu.memory_space<vmem>>) semaphore(%arg15 : memref<!tpu.dma_semaphore, #tpu.memory_space<semaphore_mem>>) {add = true}
      }
      %sub3A_139 = arith.constant 1 : i32
      %sub3A_140 = arith.subi %select_n3A, %sub3A_139 : i32
      %dma_wait3A_141 = arith.constant 0 : i32
      %dma_wait3A_142 = tpu.memref_slice %arg9[%sub3A_140, %dma_wait3A_141] : memref<52x128xi32, #tpu.memory_space<vmem>> -> memref<1x128xi32, #tpu.memory_space<vmem>>
      %dma_wait3A_143 = tpu.memref_squeeze %dma_wait3A_142 : memref<1x128xi32, #tpu.memory_space<vmem>> -> memref<128xi32, #tpu.memory_space<vmem>>
      %dma_wait3A_144 = arith.constant 0 : i32
      %dma_wait3A_145 = arith.constant 0 : i32
      %dma_wait3A_146 = tpu.memref_slice %arg3[%dma_wait3A_144, %dma_wait3A_145] : memref<10000x128xf32, #tpu.memory_space<hbm>> -> memref<10000x128xf32, #tpu.memory_space<hbm>>
      tpu.wait_indirect_dma semaphore(%arg14 : memref<!tpu.dma_semaphore, #tpu.memory_space<semaphore_mem>>) src(%dma_wait3A_146 : memref<10000x128xf32, #tpu.memory_space<hbm>>) dst(%arg12 : memref<128x128xf32, #tpu.memory_space<vmem>>)
      %dma_start3A_147 = arith.constant 0 : i32
      %dma_start3A_148 = tpu.memref_slice %arg10[%sub3A_140, %dma_start3A_147] : memref<52x128xi32, #tpu.memory_space<vmem>> -> memref<1x128xi32, #tpu.memory_space<vmem>>
      %dma_start3A_149 = tpu.memref_squeeze %dma_start3A_148 : memref<1x128xi32, #tpu.memory_space<vmem>> -> memref<128xi32, #tpu.memory_space<vmem>>
      %dma_start3A_150 = arith.constant 0 : i32
      %dma_start3A_151 = arith.constant 0 : i32
      %dma_start3A_152 = tpu.memref_slice %arg8[%dma_start3A_150, %dma_start3A_151] : memref<10240x128xf32, #tpu.memory_space<vmem_shared>> -> memref<10240x128xf32, #tpu.memory_space<vmem_shared>>
      tpu.enqueue_indirect_dma source(%arg12 : memref<128x128xf32, #tpu.memory_space<vmem>>) target(%dma_start3A_152 : memref<10240x128xf32, #tpu.memory_space<vmem_shared>>) offsets(%dma_start3A_149 : memref<128xi32, #tpu.memory_space<vmem>>) semaphore(%arg16 : memref<!tpu.dma_semaphore, #tpu.memory_space<semaphore_mem>>) {add = true}
      %sub3A_153 = arith.constant 2 : i32
      %sub3A_154 = arith.subi %select_n3A, %sub3A_153 : i32
      %add3A_155 = arith.constant 0 : i32
      %add3A_156 = arith.addi %sub3A_154, %add3A_155 : i32
      %dma_wait3A_157 = arith.constant 0 : i32
      %dma_wait3A_158 = tpu.memref_slice %arg10[%add3A_156, %dma_wait3A_157] : memref<52x128xi32, #tpu.memory_space<vmem>> -> memref<1x128xi32, #tpu.memory_space<vmem>>
      %dma_wait3A_159 = tpu.memref_squeeze %dma_wait3A_158 : memref<1x128xi32, #tpu.memory_space<vmem>> -> memref<128xi32, #tpu.memory_space<vmem>>
      %dma_wait3A_160 = arith.constant 0 : i32
      %dma_wait3A_161 = arith.constant 0 : i32
      %dma_wait3A_162 = tpu.memref_slice %arg8[%dma_wait3A_160, %dma_wait3A_161] : memref<10240x128xf32, #tpu.memory_space<vmem_shared>> -> memref<10240x128xf32, #tpu.memory_space<vmem_shared>>
      tpu.wait_indirect_dma semaphore(%arg15 : memref<!tpu.dma_semaphore, #tpu.memory_space<semaphore_mem>>) src(%arg11 : memref<128x128xf32, #tpu.memory_space<vmem>>) dst(%dma_wait3A_162 : memref<10240x128xf32, #tpu.memory_space<vmem_shared>>)
      %sub3A_163 = arith.constant 2 : i32
      %sub3A_164 = arith.subi %select_n3A, %sub3A_163 : i32
      %add3A_165 = arith.constant 1 : i32
      %add3A_166 = arith.addi %sub3A_164, %add3A_165 : i32
      %dma_wait3A_167 = arith.constant 0 : i32
      %dma_wait3A_168 = tpu.memref_slice %arg10[%add3A_166, %dma_wait3A_167] : memref<52x128xi32, #tpu.memory_space<vmem>> -> memref<1x128xi32, #tpu.memory_space<vmem>>
      %dma_wait3A_169 = tpu.memref_squeeze %dma_wait3A_168 : memref<1x128xi32, #tpu.memory_space<vmem>> -> memref<128xi32, #tpu.memory_space<vmem>>
      %dma_wait3A_170 = arith.constant 0 : i32
      %dma_wait3A_171 = arith.constant 0 : i32
      %dma_wait3A_172 = tpu.memref_slice %arg8[%dma_wait3A_170, %dma_wait3A_171] : memref<10240x128xf32, #tpu.memory_space<vmem_shared>> -> memref<10240x128xf32, #tpu.memory_space<vmem_shared>>
      tpu.wait_indirect_dma semaphore(%arg16 : memref<!tpu.dma_semaphore, #tpu.memory_space<semaphore_mem>>) src(%arg12 : memref<128x128xf32, #tpu.memory_space<vmem>>) dst(%dma_wait3A_172 : memref<10240x128xf32, #tpu.memory_space<vmem_shared>>)
      %barrier3A_173 = arith.constant 0 : index
      tpu.barrier barrier_id(%barrier3A_173)
      "tpu.region"() ({
        %run_scoped3A = tpu.sem_alloc : memref<!tpu.dma_semaphore, #tpu.memory_space<semaphore_mem>>
        %dma_start3A_174 = arith.constant 0 : i32
        %dma_start3A_175 = tpu.memref_slice %arg7[%arg0, %mul3A_2, %dma_start3A_174] : memref<2x10240x128xf32, #tpu.memory_space<hbm>> -> memref<1x640x128xf32, #tpu.memory_space<hbm>>
        %dma_start3A_176 = tpu.memref_squeeze %dma_start3A_175 : memref<1x640x128xf32, #tpu.memory_space<hbm>> -> memref<640x128xf32, #tpu.memory_space<hbm>>
        %dma_start3A_177 = arith.constant 0 : i32
        %dma_start3A_178 = tpu.memref_slice %arg8[%mul3A_2, %dma_start3A_177] : memref<10240x128xf32, #tpu.memory_space<vmem_shared>> -> memref<640x128xf32, #tpu.memory_space<vmem_shared>>
        tpu.enqueue_dma source(%dma_start3A_178 : memref<640x128xf32, #tpu.memory_space<vmem_shared>>) target(%dma_start3A_176 : memref<640x128xf32, #tpu.memory_space<hbm>>) target_semaphore(%run_scoped3A : memref<!tpu.dma_semaphore, #tpu.memory_space<semaphore_mem>>)
        %dma_wait3A_179 = arith.constant 0 : i32
        %dma_wait3A_180 = tpu.memref_slice %arg7[%arg0, %mul3A_2, %dma_wait3A_179] : memref<2x10240x128xf32, #tpu.memory_space<hbm>> -> memref<1x640x128xf32, #tpu.memory_space<hbm>>
        %dma_wait3A_181 = tpu.memref_squeeze %dma_wait3A_180 : memref<1x640x128xf32, #tpu.memory_space<hbm>> -> memref<640x128xf32, #tpu.memory_space<hbm>>
        %dma_wait3A_182 = arith.constant 0 : i32
        %dma_wait3A_183 = tpu.memref_slice %arg8[%mul3A_2, %dma_wait3A_182] : memref<10240x128xf32, #tpu.memory_space<vmem_shared>> -> memref<640x128xf32, #tpu.memory_space<vmem_shared>>
        tpu.wait_dma2 semaphore(%run_scoped3A : memref<!tpu.dma_semaphore, #tpu.memory_space<semaphore_mem>>) src(%dma_wait3A_183 : memref<640x128xf32, #tpu.memory_space<vmem_shared>>) dst(%dma_wait3A_181 : memref<640x128xf32, #tpu.memory_space<hbm>>)
        tpu.yield
      }) : () -> ()
    } else {
    }
    %eq3A_8 = arith.constant 1 : i32
    %eq3A_9 = arith.cmpi eq, %arg0, %eq3A_8 : i32
    %convert_element_type3A_10 = arith.extui %eq3A_9 : i1 to i32
    %cond3A_11 = arith.constant 0 : i32
    %cond3A_12 = arith.cmpi ne, %convert_element_type3A_10, %cond3A_11 : i32
    scf.if %cond3A_12 {
      %scan3A = arith.constant 0 : i32
      %scan3A_13 = arith.constant 0 : i32
      %scan3A_14 = arith.constant 128 : i32
      %scan3A_15 = arith.addi %scan3A_13, %scan3A_14 : i32
      %scan3A_16 = arith.constant 1 : i32
      scf.for %scan3A_174 = %scan3A_13 to %scan3A_15 step %scan3A_16  : i32 {
        %broadcast_in_dim3A = arith.constant 0.000000e+00 : f32
        %broadcast_in_dim3A_175 = vector.broadcast %broadcast_in_dim3A : f32 to vector<16xf32>
        %swap3A = arith.index_cast %scan3A_174 : i32 to index
        %swap3A_176 = arith.constant 0 : index
        %swap3A_177 = tpu.vector_load %arg11[%swap3A, %swap3A_176] {strides = array<i32>} : memref<128x128xf32, #tpu.memory_space<vmem>>, vector<1x16xf32>,
        %swap3A_178 = vector.shape_cast %swap3A_177 : vector<1x16xf32> to vector<16xf32>
        %swap3A_179 = vector.shape_cast %broadcast_in_dim3A_175 : vector<16xf32> to vector<1x16xf32>
        tpu.vector_store %arg11[%swap3A, %swap3A_176], %swap3A_179 {strides = array<i32>} : memref<128x128xf32, #tpu.memory_space<vmem>>, vector<1x16xf32>,
        %broadcast_in_dim3A_180 = arith.constant 0.000000e+00 : f32
        %broadcast_in_dim3A_181 = vector.broadcast %broadcast_in_dim3A_180 : f32 to vector<16xf32>
        %swap3A_182 = arith.index_cast %scan3A_174 : i32 to index
        %swap3A_183 = arith.constant 16 : index
        %swap3A_184 = tpu.vector_load %arg11[%swap3A_182, %swap3A_183] {strides = array<i32>} : memref<128x128xf32, #tpu.memory_space<vmem>>, vector<1x16xf32>,
        %swap3A_185 = vector.shape_cast %swap3A_184 : vector<1x16xf32> to vector<16xf32>
        %swap3A_186 = vector.shape_cast %broadcast_in_dim3A_181 : vector<16xf32> to vector<1x16xf32>
        tpu.vector_store %arg11[%swap3A_182, %swap3A_183], %swap3A_186 {strides = array<i32>} : memref<128x128xf32, #tpu.memory_space<vmem>>, vector<1x16xf32>,
        %broadcast_in_dim3A_187 = arith.constant 0.000000e+00 : f32
        %broadcast_in_dim3A_188 = vector.broadcast %broadcast_in_dim3A_187 : f32 to vector<16xf32>
        %swap3A_189 = arith.index_cast %scan3A_174 : i32 to index
        %swap3A_190 = arith.constant 32 : index
        %swap3A_191 = tpu.vector_load %arg11[%swap3A_189, %swap3A_190] {strides = array<i32>} : memref<128x128xf32, #tpu.memory_space<vmem>>, vector<1x16xf32>,
        %swap3A_192 = vector.shape_cast %swap3A_191 : vector<1x16xf32> to vector<16xf32>
        %swap3A_193 = vector.shape_cast %broadcast_in_dim3A_188 : vector<16xf32> to vector<1x16xf32>
        tpu.vector_store %arg11[%swap3A_189, %swap3A_190], %swap3A_193 {strides = array<i32>} : memref<128x128xf32, #tpu.memory_space<vmem>>, vector<1x16xf32>,
        %broadcast_in_dim3A_194 = arith.constant 0.000000e+00 : f32
        %broadcast_in_dim3A_195 = vector.broadcast %broadcast_in_dim3A_194 : f32 to vector<16xf32>
        %swap3A_196 = arith.index_cast %scan3A_174 : i32 to index
        %swap3A_197 = arith.constant 48 : index
        %swap3A_198 = tpu.vector_load %arg11[%swap3A_196, %swap3A_197] {strides = array<i32>} : memref<128x128xf32, #tpu.memory_space<vmem>>, vector<1x16xf32>,
        %swap3A_199 = vector.shape_cast %swap3A_198 : vector<1x16xf32> to vector<16xf32>
        %swap3A_200 = vector.shape_cast %broadcast_in_dim3A_195 : vector<16xf32> to vector<1x16xf32>
        tpu.vector_store %arg11[%swap3A_196, %swap3A_197], %swap3A_200 {strides = array<i32>} : memref<128x128xf32, #tpu.memory_space<vmem>>, vector<1x16xf32>,
        %broadcast_in_dim3A_201 = arith.constant 0.000000e+00 : f32
        %broadcast_in_dim3A_202 = vector.broadcast %broadcast_in_dim3A_201 : f32 to vector<16xf32>
        %swap3A_203 = arith.index_cast %scan3A_174 : i32 to index
        %swap3A_204 = arith.constant 64 : index
        %swap3A_205 = tpu.vector_load %arg11[%swap3A_203, %swap3A_204] {strides = array<i32>} : memref<128x128xf32, #tpu.memory_space<vmem>>, vector<1x16xf32>,
        %swap3A_206 = vector.shape_cast %swap3A_205 : vector<1x16xf32> to vector<16xf32>
        %swap3A_207 = vector.shape_cast %broadcast_in_dim3A_202 : vector<16xf32> to vector<1x16xf32>
        tpu.vector_store %arg11[%swap3A_203, %swap3A_204], %swap3A_207 {strides = array<i32>} : memref<128x128xf32, #tpu.memory_space<vmem>>, vector<1x16xf32>,
        %broadcast_in_dim3A_208 = arith.constant 0.000000e+00 : f32
        %broadcast_in_dim3A_209 = vector.broadcast %broadcast_in_dim3A_208 : f32 to vector<16xf32>
        %swap3A_210 = arith.index_cast %scan3A_174 : i32 to index
        %swap3A_211 = arith.constant 80 : index
        %swap3A_212 = tpu.vector_load %arg11[%swap3A_210, %swap3A_211] {strides = array<i32>} : memref<128x128xf32, #tpu.memory_space<vmem>>, vector<1x16xf32>,
        %swap3A_213 = vector.shape_cast %swap3A_212 : vector<1x16xf32> to vector<16xf32>
        %swap3A_214 = vector.shape_cast %broadcast_in_dim3A_209 : vector<16xf32> to vector<1x16xf32>
        tpu.vector_store %arg11[%swap3A_210, %swap3A_211], %swap3A_214 {strides = array<i32>} : memref<128x128xf32, #tpu.memory_space<vmem>>, vector<1x16xf32>,
        %broadcast_in_dim3A_215 = arith.constant 0.000000e+00 : f32
        %broadcast_in_dim3A_216 = vector.broadcast %broadcast_in_dim3A_215 : f32 to vector<16xf32>
        %swap3A_217 = arith.index_cast %scan3A_174 : i32 to index
        %swap3A_218 = arith.constant 96 : index
        %swap3A_219 = tpu.vector_load %arg11[%swap3A_217, %swap3A_218] {strides = array<i32>} : memref<128x128xf32, #tpu.memory_space<vmem>>, vector<1x16xf32>,
        %swap3A_220 = vector.shape_cast %swap3A_219 : vector<1x16xf32> to vector<16xf32>
        %swap3A_221 = vector.shape_cast %broadcast_in_dim3A_216 : vector<16xf32> to vector<1x16xf32>
        tpu.vector_store %arg11[%swap3A_217, %swap3A_218], %swap3A_221 {strides = array<i32>} : memref<128x128xf32, #tpu.memory_space<vmem>>, vector<1x16xf32>,
        %broadcast_in_dim3A_222 = arith.constant 0.000000e+00 : f32
        %broadcast_in_dim3A_223 = vector.broadcast %broadcast_in_dim3A_222 : f32 to vector<16xf32>
        %swap3A_224 = arith.index_cast %scan3A_174 : i32 to index
        %swap3A_225 = arith.constant 112 : index
        %swap3A_226 = tpu.vector_load %arg11[%swap3A_224, %swap3A_225] {strides = array<i32>} : memref<128x128xf32, #tpu.memory_space<vmem>>, vector<1x16xf32>,
        %swap3A_227 = vector.shape_cast %swap3A_226 : vector<1x16xf32> to vector<16xf32>
        %swap3A_228 = vector.shape_cast %broadcast_in_dim3A_223 : vector<16xf32> to vector<1x16xf32>
        tpu.vector_store %arg11[%swap3A_224, %swap3A_225], %swap3A_228 {strides = array<i32>} : memref<128x128xf32, #tpu.memory_space<vmem>>, vector<1x16xf32>,
      }
      %scan3A_17 = arith.constant 128 : i32
      %add3A_18 = arith.constant 0 : i32
      %add3A_19 = arith.addi %mul3A_2, %add3A_18 : i32
      "tpu.region"() ({
        %run_scoped3A = tpu.sem_alloc : memref<!tpu.dma_semaphore, #tpu.memory_space<semaphore_mem>>
        %dma_start3A_174 = arith.constant 0 : i32
        %dma_start3A_175 = tpu.memref_slice %arg8[%add3A_19, %dma_start3A_174] : memref<10240x128xf32, #tpu.memory_space<vmem_shared>> -> memref<128x128xf32, #tpu.memory_space<vmem_shared>>
        %dma_start3A_176 = arith.constant 0 : i32
        %dma_start3A_177 = tpu.memref_slice %arg8[%add3A_19, %dma_start3A_176] : memref<10240x128xf32, #tpu.memory_space<vmem_shared>> -> memref<128x128xf32, #tpu.memory_space<vmem_shared>>
        tpu.enqueue_dma source(%arg11 : memref<128x128xf32, #tpu.memory_space<vmem>>) target(%dma_start3A_177 : memref<128x128xf32, #tpu.memory_space<vmem_shared>>) target_semaphore(%run_scoped3A : memref<!tpu.dma_semaphore, #tpu.memory_space<semaphore_mem>>)
        %dma_wait3A_178 = arith.constant 0 : i32
        %dma_wait3A_179 = tpu.memref_slice %arg8[%add3A_19, %dma_wait3A_178] : memref<10240x128xf32, #tpu.memory_space<vmem_shared>> -> memref<128x128xf32, #tpu.memory_space<vmem_shared>>
        %dma_wait3A_180 = arith.constant 0 : i32
        %dma_wait3A_181 = tpu.memref_slice %arg8[%add3A_19, %dma_wait3A_180] : memref<10240x128xf32, #tpu.memory_space<vmem_shared>> -> memref<128x128xf32, #tpu.memory_space<vmem_shared>>
        tpu.wait_dma2 semaphore(%run_scoped3A : memref<!tpu.dma_semaphore, #tpu.memory_space<semaphore_mem>>) src(%arg11 : memref<128x128xf32, #tpu.memory_space<vmem>>) dst(%dma_wait3A_181 : memref<128x128xf32, #tpu.memory_space<vmem_shared>>)
        tpu.yield
      }) : () -> ()
      %add3A_20 = arith.constant 128 : i32
      %add3A_21 = arith.addi %mul3A_2, %add3A_20 : i32
      "tpu.region"() ({
        %run_scoped3A = tpu.sem_alloc : memref<!tpu.dma_semaphore, #tpu.memory_space<semaphore_mem>>
        %dma_start3A_174 = arith.constant 0 : i32
        %dma_start3A_175 = tpu.memref_slice %arg8[%add3A_21, %dma_start3A_174] : memref<10240x128xf32, #tpu.memory_space<vmem_shared>> -> memref<128x128xf32, #tpu.memory_space<vmem_shared>>
        %dma_start3A_176 = arith.constant 0 : i32
        %dma_start3A_177 = tpu.memref_slice %arg8[%add3A_21, %dma_start3A_176] : memref<10240x128xf32, #tpu.memory_space<vmem_shared>> -> memref<128x128xf32, #tpu.memory_space<vmem_shared>>
        tpu.enqueue_dma source(%arg11 : memref<128x128xf32, #tpu.memory_space<vmem>>) target(%dma_start3A_177 : memref<128x128xf32, #tpu.memory_space<vmem_shared>>) target_semaphore(%run_scoped3A : memref<!tpu.dma_semaphore, #tpu.memory_space<semaphore_mem>>)
        %dma_wait3A_178 = arith.constant 0 : i32
        %dma_wait3A_179 = tpu.memref_slice %arg8[%add3A_21, %dma_wait3A_178] : memref<10240x128xf32, #tpu.memory_space<vmem_shared>> -> memref<128x128xf32, #tpu.memory_space<vmem_shared>>
        %dma_wait3A_180 = arith.constant 0 : i32
        %dma_wait3A_181 = tpu.memref_slice %arg8[%add3A_21, %dma_wait3A_180] : memref<10240x128xf32, #tpu.memory_space<vmem_shared>> -> memref<128x128xf32, #tpu.memory_space<vmem_shared>>
        tpu.wait_dma2 semaphore(%run_scoped3A : memref<!tpu.dma_semaphore, #tpu.memory_space<semaphore_mem>>) src(%arg11 : memref<128x128xf32, #tpu.memory_space<vmem>>) dst(%dma_wait3A_181 : memref<128x128xf32, #tpu.memory_space<vmem_shared>>)
        tpu.yield
      }) : () -> ()
      %add3A_22 = arith.constant 256 : i32
      %add3A_23 = arith.addi %mul3A_2, %add3A_22 : i32
      "tpu.region"() ({
        %run_scoped3A = tpu.sem_alloc : memref<!tpu.dma_semaphore, #tpu.memory_space<semaphore_mem>>
        %dma_start3A_174 = arith.constant 0 : i32
        %dma_start3A_175 = tpu.memref_slice %arg8[%add3A_23, %dma_start3A_174] : memref<10240x128xf32, #tpu.memory_space<vmem_shared>> -> memref<128x128xf32, #tpu.memory_space<vmem_shared>>
        %dma_start3A_176 = arith.constant 0 : i32
        %dma_start3A_177 = tpu.memref_slice %arg8[%add3A_23, %dma_start3A_176] : memref<10240x128xf32, #tpu.memory_space<vmem_shared>> -> memref<128x128xf32, #tpu.memory_space<vmem_shared>>
        tpu.enqueue_dma source(%arg11 : memref<128x128xf32, #tpu.memory_space<vmem>>) target(%dma_start3A_177 : memref<128x128xf32, #tpu.memory_space<vmem_shared>>) target_semaphore(%run_scoped3A : memref<!tpu.dma_semaphore, #tpu.memory_space<semaphore_mem>>)
        %dma_wait3A_178 = arith.constant 0 : i32
        %dma_wait3A_179 = tpu.memref_slice %arg8[%add3A_23, %dma_wait3A_178] : memref<10240x128xf32, #tpu.memory_space<vmem_shared>> -> memref<128x128xf32, #tpu.memory_space<vmem_shared>>
        %dma_wait3A_180 = arith.constant 0 : i32
        %dma_wait3A_181 = tpu.memref_slice %arg8[%add3A_23, %dma_wait3A_180] : memref<10240x128xf32, #tpu.memory_space<vmem_shared>> -> memref<128x128xf32, #tpu.memory_space<vmem_shared>>
        tpu.wait_dma2 semaphore(%run_scoped3A : memref<!tpu.dma_semaphore, #tpu.memory_space<semaphore_mem>>) src(%arg11 : memref<128x128xf32, #tpu.memory_space<vmem>>) dst(%dma_wait3A_181 : memref<128x128xf32, #tpu.memory_space<vmem_shared>>)
        tpu.yield
      }) : () -> ()
      %add3A_24 = arith.constant 384 : i32
      %add3A_25 = arith.addi %mul3A_2, %add3A_24 : i32
      "tpu.region"() ({
        %run_scoped3A = tpu.sem_alloc : memref<!tpu.dma_semaphore, #tpu.memory_space<semaphore_mem>>
        %dma_start3A_174 = arith.constant 0 : i32
        %dma_start3A_175 = tpu.memref_slice %arg8[%add3A_25, %dma_start3A_174] : memref<10240x128xf32, #tpu.memory_space<vmem_shared>> -> memref<128x128xf32, #tpu.memory_space<vmem_shared>>
        %dma_start3A_176 = arith.constant 0 : i32
        %dma_start3A_177 = tpu.memref_slice %arg8[%add3A_25, %dma_start3A_176] : memref<10240x128xf32, #tpu.memory_space<vmem_shared>> -> memref<128x128xf32, #tpu.memory_space<vmem_shared>>
        tpu.enqueue_dma source(%arg11 : memref<128x128xf32, #tpu.memory_space<vmem>>) target(%dma_start3A_177 : memref<128x128xf32, #tpu.memory_space<vmem_shared>>) target_semaphore(%run_scoped3A : memref<!tpu.dma_semaphore, #tpu.memory_space<semaphore_mem>>)
        %dma_wait3A_178 = arith.constant 0 : i32
        %dma_wait3A_179 = tpu.memref_slice %arg8[%add3A_25, %dma_wait3A_178] : memref<10240x128xf32, #tpu.memory_space<vmem_shared>> -> memref<128x128xf32, #tpu.memory_space<vmem_shared>>
        %dma_wait3A_180 = arith.constant 0 : i32
        %dma_wait3A_181 = tpu.memref_slice %arg8[%add3A_25, %dma_wait3A_180] : memref<10240x128xf32, #tpu.memory_space<vmem_shared>> -> memref<128x128xf32, #tpu.memory_space<vmem_shared>>
        tpu.wait_dma2 semaphore(%run_scoped3A : memref<!tpu.dma_semaphore, #tpu.memory_space<semaphore_mem>>) src(%arg11 : memref<128x128xf32, #tpu.memory_space<vmem>>) dst(%dma_wait3A_181 : memref<128x128xf32, #tpu.memory_space<vmem_shared>>)
        tpu.yield
      }) : () -> ()
      %add3A_26 = arith.constant 512 : i32
      %add3A_27 = arith.addi %mul3A_2, %add3A_26 : i32
      "tpu.region"() ({
        %run_scoped3A = tpu.sem_alloc : memref<!tpu.dma_semaphore, #tpu.memory_space<semaphore_mem>>
        %dma_start3A_174 = arith.constant 0 : i32
        %dma_start3A_175 = tpu.memref_slice %arg8[%add3A_27, %dma_start3A_174] : memref<10240x128xf32, #tpu.memory_space<vmem_shared>> -> memref<128x128xf32, #tpu.memory_space<vmem_shared>>
        %dma_start3A_176 = arith.constant 0 : i32
        %dma_start3A_177 = tpu.memref_slice %arg8[%add3A_27, %dma_start3A_176] : memref<10240x128xf32, #tpu.memory_space<vmem_shared>> -> memref<128x128xf32, #tpu.memory_space<vmem_shared>>
        tpu.enqueue_dma source(%arg11 : memref<128x128xf32, #tpu.memory_space<vmem>>) target(%dma_start3A_177 : memref<128x128xf32, #tpu.memory_space<vmem_shared>>) target_semaphore(%run_scoped3A : memref<!tpu.dma_semaphore, #tpu.memory_space<semaphore_mem>>)
        %dma_wait3A_178 = arith.constant 0 : i32
        %dma_wait3A_179 = tpu.memref_slice %arg8[%add3A_27, %dma_wait3A_178] : memref<10240x128xf32, #tpu.memory_space<vmem_shared>> -> memref<128x128xf32, #tpu.memory_space<vmem_shared>>
        %dma_wait3A_180 = arith.constant 0 : i32
        %dma_wait3A_181 = tpu.memref_slice %arg8[%add3A_27, %dma_wait3A_180] : memref<10240x128xf32, #tpu.memory_space<vmem_shared>> -> memref<128x128xf32, #tpu.memory_space<vmem_shared>>
        tpu.wait_dma2 semaphore(%run_scoped3A : memref<!tpu.dma_semaphore, #tpu.memory_space<semaphore_mem>>) src(%arg11 : memref<128x128xf32, #tpu.memory_space<vmem>>) dst(%dma_wait3A_181 : memref<128x128xf32, #tpu.memory_space<vmem_shared>>)
        tpu.yield
      }) : () -> ()
      %barrier3A = arith.constant 0 : index
      tpu.barrier barrier_id(%barrier3A)
      %jit3A_28 = arith.constant 2 : i32
      %div3A = arith.divsi %select_n3A, %jit3A_28 : i32
      %sign3A = arith.constant 0 : i32
      %sign3A_29 = arith.cmpi sgt, %select_n3A, %sign3A : i32
      %sign3A_30 = arith.extui %sign3A_29 : i1 to i32
      %sign3A_31 = arith.constant 0 : i32
      %sign3A_32 = arith.cmpi slt, %select_n3A, %sign3A_31 : i32
      %sign3A_33 = arith.extui %sign3A_32 : i1 to i32
      %sign3A_34 = arith.subi %sign3A_30, %sign3A_33 : i32
      %sign3A_35 = arith.constant 0 : i32
      %sign3A_36 = arith.cmpi sgt, %jit3A_28, %sign3A_35 : i32
      %sign3A_37 = arith.extui %sign3A_36 : i1 to i32
      %sign3A_38 = arith.constant 0 : i32
      %sign3A_39 = arith.cmpi slt, %jit3A_28, %sign3A_38 : i32
      %sign3A_40 = arith.extui %sign3A_39 : i1 to i32
      %sign3A_41 = arith.subi %sign3A_37, %sign3A_40 : i32
      %ne3A = arith.cmpi ne, %sign3A_34, %sign3A_41 : i32
      %rem3A = arith.remsi %select_n3A, %jit3A_28 : i32
      %ne3A_42 = arith.constant 0 : i32
      %ne3A_43 = arith.cmpi ne, %rem3A, %ne3A_42 : i32
      %and3A = arith.andi %ne3A, %ne3A_43 : i1
      %sub3A = arith.constant 1 : i32
      %sub3A_44 = arith.subi %div3A, %sub3A : i32
      %select_n3A_45 = arith.select %and3A, %sub3A_44, %div3A : i32
      %while3A = arith.constant 0 : i32
      %while3A_46 = arith.constant 0 : i32
      %while3A_47 = arith.subi %select_n3A_45, %while3A_46 : i32
      %while3A_48 = arith.addi %while3A_46, %while3A_47 : i32
      %while3A_49 = arith.constant 1 : i32
      %while3A_50 = arith.divsi %while3A_47, %while3A_49 : i32
      %while3A_51 = arith.muli %while3A_50, %while3A_49 : i32
      %while3A_52 = arith.addi %while3A_46, %while3A_51 : i32
      %while3A_53 = arith.constant 1 : i32
      scf.for %while3A_174 = %while3A_46 to %while3A_52 step %while3A_53  : i32 {
        %mul3A_175 = arith.constant 2 : i32
        %mul3A_176 = arith.muli %mul3A_175, %while3A_174 : i32
        %add3A_177 = arith.constant 0 : i32
        %add3A_178 = arith.addi %mul3A_176, %add3A_177 : i32
        %ge3A = arith.constant 1 : i32
        %ge3A_179 = arith.cmpi sge, %while3A_174, %ge3A : i32
        %convert_element_type3A_180 = arith.extui %ge3A_179 : i1 to i32
        %cond3A_181 = arith.constant 0 : i32
        %cond3A_182 = arith.cmpi ne, %convert_element_type3A_180, %cond3A_181 : i32
        scf.if %cond3A_182 {
          %sub3A_220 = arith.constant 2 : i32
          %sub3A_221 = arith.subi %add3A_178, %sub3A_220 : i32
          %dma_wait3A_222 = arith.constant 0 : i32
          %dma_wait3A_223 = tpu.memref_slice %arg10[%sub3A_221, %dma_wait3A_222] : memref<52x128xi32, #tpu.memory_space<vmem>> -> memref<1x128xi32, #tpu.memory_space<vmem>>
          %dma_wait3A_224 = tpu.memref_squeeze %dma_wait3A_223 : memref<1x128xi32, #tpu.memory_space<vmem>> -> memref<128xi32, #tpu.memory_space<vmem>>
          %dma_wait3A_225 = arith.constant 0 : i32
          %dma_wait3A_226 = arith.constant 0 : i32
          %dma_wait3A_227 = tpu.memref_slice %arg8[%dma_wait3A_225, %dma_wait3A_226] : memref<10240x128xf32, #tpu.memory_space<vmem_shared>> -> memref<10240x128xf32, #tpu.memory_space<vmem_shared>>
          tpu.wait_indirect_dma semaphore(%arg15 : memref<!tpu.dma_semaphore, #tpu.memory_space<semaphore_mem>>) src(%arg11 : memref<128x128xf32, #tpu.memory_space<vmem>>) dst(%dma_wait3A_227 : memref<10240x128xf32, #tpu.memory_space<vmem_shared>>)
          %sub3A_228 = arith.constant 1 : i32
          %sub3A_229 = arith.subi %add3A_178, %sub3A_228 : i32
          %dma_wait3A_230 = arith.constant 0 : i32
          %dma_wait3A_231 = tpu.memref_slice %arg9[%sub3A_229, %dma_wait3A_230] : memref<52x128xi32, #tpu.memory_space<vmem>> -> memref<1x128xi32, #tpu.memory_space<vmem>>
          %dma_wait3A_232 = tpu.memref_squeeze %dma_wait3A_231 : memref<1x128xi32, #tpu.memory_space<vmem>> -> memref<128xi32, #tpu.memory_space<vmem>>
          %dma_wait3A_233 = arith.constant 0 : i32
          %dma_wait3A_234 = arith.constant 0 : i32
          %dma_wait3A_235 = tpu.memref_slice %arg3[%dma_wait3A_233, %dma_wait3A_234] : memref<10000x128xf32, #tpu.memory_space<hbm>> -> memref<10000x128xf32, #tpu.memory_space<hbm>>
          tpu.wait_indirect_dma semaphore(%arg14 : memref<!tpu.dma_semaphore, #tpu.memory_space<semaphore_mem>>) src(%dma_wait3A_235 : memref<10000x128xf32, #tpu.memory_space<hbm>>) dst(%arg12 : memref<128x128xf32, #tpu.memory_space<vmem>>)
          %sub3A_236 = arith.constant 1 : i32
          %sub3A_237 = arith.subi %add3A_178, %sub3A_236 : i32
          %dma_start3A_238 = arith.constant 0 : i32
          %dma_start3A_239 = tpu.memref_slice %arg10[%sub3A_237, %dma_start3A_238] : memref<52x128xi32, #tpu.memory_space<vmem>> -> memref<1x128xi32, #tpu.memory_space<vmem>>
          %dma_start3A_240 = tpu.memref_squeeze %dma_start3A_239 : memref<1x128xi32, #tpu.memory_space<vmem>> -> memref<128xi32, #tpu.memory_space<vmem>>
          %dma_start3A_241 = arith.constant 0 : i32
          %dma_start3A_242 = arith.constant 0 : i32
          %dma_start3A_243 = tpu.memref_slice %arg8[%dma_start3A_241, %dma_start3A_242] : memref<10240x128xf32, #tpu.memory_space<vmem_shared>> -> memref<10240x128xf32, #tpu.memory_space<vmem_shared>>
          tpu.enqueue_indirect_dma source(%arg12 : memref<128x128xf32, #tpu.memory_space<vmem>>) target(%dma_start3A_243 : memref<10240x128xf32, #tpu.memory_space<vmem_shared>>) offsets(%dma_start3A_240 : memref<128xi32, #tpu.memory_space<vmem>>) semaphore(%arg16 : memref<!tpu.dma_semaphore, #tpu.memory_space<semaphore_mem>>) {add = true}
        } else {
        }
        %dma_start3A_183 = arith.constant 0 : i32
        %dma_start3A_184 = tpu.memref_slice %arg9[%add3A_178, %dma_start3A_183] : memref<52x128xi32, #tpu.memory_space<vmem>> -> memref<1x128xi32, #tpu.memory_space<vmem>>
        %dma_start3A_185 = tpu.memref_squeeze %dma_start3A_184 : memref<1x128xi32, #tpu.memory_space<vmem>> -> memref<128xi32, #tpu.memory_space<vmem>>
        %dma_start3A_186 = arith.constant 0 : i32
        %dma_start3A_187 = arith.constant 0 : i32
        %dma_start3A_188 = tpu.memref_slice %arg3[%dma_start3A_186, %dma_start3A_187] : memref<10000x128xf32, #tpu.memory_space<hbm>> -> memref<10000x128xf32, #tpu.memory_space<hbm>>
        tpu.enqueue_indirect_dma source(%dma_start3A_188 : memref<10000x128xf32, #tpu.memory_space<hbm>>) target(%arg11 : memref<128x128xf32, #tpu.memory_space<vmem>>) offsets(%dma_start3A_185 : memref<128xi32, #tpu.memory_space<vmem>>) semaphore(%arg13 : memref<!tpu.dma_semaphore, #tpu.memory_space<semaphore_mem>>)
        %mul3A_189 = arith.constant 2 : i32
        %mul3A_190 = arith.muli %mul3A_189, %while3A_174 : i32
        %add3A_191 = arith.constant 1 : i32
        %add3A_192 = arith.addi %mul3A_190, %add3A_191 : i32
        %ge3A_193 = arith.constant 1 : i32
        %ge3A_194 = arith.cmpi sge, %while3A_174, %ge3A_193 : i32
        %convert_element_type3A_195 = arith.extui %ge3A_194 : i1 to i32
        %cond3A_196 = arith.constant 0 : i32
        %cond3A_197 = arith.cmpi ne, %convert_element_type3A_195, %cond3A_196 : i32
        scf.if %cond3A_197 {
          %sub3A_220 = arith.constant 2 : i32
          %sub3A_221 = arith.subi %add3A_192, %sub3A_220 : i32
          %dma_wait3A_222 = arith.constant 0 : i32
          %dma_wait3A_223 = tpu.memref_slice %arg10[%sub3A_221, %dma_wait3A_222] : memref<52x128xi32, #tpu.memory_space<vmem>> -> memref<1x128xi32, #tpu.memory_space<vmem>>
          %dma_wait3A_224 = tpu.memref_squeeze %dma_wait3A_223 : memref<1x128xi32, #tpu.memory_space<vmem>> -> memref<128xi32, #tpu.memory_space<vmem>>
          %dma_wait3A_225 = arith.constant 0 : i32
          %dma_wait3A_226 = arith.constant 0 : i32
          %dma_wait3A_227 = tpu.memref_slice %arg8[%dma_wait3A_225, %dma_wait3A_226] : memref<10240x128xf32, #tpu.memory_space<vmem_shared>> -> memref<10240x128xf32, #tpu.memory_space<vmem_shared>>
          tpu.wait_indirect_dma semaphore(%arg16 : memref<!tpu.dma_semaphore, #tpu.memory_space<semaphore_mem>>) src(%arg12 : memref<128x128xf32, #tpu.memory_space<vmem>>) dst(%dma_wait3A_227 : memref<10240x128xf32, #tpu.memory_space<vmem_shared>>)
        } else {
        }
        %dma_start3A_198 = arith.constant 0 : i32
        %dma_start3A_199 = tpu.memref_slice %arg9[%add3A_192, %dma_start3A_198] : memref<52x128xi32, #tpu.memory_space<vmem>> -> memref<1x128xi32, #tpu.memory_space<vmem>>
        %dma_start3A_200 = tpu.memref_squeeze %dma_start3A_199 : memref<1x128xi32, #tpu.memory_space<vmem>> -> memref<128xi32, #tpu.memory_space<vmem>>
        %dma_start3A_201 = arith.constant 0 : i32
        %dma_start3A_202 = arith.constant 0 : i32
        %dma_start3A_203 = tpu.memref_slice %arg3[%dma_start3A_201, %dma_start3A_202] : memref<10000x128xf32, #tpu.memory_space<hbm>> -> memref<10000x128xf32, #tpu.memory_space<hbm>>
        tpu.enqueue_indirect_dma source(%dma_start3A_203 : memref<10000x128xf32, #tpu.memory_space<hbm>>) target(%arg12 : memref<128x128xf32, #tpu.memory_space<vmem>>) offsets(%dma_start3A_200 : memref<128xi32, #tpu.memory_space<vmem>>) semaphore(%arg14 : memref<!tpu.dma_semaphore, #tpu.memory_space<semaphore_mem>>)
        %sub3A_204 = arith.constant 1 : i32
        %sub3A_205 = arith.subi %add3A_192, %sub3A_204 : i32
        %dma_wait3A_206 = arith.constant 0 : i32
        %dma_wait3A_207 = tpu.memref_slice %arg9[%sub3A_205, %dma_wait3A_206] : memref<52x128xi32, #tpu.memory_space<vmem>> -> memref<1x128xi32, #tpu.memory_space<vmem>>
        %dma_wait3A_208 = tpu.memref_squeeze %dma_wait3A_207 : memref<1x128xi32, #tpu.memory_space<vmem>> -> memref<128xi32, #tpu.memory_space<vmem>>
        %dma_wait3A_209 = arith.constant 0 : i32
        %dma_wait3A_210 = arith.constant 0 : i32
        %dma_wait3A_211 = tpu.memref_slice %arg3[%dma_wait3A_209, %dma_wait3A_210] : memref<10000x128xf32, #tpu.memory_space<hbm>> -> memref<10000x128xf32, #tpu.memory_space<hbm>>
        tpu.wait_indirect_dma semaphore(%arg13 : memref<!tpu.dma_semaphore, #tpu.memory_space<semaphore_mem>>) src(%dma_wait3A_211 : memref<10000x128xf32, #tpu.memory_space<hbm>>) dst(%arg11 : memref<128x128xf32, #tpu.memory_space<vmem>>)
        %sub3A_212 = arith.constant 1 : i32
        %sub3A_213 = arith.subi %add3A_192, %sub3A_212 : i32
        %dma_start3A_214 = arith.constant 0 : i32
        %dma_start3A_215 = tpu.memref_slice %arg10[%sub3A_213, %dma_start3A_214] : memref<52x128xi32, #tpu.memory_space<vmem>> -> memref<1x128xi32, #tpu.memory_space<vmem>>
        %dma_start3A_216 = tpu.memref_squeeze %dma_start3A_215 : memref<1x128xi32, #tpu.memory_space<vmem>> -> memref<128xi32, #tpu.memory_space<vmem>>
        %dma_start3A_217 = arith.constant 0 : i32
        %dma_start3A_218 = arith.constant 0 : i32
        %dma_start3A_219 = tpu.memref_slice %arg8[%dma_start3A_217, %dma_start3A_218] : memref<10240x128xf32, #tpu.memory_space<vmem_shared>> -> memref<10240x128xf32, #tpu.memory_space<vmem_shared>>
        tpu.enqueue_indirect_dma source(%arg11 : memref<128x128xf32, #tpu.memory_space<vmem>>) target(%dma_start3A_219 : memref<10240x128xf32, #tpu.memory_space<vmem_shared>>) offsets(%dma_start3A_216 : memref<128xi32, #tpu.memory_space<vmem>>) semaphore(%arg15 : memref<!tpu.dma_semaphore, #tpu.memory_space<semaphore_mem>>) {add = true}
      }
      %while3A_54 = arith.constant 1 : i32
      scf.for %while3A_174 = %while3A_52 to %while3A_48 step %while3A_54  : i32 {
        %mul3A_175 = arith.constant 2 : i32
        %mul3A_176 = arith.muli %mul3A_175, %while3A_174 : i32
        %add3A_177 = arith.constant 0 : i32
        %add3A_178 = arith.addi %mul3A_176, %add3A_177 : i32
        %ge3A = arith.constant 1 : i32
        %ge3A_179 = arith.cmpi sge, %while3A_174, %ge3A : i32
        %convert_element_type3A_180 = arith.extui %ge3A_179 : i1 to i32
        %cond3A_181 = arith.constant 0 : i32
        %cond3A_182 = arith.cmpi ne, %convert_element_type3A_180, %cond3A_181 : i32
        scf.if %cond3A_182 {
          %sub3A_220 = arith.constant 2 : i32
          %sub3A_221 = arith.subi %add3A_178, %sub3A_220 : i32
          %dma_wait3A_222 = arith.constant 0 : i32
          %dma_wait3A_223 = tpu.memref_slice %arg10[%sub3A_221, %dma_wait3A_222] : memref<52x128xi32, #tpu.memory_space<vmem>> -> memref<1x128xi32, #tpu.memory_space<vmem>>
          %dma_wait3A_224 = tpu.memref_squeeze %dma_wait3A_223 : memref<1x128xi32, #tpu.memory_space<vmem>> -> memref<128xi32, #tpu.memory_space<vmem>>
          %dma_wait3A_225 = arith.constant 0 : i32
          %dma_wait3A_226 = arith.constant 0 : i32
          %dma_wait3A_227 = tpu.memref_slice %arg8[%dma_wait3A_225, %dma_wait3A_226] : memref<10240x128xf32, #tpu.memory_space<vmem_shared>> -> memref<10240x128xf32, #tpu.memory_space<vmem_shared>>
          tpu.wait_indirect_dma semaphore(%arg15 : memref<!tpu.dma_semaphore, #tpu.memory_space<semaphore_mem>>) src(%arg11 : memref<128x128xf32, #tpu.memory_space<vmem>>) dst(%dma_wait3A_227 : memref<10240x128xf32, #tpu.memory_space<vmem_shared>>)
          %sub3A_228 = arith.constant 1 : i32
          %sub3A_229 = arith.subi %add3A_178, %sub3A_228 : i32
          %dma_wait3A_230 = arith.constant 0 : i32
          %dma_wait3A_231 = tpu.memref_slice %arg9[%sub3A_229, %dma_wait3A_230] : memref<52x128xi32, #tpu.memory_space<vmem>> -> memref<1x128xi32, #tpu.memory_space<vmem>>
          %dma_wait3A_232 = tpu.memref_squeeze %dma_wait3A_231 : memref<1x128xi32, #tpu.memory_space<vmem>> -> memref<128xi32, #tpu.memory_space<vmem>>
          %dma_wait3A_233 = arith.constant 0 : i32
          %dma_wait3A_234 = arith.constant 0 : i32
          %dma_wait3A_235 = tpu.memref_slice %arg3[%dma_wait3A_233, %dma_wait3A_234] : memref<10000x128xf32, #tpu.memory_space<hbm>> -> memref<10000x128xf32, #tpu.memory_space<hbm>>
          tpu.wait_indirect_dma semaphore(%arg14 : memref<!tpu.dma_semaphore, #tpu.memory_space<semaphore_mem>>) src(%dma_wait3A_235 : memref<10000x128xf32, #tpu.memory_space<hbm>>) dst(%arg12 : memref<128x128xf32, #tpu.memory_space<vmem>>)
          %sub3A_236 = arith.constant 1 : i32
          %sub3A_237 = arith.subi %add3A_178, %sub3A_236 : i32
          %dma_start3A_238 = arith.constant 0 : i32
          %dma_start3A_239 = tpu.memref_slice %arg10[%sub3A_237, %dma_start3A_238] : memref<52x128xi32, #tpu.memory_space<vmem>> -> memref<1x128xi32, #tpu.memory_space<vmem>>
          %dma_start3A_240 = tpu.memref_squeeze %dma_start3A_239 : memref<1x128xi32, #tpu.memory_space<vmem>> -> memref<128xi32, #tpu.memory_space<vmem>>
          %dma_start3A_241 = arith.constant 0 : i32
          %dma_start3A_242 = arith.constant 0 : i32
          %dma_start3A_243 = tpu.memref_slice %arg8[%dma_start3A_241, %dma_start3A_242] : memref<10240x128xf32, #tpu.memory_space<vmem_shared>> -> memref<10240x128xf32, #tpu.memory_space<vmem_shared>>
          tpu.enqueue_indirect_dma source(%arg12 : memref<128x128xf32, #tpu.memory_space<vmem>>) target(%dma_start3A_243 : memref<10240x128xf32, #tpu.memory_space<vmem_shared>>) offsets(%dma_start3A_240 : memref<128xi32, #tpu.memory_space<vmem>>) semaphore(%arg16 : memref<!tpu.dma_semaphore, #tpu.memory_space<semaphore_mem>>) {add = true}
        } else {
        }
        %dma_start3A_183 = arith.constant 0 : i32
        %dma_start3A_184 = tpu.memref_slice %arg9[%add3A_178, %dma_start3A_183] : memref<52x128xi32, #tpu.memory_space<vmem>> -> memref<1x128xi32, #tpu.memory_space<vmem>>
        %dma_start3A_185 = tpu.memref_squeeze %dma_start3A_184 : memref<1x128xi32, #tpu.memory_space<vmem>> -> memref<128xi32, #tpu.memory_space<vmem>>
        %dma_start3A_186 = arith.constant 0 : i32
        %dma_start3A_187 = arith.constant 0 : i32
        %dma_start3A_188 = tpu.memref_slice %arg3[%dma_start3A_186, %dma_start3A_187] : memref<10000x128xf32, #tpu.memory_space<hbm>> -> memref<10000x128xf32, #tpu.memory_space<hbm>>
        tpu.enqueue_indirect_dma source(%dma_start3A_188 : memref<10000x128xf32, #tpu.memory_space<hbm>>) target(%arg11 : memref<128x128xf32, #tpu.memory_space<vmem>>) offsets(%dma_start3A_185 : memref<128xi32, #tpu.memory_space<vmem>>) semaphore(%arg13 : memref<!tpu.dma_semaphore, #tpu.memory_space<semaphore_mem>>)
        %mul3A_189 = arith.constant 2 : i32
        %mul3A_190 = arith.muli %mul3A_189, %while3A_174 : i32
        %add3A_191 = arith.constant 1 : i32
        %add3A_192 = arith.addi %mul3A_190, %add3A_191 : i32
        %ge3A_193 = arith.constant 1 : i32
        %ge3A_194 = arith.cmpi sge, %while3A_174, %ge3A_193 : i32
        %convert_element_type3A_195 = arith.extui %ge3A_194 : i1 to i32
        %cond3A_196 = arith.constant 0 : i32
        %cond3A_197 = arith.cmpi ne, %convert_element_type3A_195, %cond3A_196 : i32
        scf.if %cond3A_197 {
          %sub3A_220 = arith.constant 2 : i32
          %sub3A_221 = arith.subi %add3A_192, %sub3A_220 : i32
          %dma_wait3A_222 = arith.constant 0 : i32
          %dma_wait3A_223 = tpu.memref_slice %arg10[%sub3A_221, %dma_wait3A_222] : memref<52x128xi32, #tpu.memory_space<vmem>> -> memref<1x128xi32, #tpu.memory_space<vmem>>
          %dma_wait3A_224 = tpu.memref_squeeze %dma_wait3A_223 : memref<1x128xi32, #tpu.memory_space<vmem>> -> memref<128xi32, #tpu.memory_space<vmem>>
          %dma_wait3A_225 = arith.constant 0 : i32
          %dma_wait3A_226 = arith.constant 0 : i32
          %dma_wait3A_227 = tpu.memref_slice %arg8[%dma_wait3A_225, %dma_wait3A_226] : memref<10240x128xf32, #tpu.memory_space<vmem_shared>> -> memref<10240x128xf32, #tpu.memory_space<vmem_shared>>
          tpu.wait_indirect_dma semaphore(%arg16 : memref<!tpu.dma_semaphore, #tpu.memory_space<semaphore_mem>>) src(%arg12 : memref<128x128xf32, #tpu.memory_space<vmem>>) dst(%dma_wait3A_227 : memref<10240x128xf32, #tpu.memory_space<vmem_shared>>)
        } else {
        }
        %dma_start3A_198 = arith.constant 0 : i32
        %dma_start3A_199 = tpu.memref_slice %arg9[%add3A_192, %dma_start3A_198] : memref<52x128xi32, #tpu.memory_space<vmem>> -> memref<1x128xi32, #tpu.memory_space<vmem>>
        %dma_start3A_200 = tpu.memref_squeeze %dma_start3A_199 : memref<1x128xi32, #tpu.memory_space<vmem>> -> memref<128xi32, #tpu.memory_space<vmem>>
        %dma_start3A_201 = arith.constant 0 : i32
        %dma_start3A_202 = arith.constant 0 : i32
        %dma_start3A_203 = tpu.memref_slice %arg3[%dma_start3A_201, %dma_start3A_202] : memref<10000x128xf32, #tpu.memory_space<hbm>> -> memref<10000x128xf32, #tpu.memory_space<hbm>>
        tpu.enqueue_indirect_dma source(%dma_start3A_203 : memref<10000x128xf32, #tpu.memory_space<hbm>>) target(%arg12 : memref<128x128xf32, #tpu.memory_space<vmem>>) offsets(%dma_start3A_200 : memref<128xi32, #tpu.memory_space<vmem>>) semaphore(%arg14 : memref<!tpu.dma_semaphore, #tpu.memory_space<semaphore_mem>>)
        %sub3A_204 = arith.constant 1 : i32
        %sub3A_205 = arith.subi %add3A_192, %sub3A_204 : i32
        %dma_wait3A_206 = arith.constant 0 : i32
        %dma_wait3A_207 = tpu.memref_slice %arg9[%sub3A_205, %dma_wait3A_206] : memref<52x128xi32, #tpu.memory_space<vmem>> -> memref<1x128xi32, #tpu.memory_space<vmem>>
        %dma_wait3A_208 = tpu.memref_squeeze %dma_wait3A_207 : memref<1x128xi32, #tpu.memory_space<vmem>> -> memref<128xi32, #tpu.memory_space<vmem>>
        %dma_wait3A_209 = arith.constant 0 : i32
        %dma_wait3A_210 = arith.constant 0 : i32
        %dma_wait3A_211 = tpu.memref_slice %arg3[%dma_wait3A_209, %dma_wait3A_210] : memref<10000x128xf32, #tpu.memory_space<hbm>> -> memref<10000x128xf32, #tpu.memory_space<hbm>>
        tpu.wait_indirect_dma semaphore(%arg13 : memref<!tpu.dma_semaphore, #tpu.memory_space<semaphore_mem>>) src(%dma_wait3A_211 : memref<10000x128xf32, #tpu.memory_space<hbm>>) dst(%arg11 : memref<128x128xf32, #tpu.memory_space<vmem>>)
        %sub3A_212 = arith.constant 1 : i32
        %sub3A_213 = arith.subi %add3A_192, %sub3A_212 : i32
        %dma_start3A_214 = arith.constant 0 : i32
        %dma_start3A_215 = tpu.memref_slice %arg10[%sub3A_213, %dma_start3A_214] : memref<52x128xi32, #tpu.memory_space<vmem>> -> memref<1x128xi32, #tpu.memory_space<vmem>>
        %dma_start3A_216 = tpu.memref_squeeze %dma_start3A_215 : memref<1x128xi32, #tpu.memory_space<vmem>> -> memref<128xi32, #tpu.memory_space<vmem>>
        %dma_start3A_217 = arith.constant 0 : i32
        %dma_start3A_218 = arith.constant 0 : i32
        %dma_start3A_219 = tpu.memref_slice %arg8[%dma_start3A_217, %dma_start3A_218] : memref<10240x128xf32, #tpu.memory_space<vmem_shared>> -> memref<10240x128xf32, #tpu.memory_space<vmem_shared>>
        tpu.enqueue_indirect_dma source(%arg11 : memref<128x128xf32, #tpu.memory_space<vmem>>) target(%dma_start3A_219 : memref<10240x128xf32, #tpu.memory_space<vmem_shared>>) offsets(%dma_start3A_216 : memref<128xi32, #tpu.memory_space<vmem>>) semaphore(%arg15 : memref<!tpu.dma_semaphore, #tpu.memory_space<semaphore_mem>>) {add = true}
      }
      %sub3A_55 = arith.constant 1 : i32
      %sub3A_56 = arith.subi %select_n3A, %sub3A_55 : i32
      %dma_wait3A = arith.constant 0 : i32
      %dma_wait3A_57 = tpu.memref_slice %arg9[%sub3A_56, %dma_wait3A] : memref<52x128xi32, #tpu.memory_space<vmem>> -> memref<1x128xi32, #tpu.memory_space<vmem>>
      %dma_wait3A_58 = tpu.memref_squeeze %dma_wait3A_57 : memref<1x128xi32, #tpu.memory_space<vmem>> -> memref<128xi32, #tpu.memory_space<vmem>>
      %dma_wait3A_59 = arith.constant 0 : i32
      %dma_wait3A_60 = arith.constant 0 : i32
      %dma_wait3A_61 = tpu.memref_slice %arg3[%dma_wait3A_59, %dma_wait3A_60] : memref<10000x128xf32, #tpu.memory_space<hbm>> -> memref<10000x128xf32, #tpu.memory_space<hbm>>
      tpu.wait_indirect_dma semaphore(%arg14 : memref<!tpu.dma_semaphore, #tpu.memory_space<semaphore_mem>>) src(%dma_wait3A_61 : memref<10000x128xf32, #tpu.memory_space<hbm>>) dst(%arg12 : memref<128x128xf32, #tpu.memory_space<vmem>>)
      %dma_start3A = arith.constant 0 : i32
      %dma_start3A_62 = tpu.memref_slice %arg10[%sub3A_56, %dma_start3A] : memref<52x128xi32, #tpu.memory_space<vmem>> -> memref<1x128xi32, #tpu.memory_space<vmem>>
      %dma_start3A_63 = tpu.memref_squeeze %dma_start3A_62 : memref<1x128xi32, #tpu.memory_space<vmem>> -> memref<128xi32, #tpu.memory_space<vmem>>
      %dma_start3A_64 = arith.constant 0 : i32
      %dma_start3A_65 = arith.constant 0 : i32
      %dma_start3A_66 = tpu.memref_slice %arg8[%dma_start3A_64, %dma_start3A_65] : memref<10240x128xf32, #tpu.memory_space<vmem_shared>> -> memref<10240x128xf32, #tpu.memory_space<vmem_shared>>
      tpu.enqueue_indirect_dma source(%arg12 : memref<128x128xf32, #tpu.memory_space<vmem>>) target(%dma_start3A_66 : memref<10240x128xf32, #tpu.memory_space<vmem_shared>>) offsets(%dma_start3A_63 : memref<128xi32, #tpu.memory_space<vmem>>) semaphore(%arg16 : memref<!tpu.dma_semaphore, #tpu.memory_space<semaphore_mem>>) {add = true}
      %sub3A_67 = arith.constant 2 : i32
      %sub3A_68 = arith.subi %select_n3A, %sub3A_67 : i32
      %add3A_69 = arith.constant 0 : i32
      %add3A_70 = arith.addi %sub3A_68, %add3A_69 : i32
      %dma_wait3A_71 = arith.constant 0 : i32
      %dma_wait3A_72 = tpu.memref_slice %arg10[%add3A_70, %dma_wait3A_71] : memref<52x128xi32, #tpu.memory_space<vmem>> -> memref<1x128xi32, #tpu.memory_space<vmem>>
      %dma_wait3A_73 = tpu.memref_squeeze %dma_wait3A_72 : memref<1x128xi32, #tpu.memory_space<vmem>> -> memref<128xi32, #tpu.memory_space<vmem>>
      %dma_wait3A_74 = arith.constant 0 : i32
      %dma_wait3A_75 = arith.constant 0 : i32
      %dma_wait3A_76 = tpu.memref_slice %arg8[%dma_wait3A_74, %dma_wait3A_75] : memref<10240x128xf32, #tpu.memory_space<vmem_shared>> -> memref<10240x128xf32, #tpu.memory_space<vmem_shared>>
      tpu.wait_indirect_dma semaphore(%arg15 : memref<!tpu.dma_semaphore, #tpu.memory_space<semaphore_mem>>) src(%arg11 : memref<128x128xf32, #tpu.memory_space<vmem>>) dst(%dma_wait3A_76 : memref<10240x128xf32, #tpu.memory_space<vmem_shared>>)
      %sub3A_77 = arith.constant 2 : i32
      %sub3A_78 = arith.subi %select_n3A, %sub3A_77 : i32
      %add3A_79 = arith.constant 1 : i32
      %add3A_80 = arith.addi %sub3A_78, %add3A_79 : i32
      %dma_wait3A_81 = arith.constant 0 : i32
      %dma_wait3A_82 = tpu.memref_slice %arg10[%add3A_80, %dma_wait3A_81] : memref<52x128xi32, #tpu.memory_space<vmem>> -> memref<1x128xi32, #tpu.memory_space<vmem>>
      %dma_wait3A_83 = tpu.memref_squeeze %dma_wait3A_82 : memref<1x128xi32, #tpu.memory_space<vmem>> -> memref<128xi32, #tpu.memory_space<vmem>>
      %dma_wait3A_84 = arith.constant 0 : i32
      %dma_wait3A_85 = arith.constant 0 : i32
      %dma_wait3A_86 = tpu.memref_slice %arg8[%dma_wait3A_84, %dma_wait3A_85] : memref<10240x128xf32, #tpu.memory_space<vmem_shared>> -> memref<10240x128xf32, #tpu.memory_space<vmem_shared>>
      tpu.wait_indirect_dma semaphore(%arg16 : memref<!tpu.dma_semaphore, #tpu.memory_space<semaphore_mem>>) src(%arg12 : memref<128x128xf32, #tpu.memory_space<vmem>>) dst(%dma_wait3A_86 : memref<10240x128xf32, #tpu.memory_space<vmem_shared>>)
      %barrier3A_87 = arith.constant 0 : index
      tpu.barrier barrier_id(%barrier3A_87)
      "tpu.region"() ({
        %run_scoped3A = tpu.sem_alloc : memref<!tpu.dma_semaphore, #tpu.memory_space<semaphore_mem>>
        %dma_start3A_174 = arith.constant 0 : i32
        %dma_start3A_175 = tpu.memref_slice %arg7[%arg0, %mul3A_2, %dma_start3A_174] : memref<2x10240x128xf32, #tpu.memory_space<hbm>> -> memref<1x640x128xf32, #tpu.memory_space<hbm>>
        %dma_start3A_176 = tpu.memref_squeeze %dma_start3A_175 : memref<1x640x128xf32, #tpu.memory_space<hbm>> -> memref<640x128xf32, #tpu.memory_space<hbm>>
        %dma_start3A_177 = arith.constant 0 : i32
        %dma_start3A_178 = tpu.memref_slice %arg8[%mul3A_2, %dma_start3A_177] : memref<10240x128xf32, #tpu.memory_space<vmem_shared>> -> memref<640x128xf32, #tpu.memory_space<vmem_shared>>
        tpu.enqueue_dma source(%dma_start3A_178 : memref<640x128xf32, #tpu.memory_space<vmem_shared>>) target(%dma_start3A_176 : memref<640x128xf32, #tpu.memory_space<hbm>>) target_semaphore(%run_scoped3A : memref<!tpu.dma_semaphore, #tpu.memory_space<semaphore_mem>>)
        %dma_wait3A_179 = arith.constant 0 : i32
        %dma_wait3A_180 = tpu.memref_slice %arg7[%arg0, %mul3A_2, %dma_wait3A_179] : memref<2x10240x128xf32, #tpu.memory_space<hbm>> -> memref<1x640x128xf32, #tpu.memory_space<hbm>>
        %dma_wait3A_181 = tpu.memref_squeeze %dma_wait3A_180 : memref<1x640x128xf32, #tpu.memory_space<hbm>> -> memref<640x128xf32, #tpu.memory_space<hbm>>
        %dma_wait3A_182 = arith.constant 0 : i32
        %dma_wait3A_183 = tpu.memref_slice %arg8[%mul3A_2, %dma_wait3A_182] : memref<10240x128xf32, #tpu.memory_space<vmem_shared>> -> memref<640x128xf32, #tpu.memory_space<vmem_shared>>
        tpu.wait_dma2 semaphore(%run_scoped3A : memref<!tpu.dma_semaphore, #tpu.memory_space<semaphore_mem>>) src(%dma_wait3A_183 : memref<640x128xf32, #tpu.memory_space<vmem_shared>>) dst(%dma_wait3A_181 : memref<640x128xf32, #tpu.memory_space<hbm>>)
        tpu.yield
      }) : () -> ()
      %scan3A_88 = arith.constant 0 : i32
      %scan3A_89 = arith.constant 0 : i32
      %scan3A_90 = arith.constant 128 : i32
      %scan3A_91 = arith.addi %scan3A_89, %scan3A_90 : i32
      %scan3A_92 = arith.constant 1 : i32
      scf.for %scan3A_174 = %scan3A_89 to %scan3A_91 step %scan3A_92  : i32 {
        %broadcast_in_dim3A = arith.constant 0.000000e+00 : f32
        %broadcast_in_dim3A_175 = vector.broadcast %broadcast_in_dim3A : f32 to vector<16xf32>
        %swap3A = arith.index_cast %scan3A_174 : i32 to index
        %swap3A_176 = arith.constant 0 : index
        %swap3A_177 = tpu.vector_load %arg11[%swap3A, %swap3A_176] {strides = array<i32>} : memref<128x128xf32, #tpu.memory_space<vmem>>, vector<1x16xf32>,
        %swap3A_178 = vector.shape_cast %swap3A_177 : vector<1x16xf32> to vector<16xf32>
        %swap3A_179 = vector.shape_cast %broadcast_in_dim3A_175 : vector<16xf32> to vector<1x16xf32>
        tpu.vector_store %arg11[%swap3A, %swap3A_176], %swap3A_179 {strides = array<i32>} : memref<128x128xf32, #tpu.memory_space<vmem>>, vector<1x16xf32>,
        %broadcast_in_dim3A_180 = arith.constant 0.000000e+00 : f32
        %broadcast_in_dim3A_181 = vector.broadcast %broadcast_in_dim3A_180 : f32 to vector<16xf32>
        %swap3A_182 = arith.index_cast %scan3A_174 : i32 to index
        %swap3A_183 = arith.constant 16 : index
        %swap3A_184 = tpu.vector_load %arg11[%swap3A_182, %swap3A_183] {strides = array<i32>} : memref<128x128xf32, #tpu.memory_space<vmem>>, vector<1x16xf32>,
        %swap3A_185 = vector.shape_cast %swap3A_184 : vector<1x16xf32> to vector<16xf32>
        %swap3A_186 = vector.shape_cast %broadcast_in_dim3A_181 : vector<16xf32> to vector<1x16xf32>
        tpu.vector_store %arg11[%swap3A_182, %swap3A_183], %swap3A_186 {strides = array<i32>} : memref<128x128xf32, #tpu.memory_space<vmem>>, vector<1x16xf32>,
        %broadcast_in_dim3A_187 = arith.constant 0.000000e+00 : f32
        %broadcast_in_dim3A_188 = vector.broadcast %broadcast_in_dim3A_187 : f32 to vector<16xf32>
        %swap3A_189 = arith.index_cast %scan3A_174 : i32 to index
        %swap3A_190 = arith.constant 32 : index
        %swap3A_191 = tpu.vector_load %arg11[%swap3A_189, %swap3A_190] {strides = array<i32>} : memref<128x128xf32, #tpu.memory_space<vmem>>, vector<1x16xf32>,
        %swap3A_192 = vector.shape_cast %swap3A_191 : vector<1x16xf32> to vector<16xf32>
        %swap3A_193 = vector.shape_cast %broadcast_in_dim3A_188 : vector<16xf32> to vector<1x16xf32>
        tpu.vector_store %arg11[%swap3A_189, %swap3A_190], %swap3A_193 {strides = array<i32>} : memref<128x128xf32, #tpu.memory_space<vmem>>, vector<1x16xf32>,
        %broadcast_in_dim3A_194 = arith.constant 0.000000e+00 : f32
        %broadcast_in_dim3A_195 = vector.broadcast %broadcast_in_dim3A_194 : f32 to vector<16xf32>
        %swap3A_196 = arith.index_cast %scan3A_174 : i32 to index
        %swap3A_197 = arith.constant 48 : index
        %swap3A_198 = tpu.vector_load %arg11[%swap3A_196, %swap3A_197] {strides = array<i32>} : memref<128x128xf32, #tpu.memory_space<vmem>>, vector<1x16xf32>,
        %swap3A_199 = vector.shape_cast %swap3A_198 : vector<1x16xf32> to vector<16xf32>
        %swap3A_200 = vector.shape_cast %broadcast_in_dim3A_195 : vector<16xf32> to vector<1x16xf32>
        tpu.vector_store %arg11[%swap3A_196, %swap3A_197], %swap3A_200 {strides = array<i32>} : memref<128x128xf32, #tpu.memory_space<vmem>>, vector<1x16xf32>,
        %broadcast_in_dim3A_201 = arith.constant 0.000000e+00 : f32
        %broadcast_in_dim3A_202 = vector.broadcast %broadcast_in_dim3A_201 : f32 to vector<16xf32>
        %swap3A_203 = arith.index_cast %scan3A_174 : i32 to index
        %swap3A_204 = arith.constant 64 : index
        %swap3A_205 = tpu.vector_load %arg11[%swap3A_203, %swap3A_204] {strides = array<i32>} : memref<128x128xf32, #tpu.memory_space<vmem>>, vector<1x16xf32>,
        %swap3A_206 = vector.shape_cast %swap3A_205 : vector<1x16xf32> to vector<16xf32>
        %swap3A_207 = vector.shape_cast %broadcast_in_dim3A_202 : vector<16xf32> to vector<1x16xf32>
        tpu.vector_store %arg11[%swap3A_203, %swap3A_204], %swap3A_207 {strides = array<i32>} : memref<128x128xf32, #tpu.memory_space<vmem>>, vector<1x16xf32>,
        %broadcast_in_dim3A_208 = arith.constant 0.000000e+00 : f32
        %broadcast_in_dim3A_209 = vector.broadcast %broadcast_in_dim3A_208 : f32 to vector<16xf32>
        %swap3A_210 = arith.index_cast %scan3A_174 : i32 to index
        %swap3A_211 = arith.constant 80 : index
        %swap3A_212 = tpu.vector_load %arg11[%swap3A_210, %swap3A_211] {strides = array<i32>} : memref<128x128xf32, #tpu.memory_space<vmem>>, vector<1x16xf32>,
        %swap3A_213 = vector.shape_cast %swap3A_212 : vector<1x16xf32> to vector<16xf32>
        %swap3A_214 = vector.shape_cast %broadcast_in_dim3A_209 : vector<16xf32> to vector<1x16xf32>
        tpu.vector_store %arg11[%swap3A_210, %swap3A_211], %swap3A_214 {strides = array<i32>} : memref<128x128xf32, #tpu.memory_space<vmem>>, vector<1x16xf32>,
        %broadcast_in_dim3A_215 = arith.constant 0.000000e+00 : f32
        %broadcast_in_dim3A_216 = vector.broadcast %broadcast_in_dim3A_215 : f32 to vector<16xf32>
        %swap3A_217 = arith.index_cast %scan3A_174 : i32 to index
        %swap3A_218 = arith.constant 96 : index
        %swap3A_219 = tpu.vector_load %arg11[%swap3A_217, %swap3A_218] {strides = array<i32>} : memref<128x128xf32, #tpu.memory_space<vmem>>, vector<1x16xf32>,
        %swap3A_220 = vector.shape_cast %swap3A_219 : vector<1x16xf32> to vector<16xf32>
        %swap3A_221 = vector.shape_cast %broadcast_in_dim3A_216 : vector<16xf32> to vector<1x16xf32>
        tpu.vector_store %arg11[%swap3A_217, %swap3A_218], %swap3A_221 {strides = array<i32>} : memref<128x128xf32, #tpu.memory_space<vmem>>, vector<1x16xf32>,
        %broadcast_in_dim3A_222 = arith.constant 0.000000e+00 : f32
        %broadcast_in_dim3A_223 = vector.broadcast %broadcast_in_dim3A_222 : f32 to vector<16xf32>
        %swap3A_224 = arith.index_cast %scan3A_174 : i32 to index
        %swap3A_225 = arith.constant 112 : index
        %swap3A_226 = tpu.vector_load %arg11[%swap3A_224, %swap3A_225] {strides = array<i32>} : memref<128x128xf32, #tpu.memory_space<vmem>>, vector<1x16xf32>,
        %swap3A_227 = vector.shape_cast %swap3A_226 : vector<1x16xf32> to vector<16xf32>
        %swap3A_228 = vector.shape_cast %broadcast_in_dim3A_223 : vector<16xf32> to vector<1x16xf32>
        tpu.vector_store %arg11[%swap3A_224, %swap3A_225], %swap3A_228 {strides = array<i32>} : memref<128x128xf32, #tpu.memory_space<vmem>>, vector<1x16xf32>,
      }
      %scan3A_93 = arith.constant 128 : i32
      %add3A_94 = arith.constant 0 : i32
      %add3A_95 = arith.addi %mul3A_2, %add3A_94 : i32
      "tpu.region"() ({
        %run_scoped3A = tpu.sem_alloc : memref<!tpu.dma_semaphore, #tpu.memory_space<semaphore_mem>>
        %dma_start3A_174 = arith.constant 0 : i32
        %dma_start3A_175 = tpu.memref_slice %arg8[%add3A_95, %dma_start3A_174] : memref<10240x128xf32, #tpu.memory_space<vmem_shared>> -> memref<128x128xf32, #tpu.memory_space<vmem_shared>>
        %dma_start3A_176 = arith.constant 0 : i32
        %dma_start3A_177 = tpu.memref_slice %arg8[%add3A_95, %dma_start3A_176] : memref<10240x128xf32, #tpu.memory_space<vmem_shared>> -> memref<128x128xf32, #tpu.memory_space<vmem_shared>>
        tpu.enqueue_dma source(%arg11 : memref<128x128xf32, #tpu.memory_space<vmem>>) target(%dma_start3A_177 : memref<128x128xf32, #tpu.memory_space<vmem_shared>>) target_semaphore(%run_scoped3A : memref<!tpu.dma_semaphore, #tpu.memory_space<semaphore_mem>>)
        %dma_wait3A_178 = arith.constant 0 : i32
        %dma_wait3A_179 = tpu.memref_slice %arg8[%add3A_95, %dma_wait3A_178] : memref<10240x128xf32, #tpu.memory_space<vmem_shared>> -> memref<128x128xf32, #tpu.memory_space<vmem_shared>>
        %dma_wait3A_180 = arith.constant 0 : i32
        %dma_wait3A_181 = tpu.memref_slice %arg8[%add3A_95, %dma_wait3A_180] : memref<10240x128xf32, #tpu.memory_space<vmem_shared>> -> memref<128x128xf32, #tpu.memory_space<vmem_shared>>
        tpu.wait_dma2 semaphore(%run_scoped3A : memref<!tpu.dma_semaphore, #tpu.memory_space<semaphore_mem>>) src(%arg11 : memref<128x128xf32, #tpu.memory_space<vmem>>) dst(%dma_wait3A_181 : memref<128x128xf32, #tpu.memory_space<vmem_shared>>)
        tpu.yield
      }) : () -> ()
      %add3A_96 = arith.constant 128 : i32
      %add3A_97 = arith.addi %mul3A_2, %add3A_96 : i32
      "tpu.region"() ({
        %run_scoped3A = tpu.sem_alloc : memref<!tpu.dma_semaphore, #tpu.memory_space<semaphore_mem>>
        %dma_start3A_174 = arith.constant 0 : i32
        %dma_start3A_175 = tpu.memref_slice %arg8[%add3A_97, %dma_start3A_174] : memref<10240x128xf32, #tpu.memory_space<vmem_shared>> -> memref<128x128xf32, #tpu.memory_space<vmem_shared>>
        %dma_start3A_176 = arith.constant 0 : i32
        %dma_start3A_177 = tpu.memref_slice %arg8[%add3A_97, %dma_start3A_176] : memref<10240x128xf32, #tpu.memory_space<vmem_shared>> -> memref<128x128xf32, #tpu.memory_space<vmem_shared>>
        tpu.enqueue_dma source(%arg11 : memref<128x128xf32, #tpu.memory_space<vmem>>) target(%dma_start3A_177 : memref<128x128xf32, #tpu.memory_space<vmem_shared>>) target_semaphore(%run_scoped3A : memref<!tpu.dma_semaphore, #tpu.memory_space<semaphore_mem>>)
        %dma_wait3A_178 = arith.constant 0 : i32
        %dma_wait3A_179 = tpu.memref_slice %arg8[%add3A_97, %dma_wait3A_178] : memref<10240x128xf32, #tpu.memory_space<vmem_shared>> -> memref<128x128xf32, #tpu.memory_space<vmem_shared>>
        %dma_wait3A_180 = arith.constant 0 : i32
        %dma_wait3A_181 = tpu.memref_slice %arg8[%add3A_97, %dma_wait3A_180] : memref<10240x128xf32, #tpu.memory_space<vmem_shared>> -> memref<128x128xf32, #tpu.memory_space<vmem_shared>>
        tpu.wait_dma2 semaphore(%run_scoped3A : memref<!tpu.dma_semaphore, #tpu.memory_space<semaphore_mem>>) src(%arg11 : memref<128x128xf32, #tpu.memory_space<vmem>>) dst(%dma_wait3A_181 : memref<128x128xf32, #tpu.memory_space<vmem_shared>>)
        tpu.yield
      }) : () -> ()
      %add3A_98 = arith.constant 256 : i32
      %add3A_99 = arith.addi %mul3A_2, %add3A_98 : i32
      "tpu.region"() ({
        %run_scoped3A = tpu.sem_alloc : memref<!tpu.dma_semaphore, #tpu.memory_space<semaphore_mem>>
        %dma_start3A_174 = arith.constant 0 : i32
        %dma_start3A_175 = tpu.memref_slice %arg8[%add3A_99, %dma_start3A_174] : memref<10240x128xf32, #tpu.memory_space<vmem_shared>> -> memref<128x128xf32, #tpu.memory_space<vmem_shared>>
        %dma_start3A_176 = arith.constant 0 : i32
        %dma_start3A_177 = tpu.memref_slice %arg8[%add3A_99, %dma_start3A_176] : memref<10240x128xf32, #tpu.memory_space<vmem_shared>> -> memref<128x128xf32, #tpu.memory_space<vmem_shared>>
        tpu.enqueue_dma source(%arg11 : memref<128x128xf32, #tpu.memory_space<vmem>>) target(%dma_start3A_177 : memref<128x128xf32, #tpu.memory_space<vmem_shared>>) target_semaphore(%run_scoped3A : memref<!tpu.dma_semaphore, #tpu.memory_space<semaphore_mem>>)
        %dma_wait3A_178 = arith.constant 0 : i32
        %dma_wait3A_179 = tpu.memref_slice %arg8[%add3A_99, %dma_wait3A_178] : memref<10240x128xf32, #tpu.memory_space<vmem_shared>> -> memref<128x128xf32, #tpu.memory_space<vmem_shared>>
        %dma_wait3A_180 = arith.constant 0 : i32
        %dma_wait3A_181 = tpu.memref_slice %arg8[%add3A_99, %dma_wait3A_180] : memref<10240x128xf32, #tpu.memory_space<vmem_shared>> -> memref<128x128xf32, #tpu.memory_space<vmem_shared>>
        tpu.wait_dma2 semaphore(%run_scoped3A : memref<!tpu.dma_semaphore, #tpu.memory_space<semaphore_mem>>) src(%arg11 : memref<128x128xf32, #tpu.memory_space<vmem>>) dst(%dma_wait3A_181 : memref<128x128xf32, #tpu.memory_space<vmem_shared>>)
        tpu.yield
      }) : () -> ()
      %add3A_100 = arith.constant 384 : i32
      %add3A_101 = arith.addi %mul3A_2, %add3A_100 : i32
      "tpu.region"() ({
        %run_scoped3A = tpu.sem_alloc : memref<!tpu.dma_semaphore, #tpu.memory_space<semaphore_mem>>
        %dma_start3A_174 = arith.constant 0 : i32
        %dma_start3A_175 = tpu.memref_slice %arg8[%add3A_101, %dma_start3A_174] : memref<10240x128xf32, #tpu.memory_space<vmem_shared>> -> memref<128x128xf32, #tpu.memory_space<vmem_shared>>
        %dma_start3A_176 = arith.constant 0 : i32
        %dma_start3A_177 = tpu.memref_slice %arg8[%add3A_101, %dma_start3A_176] : memref<10240x128xf32, #tpu.memory_space<vmem_shared>> -> memref<128x128xf32, #tpu.memory_space<vmem_shared>>
        tpu.enqueue_dma source(%arg11 : memref<128x128xf32, #tpu.memory_space<vmem>>) target(%dma_start3A_177 : memref<128x128xf32, #tpu.memory_space<vmem_shared>>) target_semaphore(%run_scoped3A : memref<!tpu.dma_semaphore, #tpu.memory_space<semaphore_mem>>)
        %dma_wait3A_178 = arith.constant 0 : i32
        %dma_wait3A_179 = tpu.memref_slice %arg8[%add3A_101, %dma_wait3A_178] : memref<10240x128xf32, #tpu.memory_space<vmem_shared>> -> memref<128x128xf32, #tpu.memory_space<vmem_shared>>
        %dma_wait3A_180 = arith.constant 0 : i32
        %dma_wait3A_181 = tpu.memref_slice %arg8[%add3A_101, %dma_wait3A_180] : memref<10240x128xf32, #tpu.memory_space<vmem_shared>> -> memref<128x128xf32, #tpu.memory_space<vmem_shared>>
        tpu.wait_dma2 semaphore(%run_scoped3A : memref<!tpu.dma_semaphore, #tpu.memory_space<semaphore_mem>>) src(%arg11 : memref<128x128xf32, #tpu.memory_space<vmem>>) dst(%dma_wait3A_181 : memref<128x128xf32, #tpu.memory_space<vmem_shared>>)
        tpu.yield
      }) : () -> ()
      %add3A_102 = arith.constant 512 : i32
      %add3A_103 = arith.addi %mul3A_2, %add3A_102 : i32
      "tpu.region"() ({
        %run_scoped3A = tpu.sem_alloc : memref<!tpu.dma_semaphore, #tpu.memory_space<semaphore_mem>>
        %dma_start3A_174 = arith.constant 0 : i32
        %dma_start3A_175 = tpu.memref_slice %arg8[%add3A_103, %dma_start3A_174] : memref<10240x128xf32, #tpu.memory_space<vmem_shared>> -> memref<128x128xf32, #tpu.memory_space<vmem_shared>>
        %dma_start3A_176 = arith.constant 0 : i32
        %dma_start3A_177 = tpu.memref_slice %arg8[%add3A_103, %dma_start3A_176] : memref<10240x128xf32, #tpu.memory_space<vmem_shared>> -> memref<128x128xf32, #tpu.memory_space<vmem_shared>>
        tpu.enqueue_dma source(%arg11 : memref<128x128xf32, #tpu.memory_space<vmem>>) target(%dma_start3A_177 : memref<128x128xf32, #tpu.memory_space<vmem_shared>>) target_semaphore(%run_scoped3A : memref<!tpu.dma_semaphore, #tpu.memory_space<semaphore_mem>>)
        %dma_wait3A_178 = arith.constant 0 : i32
        %dma_wait3A_179 = tpu.memref_slice %arg8[%add3A_103, %dma_wait3A_178] : memref<10240x128xf32, #tpu.memory_space<vmem_shared>> -> memref<128x128xf32, #tpu.memory_space<vmem_shared>>
        %dma_wait3A_180 = arith.constant 0 : i32
        %dma_wait3A_181 = tpu.memref_slice %arg8[%add3A_103, %dma_wait3A_180] : memref<10240x128xf32, #tpu.memory_space<vmem_shared>> -> memref<128x128xf32, #tpu.memory_space<vmem_shared>>
        tpu.wait_dma2 semaphore(%run_scoped3A : memref<!tpu.dma_semaphore, #tpu.memory_space<semaphore_mem>>) src(%arg11 : memref<128x128xf32, #tpu.memory_space<vmem>>) dst(%dma_wait3A_181 : memref<128x128xf32, #tpu.memory_space<vmem_shared>>)
        tpu.yield
      }) : () -> ()
      %barrier3A_104 = arith.constant 0 : index
      tpu.barrier barrier_id(%barrier3A_104)
      %jit3A_105 = arith.constant 2 : i32
      %div3A_106 = arith.divsi %select_n3A, %jit3A_105 : i32
      %sign3A_107 = arith.constant 0 : i32
      %sign3A_108 = arith.cmpi sgt, %select_n3A, %sign3A_107 : i32
      %sign3A_109 = arith.extui %sign3A_108 : i1 to i32
      %sign3A_110 = arith.constant 0 : i32
      %sign3A_111 = arith.cmpi slt, %select_n3A, %sign3A_110 : i32
      %sign3A_112 = arith.extui %sign3A_111 : i1 to i32
      %sign3A_113 = arith.subi %sign3A_109, %sign3A_112 : i32
      %sign3A_114 = arith.constant 0 : i32
      %sign3A_115 = arith.cmpi sgt, %jit3A_105, %sign3A_114 : i32
      %sign3A_116 = arith.extui %sign3A_115 : i1 to i32
      %sign3A_117 = arith.constant 0 : i32
      %sign3A_118 = arith.cmpi slt, %jit3A_105, %sign3A_117 : i32
      %sign3A_119 = arith.extui %sign3A_118 : i1 to i32
      %sign3A_120 = arith.subi %sign3A_116, %sign3A_119 : i32
      %ne3A_121 = arith.cmpi ne, %sign3A_113, %sign3A_120 : i32
      %rem3A_122 = arith.remsi %select_n3A, %jit3A_105 : i32
      %ne3A_123 = arith.constant 0 : i32
      %ne3A_124 = arith.cmpi ne, %rem3A_122, %ne3A_123 : i32
      %and3A_125 = arith.andi %ne3A_121, %ne3A_124 : i1
      %sub3A_126 = arith.constant 1 : i32
      %sub3A_127 = arith.subi %div3A_106, %sub3A_126 : i32
      %select_n3A_128 = arith.select %and3A_125, %sub3A_127, %div3A_106 : i32
      %while3A_129 = arith.constant 0 : i32
      %while3A_130 = arith.constant 0 : i32
      %while3A_131 = arith.subi %select_n3A_128, %while3A_130 : i32
      %while3A_132 = arith.addi %while3A_130, %while3A_131 : i32
      %while3A_133 = arith.constant 1 : i32
      %while3A_134 = arith.divsi %while3A_131, %while3A_133 : i32
      %while3A_135 = arith.muli %while3A_134, %while3A_133 : i32
      %while3A_136 = arith.addi %while3A_130, %while3A_135 : i32
      %while3A_137 = arith.constant 1 : i32
      scf.for %while3A_174 = %while3A_130 to %while3A_136 step %while3A_137  : i32 {
        %mul3A_175 = arith.constant 2 : i32
        %mul3A_176 = arith.muli %mul3A_175, %while3A_174 : i32
        %add3A_177 = arith.constant 0 : i32
        %add3A_178 = arith.addi %mul3A_176, %add3A_177 : i32
        %ge3A = arith.constant 1 : i32
        %ge3A_179 = arith.cmpi sge, %while3A_174, %ge3A : i32
        %convert_element_type3A_180 = arith.extui %ge3A_179 : i1 to i32
        %cond3A_181 = arith.constant 0 : i32
        %cond3A_182 = arith.cmpi ne, %convert_element_type3A_180, %cond3A_181 : i32
        scf.if %cond3A_182 {
          %sub3A_220 = arith.constant 2 : i32
          %sub3A_221 = arith.subi %add3A_178, %sub3A_220 : i32
          %dma_wait3A_222 = arith.constant 0 : i32
          %dma_wait3A_223 = tpu.memref_slice %arg10[%sub3A_221, %dma_wait3A_222] : memref<52x128xi32, #tpu.memory_space<vmem>> -> memref<1x128xi32, #tpu.memory_space<vmem>>
          %dma_wait3A_224 = tpu.memref_squeeze %dma_wait3A_223 : memref<1x128xi32, #tpu.memory_space<vmem>> -> memref<128xi32, #tpu.memory_space<vmem>>
          %dma_wait3A_225 = arith.constant 0 : i32
          %dma_wait3A_226 = arith.constant 0 : i32
          %dma_wait3A_227 = tpu.memref_slice %arg8[%dma_wait3A_225, %dma_wait3A_226] : memref<10240x128xf32, #tpu.memory_space<vmem_shared>> -> memref<10240x128xf32, #tpu.memory_space<vmem_shared>>
          tpu.wait_indirect_dma semaphore(%arg15 : memref<!tpu.dma_semaphore, #tpu.memory_space<semaphore_mem>>) src(%arg11 : memref<128x128xf32, #tpu.memory_space<vmem>>) dst(%dma_wait3A_227 : memref<10240x128xf32, #tpu.memory_space<vmem_shared>>)
          %sub3A_228 = arith.constant 1 : i32
          %sub3A_229 = arith.subi %add3A_178, %sub3A_228 : i32
          %dma_wait3A_230 = arith.constant 0 : i32
          %dma_wait3A_231 = tpu.memref_slice %arg9[%sub3A_229, %dma_wait3A_230] : memref<52x128xi32, #tpu.memory_space<vmem>> -> memref<1x128xi32, #tpu.memory_space<vmem>>
          %dma_wait3A_232 = tpu.memref_squeeze %dma_wait3A_231 : memref<1x128xi32, #tpu.memory_space<vmem>> -> memref<128xi32, #tpu.memory_space<vmem>>
          %dma_wait3A_233 = arith.constant 0 : i32
          %dma_wait3A_234 = arith.constant 0 : i32
          %dma_wait3A_235 = tpu.memref_slice %arg2[%dma_wait3A_233, %dma_wait3A_234] : memref<10000x128xf32, #tpu.memory_space<hbm>> -> memref<10000x128xf32, #tpu.memory_space<hbm>>
          tpu.wait_indirect_dma semaphore(%arg14 : memref<!tpu.dma_semaphore, #tpu.memory_space<semaphore_mem>>) src(%dma_wait3A_235 : memref<10000x128xf32, #tpu.memory_space<hbm>>) dst(%arg12 : memref<128x128xf32, #tpu.memory_space<vmem>>)
          %sub3A_236 = arith.constant 1 : i32
          %sub3A_237 = arith.subi %add3A_178, %sub3A_236 : i32
          %dma_start3A_238 = arith.constant 0 : i32
          %dma_start3A_239 = tpu.memref_slice %arg10[%sub3A_237, %dma_start3A_238] : memref<52x128xi32, #tpu.memory_space<vmem>> -> memref<1x128xi32, #tpu.memory_space<vmem>>
          %dma_start3A_240 = tpu.memref_squeeze %dma_start3A_239 : memref<1x128xi32, #tpu.memory_space<vmem>> -> memref<128xi32, #tpu.memory_space<vmem>>
          %dma_start3A_241 = arith.constant 0 : i32
          %dma_start3A_242 = arith.constant 0 : i32
          %dma_start3A_243 = tpu.memref_slice %arg8[%dma_start3A_241, %dma_start3A_242] : memref<10240x128xf32, #tpu.memory_space<vmem_shared>> -> memref<10240x128xf32, #tpu.memory_space<vmem_shared>>
          tpu.enqueue_indirect_dma source(%arg12 : memref<128x128xf32, #tpu.memory_space<vmem>>) target(%dma_start3A_243 : memref<10240x128xf32, #tpu.memory_space<vmem_shared>>) offsets(%dma_start3A_240 : memref<128xi32, #tpu.memory_space<vmem>>) semaphore(%arg16 : memref<!tpu.dma_semaphore, #tpu.memory_space<semaphore_mem>>) {add = true}
        } else {
        }
        %dma_start3A_183 = arith.constant 0 : i32
        %dma_start3A_184 = tpu.memref_slice %arg9[%add3A_178, %dma_start3A_183] : memref<52x128xi32, #tpu.memory_space<vmem>> -> memref<1x128xi32, #tpu.memory_space<vmem>>
        %dma_start3A_185 = tpu.memref_squeeze %dma_start3A_184 : memref<1x128xi32, #tpu.memory_space<vmem>> -> memref<128xi32, #tpu.memory_space<vmem>>
        %dma_start3A_186 = arith.constant 0 : i32
        %dma_start3A_187 = arith.constant 0 : i32
        %dma_start3A_188 = tpu.memref_slice %arg2[%dma_start3A_186, %dma_start3A_187] : memref<10000x128xf32, #tpu.memory_space<hbm>> -> memref<10000x128xf32, #tpu.memory_space<hbm>>
        tpu.enqueue_indirect_dma source(%dma_start3A_188 : memref<10000x128xf32, #tpu.memory_space<hbm>>) target(%arg11 : memref<128x128xf32, #tpu.memory_space<vmem>>) offsets(%dma_start3A_185 : memref<128xi32, #tpu.memory_space<vmem>>) semaphore(%arg13 : memref<!tpu.dma_semaphore, #tpu.memory_space<semaphore_mem>>)
        %mul3A_189 = arith.constant 2 : i32
        %mul3A_190 = arith.muli %mul3A_189, %while3A_174 : i32
        %add3A_191 = arith.constant 1 : i32
        %add3A_192 = arith.addi %mul3A_190, %add3A_191 : i32
        %ge3A_193 = arith.constant 1 : i32
        %ge3A_194 = arith.cmpi sge, %while3A_174, %ge3A_193 : i32
        %convert_element_type3A_195 = arith.extui %ge3A_194 : i1 to i32
        %cond3A_196 = arith.constant 0 : i32
        %cond3A_197 = arith.cmpi ne, %convert_element_type3A_195, %cond3A_196 : i32
        scf.if %cond3A_197 {
          %sub3A_220 = arith.constant 2 : i32
          %sub3A_221 = arith.subi %add3A_192, %sub3A_220 : i32
          %dma_wait3A_222 = arith.constant 0 : i32
          %dma_wait3A_223 = tpu.memref_slice %arg10[%sub3A_221, %dma_wait3A_222] : memref<52x128xi32, #tpu.memory_space<vmem>> -> memref<1x128xi32, #tpu.memory_space<vmem>>
          %dma_wait3A_224 = tpu.memref_squeeze %dma_wait3A_223 : memref<1x128xi32, #tpu.memory_space<vmem>> -> memref<128xi32, #tpu.memory_space<vmem>>
          %dma_wait3A_225 = arith.constant 0 : i32
          %dma_wait3A_226 = arith.constant 0 : i32
          %dma_wait3A_227 = tpu.memref_slice %arg8[%dma_wait3A_225, %dma_wait3A_226] : memref<10240x128xf32, #tpu.memory_space<vmem_shared>> -> memref<10240x128xf32, #tpu.memory_space<vmem_shared>>
          tpu.wait_indirect_dma semaphore(%arg16 : memref<!tpu.dma_semaphore, #tpu.memory_space<semaphore_mem>>) src(%arg12 : memref<128x128xf32, #tpu.memory_space<vmem>>) dst(%dma_wait3A_227 : memref<10240x128xf32, #tpu.memory_space<vmem_shared>>)
        } else {
        }
        %dma_start3A_198 = arith.constant 0 : i32
        %dma_start3A_199 = tpu.memref_slice %arg9[%add3A_192, %dma_start3A_198] : memref<52x128xi32, #tpu.memory_space<vmem>> -> memref<1x128xi32, #tpu.memory_space<vmem>>
        %dma_start3A_200 = tpu.memref_squeeze %dma_start3A_199 : memref<1x128xi32, #tpu.memory_space<vmem>> -> memref<128xi32, #tpu.memory_space<vmem>>
        %dma_start3A_201 = arith.constant 0 : i32
        %dma_start3A_202 = arith.constant 0 : i32
        %dma_start3A_203 = tpu.memref_slice %arg2[%dma_start3A_201, %dma_start3A_202] : memref<10000x128xf32, #tpu.memory_space<hbm>> -> memref<10000x128xf32, #tpu.memory_space<hbm>>
        tpu.enqueue_indirect_dma source(%dma_start3A_203 : memref<10000x128xf32, #tpu.memory_space<hbm>>) target(%arg12 : memref<128x128xf32, #tpu.memory_space<vmem>>) offsets(%dma_start3A_200 : memref<128xi32, #tpu.memory_space<vmem>>) semaphore(%arg14 : memref<!tpu.dma_semaphore, #tpu.memory_space<semaphore_mem>>)
        %sub3A_204 = arith.constant 1 : i32
        %sub3A_205 = arith.subi %add3A_192, %sub3A_204 : i32
        %dma_wait3A_206 = arith.constant 0 : i32
        %dma_wait3A_207 = tpu.memref_slice %arg9[%sub3A_205, %dma_wait3A_206] : memref<52x128xi32, #tpu.memory_space<vmem>> -> memref<1x128xi32, #tpu.memory_space<vmem>>
        %dma_wait3A_208 = tpu.memref_squeeze %dma_wait3A_207 : memref<1x128xi32, #tpu.memory_space<vmem>> -> memref<128xi32, #tpu.memory_space<vmem>>
        %dma_wait3A_209 = arith.constant 0 : i32
        %dma_wait3A_210 = arith.constant 0 : i32
        %dma_wait3A_211 = tpu.memref_slice %arg2[%dma_wait3A_209, %dma_wait3A_210] : memref<10000x128xf32, #tpu.memory_space<hbm>> -> memref<10000x128xf32, #tpu.memory_space<hbm>>
        tpu.wait_indirect_dma semaphore(%arg13 : memref<!tpu.dma_semaphore, #tpu.memory_space<semaphore_mem>>) src(%dma_wait3A_211 : memref<10000x128xf32, #tpu.memory_space<hbm>>) dst(%arg11 : memref<128x128xf32, #tpu.memory_space<vmem>>)
        %sub3A_212 = arith.constant 1 : i32
        %sub3A_213 = arith.subi %add3A_192, %sub3A_212 : i32
        %dma_start3A_214 = arith.constant 0 : i32
        %dma_start3A_215 = tpu.memref_slice %arg10[%sub3A_213, %dma_start3A_214] : memref<52x128xi32, #tpu.memory_space<vmem>> -> memref<1x128xi32, #tpu.memory_space<vmem>>
        %dma_start3A_216 = tpu.memref_squeeze %dma_start3A_215 : memref<1x128xi32, #tpu.memory_space<vmem>> -> memref<128xi32, #tpu.memory_space<vmem>>
        %dma_start3A_217 = arith.constant 0 : i32
        %dma_start3A_218 = arith.constant 0 : i32
        %dma_start3A_219 = tpu.memref_slice %arg8[%dma_start3A_217, %dma_start3A_218] : memref<10240x128xf32, #tpu.memory_space<vmem_shared>> -> memref<10240x128xf32, #tpu.memory_space<vmem_shared>>
        tpu.enqueue_indirect_dma source(%arg11 : memref<128x128xf32, #tpu.memory_space<vmem>>) target(%dma_start3A_219 : memref<10240x128xf32, #tpu.memory_space<vmem_shared>>) offsets(%dma_start3A_216 : memref<128xi32, #tpu.memory_space<vmem>>) semaphore(%arg15 : memref<!tpu.dma_semaphore, #tpu.memory_space<semaphore_mem>>) {add = true}
      }
      %while3A_138 = arith.constant 1 : i32
      scf.for %while3A_174 = %while3A_136 to %while3A_132 step %while3A_138  : i32 {
        %mul3A_175 = arith.constant 2 : i32
        %mul3A_176 = arith.muli %mul3A_175, %while3A_174 : i32
        %add3A_177 = arith.constant 0 : i32
        %add3A_178 = arith.addi %mul3A_176, %add3A_177 : i32
        %ge3A = arith.constant 1 : i32
        %ge3A_179 = arith.cmpi sge, %while3A_174, %ge3A : i32
        %convert_element_type3A_180 = arith.extui %ge3A_179 : i1 to i32
        %cond3A_181 = arith.constant 0 : i32
        %cond3A_182 = arith.cmpi ne, %convert_element_type3A_180, %cond3A_181 : i32
        scf.if %cond3A_182 {
          %sub3A_220 = arith.constant 2 : i32
          %sub3A_221 = arith.subi %add3A_178, %sub3A_220 : i32
          %dma_wait3A_222 = arith.constant 0 : i32
          %dma_wait3A_223 = tpu.memref_slice %arg10[%sub3A_221, %dma_wait3A_222] : memref<52x128xi32, #tpu.memory_space<vmem>> -> memref<1x128xi32, #tpu.memory_space<vmem>>
          %dma_wait3A_224 = tpu.memref_squeeze %dma_wait3A_223 : memref<1x128xi32, #tpu.memory_space<vmem>> -> memref<128xi32, #tpu.memory_space<vmem>>
          %dma_wait3A_225 = arith.constant 0 : i32
          %dma_wait3A_226 = arith.constant 0 : i32
          %dma_wait3A_227 = tpu.memref_slice %arg8[%dma_wait3A_225, %dma_wait3A_226] : memref<10240x128xf32, #tpu.memory_space<vmem_shared>> -> memref<10240x128xf32, #tpu.memory_space<vmem_shared>>
          tpu.wait_indirect_dma semaphore(%arg15 : memref<!tpu.dma_semaphore, #tpu.memory_space<semaphore_mem>>) src(%arg11 : memref<128x128xf32, #tpu.memory_space<vmem>>) dst(%dma_wait3A_227 : memref<10240x128xf32, #tpu.memory_space<vmem_shared>>)
          %sub3A_228 = arith.constant 1 : i32
          %sub3A_229 = arith.subi %add3A_178, %sub3A_228 : i32
          %dma_wait3A_230 = arith.constant 0 : i32
          %dma_wait3A_231 = tpu.memref_slice %arg9[%sub3A_229, %dma_wait3A_230] : memref<52x128xi32, #tpu.memory_space<vmem>> -> memref<1x128xi32, #tpu.memory_space<vmem>>
          %dma_wait3A_232 = tpu.memref_squeeze %dma_wait3A_231 : memref<1x128xi32, #tpu.memory_space<vmem>> -> memref<128xi32, #tpu.memory_space<vmem>>
          %dma_wait3A_233 = arith.constant 0 : i32
          %dma_wait3A_234 = arith.constant 0 : i32
          %dma_wait3A_235 = tpu.memref_slice %arg2[%dma_wait3A_233, %dma_wait3A_234] : memref<10000x128xf32, #tpu.memory_space<hbm>> -> memref<10000x128xf32, #tpu.memory_space<hbm>>
          tpu.wait_indirect_dma semaphore(%arg14 : memref<!tpu.dma_semaphore, #tpu.memory_space<semaphore_mem>>) src(%dma_wait3A_235 : memref<10000x128xf32, #tpu.memory_space<hbm>>) dst(%arg12 : memref<128x128xf32, #tpu.memory_space<vmem>>)
          %sub3A_236 = arith.constant 1 : i32
          %sub3A_237 = arith.subi %add3A_178, %sub3A_236 : i32
          %dma_start3A_238 = arith.constant 0 : i32
          %dma_start3A_239 = tpu.memref_slice %arg10[%sub3A_237, %dma_start3A_238] : memref<52x128xi32, #tpu.memory_space<vmem>> -> memref<1x128xi32, #tpu.memory_space<vmem>>
          %dma_start3A_240 = tpu.memref_squeeze %dma_start3A_239 : memref<1x128xi32, #tpu.memory_space<vmem>> -> memref<128xi32, #tpu.memory_space<vmem>>
          %dma_start3A_241 = arith.constant 0 : i32
          %dma_start3A_242 = arith.constant 0 : i32
          %dma_start3A_243 = tpu.memref_slice %arg8[%dma_start3A_241, %dma_start3A_242] : memref<10240x128xf32, #tpu.memory_space<vmem_shared>> -> memref<10240x128xf32, #tpu.memory_space<vmem_shared>>
          tpu.enqueue_indirect_dma source(%arg12 : memref<128x128xf32, #tpu.memory_space<vmem>>) target(%dma_start3A_243 : memref<10240x128xf32, #tpu.memory_space<vmem_shared>>) offsets(%dma_start3A_240 : memref<128xi32, #tpu.memory_space<vmem>>) semaphore(%arg16 : memref<!tpu.dma_semaphore, #tpu.memory_space<semaphore_mem>>) {add = true}
        } else {
        }
        %dma_start3A_183 = arith.constant 0 : i32
        %dma_start3A_184 = tpu.memref_slice %arg9[%add3A_178, %dma_start3A_183] : memref<52x128xi32, #tpu.memory_space<vmem>> -> memref<1x128xi32, #tpu.memory_space<vmem>>
        %dma_start3A_185 = tpu.memref_squeeze %dma_start3A_184 : memref<1x128xi32, #tpu.memory_space<vmem>> -> memref<128xi32, #tpu.memory_space<vmem>>
        %dma_start3A_186 = arith.constant 0 : i32
        %dma_start3A_187 = arith.constant 0 : i32
        %dma_start3A_188 = tpu.memref_slice %arg2[%dma_start3A_186, %dma_start3A_187] : memref<10000x128xf32, #tpu.memory_space<hbm>> -> memref<10000x128xf32, #tpu.memory_space<hbm>>
        tpu.enqueue_indirect_dma source(%dma_start3A_188 : memref<10000x128xf32, #tpu.memory_space<hbm>>) target(%arg11 : memref<128x128xf32, #tpu.memory_space<vmem>>) offsets(%dma_start3A_185 : memref<128xi32, #tpu.memory_space<vmem>>) semaphore(%arg13 : memref<!tpu.dma_semaphore, #tpu.memory_space<semaphore_mem>>)
        %mul3A_189 = arith.constant 2 : i32
        %mul3A_190 = arith.muli %mul3A_189, %while3A_174 : i32
        %add3A_191 = arith.constant 1 : i32
        %add3A_192 = arith.addi %mul3A_190, %add3A_191 : i32
        %ge3A_193 = arith.constant 1 : i32
        %ge3A_194 = arith.cmpi sge, %while3A_174, %ge3A_193 : i32
        %convert_element_type3A_195 = arith.extui %ge3A_194 : i1 to i32
        %cond3A_196 = arith.constant 0 : i32
        %cond3A_197 = arith.cmpi ne, %convert_element_type3A_195, %cond3A_196 : i32
        scf.if %cond3A_197 {
          %sub3A_220 = arith.constant 2 : i32
          %sub3A_221 = arith.subi %add3A_192, %sub3A_220 : i32
          %dma_wait3A_222 = arith.constant 0 : i32
          %dma_wait3A_223 = tpu.memref_slice %arg10[%sub3A_221, %dma_wait3A_222] : memref<52x128xi32, #tpu.memory_space<vmem>> -> memref<1x128xi32, #tpu.memory_space<vmem>>
          %dma_wait3A_224 = tpu.memref_squeeze %dma_wait3A_223 : memref<1x128xi32, #tpu.memory_space<vmem>> -> memref<128xi32, #tpu.memory_space<vmem>>
          %dma_wait3A_225 = arith.constant 0 : i32
          %dma_wait3A_226 = arith.constant 0 : i32
          %dma_wait3A_227 = tpu.memref_slice %arg8[%dma_wait3A_225, %dma_wait3A_226] : memref<10240x128xf32, #tpu.memory_space<vmem_shared>> -> memref<10240x128xf32, #tpu.memory_space<vmem_shared>>
          tpu.wait_indirect_dma semaphore(%arg16 : memref<!tpu.dma_semaphore, #tpu.memory_space<semaphore_mem>>) src(%arg12 : memref<128x128xf32, #tpu.memory_space<vmem>>) dst(%dma_wait3A_227 : memref<10240x128xf32, #tpu.memory_space<vmem_shared>>)
        } else {
        }
        %dma_start3A_198 = arith.constant 0 : i32
        %dma_start3A_199 = tpu.memref_slice %arg9[%add3A_192, %dma_start3A_198] : memref<52x128xi32, #tpu.memory_space<vmem>> -> memref<1x128xi32, #tpu.memory_space<vmem>>
        %dma_start3A_200 = tpu.memref_squeeze %dma_start3A_199 : memref<1x128xi32, #tpu.memory_space<vmem>> -> memref<128xi32, #tpu.memory_space<vmem>>
        %dma_start3A_201 = arith.constant 0 : i32
        %dma_start3A_202 = arith.constant 0 : i32
        %dma_start3A_203 = tpu.memref_slice %arg2[%dma_start3A_201, %dma_start3A_202] : memref<10000x128xf32, #tpu.memory_space<hbm>> -> memref<10000x128xf32, #tpu.memory_space<hbm>>
        tpu.enqueue_indirect_dma source(%dma_start3A_203 : memref<10000x128xf32, #tpu.memory_space<hbm>>) target(%arg12 : memref<128x128xf32, #tpu.memory_space<vmem>>) offsets(%dma_start3A_200 : memref<128xi32, #tpu.memory_space<vmem>>) semaphore(%arg14 : memref<!tpu.dma_semaphore, #tpu.memory_space<semaphore_mem>>)
        %sub3A_204 = arith.constant 1 : i32
        %sub3A_205 = arith.subi %add3A_192, %sub3A_204 : i32
        %dma_wait3A_206 = arith.constant 0 : i32
        %dma_wait3A_207 = tpu.memref_slice %arg9[%sub3A_205, %dma_wait3A_206] : memref<52x128xi32, #tpu.memory_space<vmem>> -> memref<1x128xi32, #tpu.memory_space<vmem>>
        %dma_wait3A_208 = tpu.memref_squeeze %dma_wait3A_207 : memref<1x128xi32, #tpu.memory_space<vmem>> -> memref<128xi32, #tpu.memory_space<vmem>>
        %dma_wait3A_209 = arith.constant 0 : i32
        %dma_wait3A_210 = arith.constant 0 : i32
        %dma_wait3A_211 = tpu.memref_slice %arg2[%dma_wait3A_209, %dma_wait3A_210] : memref<10000x128xf32, #tpu.memory_space<hbm>> -> memref<10000x128xf32, #tpu.memory_space<hbm>>
        tpu.wait_indirect_dma semaphore(%arg13 : memref<!tpu.dma_semaphore, #tpu.memory_space<semaphore_mem>>) src(%dma_wait3A_211 : memref<10000x128xf32, #tpu.memory_space<hbm>>) dst(%arg11 : memref<128x128xf32, #tpu.memory_space<vmem>>)
        %sub3A_212 = arith.constant 1 : i32
        %sub3A_213 = arith.subi %add3A_192, %sub3A_212 : i32
        %dma_start3A_214 = arith.constant 0 : i32
        %dma_start3A_215 = tpu.memref_slice %arg10[%sub3A_213, %dma_start3A_214] : memref<52x128xi32, #tpu.memory_space<vmem>> -> memref<1x128xi32, #tpu.memory_space<vmem>>
        %dma_start3A_216 = tpu.memref_squeeze %dma_start3A_215 : memref<1x128xi32, #tpu.memory_space<vmem>> -> memref<128xi32, #tpu.memory_space<vmem>>
        %dma_start3A_217 = arith.constant 0 : i32
        %dma_start3A_218 = arith.constant 0 : i32
        %dma_start3A_219 = tpu.memref_slice %arg8[%dma_start3A_217, %dma_start3A_218] : memref<10240x128xf32, #tpu.memory_space<vmem_shared>> -> memref<10240x128xf32, #tpu.memory_space<vmem_shared>>
        tpu.enqueue_indirect_dma source(%arg11 : memref<128x128xf32, #tpu.memory_space<vmem>>) target(%dma_start3A_219 : memref<10240x128xf32, #tpu.memory_space<vmem_shared>>) offsets(%dma_start3A_216 : memref<128xi32, #tpu.memory_space<vmem>>) semaphore(%arg15 : memref<!tpu.dma_semaphore, #tpu.memory_space<semaphore_mem>>) {add = true}
      }
      %sub3A_139 = arith.constant 1 : i32
      %sub3A_140 = arith.subi %select_n3A, %sub3A_139 : i32
      %dma_wait3A_141 = arith.constant 0 : i32
      %dma_wait3A_142 = tpu.memref_slice %arg9[%sub3A_140, %dma_wait3A_141] : memref<52x128xi32, #tpu.memory_space<vmem>> -> memref<1x128xi32, #tpu.memory_space<vmem>>
      %dma_wait3A_143 = tpu.memref_squeeze %dma_wait3A_142 : memref<1x128xi32, #tpu.memory_space<vmem>> -> memref<128xi32, #tpu.memory_space<vmem>>
      %dma_wait3A_144 = arith.constant 0 : i32
      %dma_wait3A_145 = arith.constant 0 : i32
      %dma_wait3A_146 = tpu.memref_slice %arg2[%dma_wait3A_144, %dma_wait3A_145] : memref<10000x128xf32, #tpu.memory_space<hbm>> -> memref<10000x128xf32, #tpu.memory_space<hbm>>
      tpu.wait_indirect_dma semaphore(%arg14 : memref<!tpu.dma_semaphore, #tpu.memory_space<semaphore_mem>>) src(%dma_wait3A_146 : memref<10000x128xf32, #tpu.memory_space<hbm>>) dst(%arg12 : memref<128x128xf32, #tpu.memory_space<vmem>>)
      %dma_start3A_147 = arith.constant 0 : i32
      %dma_start3A_148 = tpu.memref_slice %arg10[%sub3A_140, %dma_start3A_147] : memref<52x128xi32, #tpu.memory_space<vmem>> -> memref<1x128xi32, #tpu.memory_space<vmem>>
      %dma_start3A_149 = tpu.memref_squeeze %dma_start3A_148 : memref<1x128xi32, #tpu.memory_space<vmem>> -> memref<128xi32, #tpu.memory_space<vmem>>
      %dma_start3A_150 = arith.constant 0 : i32
      %dma_start3A_151 = arith.constant 0 : i32
      %dma_start3A_152 = tpu.memref_slice %arg8[%dma_start3A_150, %dma_start3A_151] : memref<10240x128xf32, #tpu.memory_space<vmem_shared>> -> memref<10240x128xf32, #tpu.memory_space<vmem_shared>>
      tpu.enqueue_indirect_dma source(%arg12 : memref<128x128xf32, #tpu.memory_space<vmem>>) target(%dma_start3A_152 : memref<10240x128xf32, #tpu.memory_space<vmem_shared>>) offsets(%dma_start3A_149 : memref<128xi32, #tpu.memory_space<vmem>>) semaphore(%arg16 : memref<!tpu.dma_semaphore, #tpu.memory_space<semaphore_mem>>) {add = true}
      %sub3A_153 = arith.constant 2 : i32
      %sub3A_154 = arith.subi %select_n3A, %sub3A_153 : i32
      %add3A_155 = arith.constant 0 : i32
      %add3A_156 = arith.addi %sub3A_154, %add3A_155 : i32
      %dma_wait3A_157 = arith.constant 0 : i32
      %dma_wait3A_158 = tpu.memref_slice %arg10[%add3A_156, %dma_wait3A_157] : memref<52x128xi32, #tpu.memory_space<vmem>> -> memref<1x128xi32, #tpu.memory_space<vmem>>
      %dma_wait3A_159 = tpu.memref_squeeze %dma_wait3A_158 : memref<1x128xi32, #tpu.memory_space<vmem>> -> memref<128xi32, #tpu.memory_space<vmem>>
      %dma_wait3A_160 = arith.constant 0 : i32
      %dma_wait3A_161 = arith.constant 0 : i32
      %dma_wait3A_162 = tpu.memref_slice %arg8[%dma_wait3A_160, %dma_wait3A_161] : memref<10240x128xf32, #tpu.memory_space<vmem_shared>> -> memref<10240x128xf32, #tpu.memory_space<vmem_shared>>
      tpu.wait_indirect_dma semaphore(%arg15 : memref<!tpu.dma_semaphore, #tpu.memory_space<semaphore_mem>>) src(%arg11 : memref<128x128xf32, #tpu.memory_space<vmem>>) dst(%dma_wait3A_162 : memref<10240x128xf32, #tpu.memory_space<vmem_shared>>)
      %sub3A_163 = arith.constant 2 : i32
      %sub3A_164 = arith.subi %select_n3A, %sub3A_163 : i32
      %add3A_165 = arith.constant 1 : i32
      %add3A_166 = arith.addi %sub3A_164, %add3A_165 : i32
      %dma_wait3A_167 = arith.constant 0 : i32
      %dma_wait3A_168 = tpu.memref_slice %arg10[%add3A_166, %dma_wait3A_167] : memref<52x128xi32, #tpu.memory_space<vmem>> -> memref<1x128xi32, #tpu.memory_space<vmem>>
      %dma_wait3A_169 = tpu.memref_squeeze %dma_wait3A_168 : memref<1x128xi32, #tpu.memory_space<vmem>> -> memref<128xi32, #tpu.memory_space<vmem>>
      %dma_wait3A_170 = arith.constant 0 : i32
      %dma_wait3A_171 = arith.constant 0 : i32
      %dma_wait3A_172 = tpu.memref_slice %arg8[%dma_wait3A_170, %dma_wait3A_171] : memref<10240x128xf32, #tpu.memory_space<vmem_shared>> -> memref<10240x128xf32, #tpu.memory_space<vmem_shared>>
      tpu.wait_indirect_dma semaphore(%arg16 : memref<!tpu.dma_semaphore, #tpu.memory_space<semaphore_mem>>) src(%arg12 : memref<128x128xf32, #tpu.memory_space<vmem>>) dst(%dma_wait3A_172 : memref<10240x128xf32, #tpu.memory_space<vmem_shared>>)
      %barrier3A_173 = arith.constant 0 : index
      tpu.barrier barrier_id(%barrier3A_173)
      "tpu.region"() ({
        %run_scoped3A = tpu.sem_alloc : memref<!tpu.dma_semaphore, #tpu.memory_space<semaphore_mem>>
        %dma_start3A_174 = arith.constant 0 : i32
        %dma_start3A_175 = tpu.memref_slice %arg6[%arg0, %mul3A_2, %dma_start3A_174] : memref<2x10240x128xf32, #tpu.memory_space<hbm>> -> memref<1x640x128xf32, #tpu.memory_space<hbm>>
        %dma_start3A_176 = tpu.memref_squeeze %dma_start3A_175 : memref<1x640x128xf32, #tpu.memory_space<hbm>> -> memref<640x128xf32, #tpu.memory_space<hbm>>
        %dma_start3A_177 = arith.constant 0 : i32
        %dma_start3A_178 = tpu.memref_slice %arg8[%mul3A_2, %dma_start3A_177] : memref<10240x128xf32, #tpu.memory_space<vmem_shared>> -> memref<640x128xf32, #tpu.memory_space<vmem_shared>>
        tpu.enqueue_dma source(%dma_start3A_178 : memref<640x128xf32, #tpu.memory_space<vmem_shared>>) target(%dma_start3A_176 : memref<640x128xf32, #tpu.memory_space<hbm>>) target_semaphore(%run_scoped3A : memref<!tpu.dma_semaphore, #tpu.memory_space<semaphore_mem>>)
        %dma_wait3A_179 = arith.constant 0 : i32
        %dma_wait3A_180 = tpu.memref_slice %arg6[%arg0, %mul3A_2, %dma_wait3A_179] : memref<2x10240x128xf32, #tpu.memory_space<hbm>> -> memref<1x640x128xf32, #tpu.memory_space<hbm>>
        %dma_wait3A_181 = tpu.memref_squeeze %dma_wait3A_180 : memref<1x640x128xf32, #tpu.memory_space<hbm>> -> memref<640x128xf32, #tpu.memory_space<hbm>>
        %dma_wait3A_182 = arith.constant 0 : i32
        %dma_wait3A_183 = tpu.memref_slice %arg8[%mul3A_2, %dma_wait3A_182] : memref<10240x128xf32, #tpu.memory_space<vmem_shared>> -> memref<640x128xf32, #tpu.memory_space<vmem_shared>>
        tpu.wait_dma2 semaphore(%run_scoped3A : memref<!tpu.dma_semaphore, #tpu.memory_space<semaphore_mem>>) src(%dma_wait3A_183 : memref<640x128xf32, #tpu.memory_space<vmem_shared>>) dst(%dma_wait3A_181 : memref<640x128xf32, #tpu.memory_space<hbm>>)
        tpu.yield
      }) : () -> ()
    } else {
    }
    return
  }
}

#map = affine_map<(d0, d1) -> (0, 0)>
#map1 = affine_map<(d0, d1) -> (0, 0, 0)>
module attributes {stable_mosaic.version = 14 : i64} {
  func.func @_scatter_body(%arg0: i32, %arg1: i32, %arg2: memref<10000x128xf32, #tpu.memory_space<hbm>>, %arg3: memref<10000x128xf32, #tpu.memory_space<hbm>>, %arg4: memref<32x52x128xi32, #tpu.memory_space<hbm>>, %arg5: memref<32x52x128xi32, #tpu.memory_space<hbm>>, %arg6: memref<2x10240x128xf32, #tpu.memory_space<hbm>>, %arg7: memref<2x10240x128xf32, #tpu.memory_space<hbm>>, %arg8: memref<10240x128xf32, #tpu.memory_space<vmem_shared>>, %arg9: memref<52x128xi32, #tpu.memory_space<vmem>>, %arg10: memref<52x128xi32, #tpu.memory_space<vmem>>, %arg11: memref<128x128xf32, #tpu.memory_space<vmem>>, %arg12: memref<128x128xf32, #tpu.memory_space<vmem>>, %arg13: memref<!tpu.dma_semaphore, #tpu.memory_space<semaphore_mem>>, %arg14: memref<!tpu.dma_semaphore, #tpu.memory_space<semaphore_mem>>, %arg15: memref<!tpu.dma_semaphore, #tpu.memory_space<semaphore_mem>>, %arg16: memref<!tpu.dma_semaphore, #tpu.memory_space<semaphore_mem>>) attributes {dimension_semantics = [#tpu.dimension_semantics<core_parallel>, #tpu.dimension_semantics<subcore_parallel>], iteration_bounds = array<i64: 2, 16>, scalar_prefetch = 0 : i64, scratch_operands = 9 : i64, tpu.core_type = #tpu.core_type<sc_vector_subcore>, window_params = [{transform_indices = #map}, {transform_indices = #map}, {transform_indices = #map1}, {transform_indices = #map1}, {transform_indices = #map1}, {transform_indices = #map1}]} {
    %mul3A = arith.constant 16 : i32
    %mul3A_0 = arith.muli %arg0, %mul3A : i32
    %add3A = arith.addi %mul3A_0, %arg1 : i32
    %mul3A_1 = arith.constant 640 : i32
    %mul3A_2 = arith.muli %arg1, %mul3A_1 : i32
    %eq3A = arith.constant 0 : i32
    %eq3A_3 = arith.cmpi eq, %arg0, %eq3A : i32
    %jit3A = arith.constant 52 : i32
    %jit3A_4 = arith.constant 28 : i32
    %select_n3A = arith.select %eq3A_3, %jit3A, %jit3A_4 : i32
    "tpu.region"() ({
      %run_scoped3A = tpu.sem_alloc : memref<!tpu.dma_semaphore, #tpu.memory_space<semaphore_mem>>
      %dma_start3A = arith.constant 0 : i32
      %dma_start3A_13 = arith.constant 0 : i32
      %dma_start3A_14 = tpu.memref_slice %arg4[%add3A, %dma_start3A, %dma_start3A_13] : memref<32x52x128xi32, #tpu.memory_space<hbm>> -> memref<1x52x128xi32, #tpu.memory_space<hbm>>
      %dma_start3A_15 = tpu.memref_squeeze %dma_start3A_14 : memref<1x52x128xi32, #tpu.memory_space<hbm>> -> memref<52x128xi32, #tpu.memory_space<hbm>>
      %dma_start3A_16 = arith.constant 0 : i32
      %dma_start3A_17 = arith.constant 0 : i32
      %dma_start3A_18 = tpu.memref_slice %arg4[%add3A, %dma_start3A_16, %dma_start3A_17] : memref<32x52x128xi32, #tpu.memory_space<hbm>> -> memref<1x52x128xi32, #tpu.memory_space<hbm>>
      %dma_start3A_19 = tpu.memref_squeeze %dma_start3A_18 : memref<1x52x128xi32, #tpu.memory_space<hbm>> -> memref<52x128xi32, #tpu.memory_space<hbm>>
      tpu.enqueue_dma source(%dma_start3A_19 : memref<52x128xi32, #tpu.memory_space<hbm>>) target(%arg9 : memref<52x128xi32, #tpu.memory_space<vmem>>) target_semaphore(%run_scoped3A : memref<!tpu.dma_semaphore, #tpu.memory_space<semaphore_mem>>)
      %dma_wait3A = arith.constant 0 : i32
      %dma_wait3A_20 = arith.constant 0 : i32
      %dma_wait3A_21 = tpu.memref_slice %arg4[%add3A, %dma_wait3A, %dma_wait3A_20] : memref<32x52x128xi32, #tpu.memory_space<hbm>> -> memref<1x52x128xi32, #tpu.memory_space<hbm>>
      %dma_wait3A_22 = tpu.memref_squeeze %dma_wait3A_21 : memref<1x52x128xi32, #tpu.memory_space<hbm>> -> memref<52x128xi32, #tpu.memory_space<hbm>>
      %dma_wait3A_23 = arith.constant 0 : i32
      %dma_wait3A_24 = arith.constant 0 : i32
      %dma_wait3A_25 = tpu.memref_slice %arg4[%add3A, %dma_wait3A_23, %dma_wait3A_24] : memref<32x52x128xi32, #tpu.memory_space<hbm>> -> memref<1x52x128xi32, #tpu.memory_space<hbm>>
      %dma_wait3A_26 = tpu.memref_squeeze %dma_wait3A_25 : memref<1x52x128xi32, #tpu.memory_space<hbm>> -> memref<52x128xi32, #tpu.memory_space<hbm>>
      tpu.wait_dma2 semaphore(%run_scoped3A : memref<!tpu.dma_semaphore, #tpu.memory_space<semaphore_mem>>) src(%dma_wait3A_26 : memref<52x128xi32, #tpu.memory_space<hbm>>) dst(%arg9 : memref<52x128xi32, #tpu.memory_space<vmem>>)
      tpu.yield
    }) : () -> ()
    "tpu.region"() ({
      %run_scoped3A = tpu.sem_alloc : memref<!tpu.dma_semaphore, #tpu.memory_space<semaphore_mem>>
      %dma_start3A = arith.constant 0 : i32
      %dma_start3A_13 = arith.constant 0 : i32
      %dma_start3A_14 = tpu.memref_slice %arg5[%add3A, %dma_start3A, %dma_start3A_13] : memref<32x52x128xi32, #tpu.memory_space<hbm>> -> memref<1x52x128xi32, #tpu.memory_space<hbm>>
      %dma_start3A_15 = tpu.memref_squeeze %dma_start3A_14 : memref<1x52x128xi32, #tpu.memory_space<hbm>> -> memref<52x128xi32, #tpu.memory_space<hbm>>
      %dma_start3A_16 = arith.constant 0 : i32
      %dma_start3A_17 = arith.constant 0 : i32
      %dma_start3A_18 = tpu.memref_slice %arg5[%add3A, %dma_start3A_16, %dma_start3A_17] : memref<32x52x128xi32, #tpu.memory_space<hbm>> -> memref<1x52x128xi32, #tpu.memory_space<hbm>>
      %dma_start3A_19 = tpu.memref_squeeze %dma_start3A_18 : memref<1x52x128xi32, #tpu.memory_space<hbm>> -> memref<52x128xi32, #tpu.memory_space<hbm>>
      tpu.enqueue_dma source(%dma_start3A_19 : memref<52x128xi32, #tpu.memory_space<hbm>>) target(%arg10 : memref<52x128xi32, #tpu.memory_space<vmem>>) target_semaphore(%run_scoped3A : memref<!tpu.dma_semaphore, #tpu.memory_space<semaphore_mem>>)
      %dma_wait3A = arith.constant 0 : i32
      %dma_wait3A_20 = arith.constant 0 : i32
      %dma_wait3A_21 = tpu.memref_slice %arg5[%add3A, %dma_wait3A, %dma_wait3A_20] : memref<32x52x128xi32, #tpu.memory_space<hbm>> -> memref<1x52x128xi32, #tpu.memory_space<hbm>>
      %dma_wait3A_22 = tpu.memref_squeeze %dma_wait3A_21 : memref<1x52x128xi32, #tpu.memory_space<hbm>> -> memref<52x128xi32, #tpu.memory_space<hbm>>
      %dma_wait3A_23 = arith.constant 0 : i32
      %dma_wait3A_24 = arith.constant 0 : i32
      %dma_wait3A_25 = tpu.memref_slice %arg5[%add3A, %dma_wait3A_23, %dma_wait3A_24] : memref<32x52x128xi32, #tpu.memory_space<hbm>> -> memref<1x52x128xi32, #tpu.memory_space<hbm>>
      %dma_wait3A_26 = tpu.memref_squeeze %dma_wait3A_25 : memref<1x52x128xi32, #tpu.memory_space<hbm>> -> memref<52x128xi32, #tpu.memory_space<hbm>>
      tpu.wait_dma2 semaphore(%run_scoped3A : memref<!tpu.dma_semaphore, #tpu.memory_space<semaphore_mem>>) src(%dma_wait3A_26 : memref<52x128xi32, #tpu.memory_space<hbm>>) dst(%arg10 : memref<52x128xi32, #tpu.memory_space<vmem>>)
      tpu.yield
    }) : () -> ()
    %eq3A_5 = arith.constant 0 : i32
    %eq3A_6 = arith.cmpi eq, %arg0, %eq3A_5 : i32
    %convert_element_type3A = arith.extui %eq3A_6 : i1 to i32
    %cond3A = arith.constant 0 : i32
    %cond3A_7 = arith.cmpi ne, %convert_element_type3A, %cond3A : i32
    scf.if %cond3A_7 {
      %scan3A = arith.constant 0 : i32
      %scan3A_13 = arith.constant 0 : i32
      %scan3A_14 = arith.constant 128 : i32
      %scan3A_15 = arith.addi %scan3A_13, %scan3A_14 : i32
      %scan3A_16 = arith.constant 1 : i32
      scf.for %scan3A_174 = %scan3A_13 to %scan3A_15 step %scan3A_16  : i32 {
        %broadcast_in_dim3A = arith.constant 0.000000e+00 : f32
        %broadcast_in_dim3A_175 = vector.broadcast %broadcast_in_dim3A : f32 to vector<16xf32>
        %swap3A = arith.index_cast %scan3A_174 : i32 to index
        %swap3A_176 = arith.constant 0 : index
        %swap3A_177 = tpu.vector_load %arg11[%swap3A, %swap3A_176] {strides = array<i32>} : memref<128x128xf32, #tpu.memory_space<vmem>>, vector<1x16xf32>,
        %swap3A_178 = vector.shape_cast %swap3A_177 : vector<1x16xf32> to vector<16xf32>
        %swap3A_179 = vector.shape_cast %broadcast_in_dim3A_175 : vector<16xf32> to vector<1x16xf32>
        tpu.vector_store %arg11[%swap3A, %swap3A_176], %swap3A_179 {strides = array<i32>} : memref<128x128xf32, #tpu.memory_space<vmem>>, vector<1x16xf32>,
        %broadcast_in_dim3A_180 = arith.constant 0.000000e+00 : f32
        %broadcast_in_dim3A_181 = vector.broadcast %broadcast_in_dim3A_180 : f32 to vector<16xf32>
        %swap3A_182 = arith.index_cast %scan3A_174 : i32 to index
        %swap3A_183 = arith.constant 16 : index
        %swap3A_184 = tpu.vector_load %arg11[%swap3A_182, %swap3A_183] {strides = array<i32>} : memref<128x128xf32, #tpu.memory_space<vmem>>, vector<1x16xf32>,
        %swap3A_185 = vector.shape_cast %swap3A_184 : vector<1x16xf32> to vector<16xf32>
        %swap3A_186 = vector.shape_cast %broadcast_in_dim3A_181 : vector<16xf32> to vector<1x16xf32>
        tpu.vector_store %arg11[%swap3A_182, %swap3A_183], %swap3A_186 {strides = array<i32>} : memref<128x128xf32, #tpu.memory_space<vmem>>, vector<1x16xf32>,
        %broadcast_in_dim3A_187 = arith.constant 0.000000e+00 : f32
        %broadcast_in_dim3A_188 = vector.broadcast %broadcast_in_dim3A_187 : f32 to vector<16xf32>
        %swap3A_189 = arith.index_cast %scan3A_174 : i32 to index
        %swap3A_190 = arith.constant 32 : index
        %swap3A_191 = tpu.vector_load %arg11[%swap3A_189, %swap3A_190] {strides = array<i32>} : memref<128x128xf32, #tpu.memory_space<vmem>>, vector<1x16xf32>,
        %swap3A_192 = vector.shape_cast %swap3A_191 : vector<1x16xf32> to vector<16xf32>
        %swap3A_193 = vector.shape_cast %broadcast_in_dim3A_188 : vector<16xf32> to vector<1x16xf32>
        tpu.vector_store %arg11[%swap3A_189, %swap3A_190], %swap3A_193 {strides = array<i32>} : memref<128x128xf32, #tpu.memory_space<vmem>>, vector<1x16xf32>,
        %broadcast_in_dim3A_194 = arith.constant 0.000000e+00 : f32
        %broadcast_in_dim3A_195 = vector.broadcast %broadcast_in_dim3A_194 : f32 to vector<16xf32>
        %swap3A_196 = arith.index_cast %scan3A_174 : i32 to index
        %swap3A_197 = arith.constant 48 : index
        %swap3A_198 = tpu.vector_load %arg11[%swap3A_196, %swap3A_197] {strides = array<i32>} : memref<128x128xf32, #tpu.memory_space<vmem>>, vector<1x16xf32>,
        %swap3A_199 = vector.shape_cast %swap3A_198 : vector<1x16xf32> to vector<16xf32>
        %swap3A_200 = vector.shape_cast %broadcast_in_dim3A_195 : vector<16xf32> to vector<1x16xf32>
        tpu.vector_store %arg11[%swap3A_196, %swap3A_197], %swap3A_200 {strides = array<i32>} : memref<128x128xf32, #tpu.memory_space<vmem>>, vector<1x16xf32>,
        %broadcast_in_dim3A_201 = arith.constant 0.000000e+00 : f32
        %broadcast_in_dim3A_202 = vector.broadcast %broadcast_in_dim3A_201 : f32 to vector<16xf32>
        %swap3A_203 = arith.index_cast %scan3A_174 : i32 to index
        %swap3A_204 = arith.constant 64 : index
        %swap3A_205 = tpu.vector_load %arg11[%swap3A_203, %swap3A_204] {strides = array<i32>} : memref<128x128xf32, #tpu.memory_space<vmem>>, vector<1x16xf32>,
        %swap3A_206 = vector.shape_cast %swap3A_205 : vector<1x16xf32> to vector<16xf32>
        %swap3A_207 = vector.shape_cast %broadcast_in_dim3A_202 : vector<16xf32> to vector<1x16xf32>
        tpu.vector_store %arg11[%swap3A_203, %swap3A_204], %swap3A_207 {strides = array<i32>} : memref<128x128xf32, #tpu.memory_space<vmem>>, vector<1x16xf32>,
        %broadcast_in_dim3A_208 = arith.constant 0.000000e+00 : f32
        %broadcast_in_dim3A_209 = vector.broadcast %broadcast_in_dim3A_208 : f32 to vector<16xf32>
        %swap3A_210 = arith.index_cast %scan3A_174 : i32 to index
        %swap3A_211 = arith.constant 80 : index
        %swap3A_212 = tpu.vector_load %arg11[%swap3A_210, %swap3A_211] {strides = array<i32>} : memref<128x128xf32, #tpu.memory_space<vmem>>, vector<1x16xf32>,
        %swap3A_213 = vector.shape_cast %swap3A_212 : vector<1x16xf32> to vector<16xf32>
        %swap3A_214 = vector.shape_cast %broadcast_in_dim3A_209 : vector<16xf32> to vector<1x16xf32>
        tpu.vector_store %arg11[%swap3A_210, %swap3A_211], %swap3A_214 {strides = array<i32>} : memref<128x128xf32, #tpu.memory_space<vmem>>, vector<1x16xf32>,
        %broadcast_in_dim3A_215 = arith.constant 0.000000e+00 : f32
        %broadcast_in_dim3A_216 = vector.broadcast %broadcast_in_dim3A_215 : f32 to vector<16xf32>
        %swap3A_217 = arith.index_cast %scan3A_174 : i32 to index
        %swap3A_218 = arith.constant 96 : index
        %swap3A_219 = tpu.vector_load %arg11[%swap3A_217, %swap3A_218] {strides = array<i32>} : memref<128x128xf32, #tpu.memory_space<vmem>>, vector<1x16xf32>,
        %swap3A_220 = vector.shape_cast %swap3A_219 : vector<1x16xf32> to vector<16xf32>
        %swap3A_221 = vector.shape_cast %broadcast_in_dim3A_216 : vector<16xf32> to vector<1x16xf32>
        tpu.vector_store %arg11[%swap3A_217, %swap3A_218], %swap3A_221 {strides = array<i32>} : memref<128x128xf32, #tpu.memory_space<vmem>>, vector<1x16xf32>,
        %broadcast_in_dim3A_222 = arith.constant 0.000000e+00 : f32
        %broadcast_in_dim3A_223 = vector.broadcast %broadcast_in_dim3A_222 : f32 to vector<16xf32>
        %swap3A_224 = arith.index_cast %scan3A_174 : i32 to index
        %swap3A_225 = arith.constant 112 : index
        %swap3A_226 = tpu.vector_load %arg11[%swap3A_224, %swap3A_225] {strides = array<i32>} : memref<128x128xf32, #tpu.memory_space<vmem>>, vector<1x16xf32>,
        %swap3A_227 = vector.shape_cast %swap3A_226 : vector<1x16xf32> to vector<16xf32>
        %swap3A_228 = vector.shape_cast %broadcast_in_dim3A_223 : vector<16xf32> to vector<1x16xf32>
        tpu.vector_store %arg11[%swap3A_224, %swap3A_225], %swap3A_228 {strides = array<i32>} : memref<128x128xf32, #tpu.memory_space<vmem>>, vector<1x16xf32>,
      }
      %scan3A_17 = arith.constant 128 : i32
      %add3A_18 = arith.constant 0 : i32
      %add3A_19 = arith.addi %mul3A_2, %add3A_18 : i32
      "tpu.region"() ({
        %run_scoped3A = tpu.sem_alloc : memref<!tpu.dma_semaphore, #tpu.memory_space<semaphore_mem>>
        %dma_start3A_174 = arith.constant 0 : i32
        %dma_start3A_175 = tpu.memref_slice %arg8[%add3A_19, %dma_start3A_174] : memref<10240x128xf32, #tpu.memory_space<vmem_shared>> -> memref<128x128xf32, #tpu.memory_space<vmem_shared>>
        %dma_start3A_176 = arith.constant 0 : i32
        %dma_start3A_177 = tpu.memref_slice %arg8[%add3A_19, %dma_start3A_176] : memref<10240x128xf32, #tpu.memory_space<vmem_shared>> -> memref<128x128xf32, #tpu.memory_space<vmem_shared>>
        tpu.enqueue_dma source(%arg11 : memref<128x128xf32, #tpu.memory_space<vmem>>) target(%dma_start3A_177 : memref<128x128xf32, #tpu.memory_space<vmem_shared>>) target_semaphore(%run_scoped3A : memref<!tpu.dma_semaphore, #tpu.memory_space<semaphore_mem>>)
        %dma_wait3A_178 = arith.constant 0 : i32
        %dma_wait3A_179 = tpu.memref_slice %arg8[%add3A_19, %dma_wait3A_178] : memref<10240x128xf32, #tpu.memory_space<vmem_shared>> -> memref<128x128xf32, #tpu.memory_space<vmem_shared>>
        %dma_wait3A_180 = arith.constant 0 : i32
        %dma_wait3A_181 = tpu.memref_slice %arg8[%add3A_19, %dma_wait3A_180] : memref<10240x128xf32, #tpu.memory_space<vmem_shared>> -> memref<128x128xf32, #tpu.memory_space<vmem_shared>>
        tpu.wait_dma2 semaphore(%run_scoped3A : memref<!tpu.dma_semaphore, #tpu.memory_space<semaphore_mem>>) src(%arg11 : memref<128x128xf32, #tpu.memory_space<vmem>>) dst(%dma_wait3A_181 : memref<128x128xf32, #tpu.memory_space<vmem_shared>>)
        tpu.yield
      }) : () -> ()
      %add3A_20 = arith.constant 128 : i32
      %add3A_21 = arith.addi %mul3A_2, %add3A_20 : i32
      "tpu.region"() ({
        %run_scoped3A = tpu.sem_alloc : memref<!tpu.dma_semaphore, #tpu.memory_space<semaphore_mem>>
        %dma_start3A_174 = arith.constant 0 : i32
        %dma_start3A_175 = tpu.memref_slice %arg8[%add3A_21, %dma_start3A_174] : memref<10240x128xf32, #tpu.memory_space<vmem_shared>> -> memref<128x128xf32, #tpu.memory_space<vmem_shared>>
        %dma_start3A_176 = arith.constant 0 : i32
        %dma_start3A_177 = tpu.memref_slice %arg8[%add3A_21, %dma_start3A_176] : memref<10240x128xf32, #tpu.memory_space<vmem_shared>> -> memref<128x128xf32, #tpu.memory_space<vmem_shared>>
        tpu.enqueue_dma source(%arg11 : memref<128x128xf32, #tpu.memory_space<vmem>>) target(%dma_start3A_177 : memref<128x128xf32, #tpu.memory_space<vmem_shared>>) target_semaphore(%run_scoped3A : memref<!tpu.dma_semaphore, #tpu.memory_space<semaphore_mem>>)
        %dma_wait3A_178 = arith.constant 0 : i32
        %dma_wait3A_179 = tpu.memref_slice %arg8[%add3A_21, %dma_wait3A_178] : memref<10240x128xf32, #tpu.memory_space<vmem_shared>> -> memref<128x128xf32, #tpu.memory_space<vmem_shared>>
        %dma_wait3A_180 = arith.constant 0 : i32
        %dma_wait3A_181 = tpu.memref_slice %arg8[%add3A_21, %dma_wait3A_180] : memref<10240x128xf32, #tpu.memory_space<vmem_shared>> -> memref<128x128xf32, #tpu.memory_space<vmem_shared>>
        tpu.wait_dma2 semaphore(%run_scoped3A : memref<!tpu.dma_semaphore, #tpu.memory_space<semaphore_mem>>) src(%arg11 : memref<128x128xf32, #tpu.memory_space<vmem>>) dst(%dma_wait3A_181 : memref<128x128xf32, #tpu.memory_space<vmem_shared>>)
        tpu.yield
      }) : () -> ()
      %add3A_22 = arith.constant 256 : i32
      %add3A_23 = arith.addi %mul3A_2, %add3A_22 : i32
      "tpu.region"() ({
        %run_scoped3A = tpu.sem_alloc : memref<!tpu.dma_semaphore, #tpu.memory_space<semaphore_mem>>
        %dma_start3A_174 = arith.constant 0 : i32
        %dma_start3A_175 = tpu.memref_slice %arg8[%add3A_23, %dma_start3A_174] : memref<10240x128xf32, #tpu.memory_space<vmem_shared>> -> memref<128x128xf32, #tpu.memory_space<vmem_shared>>
        %dma_start3A_176 = arith.constant 0 : i32
        %dma_start3A_177 = tpu.memref_slice %arg8[%add3A_23, %dma_start3A_176] : memref<10240x128xf32, #tpu.memory_space<vmem_shared>> -> memref<128x128xf32, #tpu.memory_space<vmem_shared>>
        tpu.enqueue_dma source(%arg11 : memref<128x128xf32, #tpu.memory_space<vmem>>) target(%dma_start3A_177 : memref<128x128xf32, #tpu.memory_space<vmem_shared>>) target_semaphore(%run_scoped3A : memref<!tpu.dma_semaphore, #tpu.memory_space<semaphore_mem>>)
        %dma_wait3A_178 = arith.constant 0 : i32
        %dma_wait3A_179 = tpu.memref_slice %arg8[%add3A_23, %dma_wait3A_178] : memref<10240x128xf32, #tpu.memory_space<vmem_shared>> -> memref<128x128xf32, #tpu.memory_space<vmem_shared>>
        %dma_wait3A_180 = arith.constant 0 : i32
        %dma_wait3A_181 = tpu.memref_slice %arg8[%add3A_23, %dma_wait3A_180] : memref<10240x128xf32, #tpu.memory_space<vmem_shared>> -> memref<128x128xf32, #tpu.memory_space<vmem_shared>>
        tpu.wait_dma2 semaphore(%run_scoped3A : memref<!tpu.dma_semaphore, #tpu.memory_space<semaphore_mem>>) src(%arg11 : memref<128x128xf32, #tpu.memory_space<vmem>>) dst(%dma_wait3A_181 : memref<128x128xf32, #tpu.memory_space<vmem_shared>>)
        tpu.yield
      }) : () -> ()
      %add3A_24 = arith.constant 384 : i32
      %add3A_25 = arith.addi %mul3A_2, %add3A_24 : i32
      "tpu.region"() ({
        %run_scoped3A = tpu.sem_alloc : memref<!tpu.dma_semaphore, #tpu.memory_space<semaphore_mem>>
        %dma_start3A_174 = arith.constant 0 : i32
        %dma_start3A_175 = tpu.memref_slice %arg8[%add3A_25, %dma_start3A_174] : memref<10240x128xf32, #tpu.memory_space<vmem_shared>> -> memref<128x128xf32, #tpu.memory_space<vmem_shared>>
        %dma_start3A_176 = arith.constant 0 : i32
        %dma_start3A_177 = tpu.memref_slice %arg8[%add3A_25, %dma_start3A_176] : memref<10240x128xf32, #tpu.memory_space<vmem_shared>> -> memref<128x128xf32, #tpu.memory_space<vmem_shared>>
        tpu.enqueue_dma source(%arg11 : memref<128x128xf32, #tpu.memory_space<vmem>>) target(%dma_start3A_177 : memref<128x128xf32, #tpu.memory_space<vmem_shared>>) target_semaphore(%run_scoped3A : memref<!tpu.dma_semaphore, #tpu.memory_space<semaphore_mem>>)
        %dma_wait3A_178 = arith.constant 0 : i32
        %dma_wait3A_179 = tpu.memref_slice %arg8[%add3A_25, %dma_wait3A_178] : memref<10240x128xf32, #tpu.memory_space<vmem_shared>> -> memref<128x128xf32, #tpu.memory_space<vmem_shared>>
        %dma_wait3A_180 = arith.constant 0 : i32
        %dma_wait3A_181 = tpu.memref_slice %arg8[%add3A_25, %dma_wait3A_180] : memref<10240x128xf32, #tpu.memory_space<vmem_shared>> -> memref<128x128xf32, #tpu.memory_space<vmem_shared>>
        tpu.wait_dma2 semaphore(%run_scoped3A : memref<!tpu.dma_semaphore, #tpu.memory_space<semaphore_mem>>) src(%arg11 : memref<128x128xf32, #tpu.memory_space<vmem>>) dst(%dma_wait3A_181 : memref<128x128xf32, #tpu.memory_space<vmem_shared>>)
        tpu.yield
      }) : () -> ()
      %add3A_26 = arith.constant 512 : i32
      %add3A_27 = arith.addi %mul3A_2, %add3A_26 : i32
      "tpu.region"() ({
        %run_scoped3A = tpu.sem_alloc : memref<!tpu.dma_semaphore, #tpu.memory_space<semaphore_mem>>
        %dma_start3A_174 = arith.constant 0 : i32
        %dma_start3A_175 = tpu.memref_slice %arg8[%add3A_27, %dma_start3A_174] : memref<10240x128xf32, #tpu.memory_space<vmem_shared>> -> memref<128x128xf32, #tpu.memory_space<vmem_shared>>
        %dma_start3A_176 = arith.constant 0 : i32
        %dma_start3A_177 = tpu.memref_slice %arg8[%add3A_27, %dma_start3A_176] : memref<10240x128xf32, #tpu.memory_space<vmem_shared>> -> memref<128x128xf32, #tpu.memory_space<vmem_shared>>
        tpu.enqueue_dma source(%arg11 : memref<128x128xf32, #tpu.memory_space<vmem>>) target(%dma_start3A_177 : memref<128x128xf32, #tpu.memory_space<vmem_shared>>) target_semaphore(%run_scoped3A : memref<!tpu.dma_semaphore, #tpu.memory_space<semaphore_mem>>)
        %dma_wait3A_178 = arith.constant 0 : i32
        %dma_wait3A_179 = tpu.memref_slice %arg8[%add3A_27, %dma_wait3A_178] : memref<10240x128xf32, #tpu.memory_space<vmem_shared>> -> memref<128x128xf32, #tpu.memory_space<vmem_shared>>
        %dma_wait3A_180 = arith.constant 0 : i32
        %dma_wait3A_181 = tpu.memref_slice %arg8[%add3A_27, %dma_wait3A_180] : memref<10240x128xf32, #tpu.memory_space<vmem_shared>> -> memref<128x128xf32, #tpu.memory_space<vmem_shared>>
        tpu.wait_dma2 semaphore(%run_scoped3A : memref<!tpu.dma_semaphore, #tpu.memory_space<semaphore_mem>>) src(%arg11 : memref<128x128xf32, #tpu.memory_space<vmem>>) dst(%dma_wait3A_181 : memref<128x128xf32, #tpu.memory_space<vmem_shared>>)
        tpu.yield
      }) : () -> ()
      %barrier3A = arith.constant 0 : index
      tpu.barrier barrier_id(%barrier3A)
      %jit3A_28 = arith.constant 2 : i32
      %div3A = arith.divsi %select_n3A, %jit3A_28 : i32
      %sign3A = arith.constant 0 : i32
      %sign3A_29 = arith.cmpi sgt, %select_n3A, %sign3A : i32
      %sign3A_30 = arith.extui %sign3A_29 : i1 to i32
      %sign3A_31 = arith.constant 0 : i32
      %sign3A_32 = arith.cmpi slt, %select_n3A, %sign3A_31 : i32
      %sign3A_33 = arith.extui %sign3A_32 : i1 to i32
      %sign3A_34 = arith.subi %sign3A_30, %sign3A_33 : i32
      %sign3A_35 = arith.constant 0 : i32
      %sign3A_36 = arith.cmpi sgt, %jit3A_28, %sign3A_35 : i32
      %sign3A_37 = arith.extui %sign3A_36 : i1 to i32
      %sign3A_38 = arith.constant 0 : i32
      %sign3A_39 = arith.cmpi slt, %jit3A_28, %sign3A_38 : i32
      %sign3A_40 = arith.extui %sign3A_39 : i1 to i32
      %sign3A_41 = arith.subi %sign3A_37, %sign3A_40 : i32
      %ne3A = arith.cmpi ne, %sign3A_34, %sign3A_41 : i32
      %rem3A = arith.remsi %select_n3A, %jit3A_28 : i32
      %ne3A_42 = arith.constant 0 : i32
      %ne3A_43 = arith.cmpi ne, %rem3A, %ne3A_42 : i32
      %and3A = arith.andi %ne3A, %ne3A_43 : i1
      %sub3A = arith.constant 1 : i32
      %sub3A_44 = arith.subi %div3A, %sub3A : i32
      %select_n3A_45 = arith.select %and3A, %sub3A_44, %div3A : i32
      %while3A = arith.constant 0 : i32
      %while3A_46 = arith.constant 0 : i32
      %while3A_47 = arith.subi %select_n3A_45, %while3A_46 : i32
      %while3A_48 = arith.addi %while3A_46, %while3A_47 : i32
      %while3A_49 = arith.constant 1 : i32
      %while3A_50 = arith.divsi %while3A_47, %while3A_49 : i32
      %while3A_51 = arith.muli %while3A_50, %while3A_49 : i32
      %while3A_52 = arith.addi %while3A_46, %while3A_51 : i32
      %while3A_53 = arith.constant 1 : i32
      scf.for %while3A_174 = %while3A_46 to %while3A_52 step %while3A_53  : i32 {
        %mul3A_175 = arith.constant 2 : i32
        %mul3A_176 = arith.muli %mul3A_175, %while3A_174 : i32
        %add3A_177 = arith.constant 0 : i32
        %add3A_178 = arith.addi %mul3A_176, %add3A_177 : i32
        %ge3A = arith.constant 1 : i32
        %ge3A_179 = arith.cmpi sge, %while3A_174, %ge3A : i32
        %convert_element_type3A_180 = arith.extui %ge3A_179 : i1 to i32
        %cond3A_181 = arith.constant 0 : i32
        %cond3A_182 = arith.cmpi ne, %convert_element_type3A_180, %cond3A_181 : i32
        scf.if %cond3A_182 {
          %sub3A_220 = arith.constant 2 : i32
          %sub3A_221 = arith.subi %add3A_178, %sub3A_220 : i32
          %dma_wait3A_222 = arith.constant 0 : i32
          %dma_wait3A_223 = tpu.memref_slice %arg10[%sub3A_221, %dma_wait3A_222] : memref<52x128xi32, #tpu.memory_space<vmem>> -> memref<1x128xi32, #tpu.memory_space<vmem>>
          %dma_wait3A_224 = tpu.memref_squeeze %dma_wait3A_223 : memref<1x128xi32, #tpu.memory_space<vmem>> -> memref<128xi32, #tpu.memory_space<vmem>>
          %dma_wait3A_225 = arith.constant 0 : i32
          %dma_wait3A_226 = arith.constant 0 : i32
          %dma_wait3A_227 = tpu.memref_slice %arg8[%dma_wait3A_225, %dma_wait3A_226] : memref<10240x128xf32, #tpu.memory_space<vmem_shared>> -> memref<10240x128xf32, #tpu.memory_space<vmem_shared>>
          tpu.wait_indirect_dma semaphore(%arg15 : memref<!tpu.dma_semaphore, #tpu.memory_space<semaphore_mem>>) src(%arg11 : memref<128x128xf32, #tpu.memory_space<vmem>>) dst(%dma_wait3A_227 : memref<10240x128xf32, #tpu.memory_space<vmem_shared>>)
          %sub3A_228 = arith.constant 1 : i32
          %sub3A_229 = arith.subi %add3A_178, %sub3A_228 : i32
          %dma_wait3A_230 = arith.constant 0 : i32
          %dma_wait3A_231 = tpu.memref_slice %arg9[%sub3A_229, %dma_wait3A_230] : memref<52x128xi32, #tpu.memory_space<vmem>> -> memref<1x128xi32, #tpu.memory_space<vmem>>
          %dma_wait3A_232 = tpu.memref_squeeze %dma_wait3A_231 : memref<1x128xi32, #tpu.memory_space<vmem>> -> memref<128xi32, #tpu.memory_space<vmem>>
          %dma_wait3A_233 = arith.constant 0 : i32
          %dma_wait3A_234 = arith.constant 0 : i32
          %dma_wait3A_235 = tpu.memref_slice %arg2[%dma_wait3A_233, %dma_wait3A_234] : memref<10000x128xf32, #tpu.memory_space<hbm>> -> memref<10000x128xf32, #tpu.memory_space<hbm>>
          tpu.wait_indirect_dma semaphore(%arg14 : memref<!tpu.dma_semaphore, #tpu.memory_space<semaphore_mem>>) src(%dma_wait3A_235 : memref<10000x128xf32, #tpu.memory_space<hbm>>) dst(%arg12 : memref<128x128xf32, #tpu.memory_space<vmem>>)
          %sub3A_236 = arith.constant 1 : i32
          %sub3A_237 = arith.subi %add3A_178, %sub3A_236 : i32
          %dma_start3A_238 = arith.constant 0 : i32
          %dma_start3A_239 = tpu.memref_slice %arg10[%sub3A_237, %dma_start3A_238] : memref<52x128xi32, #tpu.memory_space<vmem>> -> memref<1x128xi32, #tpu.memory_space<vmem>>
          %dma_start3A_240 = tpu.memref_squeeze %dma_start3A_239 : memref<1x128xi32, #tpu.memory_space<vmem>> -> memref<128xi32, #tpu.memory_space<vmem>>
          %dma_start3A_241 = arith.constant 0 : i32
          %dma_start3A_242 = arith.constant 0 : i32
          %dma_start3A_243 = tpu.memref_slice %arg8[%dma_start3A_241, %dma_start3A_242] : memref<10240x128xf32, #tpu.memory_space<vmem_shared>> -> memref<10240x128xf32, #tpu.memory_space<vmem_shared>>
          tpu.enqueue_indirect_dma source(%arg12 : memref<128x128xf32, #tpu.memory_space<vmem>>) target(%dma_start3A_243 : memref<10240x128xf32, #tpu.memory_space<vmem_shared>>) offsets(%dma_start3A_240 : memref<128xi32, #tpu.memory_space<vmem>>) semaphore(%arg16 : memref<!tpu.dma_semaphore, #tpu.memory_space<semaphore_mem>>) {add = true}
        } else {
        }
        %dma_start3A_183 = arith.constant 0 : i32
        %dma_start3A_184 = tpu.memref_slice %arg9[%add3A_178, %dma_start3A_183] : memref<52x128xi32, #tpu.memory_space<vmem>> -> memref<1x128xi32, #tpu.memory_space<vmem>>
        %dma_start3A_185 = tpu.memref_squeeze %dma_start3A_184 : memref<1x128xi32, #tpu.memory_space<vmem>> -> memref<128xi32, #tpu.memory_space<vmem>>
        %dma_start3A_186 = arith.constant 0 : i32
        %dma_start3A_187 = arith.constant 0 : i32
        %dma_start3A_188 = tpu.memref_slice %arg2[%dma_start3A_186, %dma_start3A_187] : memref<10000x128xf32, #tpu.memory_space<hbm>> -> memref<10000x128xf32, #tpu.memory_space<hbm>>
        tpu.enqueue_indirect_dma source(%dma_start3A_188 : memref<10000x128xf32, #tpu.memory_space<hbm>>) target(%arg11 : memref<128x128xf32, #tpu.memory_space<vmem>>) offsets(%dma_start3A_185 : memref<128xi32, #tpu.memory_space<vmem>>) semaphore(%arg13 : memref<!tpu.dma_semaphore, #tpu.memory_space<semaphore_mem>>)
        %mul3A_189 = arith.constant 2 : i32
        %mul3A_190 = arith.muli %mul3A_189, %while3A_174 : i32
        %add3A_191 = arith.constant 1 : i32
        %add3A_192 = arith.addi %mul3A_190, %add3A_191 : i32
        %ge3A_193 = arith.constant 1 : i32
        %ge3A_194 = arith.cmpi sge, %while3A_174, %ge3A_193 : i32
        %convert_element_type3A_195 = arith.extui %ge3A_194 : i1 to i32
        %cond3A_196 = arith.constant 0 : i32
        %cond3A_197 = arith.cmpi ne, %convert_element_type3A_195, %cond3A_196 : i32
        scf.if %cond3A_197 {
          %sub3A_220 = arith.constant 2 : i32
          %sub3A_221 = arith.subi %add3A_192, %sub3A_220 : i32
          %dma_wait3A_222 = arith.constant 0 : i32
          %dma_wait3A_223 = tpu.memref_slice %arg10[%sub3A_221, %dma_wait3A_222] : memref<52x128xi32, #tpu.memory_space<vmem>> -> memref<1x128xi32, #tpu.memory_space<vmem>>
          %dma_wait3A_224 = tpu.memref_squeeze %dma_wait3A_223 : memref<1x128xi32, #tpu.memory_space<vmem>> -> memref<128xi32, #tpu.memory_space<vmem>>
          %dma_wait3A_225 = arith.constant 0 : i32
          %dma_wait3A_226 = arith.constant 0 : i32
          %dma_wait3A_227 = tpu.memref_slice %arg8[%dma_wait3A_225, %dma_wait3A_226] : memref<10240x128xf32, #tpu.memory_space<vmem_shared>> -> memref<10240x128xf32, #tpu.memory_space<vmem_shared>>
          tpu.wait_indirect_dma semaphore(%arg16 : memref<!tpu.dma_semaphore, #tpu.memory_space<semaphore_mem>>) src(%arg12 : memref<128x128xf32, #tpu.memory_space<vmem>>) dst(%dma_wait3A_227 : memref<10240x128xf32, #tpu.memory_space<vmem_shared>>)
        } else {
        }
        %dma_start3A_198 = arith.constant 0 : i32
        %dma_start3A_199 = tpu.memref_slice %arg9[%add3A_192, %dma_start3A_198] : memref<52x128xi32, #tpu.memory_space<vmem>> -> memref<1x128xi32, #tpu.memory_space<vmem>>
        %dma_start3A_200 = tpu.memref_squeeze %dma_start3A_199 : memref<1x128xi32, #tpu.memory_space<vmem>> -> memref<128xi32, #tpu.memory_space<vmem>>
        %dma_start3A_201 = arith.constant 0 : i32
        %dma_start3A_202 = arith.constant 0 : i32
        %dma_start3A_203 = tpu.memref_slice %arg2[%dma_start3A_201, %dma_start3A_202] : memref<10000x128xf32, #tpu.memory_space<hbm>> -> memref<10000x128xf32, #tpu.memory_space<hbm>>
        tpu.enqueue_indirect_dma source(%dma_start3A_203 : memref<10000x128xf32, #tpu.memory_space<hbm>>) target(%arg12 : memref<128x128xf32, #tpu.memory_space<vmem>>) offsets(%dma_start3A_200 : memref<128xi32, #tpu.memory_space<vmem>>) semaphore(%arg14 : memref<!tpu.dma_semaphore, #tpu.memory_space<semaphore_mem>>)
        %sub3A_204 = arith.constant 1 : i32
        %sub3A_205 = arith.subi %add3A_192, %sub3A_204 : i32
        %dma_wait3A_206 = arith.constant 0 : i32
        %dma_wait3A_207 = tpu.memref_slice %arg9[%sub3A_205, %dma_wait3A_206] : memref<52x128xi32, #tpu.memory_space<vmem>> -> memref<1x128xi32, #tpu.memory_space<vmem>>
        %dma_wait3A_208 = tpu.memref_squeeze %dma_wait3A_207 : memref<1x128xi32, #tpu.memory_space<vmem>> -> memref<128xi32, #tpu.memory_space<vmem>>
        %dma_wait3A_209 = arith.constant 0 : i32
        %dma_wait3A_210 = arith.constant 0 : i32
        %dma_wait3A_211 = tpu.memref_slice %arg2[%dma_wait3A_209, %dma_wait3A_210] : memref<10000x128xf32, #tpu.memory_space<hbm>> -> memref<10000x128xf32, #tpu.memory_space<hbm>>
        tpu.wait_indirect_dma semaphore(%arg13 : memref<!tpu.dma_semaphore, #tpu.memory_space<semaphore_mem>>) src(%dma_wait3A_211 : memref<10000x128xf32, #tpu.memory_space<hbm>>) dst(%arg11 : memref<128x128xf32, #tpu.memory_space<vmem>>)
        %sub3A_212 = arith.constant 1 : i32
        %sub3A_213 = arith.subi %add3A_192, %sub3A_212 : i32
        %dma_start3A_214 = arith.constant 0 : i32
        %dma_start3A_215 = tpu.memref_slice %arg10[%sub3A_213, %dma_start3A_214] : memref<52x128xi32, #tpu.memory_space<vmem>> -> memref<1x128xi32, #tpu.memory_space<vmem>>
        %dma_start3A_216 = tpu.memref_squeeze %dma_start3A_215 : memref<1x128xi32, #tpu.memory_space<vmem>> -> memref<128xi32, #tpu.memory_space<vmem>>
        %dma_start3A_217 = arith.constant 0 : i32
        %dma_start3A_218 = arith.constant 0 : i32
        %dma_start3A_219 = tpu.memref_slice %arg8[%dma_start3A_217, %dma_start3A_218] : memref<10240x128xf32, #tpu.memory_space<vmem_shared>> -> memref<10240x128xf32, #tpu.memory_space<vmem_shared>>
        tpu.enqueue_indirect_dma source(%arg11 : memref<128x128xf32, #tpu.memory_space<vmem>>) target(%dma_start3A_219 : memref<10240x128xf32, #tpu.memory_space<vmem_shared>>) offsets(%dma_start3A_216 : memref<128xi32, #tpu.memory_space<vmem>>) semaphore(%arg15 : memref<!tpu.dma_semaphore, #tpu.memory_space<semaphore_mem>>) {add = true}
      }
      %while3A_54 = arith.constant 1 : i32
      scf.for %while3A_174 = %while3A_52 to %while3A_48 step %while3A_54  : i32 {
        %mul3A_175 = arith.constant 2 : i32
        %mul3A_176 = arith.muli %mul3A_175, %while3A_174 : i32
        %add3A_177 = arith.constant 0 : i32
        %add3A_178 = arith.addi %mul3A_176, %add3A_177 : i32
        %ge3A = arith.constant 1 : i32
        %ge3A_179 = arith.cmpi sge, %while3A_174, %ge3A : i32
        %convert_element_type3A_180 = arith.extui %ge3A_179 : i1 to i32
        %cond3A_181 = arith.constant 0 : i32
        %cond3A_182 = arith.cmpi ne, %convert_element_type3A_180, %cond3A_181 : i32
        scf.if %cond3A_182 {
          %sub3A_220 = arith.constant 2 : i32
          %sub3A_221 = arith.subi %add3A_178, %sub3A_220 : i32
          %dma_wait3A_222 = arith.constant 0 : i32
          %dma_wait3A_223 = tpu.memref_slice %arg10[%sub3A_221, %dma_wait3A_222] : memref<52x128xi32, #tpu.memory_space<vmem>> -> memref<1x128xi32, #tpu.memory_space<vmem>>
          %dma_wait3A_224 = tpu.memref_squeeze %dma_wait3A_223 : memref<1x128xi32, #tpu.memory_space<vmem>> -> memref<128xi32, #tpu.memory_space<vmem>>
          %dma_wait3A_225 = arith.constant 0 : i32
          %dma_wait3A_226 = arith.constant 0 : i32
          %dma_wait3A_227 = tpu.memref_slice %arg8[%dma_wait3A_225, %dma_wait3A_226] : memref<10240x128xf32, #tpu.memory_space<vmem_shared>> -> memref<10240x128xf32, #tpu.memory_space<vmem_shared>>
          tpu.wait_indirect_dma semaphore(%arg15 : memref<!tpu.dma_semaphore, #tpu.memory_space<semaphore_mem>>) src(%arg11 : memref<128x128xf32, #tpu.memory_space<vmem>>) dst(%dma_wait3A_227 : memref<10240x128xf32, #tpu.memory_space<vmem_shared>>)
          %sub3A_228 = arith.constant 1 : i32
          %sub3A_229 = arith.subi %add3A_178, %sub3A_228 : i32
          %dma_wait3A_230 = arith.constant 0 : i32
          %dma_wait3A_231 = tpu.memref_slice %arg9[%sub3A_229, %dma_wait3A_230] : memref<52x128xi32, #tpu.memory_space<vmem>> -> memref<1x128xi32, #tpu.memory_space<vmem>>
          %dma_wait3A_232 = tpu.memref_squeeze %dma_wait3A_231 : memref<1x128xi32, #tpu.memory_space<vmem>> -> memref<128xi32, #tpu.memory_space<vmem>>
          %dma_wait3A_233 = arith.constant 0 : i32
          %dma_wait3A_234 = arith.constant 0 : i32
          %dma_wait3A_235 = tpu.memref_slice %arg2[%dma_wait3A_233, %dma_wait3A_234] : memref<10000x128xf32, #tpu.memory_space<hbm>> -> memref<10000x128xf32, #tpu.memory_space<hbm>>
          tpu.wait_indirect_dma semaphore(%arg14 : memref<!tpu.dma_semaphore, #tpu.memory_space<semaphore_mem>>) src(%dma_wait3A_235 : memref<10000x128xf32, #tpu.memory_space<hbm>>) dst(%arg12 : memref<128x128xf32, #tpu.memory_space<vmem>>)
          %sub3A_236 = arith.constant 1 : i32
          %sub3A_237 = arith.subi %add3A_178, %sub3A_236 : i32
          %dma_start3A_238 = arith.constant 0 : i32
          %dma_start3A_239 = tpu.memref_slice %arg10[%sub3A_237, %dma_start3A_238] : memref<52x128xi32, #tpu.memory_space<vmem>> -> memref<1x128xi32, #tpu.memory_space<vmem>>
          %dma_start3A_240 = tpu.memref_squeeze %dma_start3A_239 : memref<1x128xi32, #tpu.memory_space<vmem>> -> memref<128xi32, #tpu.memory_space<vmem>>
          %dma_start3A_241 = arith.constant 0 : i32
          %dma_start3A_242 = arith.constant 0 : i32
          %dma_start3A_243 = tpu.memref_slice %arg8[%dma_start3A_241, %dma_start3A_242] : memref<10240x128xf32, #tpu.memory_space<vmem_shared>> -> memref<10240x128xf32, #tpu.memory_space<vmem_shared>>
          tpu.enqueue_indirect_dma source(%arg12 : memref<128x128xf32, #tpu.memory_space<vmem>>) target(%dma_start3A_243 : memref<10240x128xf32, #tpu.memory_space<vmem_shared>>) offsets(%dma_start3A_240 : memref<128xi32, #tpu.memory_space<vmem>>) semaphore(%arg16 : memref<!tpu.dma_semaphore, #tpu.memory_space<semaphore_mem>>) {add = true}
        } else {
        }
        %dma_start3A_183 = arith.constant 0 : i32
        %dma_start3A_184 = tpu.memref_slice %arg9[%add3A_178, %dma_start3A_183] : memref<52x128xi32, #tpu.memory_space<vmem>> -> memref<1x128xi32, #tpu.memory_space<vmem>>
        %dma_start3A_185 = tpu.memref_squeeze %dma_start3A_184 : memref<1x128xi32, #tpu.memory_space<vmem>> -> memref<128xi32, #tpu.memory_space<vmem>>
        %dma_start3A_186 = arith.constant 0 : i32
        %dma_start3A_187 = arith.constant 0 : i32
        %dma_start3A_188 = tpu.memref_slice %arg2[%dma_start3A_186, %dma_start3A_187] : memref<10000x128xf32, #tpu.memory_space<hbm>> -> memref<10000x128xf32, #tpu.memory_space<hbm>>
        tpu.enqueue_indirect_dma source(%dma_start3A_188 : memref<10000x128xf32, #tpu.memory_space<hbm>>) target(%arg11 : memref<128x128xf32, #tpu.memory_space<vmem>>) offsets(%dma_start3A_185 : memref<128xi32, #tpu.memory_space<vmem>>) semaphore(%arg13 : memref<!tpu.dma_semaphore, #tpu.memory_space<semaphore_mem>>)
        %mul3A_189 = arith.constant 2 : i32
        %mul3A_190 = arith.muli %mul3A_189, %while3A_174 : i32
        %add3A_191 = arith.constant 1 : i32
        %add3A_192 = arith.addi %mul3A_190, %add3A_191 : i32
        %ge3A_193 = arith.constant 1 : i32
        %ge3A_194 = arith.cmpi sge, %while3A_174, %ge3A_193 : i32
        %convert_element_type3A_195 = arith.extui %ge3A_194 : i1 to i32
        %cond3A_196 = arith.constant 0 : i32
        %cond3A_197 = arith.cmpi ne, %convert_element_type3A_195, %cond3A_196 : i32
        scf.if %cond3A_197 {
          %sub3A_220 = arith.constant 2 : i32
          %sub3A_221 = arith.subi %add3A_192, %sub3A_220 : i32
          %dma_wait3A_222 = arith.constant 0 : i32
          %dma_wait3A_223 = tpu.memref_slice %arg10[%sub3A_221, %dma_wait3A_222] : memref<52x128xi32, #tpu.memory_space<vmem>> -> memref<1x128xi32, #tpu.memory_space<vmem>>
          %dma_wait3A_224 = tpu.memref_squeeze %dma_wait3A_223 : memref<1x128xi32, #tpu.memory_space<vmem>> -> memref<128xi32, #tpu.memory_space<vmem>>
          %dma_wait3A_225 = arith.constant 0 : i32
          %dma_wait3A_226 = arith.constant 0 : i32
          %dma_wait3A_227 = tpu.memref_slice %arg8[%dma_wait3A_225, %dma_wait3A_226] : memref<10240x128xf32, #tpu.memory_space<vmem_shared>> -> memref<10240x128xf32, #tpu.memory_space<vmem_shared>>
          tpu.wait_indirect_dma semaphore(%arg16 : memref<!tpu.dma_semaphore, #tpu.memory_space<semaphore_mem>>) src(%arg12 : memref<128x128xf32, #tpu.memory_space<vmem>>) dst(%dma_wait3A_227 : memref<10240x128xf32, #tpu.memory_space<vmem_shared>>)
        } else {
        }
        %dma_start3A_198 = arith.constant 0 : i32
        %dma_start3A_199 = tpu.memref_slice %arg9[%add3A_192, %dma_start3A_198] : memref<52x128xi32, #tpu.memory_space<vmem>> -> memref<1x128xi32, #tpu.memory_space<vmem>>
        %dma_start3A_200 = tpu.memref_squeeze %dma_start3A_199 : memref<1x128xi32, #tpu.memory_space<vmem>> -> memref<128xi32, #tpu.memory_space<vmem>>
        %dma_start3A_201 = arith.constant 0 : i32
        %dma_start3A_202 = arith.constant 0 : i32
        %dma_start3A_203 = tpu.memref_slice %arg2[%dma_start3A_201, %dma_start3A_202] : memref<10000x128xf32, #tpu.memory_space<hbm>> -> memref<10000x128xf32, #tpu.memory_space<hbm>>
        tpu.enqueue_indirect_dma source(%dma_start3A_203 : memref<10000x128xf32, #tpu.memory_space<hbm>>) target(%arg12 : memref<128x128xf32, #tpu.memory_space<vmem>>) offsets(%dma_start3A_200 : memref<128xi32, #tpu.memory_space<vmem>>) semaphore(%arg14 : memref<!tpu.dma_semaphore, #tpu.memory_space<semaphore_mem>>)
        %sub3A_204 = arith.constant 1 : i32
        %sub3A_205 = arith.subi %add3A_192, %sub3A_204 : i32
        %dma_wait3A_206 = arith.constant 0 : i32
        %dma_wait3A_207 = tpu.memref_slice %arg9[%sub3A_205, %dma_wait3A_206] : memref<52x128xi32, #tpu.memory_space<vmem>> -> memref<1x128xi32, #tpu.memory_space<vmem>>
        %dma_wait3A_208 = tpu.memref_squeeze %dma_wait3A_207 : memref<1x128xi32, #tpu.memory_space<vmem>> -> memref<128xi32, #tpu.memory_space<vmem>>
        %dma_wait3A_209 = arith.constant 0 : i32
        %dma_wait3A_210 = arith.constant 0 : i32
        %dma_wait3A_211 = tpu.memref_slice %arg2[%dma_wait3A_209, %dma_wait3A_210] : memref<10000x128xf32, #tpu.memory_space<hbm>> -> memref<10000x128xf32, #tpu.memory_space<hbm>>
        tpu.wait_indirect_dma semaphore(%arg13 : memref<!tpu.dma_semaphore, #tpu.memory_space<semaphore_mem>>) src(%dma_wait3A_211 : memref<10000x128xf32, #tpu.memory_space<hbm>>) dst(%arg11 : memref<128x128xf32, #tpu.memory_space<vmem>>)
        %sub3A_212 = arith.constant 1 : i32
        %sub3A_213 = arith.subi %add3A_192, %sub3A_212 : i32
        %dma_start3A_214 = arith.constant 0 : i32
        %dma_start3A_215 = tpu.memref_slice %arg10[%sub3A_213, %dma_start3A_214] : memref<52x128xi32, #tpu.memory_space<vmem>> -> memref<1x128xi32, #tpu.memory_space<vmem>>
        %dma_start3A_216 = tpu.memref_squeeze %dma_start3A_215 : memref<1x128xi32, #tpu.memory_space<vmem>> -> memref<128xi32, #tpu.memory_space<vmem>>
        %dma_start3A_217 = arith.constant 0 : i32
        %dma_start3A_218 = arith.constant 0 : i32
        %dma_start3A_219 = tpu.memref_slice %arg8[%dma_start3A_217, %dma_start3A_218] : memref<10240x128xf32, #tpu.memory_space<vmem_shared>> -> memref<10240x128xf32, #tpu.memory_space<vmem_shared>>
        tpu.enqueue_indirect_dma source(%arg11 : memref<128x128xf32, #tpu.memory_space<vmem>>) target(%dma_start3A_219 : memref<10240x128xf32, #tpu.memory_space<vmem_shared>>) offsets(%dma_start3A_216 : memref<128xi32, #tpu.memory_space<vmem>>) semaphore(%arg15 : memref<!tpu.dma_semaphore, #tpu.memory_space<semaphore_mem>>) {add = true}
      }
      %sub3A_55 = arith.constant 1 : i32
      %sub3A_56 = arith.subi %select_n3A, %sub3A_55 : i32
      %dma_wait3A = arith.constant 0 : i32
      %dma_wait3A_57 = tpu.memref_slice %arg9[%sub3A_56, %dma_wait3A] : memref<52x128xi32, #tpu.memory_space<vmem>> -> memref<1x128xi32, #tpu.memory_space<vmem>>
      %dma_wait3A_58 = tpu.memref_squeeze %dma_wait3A_57 : memref<1x128xi32, #tpu.memory_space<vmem>> -> memref<128xi32, #tpu.memory_space<vmem>>
      %dma_wait3A_59 = arith.constant 0 : i32
      %dma_wait3A_60 = arith.constant 0 : i32
      %dma_wait3A_61 = tpu.memref_slice %arg2[%dma_wait3A_59, %dma_wait3A_60] : memref<10000x128xf32, #tpu.memory_space<hbm>> -> memref<10000x128xf32, #tpu.memory_space<hbm>>
      tpu.wait_indirect_dma semaphore(%arg14 : memref<!tpu.dma_semaphore, #tpu.memory_space<semaphore_mem>>) src(%dma_wait3A_61 : memref<10000x128xf32, #tpu.memory_space<hbm>>) dst(%arg12 : memref<128x128xf32, #tpu.memory_space<vmem>>)
      %dma_start3A = arith.constant 0 : i32
      %dma_start3A_62 = tpu.memref_slice %arg10[%sub3A_56, %dma_start3A] : memref<52x128xi32, #tpu.memory_space<vmem>> -> memref<1x128xi32, #tpu.memory_space<vmem>>
      %dma_start3A_63 = tpu.memref_squeeze %dma_start3A_62 : memref<1x128xi32, #tpu.memory_space<vmem>> -> memref<128xi32, #tpu.memory_space<vmem>>
      %dma_start3A_64 = arith.constant 0 : i32
      %dma_start3A_65 = arith.constant 0 : i32
      %dma_start3A_66 = tpu.memref_slice %arg8[%dma_start3A_64, %dma_start3A_65] : memref<10240x128xf32, #tpu.memory_space<vmem_shared>> -> memref<10240x128xf32, #tpu.memory_space<vmem_shared>>
      tpu.enqueue_indirect_dma source(%arg12 : memref<128x128xf32, #tpu.memory_space<vmem>>) target(%dma_start3A_66 : memref<10240x128xf32, #tpu.memory_space<vmem_shared>>) offsets(%dma_start3A_63 : memref<128xi32, #tpu.memory_space<vmem>>) semaphore(%arg16 : memref<!tpu.dma_semaphore, #tpu.memory_space<semaphore_mem>>) {add = true}
      %sub3A_67 = arith.constant 2 : i32
      %sub3A_68 = arith.subi %select_n3A, %sub3A_67 : i32
      %add3A_69 = arith.constant 0 : i32
      %add3A_70 = arith.addi %sub3A_68, %add3A_69 : i32
      %dma_wait3A_71 = arith.constant 0 : i32
      %dma_wait3A_72 = tpu.memref_slice %arg10[%add3A_70, %dma_wait3A_71] : memref<52x128xi32, #tpu.memory_space<vmem>> -> memref<1x128xi32, #tpu.memory_space<vmem>>
      %dma_wait3A_73 = tpu.memref_squeeze %dma_wait3A_72 : memref<1x128xi32, #tpu.memory_space<vmem>> -> memref<128xi32, #tpu.memory_space<vmem>>
      %dma_wait3A_74 = arith.constant 0 : i32
      %dma_wait3A_75 = arith.constant 0 : i32
      %dma_wait3A_76 = tpu.memref_slice %arg8[%dma_wait3A_74, %dma_wait3A_75] : memref<10240x128xf32, #tpu.memory_space<vmem_shared>> -> memref<10240x128xf32, #tpu.memory_space<vmem_shared>>
      tpu.wait_indirect_dma semaphore(%arg15 : memref<!tpu.dma_semaphore, #tpu.memory_space<semaphore_mem>>) src(%arg11 : memref<128x128xf32, #tpu.memory_space<vmem>>) dst(%dma_wait3A_76 : memref<10240x128xf32, #tpu.memory_space<vmem_shared>>)
      %sub3A_77 = arith.constant 2 : i32
      %sub3A_78 = arith.subi %select_n3A, %sub3A_77 : i32
      %add3A_79 = arith.constant 1 : i32
      %add3A_80 = arith.addi %sub3A_78, %add3A_79 : i32
      %dma_wait3A_81 = arith.constant 0 : i32
      %dma_wait3A_82 = tpu.memref_slice %arg10[%add3A_80, %dma_wait3A_81] : memref<52x128xi32, #tpu.memory_space<vmem>> -> memref<1x128xi32, #tpu.memory_space<vmem>>
      %dma_wait3A_83 = tpu.memref_squeeze %dma_wait3A_82 : memref<1x128xi32, #tpu.memory_space<vmem>> -> memref<128xi32, #tpu.memory_space<vmem>>
      %dma_wait3A_84 = arith.constant 0 : i32
      %dma_wait3A_85 = arith.constant 0 : i32
      %dma_wait3A_86 = tpu.memref_slice %arg8[%dma_wait3A_84, %dma_wait3A_85] : memref<10240x128xf32, #tpu.memory_space<vmem_shared>> -> memref<10240x128xf32, #tpu.memory_space<vmem_shared>>
      tpu.wait_indirect_dma semaphore(%arg16 : memref<!tpu.dma_semaphore, #tpu.memory_space<semaphore_mem>>) src(%arg12 : memref<128x128xf32, #tpu.memory_space<vmem>>) dst(%dma_wait3A_86 : memref<10240x128xf32, #tpu.memory_space<vmem_shared>>)
      %barrier3A_87 = arith.constant 0 : index
      tpu.barrier barrier_id(%barrier3A_87)
      "tpu.region"() ({
        %run_scoped3A = tpu.sem_alloc : memref<!tpu.dma_semaphore, #tpu.memory_space<semaphore_mem>>
        %dma_start3A_174 = arith.constant 0 : i32
        %dma_start3A_175 = tpu.memref_slice %arg6[%arg0, %mul3A_2, %dma_start3A_174] : memref<2x10240x128xf32, #tpu.memory_space<hbm>> -> memref<1x640x128xf32, #tpu.memory_space<hbm>>
        %dma_start3A_176 = tpu.memref_squeeze %dma_start3A_175 : memref<1x640x128xf32, #tpu.memory_space<hbm>> -> memref<640x128xf32, #tpu.memory_space<hbm>>
        %dma_start3A_177 = arith.constant 0 : i32
        %dma_start3A_178 = tpu.memref_slice %arg8[%mul3A_2, %dma_start3A_177] : memref<10240x128xf32, #tpu.memory_space<vmem_shared>> -> memref<640x128xf32, #tpu.memory_space<vmem_shared>>
        tpu.enqueue_dma source(%dma_start3A_178 : memref<640x128xf32, #tpu.memory_space<vmem_shared>>) target(%dma_start3A_176 : memref<640x128xf32, #tpu.memory_space<hbm>>) target_semaphore(%run_scoped3A : memref<!tpu.dma_semaphore, #tpu.memory_space<semaphore_mem>>)
        %dma_wait3A_179 = arith.constant 0 : i32
        %dma_wait3A_180 = tpu.memref_slice %arg6[%arg0, %mul3A_2, %dma_wait3A_179] : memref<2x10240x128xf32, #tpu.memory_space<hbm>> -> memref<1x640x128xf32, #tpu.memory_space<hbm>>
        %dma_wait3A_181 = tpu.memref_squeeze %dma_wait3A_180 : memref<1x640x128xf32, #tpu.memory_space<hbm>> -> memref<640x128xf32, #tpu.memory_space<hbm>>
        %dma_wait3A_182 = arith.constant 0 : i32
        %dma_wait3A_183 = tpu.memref_slice %arg8[%mul3A_2, %dma_wait3A_182] : memref<10240x128xf32, #tpu.memory_space<vmem_shared>> -> memref<640x128xf32, #tpu.memory_space<vmem_shared>>
        tpu.wait_dma2 semaphore(%run_scoped3A : memref<!tpu.dma_semaphore, #tpu.memory_space<semaphore_mem>>) src(%dma_wait3A_183 : memref<640x128xf32, #tpu.memory_space<vmem_shared>>) dst(%dma_wait3A_181 : memref<640x128xf32, #tpu.memory_space<hbm>>)
        tpu.yield
      }) : () -> ()
      %scan3A_88 = arith.constant 0 : i32
      %scan3A_89 = arith.constant 0 : i32
      %scan3A_90 = arith.constant 128 : i32
      %scan3A_91 = arith.addi %scan3A_89, %scan3A_90 : i32
      %scan3A_92 = arith.constant 1 : i32
      scf.for %scan3A_174 = %scan3A_89 to %scan3A_91 step %scan3A_92  : i32 {
        %broadcast_in_dim3A = arith.constant 0.000000e+00 : f32
        %broadcast_in_dim3A_175 = vector.broadcast %broadcast_in_dim3A : f32 to vector<16xf32>
        %swap3A = arith.index_cast %scan3A_174 : i32 to index
        %swap3A_176 = arith.constant 0 : index
        %swap3A_177 = tpu.vector_load %arg11[%swap3A, %swap3A_176] {strides = array<i32>} : memref<128x128xf32, #tpu.memory_space<vmem>>, vector<1x16xf32>,
        %swap3A_178 = vector.shape_cast %swap3A_177 : vector<1x16xf32> to vector<16xf32>
        %swap3A_179 = vector.shape_cast %broadcast_in_dim3A_175 : vector<16xf32> to vector<1x16xf32>
        tpu.vector_store %arg11[%swap3A, %swap3A_176], %swap3A_179 {strides = array<i32>} : memref<128x128xf32, #tpu.memory_space<vmem>>, vector<1x16xf32>,
        %broadcast_in_dim3A_180 = arith.constant 0.000000e+00 : f32
        %broadcast_in_dim3A_181 = vector.broadcast %broadcast_in_dim3A_180 : f32 to vector<16xf32>
        %swap3A_182 = arith.index_cast %scan3A_174 : i32 to index
        %swap3A_183 = arith.constant 16 : index
        %swap3A_184 = tpu.vector_load %arg11[%swap3A_182, %swap3A_183] {strides = array<i32>} : memref<128x128xf32, #tpu.memory_space<vmem>>, vector<1x16xf32>,
        %swap3A_185 = vector.shape_cast %swap3A_184 : vector<1x16xf32> to vector<16xf32>
        %swap3A_186 = vector.shape_cast %broadcast_in_dim3A_181 : vector<16xf32> to vector<1x16xf32>
        tpu.vector_store %arg11[%swap3A_182, %swap3A_183], %swap3A_186 {strides = array<i32>} : memref<128x128xf32, #tpu.memory_space<vmem>>, vector<1x16xf32>,
        %broadcast_in_dim3A_187 = arith.constant 0.000000e+00 : f32
        %broadcast_in_dim3A_188 = vector.broadcast %broadcast_in_dim3A_187 : f32 to vector<16xf32>
        %swap3A_189 = arith.index_cast %scan3A_174 : i32 to index
        %swap3A_190 = arith.constant 32 : index
        %swap3A_191 = tpu.vector_load %arg11[%swap3A_189, %swap3A_190] {strides = array<i32>} : memref<128x128xf32, #tpu.memory_space<vmem>>, vector<1x16xf32>,
        %swap3A_192 = vector.shape_cast %swap3A_191 : vector<1x16xf32> to vector<16xf32>
        %swap3A_193 = vector.shape_cast %broadcast_in_dim3A_188 : vector<16xf32> to vector<1x16xf32>
        tpu.vector_store %arg11[%swap3A_189, %swap3A_190], %swap3A_193 {strides = array<i32>} : memref<128x128xf32, #tpu.memory_space<vmem>>, vector<1x16xf32>,
        %broadcast_in_dim3A_194 = arith.constant 0.000000e+00 : f32
        %broadcast_in_dim3A_195 = vector.broadcast %broadcast_in_dim3A_194 : f32 to vector<16xf32>
        %swap3A_196 = arith.index_cast %scan3A_174 : i32 to index
        %swap3A_197 = arith.constant 48 : index
        %swap3A_198 = tpu.vector_load %arg11[%swap3A_196, %swap3A_197] {strides = array<i32>} : memref<128x128xf32, #tpu.memory_space<vmem>>, vector<1x16xf32>,
        %swap3A_199 = vector.shape_cast %swap3A_198 : vector<1x16xf32> to vector<16xf32>
        %swap3A_200 = vector.shape_cast %broadcast_in_dim3A_195 : vector<16xf32> to vector<1x16xf32>
        tpu.vector_store %arg11[%swap3A_196, %swap3A_197], %swap3A_200 {strides = array<i32>} : memref<128x128xf32, #tpu.memory_space<vmem>>, vector<1x16xf32>,
        %broadcast_in_dim3A_201 = arith.constant 0.000000e+00 : f32
        %broadcast_in_dim3A_202 = vector.broadcast %broadcast_in_dim3A_201 : f32 to vector<16xf32>
        %swap3A_203 = arith.index_cast %scan3A_174 : i32 to index
        %swap3A_204 = arith.constant 64 : index
        %swap3A_205 = tpu.vector_load %arg11[%swap3A_203, %swap3A_204] {strides = array<i32>} : memref<128x128xf32, #tpu.memory_space<vmem>>, vector<1x16xf32>,
        %swap3A_206 = vector.shape_cast %swap3A_205 : vector<1x16xf32> to vector<16xf32>
        %swap3A_207 = vector.shape_cast %broadcast_in_dim3A_202 : vector<16xf32> to vector<1x16xf32>
        tpu.vector_store %arg11[%swap3A_203, %swap3A_204], %swap3A_207 {strides = array<i32>} : memref<128x128xf32, #tpu.memory_space<vmem>>, vector<1x16xf32>,
        %broadcast_in_dim3A_208 = arith.constant 0.000000e+00 : f32
        %broadcast_in_dim3A_209 = vector.broadcast %broadcast_in_dim3A_208 : f32 to vector<16xf32>
        %swap3A_210 = arith.index_cast %scan3A_174 : i32 to index
        %swap3A_211 = arith.constant 80 : index
        %swap3A_212 = tpu.vector_load %arg11[%swap3A_210, %swap3A_211] {strides = array<i32>} : memref<128x128xf32, #tpu.memory_space<vmem>>, vector<1x16xf32>,
        %swap3A_213 = vector.shape_cast %swap3A_212 : vector<1x16xf32> to vector<16xf32>
        %swap3A_214 = vector.shape_cast %broadcast_in_dim3A_209 : vector<16xf32> to vector<1x16xf32>
        tpu.vector_store %arg11[%swap3A_210, %swap3A_211], %swap3A_214 {strides = array<i32>} : memref<128x128xf32, #tpu.memory_space<vmem>>, vector<1x16xf32>,
        %broadcast_in_dim3A_215 = arith.constant 0.000000e+00 : f32
        %broadcast_in_dim3A_216 = vector.broadcast %broadcast_in_dim3A_215 : f32 to vector<16xf32>
        %swap3A_217 = arith.index_cast %scan3A_174 : i32 to index
        %swap3A_218 = arith.constant 96 : index
        %swap3A_219 = tpu.vector_load %arg11[%swap3A_217, %swap3A_218] {strides = array<i32>} : memref<128x128xf32, #tpu.memory_space<vmem>>, vector<1x16xf32>,
        %swap3A_220 = vector.shape_cast %swap3A_219 : vector<1x16xf32> to vector<16xf32>
        %swap3A_221 = vector.shape_cast %broadcast_in_dim3A_216 : vector<16xf32> to vector<1x16xf32>
        tpu.vector_store %arg11[%swap3A_217, %swap3A_218], %swap3A_221 {strides = array<i32>} : memref<128x128xf32, #tpu.memory_space<vmem>>, vector<1x16xf32>,
        %broadcast_in_dim3A_222 = arith.constant 0.000000e+00 : f32
        %broadcast_in_dim3A_223 = vector.broadcast %broadcast_in_dim3A_222 : f32 to vector<16xf32>
        %swap3A_224 = arith.index_cast %scan3A_174 : i32 to index
        %swap3A_225 = arith.constant 112 : index
        %swap3A_226 = tpu.vector_load %arg11[%swap3A_224, %swap3A_225] {strides = array<i32>} : memref<128x128xf32, #tpu.memory_space<vmem>>, vector<1x16xf32>,
        %swap3A_227 = vector.shape_cast %swap3A_226 : vector<1x16xf32> to vector<16xf32>
        %swap3A_228 = vector.shape_cast %broadcast_in_dim3A_223 : vector<16xf32> to vector<1x16xf32>
        tpu.vector_store %arg11[%swap3A_224, %swap3A_225], %swap3A_228 {strides = array<i32>} : memref<128x128xf32, #tpu.memory_space<vmem>>, vector<1x16xf32>,
      }
      %scan3A_93 = arith.constant 128 : i32
      %add3A_94 = arith.constant 0 : i32
      %add3A_95 = arith.addi %mul3A_2, %add3A_94 : i32
      "tpu.region"() ({
        %run_scoped3A = tpu.sem_alloc : memref<!tpu.dma_semaphore, #tpu.memory_space<semaphore_mem>>
        %dma_start3A_174 = arith.constant 0 : i32
        %dma_start3A_175 = tpu.memref_slice %arg8[%add3A_95, %dma_start3A_174] : memref<10240x128xf32, #tpu.memory_space<vmem_shared>> -> memref<128x128xf32, #tpu.memory_space<vmem_shared>>
        %dma_start3A_176 = arith.constant 0 : i32
        %dma_start3A_177 = tpu.memref_slice %arg8[%add3A_95, %dma_start3A_176] : memref<10240x128xf32, #tpu.memory_space<vmem_shared>> -> memref<128x128xf32, #tpu.memory_space<vmem_shared>>
        tpu.enqueue_dma source(%arg11 : memref<128x128xf32, #tpu.memory_space<vmem>>) target(%dma_start3A_177 : memref<128x128xf32, #tpu.memory_space<vmem_shared>>) target_semaphore(%run_scoped3A : memref<!tpu.dma_semaphore, #tpu.memory_space<semaphore_mem>>)
        %dma_wait3A_178 = arith.constant 0 : i32
        %dma_wait3A_179 = tpu.memref_slice %arg8[%add3A_95, %dma_wait3A_178] : memref<10240x128xf32, #tpu.memory_space<vmem_shared>> -> memref<128x128xf32, #tpu.memory_space<vmem_shared>>
        %dma_wait3A_180 = arith.constant 0 : i32
        %dma_wait3A_181 = tpu.memref_slice %arg8[%add3A_95, %dma_wait3A_180] : memref<10240x128xf32, #tpu.memory_space<vmem_shared>> -> memref<128x128xf32, #tpu.memory_space<vmem_shared>>
        tpu.wait_dma2 semaphore(%run_scoped3A : memref<!tpu.dma_semaphore, #tpu.memory_space<semaphore_mem>>) src(%arg11 : memref<128x128xf32, #tpu.memory_space<vmem>>) dst(%dma_wait3A_181 : memref<128x128xf32, #tpu.memory_space<vmem_shared>>)
        tpu.yield
      }) : () -> ()
      %add3A_96 = arith.constant 128 : i32
      %add3A_97 = arith.addi %mul3A_2, %add3A_96 : i32
      "tpu.region"() ({
        %run_scoped3A = tpu.sem_alloc : memref<!tpu.dma_semaphore, #tpu.memory_space<semaphore_mem>>
        %dma_start3A_174 = arith.constant 0 : i32
        %dma_start3A_175 = tpu.memref_slice %arg8[%add3A_97, %dma_start3A_174] : memref<10240x128xf32, #tpu.memory_space<vmem_shared>> -> memref<128x128xf32, #tpu.memory_space<vmem_shared>>
        %dma_start3A_176 = arith.constant 0 : i32
        %dma_start3A_177 = tpu.memref_slice %arg8[%add3A_97, %dma_start3A_176] : memref<10240x128xf32, #tpu.memory_space<vmem_shared>> -> memref<128x128xf32, #tpu.memory_space<vmem_shared>>
        tpu.enqueue_dma source(%arg11 : memref<128x128xf32, #tpu.memory_space<vmem>>) target(%dma_start3A_177 : memref<128x128xf32, #tpu.memory_space<vmem_shared>>) target_semaphore(%run_scoped3A : memref<!tpu.dma_semaphore, #tpu.memory_space<semaphore_mem>>)
        %dma_wait3A_178 = arith.constant 0 : i32
        %dma_wait3A_179 = tpu.memref_slice %arg8[%add3A_97, %dma_wait3A_178] : memref<10240x128xf32, #tpu.memory_space<vmem_shared>> -> memref<128x128xf32, #tpu.memory_space<vmem_shared>>
        %dma_wait3A_180 = arith.constant 0 : i32
        %dma_wait3A_181 = tpu.memref_slice %arg8[%add3A_97, %dma_wait3A_180] : memref<10240x128xf32, #tpu.memory_space<vmem_shared>> -> memref<128x128xf32, #tpu.memory_space<vmem_shared>>
        tpu.wait_dma2 semaphore(%run_scoped3A : memref<!tpu.dma_semaphore, #tpu.memory_space<semaphore_mem>>) src(%arg11 : memref<128x128xf32, #tpu.memory_space<vmem>>) dst(%dma_wait3A_181 : memref<128x128xf32, #tpu.memory_space<vmem_shared>>)
        tpu.yield
      }) : () -> ()
      %add3A_98 = arith.constant 256 : i32
      %add3A_99 = arith.addi %mul3A_2, %add3A_98 : i32
      "tpu.region"() ({
        %run_scoped3A = tpu.sem_alloc : memref<!tpu.dma_semaphore, #tpu.memory_space<semaphore_mem>>
        %dma_start3A_174 = arith.constant 0 : i32
        %dma_start3A_175 = tpu.memref_slice %arg8[%add3A_99, %dma_start3A_174] : memref<10240x128xf32, #tpu.memory_space<vmem_shared>> -> memref<128x128xf32, #tpu.memory_space<vmem_shared>>
        %dma_start3A_176 = arith.constant 0 : i32
        %dma_start3A_177 = tpu.memref_slice %arg8[%add3A_99, %dma_start3A_176] : memref<10240x128xf32, #tpu.memory_space<vmem_shared>> -> memref<128x128xf32, #tpu.memory_space<vmem_shared>>
        tpu.enqueue_dma source(%arg11 : memref<128x128xf32, #tpu.memory_space<vmem>>) target(%dma_start3A_177 : memref<128x128xf32, #tpu.memory_space<vmem_shared>>) target_semaphore(%run_scoped3A : memref<!tpu.dma_semaphore, #tpu.memory_space<semaphore_mem>>)
        %dma_wait3A_178 = arith.constant 0 : i32
        %dma_wait3A_179 = tpu.memref_slice %arg8[%add3A_99, %dma_wait3A_178] : memref<10240x128xf32, #tpu.memory_space<vmem_shared>> -> memref<128x128xf32, #tpu.memory_space<vmem_shared>>
        %dma_wait3A_180 = arith.constant 0 : i32
        %dma_wait3A_181 = tpu.memref_slice %arg8[%add3A_99, %dma_wait3A_180] : memref<10240x128xf32, #tpu.memory_space<vmem_shared>> -> memref<128x128xf32, #tpu.memory_space<vmem_shared>>
        tpu.wait_dma2 semaphore(%run_scoped3A : memref<!tpu.dma_semaphore, #tpu.memory_space<semaphore_mem>>) src(%arg11 : memref<128x128xf32, #tpu.memory_space<vmem>>) dst(%dma_wait3A_181 : memref<128x128xf32, #tpu.memory_space<vmem_shared>>)
        tpu.yield
      }) : () -> ()
      %add3A_100 = arith.constant 384 : i32
      %add3A_101 = arith.addi %mul3A_2, %add3A_100 : i32
      "tpu.region"() ({
        %run_scoped3A = tpu.sem_alloc : memref<!tpu.dma_semaphore, #tpu.memory_space<semaphore_mem>>
        %dma_start3A_174 = arith.constant 0 : i32
        %dma_start3A_175 = tpu.memref_slice %arg8[%add3A_101, %dma_start3A_174] : memref<10240x128xf32, #tpu.memory_space<vmem_shared>> -> memref<128x128xf32, #tpu.memory_space<vmem_shared>>
        %dma_start3A_176 = arith.constant 0 : i32
        %dma_start3A_177 = tpu.memref_slice %arg8[%add3A_101, %dma_start3A_176] : memref<10240x128xf32, #tpu.memory_space<vmem_shared>> -> memref<128x128xf32, #tpu.memory_space<vmem_shared>>
        tpu.enqueue_dma source(%arg11 : memref<128x128xf32, #tpu.memory_space<vmem>>) target(%dma_start3A_177 : memref<128x128xf32, #tpu.memory_space<vmem_shared>>) target_semaphore(%run_scoped3A : memref<!tpu.dma_semaphore, #tpu.memory_space<semaphore_mem>>)
        %dma_wait3A_178 = arith.constant 0 : i32
        %dma_wait3A_179 = tpu.memref_slice %arg8[%add3A_101, %dma_wait3A_178] : memref<10240x128xf32, #tpu.memory_space<vmem_shared>> -> memref<128x128xf32, #tpu.memory_space<vmem_shared>>
        %dma_wait3A_180 = arith.constant 0 : i32
        %dma_wait3A_181 = tpu.memref_slice %arg8[%add3A_101, %dma_wait3A_180] : memref<10240x128xf32, #tpu.memory_space<vmem_shared>> -> memref<128x128xf32, #tpu.memory_space<vmem_shared>>
        tpu.wait_dma2 semaphore(%run_scoped3A : memref<!tpu.dma_semaphore, #tpu.memory_space<semaphore_mem>>) src(%arg11 : memref<128x128xf32, #tpu.memory_space<vmem>>) dst(%dma_wait3A_181 : memref<128x128xf32, #tpu.memory_space<vmem_shared>>)
        tpu.yield
      }) : () -> ()
      %add3A_102 = arith.constant 512 : i32
      %add3A_103 = arith.addi %mul3A_2, %add3A_102 : i32
      "tpu.region"() ({
        %run_scoped3A = tpu.sem_alloc : memref<!tpu.dma_semaphore, #tpu.memory_space<semaphore_mem>>
        %dma_start3A_174 = arith.constant 0 : i32
        %dma_start3A_175 = tpu.memref_slice %arg8[%add3A_103, %dma_start3A_174] : memref<10240x128xf32, #tpu.memory_space<vmem_shared>> -> memref<128x128xf32, #tpu.memory_space<vmem_shared>>
        %dma_start3A_176 = arith.constant 0 : i32
        %dma_start3A_177 = tpu.memref_slice %arg8[%add3A_103, %dma_start3A_176] : memref<10240x128xf32, #tpu.memory_space<vmem_shared>> -> memref<128x128xf32, #tpu.memory_space<vmem_shared>>
        tpu.enqueue_dma source(%arg11 : memref<128x128xf32, #tpu.memory_space<vmem>>) target(%dma_start3A_177 : memref<128x128xf32, #tpu.memory_space<vmem_shared>>) target_semaphore(%run_scoped3A : memref<!tpu.dma_semaphore, #tpu.memory_space<semaphore_mem>>)
        %dma_wait3A_178 = arith.constant 0 : i32
        %dma_wait3A_179 = tpu.memref_slice %arg8[%add3A_103, %dma_wait3A_178] : memref<10240x128xf32, #tpu.memory_space<vmem_shared>> -> memref<128x128xf32, #tpu.memory_space<vmem_shared>>
        %dma_wait3A_180 = arith.constant 0 : i32
        %dma_wait3A_181 = tpu.memref_slice %arg8[%add3A_103, %dma_wait3A_180] : memref<10240x128xf32, #tpu.memory_space<vmem_shared>> -> memref<128x128xf32, #tpu.memory_space<vmem_shared>>
        tpu.wait_dma2 semaphore(%run_scoped3A : memref<!tpu.dma_semaphore, #tpu.memory_space<semaphore_mem>>) src(%arg11 : memref<128x128xf32, #tpu.memory_space<vmem>>) dst(%dma_wait3A_181 : memref<128x128xf32, #tpu.memory_space<vmem_shared>>)
        tpu.yield
      }) : () -> ()
      %barrier3A_104 = arith.constant 0 : index
      tpu.barrier barrier_id(%barrier3A_104)
      %jit3A_105 = arith.constant 2 : i32
      %div3A_106 = arith.divsi %select_n3A, %jit3A_105 : i32
      %sign3A_107 = arith.constant 0 : i32
      %sign3A_108 = arith.cmpi sgt, %select_n3A, %sign3A_107 : i32
      %sign3A_109 = arith.extui %sign3A_108 : i1 to i32
      %sign3A_110 = arith.constant 0 : i32
      %sign3A_111 = arith.cmpi slt, %select_n3A, %sign3A_110 : i32
      %sign3A_112 = arith.extui %sign3A_111 : i1 to i32
      %sign3A_113 = arith.subi %sign3A_109, %sign3A_112 : i32
      %sign3A_114 = arith.constant 0 : i32
      %sign3A_115 = arith.cmpi sgt, %jit3A_105, %sign3A_114 : i32
      %sign3A_116 = arith.extui %sign3A_115 : i1 to i32
      %sign3A_117 = arith.constant 0 : i32
      %sign3A_118 = arith.cmpi slt, %jit3A_105, %sign3A_117 : i32
      %sign3A_119 = arith.extui %sign3A_118 : i1 to i32
      %sign3A_120 = arith.subi %sign3A_116, %sign3A_119 : i32
      %ne3A_121 = arith.cmpi ne, %sign3A_113, %sign3A_120 : i32
      %rem3A_122 = arith.remsi %select_n3A, %jit3A_105 : i32
      %ne3A_123 = arith.constant 0 : i32
      %ne3A_124 = arith.cmpi ne, %rem3A_122, %ne3A_123 : i32
      %and3A_125 = arith.andi %ne3A_121, %ne3A_124 : i1
      %sub3A_126 = arith.constant 1 : i32
      %sub3A_127 = arith.subi %div3A_106, %sub3A_126 : i32
      %select_n3A_128 = arith.select %and3A_125, %sub3A_127, %div3A_106 : i32
      %while3A_129 = arith.constant 0 : i32
      %while3A_130 = arith.constant 0 : i32
      %while3A_131 = arith.subi %select_n3A_128, %while3A_130 : i32
      %while3A_132 = arith.addi %while3A_130, %while3A_131 : i32
      %while3A_133 = arith.constant 1 : i32
      %while3A_134 = arith.divsi %while3A_131, %while3A_133 : i32
      %while3A_135 = arith.muli %while3A_134, %while3A_133 : i32
      %while3A_136 = arith.addi %while3A_130, %while3A_135 : i32
      %while3A_137 = arith.constant 1 : i32
      scf.for %while3A_174 = %while3A_130 to %while3A_136 step %while3A_137  : i32 {
        %mul3A_175 = arith.constant 2 : i32
        %mul3A_176 = arith.muli %mul3A_175, %while3A_174 : i32
        %add3A_177 = arith.constant 0 : i32
        %add3A_178 = arith.addi %mul3A_176, %add3A_177 : i32
        %ge3A = arith.constant 1 : i32
        %ge3A_179 = arith.cmpi sge, %while3A_174, %ge3A : i32
        %convert_element_type3A_180 = arith.extui %ge3A_179 : i1 to i32
        %cond3A_181 = arith.constant 0 : i32
        %cond3A_182 = arith.cmpi ne, %convert_element_type3A_180, %cond3A_181 : i32
        scf.if %cond3A_182 {
          %sub3A_220 = arith.constant 2 : i32
          %sub3A_221 = arith.subi %add3A_178, %sub3A_220 : i32
          %dma_wait3A_222 = arith.constant 0 : i32
          %dma_wait3A_223 = tpu.memref_slice %arg10[%sub3A_221, %dma_wait3A_222] : memref<52x128xi32, #tpu.memory_space<vmem>> -> memref<1x128xi32, #tpu.memory_space<vmem>>
          %dma_wait3A_224 = tpu.memref_squeeze %dma_wait3A_223 : memref<1x128xi32, #tpu.memory_space<vmem>> -> memref<128xi32, #tpu.memory_space<vmem>>
          %dma_wait3A_225 = arith.constant 0 : i32
          %dma_wait3A_226 = arith.constant 0 : i32
          %dma_wait3A_227 = tpu.memref_slice %arg8[%dma_wait3A_225, %dma_wait3A_226] : memref<10240x128xf32, #tpu.memory_space<vmem_shared>> -> memref<10240x128xf32, #tpu.memory_space<vmem_shared>>
          tpu.wait_indirect_dma semaphore(%arg15 : memref<!tpu.dma_semaphore, #tpu.memory_space<semaphore_mem>>) src(%arg11 : memref<128x128xf32, #tpu.memory_space<vmem>>) dst(%dma_wait3A_227 : memref<10240x128xf32, #tpu.memory_space<vmem_shared>>)
          %sub3A_228 = arith.constant 1 : i32
          %sub3A_229 = arith.subi %add3A_178, %sub3A_228 : i32
          %dma_wait3A_230 = arith.constant 0 : i32
          %dma_wait3A_231 = tpu.memref_slice %arg9[%sub3A_229, %dma_wait3A_230] : memref<52x128xi32, #tpu.memory_space<vmem>> -> memref<1x128xi32, #tpu.memory_space<vmem>>
          %dma_wait3A_232 = tpu.memref_squeeze %dma_wait3A_231 : memref<1x128xi32, #tpu.memory_space<vmem>> -> memref<128xi32, #tpu.memory_space<vmem>>
          %dma_wait3A_233 = arith.constant 0 : i32
          %dma_wait3A_234 = arith.constant 0 : i32
          %dma_wait3A_235 = tpu.memref_slice %arg3[%dma_wait3A_233, %dma_wait3A_234] : memref<10000x128xf32, #tpu.memory_space<hbm>> -> memref<10000x128xf32, #tpu.memory_space<hbm>>
          tpu.wait_indirect_dma semaphore(%arg14 : memref<!tpu.dma_semaphore, #tpu.memory_space<semaphore_mem>>) src(%dma_wait3A_235 : memref<10000x128xf32, #tpu.memory_space<hbm>>) dst(%arg12 : memref<128x128xf32, #tpu.memory_space<vmem>>)
          %sub3A_236 = arith.constant 1 : i32
          %sub3A_237 = arith.subi %add3A_178, %sub3A_236 : i32
          %dma_start3A_238 = arith.constant 0 : i32
          %dma_start3A_239 = tpu.memref_slice %arg10[%sub3A_237, %dma_start3A_238] : memref<52x128xi32, #tpu.memory_space<vmem>> -> memref<1x128xi32, #tpu.memory_space<vmem>>
          %dma_start3A_240 = tpu.memref_squeeze %dma_start3A_239 : memref<1x128xi32, #tpu.memory_space<vmem>> -> memref<128xi32, #tpu.memory_space<vmem>>
          %dma_start3A_241 = arith.constant 0 : i32
          %dma_start3A_242 = arith.constant 0 : i32
          %dma_start3A_243 = tpu.memref_slice %arg8[%dma_start3A_241, %dma_start3A_242] : memref<10240x128xf32, #tpu.memory_space<vmem_shared>> -> memref<10240x128xf32, #tpu.memory_space<vmem_shared>>
          tpu.enqueue_indirect_dma source(%arg12 : memref<128x128xf32, #tpu.memory_space<vmem>>) target(%dma_start3A_243 : memref<10240x128xf32, #tpu.memory_space<vmem_shared>>) offsets(%dma_start3A_240 : memref<128xi32, #tpu.memory_space<vmem>>) semaphore(%arg16 : memref<!tpu.dma_semaphore, #tpu.memory_space<semaphore_mem>>) {add = true}
        } else {
        }
        %dma_start3A_183 = arith.constant 0 : i32
        %dma_start3A_184 = tpu.memref_slice %arg9[%add3A_178, %dma_start3A_183] : memref<52x128xi32, #tpu.memory_space<vmem>> -> memref<1x128xi32, #tpu.memory_space<vmem>>
        %dma_start3A_185 = tpu.memref_squeeze %dma_start3A_184 : memref<1x128xi32, #tpu.memory_space<vmem>> -> memref<128xi32, #tpu.memory_space<vmem>>
        %dma_start3A_186 = arith.constant 0 : i32
        %dma_start3A_187 = arith.constant 0 : i32
        %dma_start3A_188 = tpu.memref_slice %arg3[%dma_start3A_186, %dma_start3A_187] : memref<10000x128xf32, #tpu.memory_space<hbm>> -> memref<10000x128xf32, #tpu.memory_space<hbm>>
        tpu.enqueue_indirect_dma source(%dma_start3A_188 : memref<10000x128xf32, #tpu.memory_space<hbm>>) target(%arg11 : memref<128x128xf32, #tpu.memory_space<vmem>>) offsets(%dma_start3A_185 : memref<128xi32, #tpu.memory_space<vmem>>) semaphore(%arg13 : memref<!tpu.dma_semaphore, #tpu.memory_space<semaphore_mem>>)
        %mul3A_189 = arith.constant 2 : i32
        %mul3A_190 = arith.muli %mul3A_189, %while3A_174 : i32
        %add3A_191 = arith.constant 1 : i32
        %add3A_192 = arith.addi %mul3A_190, %add3A_191 : i32
        %ge3A_193 = arith.constant 1 : i32
        %ge3A_194 = arith.cmpi sge, %while3A_174, %ge3A_193 : i32
        %convert_element_type3A_195 = arith.extui %ge3A_194 : i1 to i32
        %cond3A_196 = arith.constant 0 : i32
        %cond3A_197 = arith.cmpi ne, %convert_element_type3A_195, %cond3A_196 : i32
        scf.if %cond3A_197 {
          %sub3A_220 = arith.constant 2 : i32
          %sub3A_221 = arith.subi %add3A_192, %sub3A_220 : i32
          %dma_wait3A_222 = arith.constant 0 : i32
          %dma_wait3A_223 = tpu.memref_slice %arg10[%sub3A_221, %dma_wait3A_222] : memref<52x128xi32, #tpu.memory_space<vmem>> -> memref<1x128xi32, #tpu.memory_space<vmem>>
          %dma_wait3A_224 = tpu.memref_squeeze %dma_wait3A_223 : memref<1x128xi32, #tpu.memory_space<vmem>> -> memref<128xi32, #tpu.memory_space<vmem>>
          %dma_wait3A_225 = arith.constant 0 : i32
          %dma_wait3A_226 = arith.constant 0 : i32
          %dma_wait3A_227 = tpu.memref_slice %arg8[%dma_wait3A_225, %dma_wait3A_226] : memref<10240x128xf32, #tpu.memory_space<vmem_shared>> -> memref<10240x128xf32, #tpu.memory_space<vmem_shared>>
          tpu.wait_indirect_dma semaphore(%arg16 : memref<!tpu.dma_semaphore, #tpu.memory_space<semaphore_mem>>) src(%arg12 : memref<128x128xf32, #tpu.memory_space<vmem>>) dst(%dma_wait3A_227 : memref<10240x128xf32, #tpu.memory_space<vmem_shared>>)
        } else {
        }
        %dma_start3A_198 = arith.constant 0 : i32
        %dma_start3A_199 = tpu.memref_slice %arg9[%add3A_192, %dma_start3A_198] : memref<52x128xi32, #tpu.memory_space<vmem>> -> memref<1x128xi32, #tpu.memory_space<vmem>>
        %dma_start3A_200 = tpu.memref_squeeze %dma_start3A_199 : memref<1x128xi32, #tpu.memory_space<vmem>> -> memref<128xi32, #tpu.memory_space<vmem>>
        %dma_start3A_201 = arith.constant 0 : i32
        %dma_start3A_202 = arith.constant 0 : i32
        %dma_start3A_203 = tpu.memref_slice %arg3[%dma_start3A_201, %dma_start3A_202] : memref<10000x128xf32, #tpu.memory_space<hbm>> -> memref<10000x128xf32, #tpu.memory_space<hbm>>
        tpu.enqueue_indirect_dma source(%dma_start3A_203 : memref<10000x128xf32, #tpu.memory_space<hbm>>) target(%arg12 : memref<128x128xf32, #tpu.memory_space<vmem>>) offsets(%dma_start3A_200 : memref<128xi32, #tpu.memory_space<vmem>>) semaphore(%arg14 : memref<!tpu.dma_semaphore, #tpu.memory_space<semaphore_mem>>)
        %sub3A_204 = arith.constant 1 : i32
        %sub3A_205 = arith.subi %add3A_192, %sub3A_204 : i32
        %dma_wait3A_206 = arith.constant 0 : i32
        %dma_wait3A_207 = tpu.memref_slice %arg9[%sub3A_205, %dma_wait3A_206] : memref<52x128xi32, #tpu.memory_space<vmem>> -> memref<1x128xi32, #tpu.memory_space<vmem>>
        %dma_wait3A_208 = tpu.memref_squeeze %dma_wait3A_207 : memref<1x128xi32, #tpu.memory_space<vmem>> -> memref<128xi32, #tpu.memory_space<vmem>>
        %dma_wait3A_209 = arith.constant 0 : i32
        %dma_wait3A_210 = arith.constant 0 : i32
        %dma_wait3A_211 = tpu.memref_slice %arg3[%dma_wait3A_209, %dma_wait3A_210] : memref<10000x128xf32, #tpu.memory_space<hbm>> -> memref<10000x128xf32, #tpu.memory_space<hbm>>
        tpu.wait_indirect_dma semaphore(%arg13 : memref<!tpu.dma_semaphore, #tpu.memory_space<semaphore_mem>>) src(%dma_wait3A_211 : memref<10000x128xf32, #tpu.memory_space<hbm>>) dst(%arg11 : memref<128x128xf32, #tpu.memory_space<vmem>>)
        %sub3A_212 = arith.constant 1 : i32
        %sub3A_213 = arith.subi %add3A_192, %sub3A_212 : i32
        %dma_start3A_214 = arith.constant 0 : i32
        %dma_start3A_215 = tpu.memref_slice %arg10[%sub3A_213, %dma_start3A_214] : memref<52x128xi32, #tpu.memory_space<vmem>> -> memref<1x128xi32, #tpu.memory_space<vmem>>
        %dma_start3A_216 = tpu.memref_squeeze %dma_start3A_215 : memref<1x128xi32, #tpu.memory_space<vmem>> -> memref<128xi32, #tpu.memory_space<vmem>>
        %dma_start3A_217 = arith.constant 0 : i32
        %dma_start3A_218 = arith.constant 0 : i32
        %dma_start3A_219 = tpu.memref_slice %arg8[%dma_start3A_217, %dma_start3A_218] : memref<10240x128xf32, #tpu.memory_space<vmem_shared>> -> memref<10240x128xf32, #tpu.memory_space<vmem_shared>>
        tpu.enqueue_indirect_dma source(%arg11 : memref<128x128xf32, #tpu.memory_space<vmem>>) target(%dma_start3A_219 : memref<10240x128xf32, #tpu.memory_space<vmem_shared>>) offsets(%dma_start3A_216 : memref<128xi32, #tpu.memory_space<vmem>>) semaphore(%arg15 : memref<!tpu.dma_semaphore, #tpu.memory_space<semaphore_mem>>) {add = true}
      }
      %while3A_138 = arith.constant 1 : i32
      scf.for %while3A_174 = %while3A_136 to %while3A_132 step %while3A_138  : i32 {
        %mul3A_175 = arith.constant 2 : i32
        %mul3A_176 = arith.muli %mul3A_175, %while3A_174 : i32
        %add3A_177 = arith.constant 0 : i32
        %add3A_178 = arith.addi %mul3A_176, %add3A_177 : i32
        %ge3A = arith.constant 1 : i32
        %ge3A_179 = arith.cmpi sge, %while3A_174, %ge3A : i32
        %convert_element_type3A_180 = arith.extui %ge3A_179 : i1 to i32
        %cond3A_181 = arith.constant 0 : i32
        %cond3A_182 = arith.cmpi ne, %convert_element_type3A_180, %cond3A_181 : i32
        scf.if %cond3A_182 {
          %sub3A_220 = arith.constant 2 : i32
          %sub3A_221 = arith.subi %add3A_178, %sub3A_220 : i32
          %dma_wait3A_222 = arith.constant 0 : i32
          %dma_wait3A_223 = tpu.memref_slice %arg10[%sub3A_221, %dma_wait3A_222] : memref<52x128xi32, #tpu.memory_space<vmem>> -> memref<1x128xi32, #tpu.memory_space<vmem>>
          %dma_wait3A_224 = tpu.memref_squeeze %dma_wait3A_223 : memref<1x128xi32, #tpu.memory_space<vmem>> -> memref<128xi32, #tpu.memory_space<vmem>>
          %dma_wait3A_225 = arith.constant 0 : i32
          %dma_wait3A_226 = arith.constant 0 : i32
          %dma_wait3A_227 = tpu.memref_slice %arg8[%dma_wait3A_225, %dma_wait3A_226] : memref<10240x128xf32, #tpu.memory_space<vmem_shared>> -> memref<10240x128xf32, #tpu.memory_space<vmem_shared>>
          tpu.wait_indirect_dma semaphore(%arg15 : memref<!tpu.dma_semaphore, #tpu.memory_space<semaphore_mem>>) src(%arg11 : memref<128x128xf32, #tpu.memory_space<vmem>>) dst(%dma_wait3A_227 : memref<10240x128xf32, #tpu.memory_space<vmem_shared>>)
          %sub3A_228 = arith.constant 1 : i32
          %sub3A_229 = arith.subi %add3A_178, %sub3A_228 : i32
          %dma_wait3A_230 = arith.constant 0 : i32
          %dma_wait3A_231 = tpu.memref_slice %arg9[%sub3A_229, %dma_wait3A_230] : memref<52x128xi32, #tpu.memory_space<vmem>> -> memref<1x128xi32, #tpu.memory_space<vmem>>
          %dma_wait3A_232 = tpu.memref_squeeze %dma_wait3A_231 : memref<1x128xi32, #tpu.memory_space<vmem>> -> memref<128xi32, #tpu.memory_space<vmem>>
          %dma_wait3A_233 = arith.constant 0 : i32
          %dma_wait3A_234 = arith.constant 0 : i32
          %dma_wait3A_235 = tpu.memref_slice %arg3[%dma_wait3A_233, %dma_wait3A_234] : memref<10000x128xf32, #tpu.memory_space<hbm>> -> memref<10000x128xf32, #tpu.memory_space<hbm>>
          tpu.wait_indirect_dma semaphore(%arg14 : memref<!tpu.dma_semaphore, #tpu.memory_space<semaphore_mem>>) src(%dma_wait3A_235 : memref<10000x128xf32, #tpu.memory_space<hbm>>) dst(%arg12 : memref<128x128xf32, #tpu.memory_space<vmem>>)
          %sub3A_236 = arith.constant 1 : i32
          %sub3A_237 = arith.subi %add3A_178, %sub3A_236 : i32
          %dma_start3A_238 = arith.constant 0 : i32
          %dma_start3A_239 = tpu.memref_slice %arg10[%sub3A_237, %dma_start3A_238] : memref<52x128xi32, #tpu.memory_space<vmem>> -> memref<1x128xi32, #tpu.memory_space<vmem>>
          %dma_start3A_240 = tpu.memref_squeeze %dma_start3A_239 : memref<1x128xi32, #tpu.memory_space<vmem>> -> memref<128xi32, #tpu.memory_space<vmem>>
          %dma_start3A_241 = arith.constant 0 : i32
          %dma_start3A_242 = arith.constant 0 : i32
          %dma_start3A_243 = tpu.memref_slice %arg8[%dma_start3A_241, %dma_start3A_242] : memref<10240x128xf32, #tpu.memory_space<vmem_shared>> -> memref<10240x128xf32, #tpu.memory_space<vmem_shared>>
          tpu.enqueue_indirect_dma source(%arg12 : memref<128x128xf32, #tpu.memory_space<vmem>>) target(%dma_start3A_243 : memref<10240x128xf32, #tpu.memory_space<vmem_shared>>) offsets(%dma_start3A_240 : memref<128xi32, #tpu.memory_space<vmem>>) semaphore(%arg16 : memref<!tpu.dma_semaphore, #tpu.memory_space<semaphore_mem>>) {add = true}
        } else {
        }
        %dma_start3A_183 = arith.constant 0 : i32
        %dma_start3A_184 = tpu.memref_slice %arg9[%add3A_178, %dma_start3A_183] : memref<52x128xi32, #tpu.memory_space<vmem>> -> memref<1x128xi32, #tpu.memory_space<vmem>>
        %dma_start3A_185 = tpu.memref_squeeze %dma_start3A_184 : memref<1x128xi32, #tpu.memory_space<vmem>> -> memref<128xi32, #tpu.memory_space<vmem>>
        %dma_start3A_186 = arith.constant 0 : i32
        %dma_start3A_187 = arith.constant 0 : i32
        %dma_start3A_188 = tpu.memref_slice %arg3[%dma_start3A_186, %dma_start3A_187] : memref<10000x128xf32, #tpu.memory_space<hbm>> -> memref<10000x128xf32, #tpu.memory_space<hbm>>
        tpu.enqueue_indirect_dma source(%dma_start3A_188 : memref<10000x128xf32, #tpu.memory_space<hbm>>) target(%arg11 : memref<128x128xf32, #tpu.memory_space<vmem>>) offsets(%dma_start3A_185 : memref<128xi32, #tpu.memory_space<vmem>>) semaphore(%arg13 : memref<!tpu.dma_semaphore, #tpu.memory_space<semaphore_mem>>)
        %mul3A_189 = arith.constant 2 : i32
        %mul3A_190 = arith.muli %mul3A_189, %while3A_174 : i32
        %add3A_191 = arith.constant 1 : i32
        %add3A_192 = arith.addi %mul3A_190, %add3A_191 : i32
        %ge3A_193 = arith.constant 1 : i32
        %ge3A_194 = arith.cmpi sge, %while3A_174, %ge3A_193 : i32
        %convert_element_type3A_195 = arith.extui %ge3A_194 : i1 to i32
        %cond3A_196 = arith.constant 0 : i32
        %cond3A_197 = arith.cmpi ne, %convert_element_type3A_195, %cond3A_196 : i32
        scf.if %cond3A_197 {
          %sub3A_220 = arith.constant 2 : i32
          %sub3A_221 = arith.subi %add3A_192, %sub3A_220 : i32
          %dma_wait3A_222 = arith.constant 0 : i32
          %dma_wait3A_223 = tpu.memref_slice %arg10[%sub3A_221, %dma_wait3A_222] : memref<52x128xi32, #tpu.memory_space<vmem>> -> memref<1x128xi32, #tpu.memory_space<vmem>>
          %dma_wait3A_224 = tpu.memref_squeeze %dma_wait3A_223 : memref<1x128xi32, #tpu.memory_space<vmem>> -> memref<128xi32, #tpu.memory_space<vmem>>
          %dma_wait3A_225 = arith.constant 0 : i32
          %dma_wait3A_226 = arith.constant 0 : i32
          %dma_wait3A_227 = tpu.memref_slice %arg8[%dma_wait3A_225, %dma_wait3A_226] : memref<10240x128xf32, #tpu.memory_space<vmem_shared>> -> memref<10240x128xf32, #tpu.memory_space<vmem_shared>>
          tpu.wait_indirect_dma semaphore(%arg16 : memref<!tpu.dma_semaphore, #tpu.memory_space<semaphore_mem>>) src(%arg12 : memref<128x128xf32, #tpu.memory_space<vmem>>) dst(%dma_wait3A_227 : memref<10240x128xf32, #tpu.memory_space<vmem_shared>>)
        } else {
        }
        %dma_start3A_198 = arith.constant 0 : i32
        %dma_start3A_199 = tpu.memref_slice %arg9[%add3A_192, %dma_start3A_198] : memref<52x128xi32, #tpu.memory_space<vmem>> -> memref<1x128xi32, #tpu.memory_space<vmem>>
        %dma_start3A_200 = tpu.memref_squeeze %dma_start3A_199 : memref<1x128xi32, #tpu.memory_space<vmem>> -> memref<128xi32, #tpu.memory_space<vmem>>
        %dma_start3A_201 = arith.constant 0 : i32
        %dma_start3A_202 = arith.constant 0 : i32
        %dma_start3A_203 = tpu.memref_slice %arg3[%dma_start3A_201, %dma_start3A_202] : memref<10000x128xf32, #tpu.memory_space<hbm>> -> memref<10000x128xf32, #tpu.memory_space<hbm>>
        tpu.enqueue_indirect_dma source(%dma_start3A_203 : memref<10000x128xf32, #tpu.memory_space<hbm>>) target(%arg12 : memref<128x128xf32, #tpu.memory_space<vmem>>) offsets(%dma_start3A_200 : memref<128xi32, #tpu.memory_space<vmem>>) semaphore(%arg14 : memref<!tpu.dma_semaphore, #tpu.memory_space<semaphore_mem>>)
        %sub3A_204 = arith.constant 1 : i32
        %sub3A_205 = arith.subi %add3A_192, %sub3A_204 : i32
        %dma_wait3A_206 = arith.constant 0 : i32
        %dma_wait3A_207 = tpu.memref_slice %arg9[%sub3A_205, %dma_wait3A_206] : memref<52x128xi32, #tpu.memory_space<vmem>> -> memref<1x128xi32, #tpu.memory_space<vmem>>
        %dma_wait3A_208 = tpu.memref_squeeze %dma_wait3A_207 : memref<1x128xi32, #tpu.memory_space<vmem>> -> memref<128xi32, #tpu.memory_space<vmem>>
        %dma_wait3A_209 = arith.constant 0 : i32
        %dma_wait3A_210 = arith.constant 0 : i32
        %dma_wait3A_211 = tpu.memref_slice %arg3[%dma_wait3A_209, %dma_wait3A_210] : memref<10000x128xf32, #tpu.memory_space<hbm>> -> memref<10000x128xf32, #tpu.memory_space<hbm>>
        tpu.wait_indirect_dma semaphore(%arg13 : memref<!tpu.dma_semaphore, #tpu.memory_space<semaphore_mem>>) src(%dma_wait3A_211 : memref<10000x128xf32, #tpu.memory_space<hbm>>) dst(%arg11 : memref<128x128xf32, #tpu.memory_space<vmem>>)
        %sub3A_212 = arith.constant 1 : i32
        %sub3A_213 = arith.subi %add3A_192, %sub3A_212 : i32
        %dma_start3A_214 = arith.constant 0 : i32
        %dma_start3A_215 = tpu.memref_slice %arg10[%sub3A_213, %dma_start3A_214] : memref<52x128xi32, #tpu.memory_space<vmem>> -> memref<1x128xi32, #tpu.memory_space<vmem>>
        %dma_start3A_216 = tpu.memref_squeeze %dma_start3A_215 : memref<1x128xi32, #tpu.memory_space<vmem>> -> memref<128xi32, #tpu.memory_space<vmem>>
        %dma_start3A_217 = arith.constant 0 : i32
        %dma_start3A_218 = arith.constant 0 : i32
        %dma_start3A_219 = tpu.memref_slice %arg8[%dma_start3A_217, %dma_start3A_218] : memref<10240x128xf32, #tpu.memory_space<vmem_shared>> -> memref<10240x128xf32, #tpu.memory_space<vmem_shared>>
        tpu.enqueue_indirect_dma source(%arg11 : memref<128x128xf32, #tpu.memory_space<vmem>>) target(%dma_start3A_219 : memref<10240x128xf32, #tpu.memory_space<vmem_shared>>) offsets(%dma_start3A_216 : memref<128xi32, #tpu.memory_space<vmem>>) semaphore(%arg15 : memref<!tpu.dma_semaphore, #tpu.memory_space<semaphore_mem>>) {add = true}
      }
      %sub3A_139 = arith.constant 1 : i32
      %sub3A_140 = arith.subi %select_n3A, %sub3A_139 : i32
      %dma_wait3A_141 = arith.constant 0 : i32
      %dma_wait3A_142 = tpu.memref_slice %arg9[%sub3A_140, %dma_wait3A_141] : memref<52x128xi32, #tpu.memory_space<vmem>> -> memref<1x128xi32, #tpu.memory_space<vmem>>
      %dma_wait3A_143 = tpu.memref_squeeze %dma_wait3A_142 : memref<1x128xi32, #tpu.memory_space<vmem>> -> memref<128xi32, #tpu.memory_space<vmem>>
      %dma_wait3A_144 = arith.constant 0 : i32
      %dma_wait3A_145 = arith.constant 0 : i32
      %dma_wait3A_146 = tpu.memref_slice %arg3[%dma_wait3A_144, %dma_wait3A_145] : memref<10000x128xf32, #tpu.memory_space<hbm>> -> memref<10000x128xf32, #tpu.memory_space<hbm>>
      tpu.wait_indirect_dma semaphore(%arg14 : memref<!tpu.dma_semaphore, #tpu.memory_space<semaphore_mem>>) src(%dma_wait3A_146 : memref<10000x128xf32, #tpu.memory_space<hbm>>) dst(%arg12 : memref<128x128xf32, #tpu.memory_space<vmem>>)
      %dma_start3A_147 = arith.constant 0 : i32
      %dma_start3A_148 = tpu.memref_slice %arg10[%sub3A_140, %dma_start3A_147] : memref<52x128xi32, #tpu.memory_space<vmem>> -> memref<1x128xi32, #tpu.memory_space<vmem>>
      %dma_start3A_149 = tpu.memref_squeeze %dma_start3A_148 : memref<1x128xi32, #tpu.memory_space<vmem>> -> memref<128xi32, #tpu.memory_space<vmem>>
      %dma_start3A_150 = arith.constant 0 : i32
      %dma_start3A_151 = arith.constant 0 : i32
      %dma_start3A_152 = tpu.memref_slice %arg8[%dma_start3A_150, %dma_start3A_151] : memref<10240x128xf32, #tpu.memory_space<vmem_shared>> -> memref<10240x128xf32, #tpu.memory_space<vmem_shared>>
      tpu.enqueue_indirect_dma source(%arg12 : memref<128x128xf32, #tpu.memory_space<vmem>>) target(%dma_start3A_152 : memref<10240x128xf32, #tpu.memory_space<vmem_shared>>) offsets(%dma_start3A_149 : memref<128xi32, #tpu.memory_space<vmem>>) semaphore(%arg16 : memref<!tpu.dma_semaphore, #tpu.memory_space<semaphore_mem>>) {add = true}
      %sub3A_153 = arith.constant 2 : i32
      %sub3A_154 = arith.subi %select_n3A, %sub3A_153 : i32
      %add3A_155 = arith.constant 0 : i32
      %add3A_156 = arith.addi %sub3A_154, %add3A_155 : i32
      %dma_wait3A_157 = arith.constant 0 : i32
      %dma_wait3A_158 = tpu.memref_slice %arg10[%add3A_156, %dma_wait3A_157] : memref<52x128xi32, #tpu.memory_space<vmem>> -> memref<1x128xi32, #tpu.memory_space<vmem>>
      %dma_wait3A_159 = tpu.memref_squeeze %dma_wait3A_158 : memref<1x128xi32, #tpu.memory_space<vmem>> -> memref<128xi32, #tpu.memory_space<vmem>>
      %dma_wait3A_160 = arith.constant 0 : i32
      %dma_wait3A_161 = arith.constant 0 : i32
      %dma_wait3A_162 = tpu.memref_slice %arg8[%dma_wait3A_160, %dma_wait3A_161] : memref<10240x128xf32, #tpu.memory_space<vmem_shared>> -> memref<10240x128xf32, #tpu.memory_space<vmem_shared>>
      tpu.wait_indirect_dma semaphore(%arg15 : memref<!tpu.dma_semaphore, #tpu.memory_space<semaphore_mem>>) src(%arg11 : memref<128x128xf32, #tpu.memory_space<vmem>>) dst(%dma_wait3A_162 : memref<10240x128xf32, #tpu.memory_space<vmem_shared>>)
      %sub3A_163 = arith.constant 2 : i32
      %sub3A_164 = arith.subi %select_n3A, %sub3A_163 : i32
      %add3A_165 = arith.constant 1 : i32
      %add3A_166 = arith.addi %sub3A_164, %add3A_165 : i32
      %dma_wait3A_167 = arith.constant 0 : i32
      %dma_wait3A_168 = tpu.memref_slice %arg10[%add3A_166, %dma_wait3A_167] : memref<52x128xi32, #tpu.memory_space<vmem>> -> memref<1x128xi32, #tpu.memory_space<vmem>>
      %dma_wait3A_169 = tpu.memref_squeeze %dma_wait3A_168 : memref<1x128xi32, #tpu.memory_space<vmem>> -> memref<128xi32, #tpu.memory_space<vmem>>
      %dma_wait3A_170 = arith.constant 0 : i32
      %dma_wait3A_171 = arith.constant 0 : i32
      %dma_wait3A_172 = tpu.memref_slice %arg8[%dma_wait3A_170, %dma_wait3A_171] : memref<10240x128xf32, #tpu.memory_space<vmem_shared>> -> memref<10240x128xf32, #tpu.memory_space<vmem_shared>>
      tpu.wait_indirect_dma semaphore(%arg16 : memref<!tpu.dma_semaphore, #tpu.memory_space<semaphore_mem>>) src(%arg12 : memref<128x128xf32, #tpu.memory_space<vmem>>) dst(%dma_wait3A_172 : memref<10240x128xf32, #tpu.memory_space<vmem_shared>>)
      %barrier3A_173 = arith.constant 0 : index
      tpu.barrier barrier_id(%barrier3A_173)
      "tpu.region"() ({
        %run_scoped3A = tpu.sem_alloc : memref<!tpu.dma_semaphore, #tpu.memory_space<semaphore_mem>>
        %dma_start3A_174 = arith.constant 0 : i32
        %dma_start3A_175 = tpu.memref_slice %arg7[%arg0, %mul3A_2, %dma_start3A_174] : memref<2x10240x128xf32, #tpu.memory_space<hbm>> -> memref<1x640x128xf32, #tpu.memory_space<hbm>>
        %dma_start3A_176 = tpu.memref_squeeze %dma_start3A_175 : memref<1x640x128xf32, #tpu.memory_space<hbm>> -> memref<640x128xf32, #tpu.memory_space<hbm>>
        %dma_start3A_177 = arith.constant 0 : i32
        %dma_start3A_178 = tpu.memref_slice %arg8[%mul3A_2, %dma_start3A_177] : memref<10240x128xf32, #tpu.memory_space<vmem_shared>> -> memref<640x128xf32, #tpu.memory_space<vmem_shared>>
        tpu.enqueue_dma source(%dma_start3A_178 : memref<640x128xf32, #tpu.memory_space<vmem_shared>>) target(%dma_start3A_176 : memref<640x128xf32, #tpu.memory_space<hbm>>) target_semaphore(%run_scoped3A : memref<!tpu.dma_semaphore, #tpu.memory_space<semaphore_mem>>)
        %dma_wait3A_179 = arith.constant 0 : i32
        %dma_wait3A_180 = tpu.memref_slice %arg7[%arg0, %mul3A_2, %dma_wait3A_179] : memref<2x10240x128xf32, #tpu.memory_space<hbm>> -> memref<1x640x128xf32, #tpu.memory_space<hbm>>
        %dma_wait3A_181 = tpu.memref_squeeze %dma_wait3A_180 : memref<1x640x128xf32, #tpu.memory_space<hbm>> -> memref<640x128xf32, #tpu.memory_space<hbm>>
        %dma_wait3A_182 = arith.constant 0 : i32
        %dma_wait3A_183 = tpu.memref_slice %arg8[%mul3A_2, %dma_wait3A_182] : memref<10240x128xf32, #tpu.memory_space<vmem_shared>> -> memref<640x128xf32, #tpu.memory_space<vmem_shared>>
        tpu.wait_dma2 semaphore(%run_scoped3A : memref<!tpu.dma_semaphore, #tpu.memory_space<semaphore_mem>>) src(%dma_wait3A_183 : memref<640x128xf32, #tpu.memory_space<vmem_shared>>) dst(%dma_wait3A_181 : memref<640x128xf32, #tpu.memory_space<hbm>>)
        tpu.yield
      }) : () -> ()
    } else {
    }
    %eq3A_8 = arith.constant 1 : i32
    %eq3A_9 = arith.cmpi eq, %arg0, %eq3A_8 : i32
    %convert_element_type3A_10 = arith.extui %eq3A_9 : i1 to i32
    %cond3A_11 = arith.constant 0 : i32
    %cond3A_12 = arith.cmpi ne, %convert_element_type3A_10, %cond3A_11 : i32
    scf.if %cond3A_12 {
      %scan3A = arith.constant 0 : i32
      %scan3A_13 = arith.constant 0 : i32
      %scan3A_14 = arith.constant 128 : i32
      %scan3A_15 = arith.addi %scan3A_13, %scan3A_14 : i32
      %scan3A_16 = arith.constant 1 : i32
      scf.for %scan3A_174 = %scan3A_13 to %scan3A_15 step %scan3A_16  : i32 {
        %broadcast_in_dim3A = arith.constant 0.000000e+00 : f32
        %broadcast_in_dim3A_175 = vector.broadcast %broadcast_in_dim3A : f32 to vector<16xf32>
        %swap3A = arith.index_cast %scan3A_174 : i32 to index
        %swap3A_176 = arith.constant 0 : index
        %swap3A_177 = tpu.vector_load %arg11[%swap3A, %swap3A_176] {strides = array<i32>} : memref<128x128xf32, #tpu.memory_space<vmem>>, vector<1x16xf32>,
        %swap3A_178 = vector.shape_cast %swap3A_177 : vector<1x16xf32> to vector<16xf32>
        %swap3A_179 = vector.shape_cast %broadcast_in_dim3A_175 : vector<16xf32> to vector<1x16xf32>
        tpu.vector_store %arg11[%swap3A, %swap3A_176], %swap3A_179 {strides = array<i32>} : memref<128x128xf32, #tpu.memory_space<vmem>>, vector<1x16xf32>,
        %broadcast_in_dim3A_180 = arith.constant 0.000000e+00 : f32
        %broadcast_in_dim3A_181 = vector.broadcast %broadcast_in_dim3A_180 : f32 to vector<16xf32>
        %swap3A_182 = arith.index_cast %scan3A_174 : i32 to index
        %swap3A_183 = arith.constant 16 : index
        %swap3A_184 = tpu.vector_load %arg11[%swap3A_182, %swap3A_183] {strides = array<i32>} : memref<128x128xf32, #tpu.memory_space<vmem>>, vector<1x16xf32>,
        %swap3A_185 = vector.shape_cast %swap3A_184 : vector<1x16xf32> to vector<16xf32>
        %swap3A_186 = vector.shape_cast %broadcast_in_dim3A_181 : vector<16xf32> to vector<1x16xf32>
        tpu.vector_store %arg11[%swap3A_182, %swap3A_183], %swap3A_186 {strides = array<i32>} : memref<128x128xf32, #tpu.memory_space<vmem>>, vector<1x16xf32>,
        %broadcast_in_dim3A_187 = arith.constant 0.000000e+00 : f32
        %broadcast_in_dim3A_188 = vector.broadcast %broadcast_in_dim3A_187 : f32 to vector<16xf32>
        %swap3A_189 = arith.index_cast %scan3A_174 : i32 to index
        %swap3A_190 = arith.constant 32 : index
        %swap3A_191 = tpu.vector_load %arg11[%swap3A_189, %swap3A_190] {strides = array<i32>} : memref<128x128xf32, #tpu.memory_space<vmem>>, vector<1x16xf32>,
        %swap3A_192 = vector.shape_cast %swap3A_191 : vector<1x16xf32> to vector<16xf32>
        %swap3A_193 = vector.shape_cast %broadcast_in_dim3A_188 : vector<16xf32> to vector<1x16xf32>
        tpu.vector_store %arg11[%swap3A_189, %swap3A_190], %swap3A_193 {strides = array<i32>} : memref<128x128xf32, #tpu.memory_space<vmem>>, vector<1x16xf32>,
        %broadcast_in_dim3A_194 = arith.constant 0.000000e+00 : f32
        %broadcast_in_dim3A_195 = vector.broadcast %broadcast_in_dim3A_194 : f32 to vector<16xf32>
        %swap3A_196 = arith.index_cast %scan3A_174 : i32 to index
        %swap3A_197 = arith.constant 48 : index
        %swap3A_198 = tpu.vector_load %arg11[%swap3A_196, %swap3A_197] {strides = array<i32>} : memref<128x128xf32, #tpu.memory_space<vmem>>, vector<1x16xf32>,
        %swap3A_199 = vector.shape_cast %swap3A_198 : vector<1x16xf32> to vector<16xf32>
        %swap3A_200 = vector.shape_cast %broadcast_in_dim3A_195 : vector<16xf32> to vector<1x16xf32>
        tpu.vector_store %arg11[%swap3A_196, %swap3A_197], %swap3A_200 {strides = array<i32>} : memref<128x128xf32, #tpu.memory_space<vmem>>, vector<1x16xf32>,
        %broadcast_in_dim3A_201 = arith.constant 0.000000e+00 : f32
        %broadcast_in_dim3A_202 = vector.broadcast %broadcast_in_dim3A_201 : f32 to vector<16xf32>
        %swap3A_203 = arith.index_cast %scan3A_174 : i32 to index
        %swap3A_204 = arith.constant 64 : index
        %swap3A_205 = tpu.vector_load %arg11[%swap3A_203, %swap3A_204] {strides = array<i32>} : memref<128x128xf32, #tpu.memory_space<vmem>>, vector<1x16xf32>,
        %swap3A_206 = vector.shape_cast %swap3A_205 : vector<1x16xf32> to vector<16xf32>
        %swap3A_207 = vector.shape_cast %broadcast_in_dim3A_202 : vector<16xf32> to vector<1x16xf32>
        tpu.vector_store %arg11[%swap3A_203, %swap3A_204], %swap3A_207 {strides = array<i32>} : memref<128x128xf32, #tpu.memory_space<vmem>>, vector<1x16xf32>,
        %broadcast_in_dim3A_208 = arith.constant 0.000000e+00 : f32
        %broadcast_in_dim3A_209 = vector.broadcast %broadcast_in_dim3A_208 : f32 to vector<16xf32>
        %swap3A_210 = arith.index_cast %scan3A_174 : i32 to index
        %swap3A_211 = arith.constant 80 : index
        %swap3A_212 = tpu.vector_load %arg11[%swap3A_210, %swap3A_211] {strides = array<i32>} : memref<128x128xf32, #tpu.memory_space<vmem>>, vector<1x16xf32>,
        %swap3A_213 = vector.shape_cast %swap3A_212 : vector<1x16xf32> to vector<16xf32>
        %swap3A_214 = vector.shape_cast %broadcast_in_dim3A_209 : vector<16xf32> to vector<1x16xf32>
        tpu.vector_store %arg11[%swap3A_210, %swap3A_211], %swap3A_214 {strides = array<i32>} : memref<128x128xf32, #tpu.memory_space<vmem>>, vector<1x16xf32>,
        %broadcast_in_dim3A_215 = arith.constant 0.000000e+00 : f32
        %broadcast_in_dim3A_216 = vector.broadcast %broadcast_in_dim3A_215 : f32 to vector<16xf32>
        %swap3A_217 = arith.index_cast %scan3A_174 : i32 to index
        %swap3A_218 = arith.constant 96 : index
        %swap3A_219 = tpu.vector_load %arg11[%swap3A_217, %swap3A_218] {strides = array<i32>} : memref<128x128xf32, #tpu.memory_space<vmem>>, vector<1x16xf32>,
        %swap3A_220 = vector.shape_cast %swap3A_219 : vector<1x16xf32> to vector<16xf32>
        %swap3A_221 = vector.shape_cast %broadcast_in_dim3A_216 : vector<16xf32> to vector<1x16xf32>
        tpu.vector_store %arg11[%swap3A_217, %swap3A_218], %swap3A_221 {strides = array<i32>} : memref<128x128xf32, #tpu.memory_space<vmem>>, vector<1x16xf32>,
        %broadcast_in_dim3A_222 = arith.constant 0.000000e+00 : f32
        %broadcast_in_dim3A_223 = vector.broadcast %broadcast_in_dim3A_222 : f32 to vector<16xf32>
        %swap3A_224 = arith.index_cast %scan3A_174 : i32 to index
        %swap3A_225 = arith.constant 112 : index
        %swap3A_226 = tpu.vector_load %arg11[%swap3A_224, %swap3A_225] {strides = array<i32>} : memref<128x128xf32, #tpu.memory_space<vmem>>, vector<1x16xf32>,
        %swap3A_227 = vector.shape_cast %swap3A_226 : vector<1x16xf32> to vector<16xf32>
        %swap3A_228 = vector.shape_cast %broadcast_in_dim3A_223 : vector<16xf32> to vector<1x16xf32>
        tpu.vector_store %arg11[%swap3A_224, %swap3A_225], %swap3A_228 {strides = array<i32>} : memref<128x128xf32, #tpu.memory_space<vmem>>, vector<1x16xf32>,
      }
      %scan3A_17 = arith.constant 128 : i32
      %add3A_18 = arith.constant 0 : i32
      %add3A_19 = arith.addi %mul3A_2, %add3A_18 : i32
      "tpu.region"() ({
        %run_scoped3A = tpu.sem_alloc : memref<!tpu.dma_semaphore, #tpu.memory_space<semaphore_mem>>
        %dma_start3A_174 = arith.constant 0 : i32
        %dma_start3A_175 = tpu.memref_slice %arg8[%add3A_19, %dma_start3A_174] : memref<10240x128xf32, #tpu.memory_space<vmem_shared>> -> memref<128x128xf32, #tpu.memory_space<vmem_shared>>
        %dma_start3A_176 = arith.constant 0 : i32
        %dma_start3A_177 = tpu.memref_slice %arg8[%add3A_19, %dma_start3A_176] : memref<10240x128xf32, #tpu.memory_space<vmem_shared>> -> memref<128x128xf32, #tpu.memory_space<vmem_shared>>
        tpu.enqueue_dma source(%arg11 : memref<128x128xf32, #tpu.memory_space<vmem>>) target(%dma_start3A_177 : memref<128x128xf32, #tpu.memory_space<vmem_shared>>) target_semaphore(%run_scoped3A : memref<!tpu.dma_semaphore, #tpu.memory_space<semaphore_mem>>)
        %dma_wait3A_178 = arith.constant 0 : i32
        %dma_wait3A_179 = tpu.memref_slice %arg8[%add3A_19, %dma_wait3A_178] : memref<10240x128xf32, #tpu.memory_space<vmem_shared>> -> memref<128x128xf32, #tpu.memory_space<vmem_shared>>
        %dma_wait3A_180 = arith.constant 0 : i32
        %dma_wait3A_181 = tpu.memref_slice %arg8[%add3A_19, %dma_wait3A_180] : memref<10240x128xf32, #tpu.memory_space<vmem_shared>> -> memref<128x128xf32, #tpu.memory_space<vmem_shared>>
        tpu.wait_dma2 semaphore(%run_scoped3A : memref<!tpu.dma_semaphore, #tpu.memory_space<semaphore_mem>>) src(%arg11 : memref<128x128xf32, #tpu.memory_space<vmem>>) dst(%dma_wait3A_181 : memref<128x128xf32, #tpu.memory_space<vmem_shared>>)
        tpu.yield
      }) : () -> ()
      %add3A_20 = arith.constant 128 : i32
      %add3A_21 = arith.addi %mul3A_2, %add3A_20 : i32
      "tpu.region"() ({
        %run_scoped3A = tpu.sem_alloc : memref<!tpu.dma_semaphore, #tpu.memory_space<semaphore_mem>>
        %dma_start3A_174 = arith.constant 0 : i32
        %dma_start3A_175 = tpu.memref_slice %arg8[%add3A_21, %dma_start3A_174] : memref<10240x128xf32, #tpu.memory_space<vmem_shared>> -> memref<128x128xf32, #tpu.memory_space<vmem_shared>>
        %dma_start3A_176 = arith.constant 0 : i32
        %dma_start3A_177 = tpu.memref_slice %arg8[%add3A_21, %dma_start3A_176] : memref<10240x128xf32, #tpu.memory_space<vmem_shared>> -> memref<128x128xf32, #tpu.memory_space<vmem_shared>>
        tpu.enqueue_dma source(%arg11 : memref<128x128xf32, #tpu.memory_space<vmem>>) target(%dma_start3A_177 : memref<128x128xf32, #tpu.memory_space<vmem_shared>>) target_semaphore(%run_scoped3A : memref<!tpu.dma_semaphore, #tpu.memory_space<semaphore_mem>>)
        %dma_wait3A_178 = arith.constant 0 : i32
        %dma_wait3A_179 = tpu.memref_slice %arg8[%add3A_21, %dma_wait3A_178] : memref<10240x128xf32, #tpu.memory_space<vmem_shared>> -> memref<128x128xf32, #tpu.memory_space<vmem_shared>>
        %dma_wait3A_180 = arith.constant 0 : i32
        %dma_wait3A_181 = tpu.memref_slice %arg8[%add3A_21, %dma_wait3A_180] : memref<10240x128xf32, #tpu.memory_space<vmem_shared>> -> memref<128x128xf32, #tpu.memory_space<vmem_shared>>
        tpu.wait_dma2 semaphore(%run_scoped3A : memref<!tpu.dma_semaphore, #tpu.memory_space<semaphore_mem>>) src(%arg11 : memref<128x128xf32, #tpu.memory_space<vmem>>) dst(%dma_wait3A_181 : memref<128x128xf32, #tpu.memory_space<vmem_shared>>)
        tpu.yield
      }) : () -> ()
      %add3A_22 = arith.constant 256 : i32
      %add3A_23 = arith.addi %mul3A_2, %add3A_22 : i32
      "tpu.region"() ({
        %run_scoped3A = tpu.sem_alloc : memref<!tpu.dma_semaphore, #tpu.memory_space<semaphore_mem>>
        %dma_start3A_174 = arith.constant 0 : i32
        %dma_start3A_175 = tpu.memref_slice %arg8[%add3A_23, %dma_start3A_174] : memref<10240x128xf32, #tpu.memory_space<vmem_shared>> -> memref<128x128xf32, #tpu.memory_space<vmem_shared>>
        %dma_start3A_176 = arith.constant 0 : i32
        %dma_start3A_177 = tpu.memref_slice %arg8[%add3A_23, %dma_start3A_176] : memref<10240x128xf32, #tpu.memory_space<vmem_shared>> -> memref<128x128xf32, #tpu.memory_space<vmem_shared>>
        tpu.enqueue_dma source(%arg11 : memref<128x128xf32, #tpu.memory_space<vmem>>) target(%dma_start3A_177 : memref<128x128xf32, #tpu.memory_space<vmem_shared>>) target_semaphore(%run_scoped3A : memref<!tpu.dma_semaphore, #tpu.memory_space<semaphore_mem>>)
        %dma_wait3A_178 = arith.constant 0 : i32
        %dma_wait3A_179 = tpu.memref_slice %arg8[%add3A_23, %dma_wait3A_178] : memref<10240x128xf32, #tpu.memory_space<vmem_shared>> -> memref<128x128xf32, #tpu.memory_space<vmem_shared>>
        %dma_wait3A_180 = arith.constant 0 : i32
        %dma_wait3A_181 = tpu.memref_slice %arg8[%add3A_23, %dma_wait3A_180] : memref<10240x128xf32, #tpu.memory_space<vmem_shared>> -> memref<128x128xf32, #tpu.memory_space<vmem_shared>>
        tpu.wait_dma2 semaphore(%run_scoped3A : memref<!tpu.dma_semaphore, #tpu.memory_space<semaphore_mem>>) src(%arg11 : memref<128x128xf32, #tpu.memory_space<vmem>>) dst(%dma_wait3A_181 : memref<128x128xf32, #tpu.memory_space<vmem_shared>>)
        tpu.yield
      }) : () -> ()
      %add3A_24 = arith.constant 384 : i32
      %add3A_25 = arith.addi %mul3A_2, %add3A_24 : i32
      "tpu.region"() ({
        %run_scoped3A = tpu.sem_alloc : memref<!tpu.dma_semaphore, #tpu.memory_space<semaphore_mem>>
        %dma_start3A_174 = arith.constant 0 : i32
        %dma_start3A_175 = tpu.memref_slice %arg8[%add3A_25, %dma_start3A_174] : memref<10240x128xf32, #tpu.memory_space<vmem_shared>> -> memref<128x128xf32, #tpu.memory_space<vmem_shared>>
        %dma_start3A_176 = arith.constant 0 : i32
        %dma_start3A_177 = tpu.memref_slice %arg8[%add3A_25, %dma_start3A_176] : memref<10240x128xf32, #tpu.memory_space<vmem_shared>> -> memref<128x128xf32, #tpu.memory_space<vmem_shared>>
        tpu.enqueue_dma source(%arg11 : memref<128x128xf32, #tpu.memory_space<vmem>>) target(%dma_start3A_177 : memref<128x128xf32, #tpu.memory_space<vmem_shared>>) target_semaphore(%run_scoped3A : memref<!tpu.dma_semaphore, #tpu.memory_space<semaphore_mem>>)
        %dma_wait3A_178 = arith.constant 0 : i32
        %dma_wait3A_179 = tpu.memref_slice %arg8[%add3A_25, %dma_wait3A_178] : memref<10240x128xf32, #tpu.memory_space<vmem_shared>> -> memref<128x128xf32, #tpu.memory_space<vmem_shared>>
        %dma_wait3A_180 = arith.constant 0 : i32
        %dma_wait3A_181 = tpu.memref_slice %arg8[%add3A_25, %dma_wait3A_180] : memref<10240x128xf32, #tpu.memory_space<vmem_shared>> -> memref<128x128xf32, #tpu.memory_space<vmem_shared>>
        tpu.wait_dma2 semaphore(%run_scoped3A : memref<!tpu.dma_semaphore, #tpu.memory_space<semaphore_mem>>) src(%arg11 : memref<128x128xf32, #tpu.memory_space<vmem>>) dst(%dma_wait3A_181 : memref<128x128xf32, #tpu.memory_space<vmem_shared>>)
        tpu.yield
      }) : () -> ()
      %add3A_26 = arith.constant 512 : i32
      %add3A_27 = arith.addi %mul3A_2, %add3A_26 : i32
      "tpu.region"() ({
        %run_scoped3A = tpu.sem_alloc : memref<!tpu.dma_semaphore, #tpu.memory_space<semaphore_mem>>
        %dma_start3A_174 = arith.constant 0 : i32
        %dma_start3A_175 = tpu.memref_slice %arg8[%add3A_27, %dma_start3A_174] : memref<10240x128xf32, #tpu.memory_space<vmem_shared>> -> memref<128x128xf32, #tpu.memory_space<vmem_shared>>
        %dma_start3A_176 = arith.constant 0 : i32
        %dma_start3A_177 = tpu.memref_slice %arg8[%add3A_27, %dma_start3A_176] : memref<10240x128xf32, #tpu.memory_space<vmem_shared>> -> memref<128x128xf32, #tpu.memory_space<vmem_shared>>
        tpu.enqueue_dma source(%arg11 : memref<128x128xf32, #tpu.memory_space<vmem>>) target(%dma_start3A_177 : memref<128x128xf32, #tpu.memory_space<vmem_shared>>) target_semaphore(%run_scoped3A : memref<!tpu.dma_semaphore, #tpu.memory_space<semaphore_mem>>)
        %dma_wait3A_178 = arith.constant 0 : i32
        %dma_wait3A_179 = tpu.memref_slice %arg8[%add3A_27, %dma_wait3A_178] : memref<10240x128xf32, #tpu.memory_space<vmem_shared>> -> memref<128x128xf32, #tpu.memory_space<vmem_shared>>
        %dma_wait3A_180 = arith.constant 0 : i32
        %dma_wait3A_181 = tpu.memref_slice %arg8[%add3A_27, %dma_wait3A_180] : memref<10240x128xf32, #tpu.memory_space<vmem_shared>> -> memref<128x128xf32, #tpu.memory_space<vmem_shared>>
        tpu.wait_dma2 semaphore(%run_scoped3A : memref<!tpu.dma_semaphore, #tpu.memory_space<semaphore_mem>>) src(%arg11 : memref<128x128xf32, #tpu.memory_space<vmem>>) dst(%dma_wait3A_181 : memref<128x128xf32, #tpu.memory_space<vmem_shared>>)
        tpu.yield
      }) : () -> ()
      %barrier3A = arith.constant 0 : index
      tpu.barrier barrier_id(%barrier3A)
      %jit3A_28 = arith.constant 2 : i32
      %div3A = arith.divsi %select_n3A, %jit3A_28 : i32
      %sign3A = arith.constant 0 : i32
      %sign3A_29 = arith.cmpi sgt, %select_n3A, %sign3A : i32
      %sign3A_30 = arith.extui %sign3A_29 : i1 to i32
      %sign3A_31 = arith.constant 0 : i32
      %sign3A_32 = arith.cmpi slt, %select_n3A, %sign3A_31 : i32
      %sign3A_33 = arith.extui %sign3A_32 : i1 to i32
      %sign3A_34 = arith.subi %sign3A_30, %sign3A_33 : i32
      %sign3A_35 = arith.constant 0 : i32
      %sign3A_36 = arith.cmpi sgt, %jit3A_28, %sign3A_35 : i32
      %sign3A_37 = arith.extui %sign3A_36 : i1 to i32
      %sign3A_38 = arith.constant 0 : i32
      %sign3A_39 = arith.cmpi slt, %jit3A_28, %sign3A_38 : i32
      %sign3A_40 = arith.extui %sign3A_39 : i1 to i32
      %sign3A_41 = arith.subi %sign3A_37, %sign3A_40 : i32
      %ne3A = arith.cmpi ne, %sign3A_34, %sign3A_41 : i32
      %rem3A = arith.remsi %select_n3A, %jit3A_28 : i32
      %ne3A_42 = arith.constant 0 : i32
      %ne3A_43 = arith.cmpi ne, %rem3A, %ne3A_42 : i32
      %and3A = arith.andi %ne3A, %ne3A_43 : i1
      %sub3A = arith.constant 1 : i32
      %sub3A_44 = arith.subi %div3A, %sub3A : i32
      %select_n3A_45 = arith.select %and3A, %sub3A_44, %div3A : i32
      %while3A = arith.constant 0 : i32
      %while3A_46 = arith.constant 0 : i32
      %while3A_47 = arith.subi %select_n3A_45, %while3A_46 : i32
      %while3A_48 = arith.addi %while3A_46, %while3A_47 : i32
      %while3A_49 = arith.constant 1 : i32
      %while3A_50 = arith.divsi %while3A_47, %while3A_49 : i32
      %while3A_51 = arith.muli %while3A_50, %while3A_49 : i32
      %while3A_52 = arith.addi %while3A_46, %while3A_51 : i32
      %while3A_53 = arith.constant 1 : i32
      scf.for %while3A_174 = %while3A_46 to %while3A_52 step %while3A_53  : i32 {
        %mul3A_175 = arith.constant 2 : i32
        %mul3A_176 = arith.muli %mul3A_175, %while3A_174 : i32
        %add3A_177 = arith.constant 0 : i32
        %add3A_178 = arith.addi %mul3A_176, %add3A_177 : i32
        %ge3A = arith.constant 1 : i32
        %ge3A_179 = arith.cmpi sge, %while3A_174, %ge3A : i32
        %convert_element_type3A_180 = arith.extui %ge3A_179 : i1 to i32
        %cond3A_181 = arith.constant 0 : i32
        %cond3A_182 = arith.cmpi ne, %convert_element_type3A_180, %cond3A_181 : i32
        scf.if %cond3A_182 {
          %sub3A_220 = arith.constant 2 : i32
          %sub3A_221 = arith.subi %add3A_178, %sub3A_220 : i32
          %dma_wait3A_222 = arith.constant 0 : i32
          %dma_wait3A_223 = tpu.memref_slice %arg10[%sub3A_221, %dma_wait3A_222] : memref<52x128xi32, #tpu.memory_space<vmem>> -> memref<1x128xi32, #tpu.memory_space<vmem>>
          %dma_wait3A_224 = tpu.memref_squeeze %dma_wait3A_223 : memref<1x128xi32, #tpu.memory_space<vmem>> -> memref<128xi32, #tpu.memory_space<vmem>>
          %dma_wait3A_225 = arith.constant 0 : i32
          %dma_wait3A_226 = arith.constant 0 : i32
          %dma_wait3A_227 = tpu.memref_slice %arg8[%dma_wait3A_225, %dma_wait3A_226] : memref<10240x128xf32, #tpu.memory_space<vmem_shared>> -> memref<10240x128xf32, #tpu.memory_space<vmem_shared>>
          tpu.wait_indirect_dma semaphore(%arg15 : memref<!tpu.dma_semaphore, #tpu.memory_space<semaphore_mem>>) src(%arg11 : memref<128x128xf32, #tpu.memory_space<vmem>>) dst(%dma_wait3A_227 : memref<10240x128xf32, #tpu.memory_space<vmem_shared>>)
          %sub3A_228 = arith.constant 1 : i32
          %sub3A_229 = arith.subi %add3A_178, %sub3A_228 : i32
          %dma_wait3A_230 = arith.constant 0 : i32
          %dma_wait3A_231 = tpu.memref_slice %arg9[%sub3A_229, %dma_wait3A_230] : memref<52x128xi32, #tpu.memory_space<vmem>> -> memref<1x128xi32, #tpu.memory_space<vmem>>
          %dma_wait3A_232 = tpu.memref_squeeze %dma_wait3A_231 : memref<1x128xi32, #tpu.memory_space<vmem>> -> memref<128xi32, #tpu.memory_space<vmem>>
          %dma_wait3A_233 = arith.constant 0 : i32
          %dma_wait3A_234 = arith.constant 0 : i32
          %dma_wait3A_235 = tpu.memref_slice %arg3[%dma_wait3A_233, %dma_wait3A_234] : memref<10000x128xf32, #tpu.memory_space<hbm>> -> memref<10000x128xf32, #tpu.memory_space<hbm>>
          tpu.wait_indirect_dma semaphore(%arg14 : memref<!tpu.dma_semaphore, #tpu.memory_space<semaphore_mem>>) src(%dma_wait3A_235 : memref<10000x128xf32, #tpu.memory_space<hbm>>) dst(%arg12 : memref<128x128xf32, #tpu.memory_space<vmem>>)
          %sub3A_236 = arith.constant 1 : i32
          %sub3A_237 = arith.subi %add3A_178, %sub3A_236 : i32
          %dma_start3A_238 = arith.constant 0 : i32
          %dma_start3A_239 = tpu.memref_slice %arg10[%sub3A_237, %dma_start3A_238] : memref<52x128xi32, #tpu.memory_space<vmem>> -> memref<1x128xi32, #tpu.memory_space<vmem>>
          %dma_start3A_240 = tpu.memref_squeeze %dma_start3A_239 : memref<1x128xi32, #tpu.memory_space<vmem>> -> memref<128xi32, #tpu.memory_space<vmem>>
          %dma_start3A_241 = arith.constant 0 : i32
          %dma_start3A_242 = arith.constant 0 : i32
          %dma_start3A_243 = tpu.memref_slice %arg8[%dma_start3A_241, %dma_start3A_242] : memref<10240x128xf32, #tpu.memory_space<vmem_shared>> -> memref<10240x128xf32, #tpu.memory_space<vmem_shared>>
          tpu.enqueue_indirect_dma source(%arg12 : memref<128x128xf32, #tpu.memory_space<vmem>>) target(%dma_start3A_243 : memref<10240x128xf32, #tpu.memory_space<vmem_shared>>) offsets(%dma_start3A_240 : memref<128xi32, #tpu.memory_space<vmem>>) semaphore(%arg16 : memref<!tpu.dma_semaphore, #tpu.memory_space<semaphore_mem>>) {add = true}
        } else {
        }
        %dma_start3A_183 = arith.constant 0 : i32
        %dma_start3A_184 = tpu.memref_slice %arg9[%add3A_178, %dma_start3A_183] : memref<52x128xi32, #tpu.memory_space<vmem>> -> memref<1x128xi32, #tpu.memory_space<vmem>>
        %dma_start3A_185 = tpu.memref_squeeze %dma_start3A_184 : memref<1x128xi32, #tpu.memory_space<vmem>> -> memref<128xi32, #tpu.memory_space<vmem>>
        %dma_start3A_186 = arith.constant 0 : i32
        %dma_start3A_187 = arith.constant 0 : i32
        %dma_start3A_188 = tpu.memref_slice %arg3[%dma_start3A_186, %dma_start3A_187] : memref<10000x128xf32, #tpu.memory_space<hbm>> -> memref<10000x128xf32, #tpu.memory_space<hbm>>
        tpu.enqueue_indirect_dma source(%dma_start3A_188 : memref<10000x128xf32, #tpu.memory_space<hbm>>) target(%arg11 : memref<128x128xf32, #tpu.memory_space<vmem>>) offsets(%dma_start3A_185 : memref<128xi32, #tpu.memory_space<vmem>>) semaphore(%arg13 : memref<!tpu.dma_semaphore, #tpu.memory_space<semaphore_mem>>)
        %mul3A_189 = arith.constant 2 : i32
        %mul3A_190 = arith.muli %mul3A_189, %while3A_174 : i32
        %add3A_191 = arith.constant 1 : i32
        %add3A_192 = arith.addi %mul3A_190, %add3A_191 : i32
        %ge3A_193 = arith.constant 1 : i32
        %ge3A_194 = arith.cmpi sge, %while3A_174, %ge3A_193 : i32
        %convert_element_type3A_195 = arith.extui %ge3A_194 : i1 to i32
        %cond3A_196 = arith.constant 0 : i32
        %cond3A_197 = arith.cmpi ne, %convert_element_type3A_195, %cond3A_196 : i32
        scf.if %cond3A_197 {
          %sub3A_220 = arith.constant 2 : i32
          %sub3A_221 = arith.subi %add3A_192, %sub3A_220 : i32
          %dma_wait3A_222 = arith.constant 0 : i32
          %dma_wait3A_223 = tpu.memref_slice %arg10[%sub3A_221, %dma_wait3A_222] : memref<52x128xi32, #tpu.memory_space<vmem>> -> memref<1x128xi32, #tpu.memory_space<vmem>>
          %dma_wait3A_224 = tpu.memref_squeeze %dma_wait3A_223 : memref<1x128xi32, #tpu.memory_space<vmem>> -> memref<128xi32, #tpu.memory_space<vmem>>
          %dma_wait3A_225 = arith.constant 0 : i32
          %dma_wait3A_226 = arith.constant 0 : i32
          %dma_wait3A_227 = tpu.memref_slice %arg8[%dma_wait3A_225, %dma_wait3A_226] : memref<10240x128xf32, #tpu.memory_space<vmem_shared>> -> memref<10240x128xf32, #tpu.memory_space<vmem_shared>>
          tpu.wait_indirect_dma semaphore(%arg16 : memref<!tpu.dma_semaphore, #tpu.memory_space<semaphore_mem>>) src(%arg12 : memref<128x128xf32, #tpu.memory_space<vmem>>) dst(%dma_wait3A_227 : memref<10240x128xf32, #tpu.memory_space<vmem_shared>>)
        } else {
        }
        %dma_start3A_198 = arith.constant 0 : i32
        %dma_start3A_199 = tpu.memref_slice %arg9[%add3A_192, %dma_start3A_198] : memref<52x128xi32, #tpu.memory_space<vmem>> -> memref<1x128xi32, #tpu.memory_space<vmem>>
        %dma_start3A_200 = tpu.memref_squeeze %dma_start3A_199 : memref<1x128xi32, #tpu.memory_space<vmem>> -> memref<128xi32, #tpu.memory_space<vmem>>
        %dma_start3A_201 = arith.constant 0 : i32
        %dma_start3A_202 = arith.constant 0 : i32
        %dma_start3A_203 = tpu.memref_slice %arg3[%dma_start3A_201, %dma_start3A_202] : memref<10000x128xf32, #tpu.memory_space<hbm>> -> memref<10000x128xf32, #tpu.memory_space<hbm>>
        tpu.enqueue_indirect_dma source(%dma_start3A_203 : memref<10000x128xf32, #tpu.memory_space<hbm>>) target(%arg12 : memref<128x128xf32, #tpu.memory_space<vmem>>) offsets(%dma_start3A_200 : memref<128xi32, #tpu.memory_space<vmem>>) semaphore(%arg14 : memref<!tpu.dma_semaphore, #tpu.memory_space<semaphore_mem>>)
        %sub3A_204 = arith.constant 1 : i32
        %sub3A_205 = arith.subi %add3A_192, %sub3A_204 : i32
        %dma_wait3A_206 = arith.constant 0 : i32
        %dma_wait3A_207 = tpu.memref_slice %arg9[%sub3A_205, %dma_wait3A_206] : memref<52x128xi32, #tpu.memory_space<vmem>> -> memref<1x128xi32, #tpu.memory_space<vmem>>
        %dma_wait3A_208 = tpu.memref_squeeze %dma_wait3A_207 : memref<1x128xi32, #tpu.memory_space<vmem>> -> memref<128xi32, #tpu.memory_space<vmem>>
        %dma_wait3A_209 = arith.constant 0 : i32
        %dma_wait3A_210 = arith.constant 0 : i32
        %dma_wait3A_211 = tpu.memref_slice %arg3[%dma_wait3A_209, %dma_wait3A_210] : memref<10000x128xf32, #tpu.memory_space<hbm>> -> memref<10000x128xf32, #tpu.memory_space<hbm>>
        tpu.wait_indirect_dma semaphore(%arg13 : memref<!tpu.dma_semaphore, #tpu.memory_space<semaphore_mem>>) src(%dma_wait3A_211 : memref<10000x128xf32, #tpu.memory_space<hbm>>) dst(%arg11 : memref<128x128xf32, #tpu.memory_space<vmem>>)
        %sub3A_212 = arith.constant 1 : i32
        %sub3A_213 = arith.subi %add3A_192, %sub3A_212 : i32
        %dma_start3A_214 = arith.constant 0 : i32
        %dma_start3A_215 = tpu.memref_slice %arg10[%sub3A_213, %dma_start3A_214] : memref<52x128xi32, #tpu.memory_space<vmem>> -> memref<1x128xi32, #tpu.memory_space<vmem>>
        %dma_start3A_216 = tpu.memref_squeeze %dma_start3A_215 : memref<1x128xi32, #tpu.memory_space<vmem>> -> memref<128xi32, #tpu.memory_space<vmem>>
        %dma_start3A_217 = arith.constant 0 : i32
        %dma_start3A_218 = arith.constant 0 : i32
        %dma_start3A_219 = tpu.memref_slice %arg8[%dma_start3A_217, %dma_start3A_218] : memref<10240x128xf32, #tpu.memory_space<vmem_shared>> -> memref<10240x128xf32, #tpu.memory_space<vmem_shared>>
        tpu.enqueue_indirect_dma source(%arg11 : memref<128x128xf32, #tpu.memory_space<vmem>>) target(%dma_start3A_219 : memref<10240x128xf32, #tpu.memory_space<vmem_shared>>) offsets(%dma_start3A_216 : memref<128xi32, #tpu.memory_space<vmem>>) semaphore(%arg15 : memref<!tpu.dma_semaphore, #tpu.memory_space<semaphore_mem>>) {add = true}
      }
      %while3A_54 = arith.constant 1 : i32
      scf.for %while3A_174 = %while3A_52 to %while3A_48 step %while3A_54  : i32 {
        %mul3A_175 = arith.constant 2 : i32
        %mul3A_176 = arith.muli %mul3A_175, %while3A_174 : i32
        %add3A_177 = arith.constant 0 : i32
        %add3A_178 = arith.addi %mul3A_176, %add3A_177 : i32
        %ge3A = arith.constant 1 : i32
        %ge3A_179 = arith.cmpi sge, %while3A_174, %ge3A : i32
        %convert_element_type3A_180 = arith.extui %ge3A_179 : i1 to i32
        %cond3A_181 = arith.constant 0 : i32
        %cond3A_182 = arith.cmpi ne, %convert_element_type3A_180, %cond3A_181 : i32
        scf.if %cond3A_182 {
          %sub3A_220 = arith.constant 2 : i32
          %sub3A_221 = arith.subi %add3A_178, %sub3A_220 : i32
          %dma_wait3A_222 = arith.constant 0 : i32
          %dma_wait3A_223 = tpu.memref_slice %arg10[%sub3A_221, %dma_wait3A_222] : memref<52x128xi32, #tpu.memory_space<vmem>> -> memref<1x128xi32, #tpu.memory_space<vmem>>
          %dma_wait3A_224 = tpu.memref_squeeze %dma_wait3A_223 : memref<1x128xi32, #tpu.memory_space<vmem>> -> memref<128xi32, #tpu.memory_space<vmem>>
          %dma_wait3A_225 = arith.constant 0 : i32
          %dma_wait3A_226 = arith.constant 0 : i32
          %dma_wait3A_227 = tpu.memref_slice %arg8[%dma_wait3A_225, %dma_wait3A_226] : memref<10240x128xf32, #tpu.memory_space<vmem_shared>> -> memref<10240x128xf32, #tpu.memory_space<vmem_shared>>
          tpu.wait_indirect_dma semaphore(%arg15 : memref<!tpu.dma_semaphore, #tpu.memory_space<semaphore_mem>>) src(%arg11 : memref<128x128xf32, #tpu.memory_space<vmem>>) dst(%dma_wait3A_227 : memref<10240x128xf32, #tpu.memory_space<vmem_shared>>)
          %sub3A_228 = arith.constant 1 : i32
          %sub3A_229 = arith.subi %add3A_178, %sub3A_228 : i32
          %dma_wait3A_230 = arith.constant 0 : i32
          %dma_wait3A_231 = tpu.memref_slice %arg9[%sub3A_229, %dma_wait3A_230] : memref<52x128xi32, #tpu.memory_space<vmem>> -> memref<1x128xi32, #tpu.memory_space<vmem>>
          %dma_wait3A_232 = tpu.memref_squeeze %dma_wait3A_231 : memref<1x128xi32, #tpu.memory_space<vmem>> -> memref<128xi32, #tpu.memory_space<vmem>>
          %dma_wait3A_233 = arith.constant 0 : i32
          %dma_wait3A_234 = arith.constant 0 : i32
          %dma_wait3A_235 = tpu.memref_slice %arg3[%dma_wait3A_233, %dma_wait3A_234] : memref<10000x128xf32, #tpu.memory_space<hbm>> -> memref<10000x128xf32, #tpu.memory_space<hbm>>
          tpu.wait_indirect_dma semaphore(%arg14 : memref<!tpu.dma_semaphore, #tpu.memory_space<semaphore_mem>>) src(%dma_wait3A_235 : memref<10000x128xf32, #tpu.memory_space<hbm>>) dst(%arg12 : memref<128x128xf32, #tpu.memory_space<vmem>>)
          %sub3A_236 = arith.constant 1 : i32
          %sub3A_237 = arith.subi %add3A_178, %sub3A_236 : i32
          %dma_start3A_238 = arith.constant 0 : i32
          %dma_start3A_239 = tpu.memref_slice %arg10[%sub3A_237, %dma_start3A_238] : memref<52x128xi32, #tpu.memory_space<vmem>> -> memref<1x128xi32, #tpu.memory_space<vmem>>
          %dma_start3A_240 = tpu.memref_squeeze %dma_start3A_239 : memref<1x128xi32, #tpu.memory_space<vmem>> -> memref<128xi32, #tpu.memory_space<vmem>>
          %dma_start3A_241 = arith.constant 0 : i32
          %dma_start3A_242 = arith.constant 0 : i32
          %dma_start3A_243 = tpu.memref_slice %arg8[%dma_start3A_241, %dma_start3A_242] : memref<10240x128xf32, #tpu.memory_space<vmem_shared>> -> memref<10240x128xf32, #tpu.memory_space<vmem_shared>>
          tpu.enqueue_indirect_dma source(%arg12 : memref<128x128xf32, #tpu.memory_space<vmem>>) target(%dma_start3A_243 : memref<10240x128xf32, #tpu.memory_space<vmem_shared>>) offsets(%dma_start3A_240 : memref<128xi32, #tpu.memory_space<vmem>>) semaphore(%arg16 : memref<!tpu.dma_semaphore, #tpu.memory_space<semaphore_mem>>) {add = true}
        } else {
        }
        %dma_start3A_183 = arith.constant 0 : i32
        %dma_start3A_184 = tpu.memref_slice %arg9[%add3A_178, %dma_start3A_183] : memref<52x128xi32, #tpu.memory_space<vmem>> -> memref<1x128xi32, #tpu.memory_space<vmem>>
        %dma_start3A_185 = tpu.memref_squeeze %dma_start3A_184 : memref<1x128xi32, #tpu.memory_space<vmem>> -> memref<128xi32, #tpu.memory_space<vmem>>
        %dma_start3A_186 = arith.constant 0 : i32
        %dma_start3A_187 = arith.constant 0 : i32
        %dma_start3A_188 = tpu.memref_slice %arg3[%dma_start3A_186, %dma_start3A_187] : memref<10000x128xf32, #tpu.memory_space<hbm>> -> memref<10000x128xf32, #tpu.memory_space<hbm>>
        tpu.enqueue_indirect_dma source(%dma_start3A_188 : memref<10000x128xf32, #tpu.memory_space<hbm>>) target(%arg11 : memref<128x128xf32, #tpu.memory_space<vmem>>) offsets(%dma_start3A_185 : memref<128xi32, #tpu.memory_space<vmem>>) semaphore(%arg13 : memref<!tpu.dma_semaphore, #tpu.memory_space<semaphore_mem>>)
        %mul3A_189 = arith.constant 2 : i32
        %mul3A_190 = arith.muli %mul3A_189, %while3A_174 : i32
        %add3A_191 = arith.constant 1 : i32
        %add3A_192 = arith.addi %mul3A_190, %add3A_191 : i32
        %ge3A_193 = arith.constant 1 : i32
        %ge3A_194 = arith.cmpi sge, %while3A_174, %ge3A_193 : i32
        %convert_element_type3A_195 = arith.extui %ge3A_194 : i1 to i32
        %cond3A_196 = arith.constant 0 : i32
        %cond3A_197 = arith.cmpi ne, %convert_element_type3A_195, %cond3A_196 : i32
        scf.if %cond3A_197 {
          %sub3A_220 = arith.constant 2 : i32
          %sub3A_221 = arith.subi %add3A_192, %sub3A_220 : i32
          %dma_wait3A_222 = arith.constant 0 : i32
          %dma_wait3A_223 = tpu.memref_slice %arg10[%sub3A_221, %dma_wait3A_222] : memref<52x128xi32, #tpu.memory_space<vmem>> -> memref<1x128xi32, #tpu.memory_space<vmem>>
          %dma_wait3A_224 = tpu.memref_squeeze %dma_wait3A_223 : memref<1x128xi32, #tpu.memory_space<vmem>> -> memref<128xi32, #tpu.memory_space<vmem>>
          %dma_wait3A_225 = arith.constant 0 : i32
          %dma_wait3A_226 = arith.constant 0 : i32
          %dma_wait3A_227 = tpu.memref_slice %arg8[%dma_wait3A_225, %dma_wait3A_226] : memref<10240x128xf32, #tpu.memory_space<vmem_shared>> -> memref<10240x128xf32, #tpu.memory_space<vmem_shared>>
          tpu.wait_indirect_dma semaphore(%arg16 : memref<!tpu.dma_semaphore, #tpu.memory_space<semaphore_mem>>) src(%arg12 : memref<128x128xf32, #tpu.memory_space<vmem>>) dst(%dma_wait3A_227 : memref<10240x128xf32, #tpu.memory_space<vmem_shared>>)
        } else {
        }
        %dma_start3A_198 = arith.constant 0 : i32
        %dma_start3A_199 = tpu.memref_slice %arg9[%add3A_192, %dma_start3A_198] : memref<52x128xi32, #tpu.memory_space<vmem>> -> memref<1x128xi32, #tpu.memory_space<vmem>>
        %dma_start3A_200 = tpu.memref_squeeze %dma_start3A_199 : memref<1x128xi32, #tpu.memory_space<vmem>> -> memref<128xi32, #tpu.memory_space<vmem>>
        %dma_start3A_201 = arith.constant 0 : i32
        %dma_start3A_202 = arith.constant 0 : i32
        %dma_start3A_203 = tpu.memref_slice %arg3[%dma_start3A_201, %dma_start3A_202] : memref<10000x128xf32, #tpu.memory_space<hbm>> -> memref<10000x128xf32, #tpu.memory_space<hbm>>
        tpu.enqueue_indirect_dma source(%dma_start3A_203 : memref<10000x128xf32, #tpu.memory_space<hbm>>) target(%arg12 : memref<128x128xf32, #tpu.memory_space<vmem>>) offsets(%dma_start3A_200 : memref<128xi32, #tpu.memory_space<vmem>>) semaphore(%arg14 : memref<!tpu.dma_semaphore, #tpu.memory_space<semaphore_mem>>)
        %sub3A_204 = arith.constant 1 : i32
        %sub3A_205 = arith.subi %add3A_192, %sub3A_204 : i32
        %dma_wait3A_206 = arith.constant 0 : i32
        %dma_wait3A_207 = tpu.memref_slice %arg9[%sub3A_205, %dma_wait3A_206] : memref<52x128xi32, #tpu.memory_space<vmem>> -> memref<1x128xi32, #tpu.memory_space<vmem>>
        %dma_wait3A_208 = tpu.memref_squeeze %dma_wait3A_207 : memref<1x128xi32, #tpu.memory_space<vmem>> -> memref<128xi32, #tpu.memory_space<vmem>>
        %dma_wait3A_209 = arith.constant 0 : i32
        %dma_wait3A_210 = arith.constant 0 : i32
        %dma_wait3A_211 = tpu.memref_slice %arg3[%dma_wait3A_209, %dma_wait3A_210] : memref<10000x128xf32, #tpu.memory_space<hbm>> -> memref<10000x128xf32, #tpu.memory_space<hbm>>
        tpu.wait_indirect_dma semaphore(%arg13 : memref<!tpu.dma_semaphore, #tpu.memory_space<semaphore_mem>>) src(%dma_wait3A_211 : memref<10000x128xf32, #tpu.memory_space<hbm>>) dst(%arg11 : memref<128x128xf32, #tpu.memory_space<vmem>>)
        %sub3A_212 = arith.constant 1 : i32
        %sub3A_213 = arith.subi %add3A_192, %sub3A_212 : i32
        %dma_start3A_214 = arith.constant 0 : i32
        %dma_start3A_215 = tpu.memref_slice %arg10[%sub3A_213, %dma_start3A_214] : memref<52x128xi32, #tpu.memory_space<vmem>> -> memref<1x128xi32, #tpu.memory_space<vmem>>
        %dma_start3A_216 = tpu.memref_squeeze %dma_start3A_215 : memref<1x128xi32, #tpu.memory_space<vmem>> -> memref<128xi32, #tpu.memory_space<vmem>>
        %dma_start3A_217 = arith.constant 0 : i32
        %dma_start3A_218 = arith.constant 0 : i32
        %dma_start3A_219 = tpu.memref_slice %arg8[%dma_start3A_217, %dma_start3A_218] : memref<10240x128xf32, #tpu.memory_space<vmem_shared>> -> memref<10240x128xf32, #tpu.memory_space<vmem_shared>>
        tpu.enqueue_indirect_dma source(%arg11 : memref<128x128xf32, #tpu.memory_space<vmem>>) target(%dma_start3A_219 : memref<10240x128xf32, #tpu.memory_space<vmem_shared>>) offsets(%dma_start3A_216 : memref<128xi32, #tpu.memory_space<vmem>>) semaphore(%arg15 : memref<!tpu.dma_semaphore, #tpu.memory_space<semaphore_mem>>) {add = true}
      }
      %sub3A_55 = arith.constant 1 : i32
      %sub3A_56 = arith.subi %select_n3A, %sub3A_55 : i32
      %dma_wait3A = arith.constant 0 : i32
      %dma_wait3A_57 = tpu.memref_slice %arg9[%sub3A_56, %dma_wait3A] : memref<52x128xi32, #tpu.memory_space<vmem>> -> memref<1x128xi32, #tpu.memory_space<vmem>>
      %dma_wait3A_58 = tpu.memref_squeeze %dma_wait3A_57 : memref<1x128xi32, #tpu.memory_space<vmem>> -> memref<128xi32, #tpu.memory_space<vmem>>
      %dma_wait3A_59 = arith.constant 0 : i32
      %dma_wait3A_60 = arith.constant 0 : i32
      %dma_wait3A_61 = tpu.memref_slice %arg3[%dma_wait3A_59, %dma_wait3A_60] : memref<10000x128xf32, #tpu.memory_space<hbm>> -> memref<10000x128xf32, #tpu.memory_space<hbm>>
      tpu.wait_indirect_dma semaphore(%arg14 : memref<!tpu.dma_semaphore, #tpu.memory_space<semaphore_mem>>) src(%dma_wait3A_61 : memref<10000x128xf32, #tpu.memory_space<hbm>>) dst(%arg12 : memref<128x128xf32, #tpu.memory_space<vmem>>)
      %dma_start3A = arith.constant 0 : i32
      %dma_start3A_62 = tpu.memref_slice %arg10[%sub3A_56, %dma_start3A] : memref<52x128xi32, #tpu.memory_space<vmem>> -> memref<1x128xi32, #tpu.memory_space<vmem>>
      %dma_start3A_63 = tpu.memref_squeeze %dma_start3A_62 : memref<1x128xi32, #tpu.memory_space<vmem>> -> memref<128xi32, #tpu.memory_space<vmem>>
      %dma_start3A_64 = arith.constant 0 : i32
      %dma_start3A_65 = arith.constant 0 : i32
      %dma_start3A_66 = tpu.memref_slice %arg8[%dma_start3A_64, %dma_start3A_65] : memref<10240x128xf32, #tpu.memory_space<vmem_shared>> -> memref<10240x128xf32, #tpu.memory_space<vmem_shared>>
      tpu.enqueue_indirect_dma source(%arg12 : memref<128x128xf32, #tpu.memory_space<vmem>>) target(%dma_start3A_66 : memref<10240x128xf32, #tpu.memory_space<vmem_shared>>) offsets(%dma_start3A_63 : memref<128xi32, #tpu.memory_space<vmem>>) semaphore(%arg16 : memref<!tpu.dma_semaphore, #tpu.memory_space<semaphore_mem>>) {add = true}
      %sub3A_67 = arith.constant 2 : i32
      %sub3A_68 = arith.subi %select_n3A, %sub3A_67 : i32
      %add3A_69 = arith.constant 0 : i32
      %add3A_70 = arith.addi %sub3A_68, %add3A_69 : i32
      %dma_wait3A_71 = arith.constant 0 : i32
      %dma_wait3A_72 = tpu.memref_slice %arg10[%add3A_70, %dma_wait3A_71] : memref<52x128xi32, #tpu.memory_space<vmem>> -> memref<1x128xi32, #tpu.memory_space<vmem>>
      %dma_wait3A_73 = tpu.memref_squeeze %dma_wait3A_72 : memref<1x128xi32, #tpu.memory_space<vmem>> -> memref<128xi32, #tpu.memory_space<vmem>>
      %dma_wait3A_74 = arith.constant 0 : i32
      %dma_wait3A_75 = arith.constant 0 : i32
      %dma_wait3A_76 = tpu.memref_slice %arg8[%dma_wait3A_74, %dma_wait3A_75] : memref<10240x128xf32, #tpu.memory_space<vmem_shared>> -> memref<10240x128xf32, #tpu.memory_space<vmem_shared>>
      tpu.wait_indirect_dma semaphore(%arg15 : memref<!tpu.dma_semaphore, #tpu.memory_space<semaphore_mem>>) src(%arg11 : memref<128x128xf32, #tpu.memory_space<vmem>>) dst(%dma_wait3A_76 : memref<10240x128xf32, #tpu.memory_space<vmem_shared>>)
      %sub3A_77 = arith.constant 2 : i32
      %sub3A_78 = arith.subi %select_n3A, %sub3A_77 : i32
      %add3A_79 = arith.constant 1 : i32
      %add3A_80 = arith.addi %sub3A_78, %add3A_79 : i32
      %dma_wait3A_81 = arith.constant 0 : i32
      %dma_wait3A_82 = tpu.memref_slice %arg10[%add3A_80, %dma_wait3A_81] : memref<52x128xi32, #tpu.memory_space<vmem>> -> memref<1x128xi32, #tpu.memory_space<vmem>>
      %dma_wait3A_83 = tpu.memref_squeeze %dma_wait3A_82 : memref<1x128xi32, #tpu.memory_space<vmem>> -> memref<128xi32, #tpu.memory_space<vmem>>
      %dma_wait3A_84 = arith.constant 0 : i32
      %dma_wait3A_85 = arith.constant 0 : i32
      %dma_wait3A_86 = tpu.memref_slice %arg8[%dma_wait3A_84, %dma_wait3A_85] : memref<10240x128xf32, #tpu.memory_space<vmem_shared>> -> memref<10240x128xf32, #tpu.memory_space<vmem_shared>>
      tpu.wait_indirect_dma semaphore(%arg16 : memref<!tpu.dma_semaphore, #tpu.memory_space<semaphore_mem>>) src(%arg12 : memref<128x128xf32, #tpu.memory_space<vmem>>) dst(%dma_wait3A_86 : memref<10240x128xf32, #tpu.memory_space<vmem_shared>>)
      %barrier3A_87 = arith.constant 0 : index
      tpu.barrier barrier_id(%barrier3A_87)
      "tpu.region"() ({
        %run_scoped3A = tpu.sem_alloc : memref<!tpu.dma_semaphore, #tpu.memory_space<semaphore_mem>>
        %dma_start3A_174 = arith.constant 0 : i32
        %dma_start3A_175 = tpu.memref_slice %arg7[%arg0, %mul3A_2, %dma_start3A_174] : memref<2x10240x128xf32, #tpu.memory_space<hbm>> -> memref<1x640x128xf32, #tpu.memory_space<hbm>>
        %dma_start3A_176 = tpu.memref_squeeze %dma_start3A_175 : memref<1x640x128xf32, #tpu.memory_space<hbm>> -> memref<640x128xf32, #tpu.memory_space<hbm>>
        %dma_start3A_177 = arith.constant 0 : i32
        %dma_start3A_178 = tpu.memref_slice %arg8[%mul3A_2, %dma_start3A_177] : memref<10240x128xf32, #tpu.memory_space<vmem_shared>> -> memref<640x128xf32, #tpu.memory_space<vmem_shared>>
        tpu.enqueue_dma source(%dma_start3A_178 : memref<640x128xf32, #tpu.memory_space<vmem_shared>>) target(%dma_start3A_176 : memref<640x128xf32, #tpu.memory_space<hbm>>) target_semaphore(%run_scoped3A : memref<!tpu.dma_semaphore, #tpu.memory_space<semaphore_mem>>)
        %dma_wait3A_179 = arith.constant 0 : i32
        %dma_wait3A_180 = tpu.memref_slice %arg7[%arg0, %mul3A_2, %dma_wait3A_179] : memref<2x10240x128xf32, #tpu.memory_space<hbm>> -> memref<1x640x128xf32, #tpu.memory_space<hbm>>
        %dma_wait3A_181 = tpu.memref_squeeze %dma_wait3A_180 : memref<1x640x128xf32, #tpu.memory_space<hbm>> -> memref<640x128xf32, #tpu.memory_space<hbm>>
        %dma_wait3A_182 = arith.constant 0 : i32
        %dma_wait3A_183 = tpu.memref_slice %arg8[%mul3A_2, %dma_wait3A_182] : memref<10240x128xf32, #tpu.memory_space<vmem_shared>> -> memref<640x128xf32, #tpu.memory_space<vmem_shared>>
        tpu.wait_dma2 semaphore(%run_scoped3A : memref<!tpu.dma_semaphore, #tpu.memory_space<semaphore_mem>>) src(%dma_wait3A_183 : memref<640x128xf32, #tpu.memory_space<vmem_shared>>) dst(%dma_wait3A_181 : memref<640x128xf32, #tpu.memory_space<hbm>>)
        tpu.yield
      }) : () -> ()
      %scan3A_88 = arith.constant 0 : i32
      %scan3A_89 = arith.constant 0 : i32
      %scan3A_90 = arith.constant 128 : i32
      %scan3A_91 = arith.addi %scan3A_89, %scan3A_90 : i32
      %scan3A_92 = arith.constant 1 : i32
      scf.for %scan3A_174 = %scan3A_89 to %scan3A_91 step %scan3A_92  : i32 {
        %broadcast_in_dim3A = arith.constant 0.000000e+00 : f32
        %broadcast_in_dim3A_175 = vector.broadcast %broadcast_in_dim3A : f32 to vector<16xf32>
        %swap3A = arith.index_cast %scan3A_174 : i32 to index
        %swap3A_176 = arith.constant 0 : index
        %swap3A_177 = tpu.vector_load %arg11[%swap3A, %swap3A_176] {strides = array<i32>} : memref<128x128xf32, #tpu.memory_space<vmem>>, vector<1x16xf32>,
        %swap3A_178 = vector.shape_cast %swap3A_177 : vector<1x16xf32> to vector<16xf32>
        %swap3A_179 = vector.shape_cast %broadcast_in_dim3A_175 : vector<16xf32> to vector<1x16xf32>
        tpu.vector_store %arg11[%swap3A, %swap3A_176], %swap3A_179 {strides = array<i32>} : memref<128x128xf32, #tpu.memory_space<vmem>>, vector<1x16xf32>,
        %broadcast_in_dim3A_180 = arith.constant 0.000000e+00 : f32
        %broadcast_in_dim3A_181 = vector.broadcast %broadcast_in_dim3A_180 : f32 to vector<16xf32>
        %swap3A_182 = arith.index_cast %scan3A_174 : i32 to index
        %swap3A_183 = arith.constant 16 : index
        %swap3A_184 = tpu.vector_load %arg11[%swap3A_182, %swap3A_183] {strides = array<i32>} : memref<128x128xf32, #tpu.memory_space<vmem>>, vector<1x16xf32>,
        %swap3A_185 = vector.shape_cast %swap3A_184 : vector<1x16xf32> to vector<16xf32>
        %swap3A_186 = vector.shape_cast %broadcast_in_dim3A_181 : vector<16xf32> to vector<1x16xf32>
        tpu.vector_store %arg11[%swap3A_182, %swap3A_183], %swap3A_186 {strides = array<i32>} : memref<128x128xf32, #tpu.memory_space<vmem>>, vector<1x16xf32>,
        %broadcast_in_dim3A_187 = arith.constant 0.000000e+00 : f32
        %broadcast_in_dim3A_188 = vector.broadcast %broadcast_in_dim3A_187 : f32 to vector<16xf32>
        %swap3A_189 = arith.index_cast %scan3A_174 : i32 to index
        %swap3A_190 = arith.constant 32 : index
        %swap3A_191 = tpu.vector_load %arg11[%swap3A_189, %swap3A_190] {strides = array<i32>} : memref<128x128xf32, #tpu.memory_space<vmem>>, vector<1x16xf32>,
        %swap3A_192 = vector.shape_cast %swap3A_191 : vector<1x16xf32> to vector<16xf32>
        %swap3A_193 = vector.shape_cast %broadcast_in_dim3A_188 : vector<16xf32> to vector<1x16xf32>
        tpu.vector_store %arg11[%swap3A_189, %swap3A_190], %swap3A_193 {strides = array<i32>} : memref<128x128xf32, #tpu.memory_space<vmem>>, vector<1x16xf32>,
        %broadcast_in_dim3A_194 = arith.constant 0.000000e+00 : f32
        %broadcast_in_dim3A_195 = vector.broadcast %broadcast_in_dim3A_194 : f32 to vector<16xf32>
        %swap3A_196 = arith.index_cast %scan3A_174 : i32 to index
        %swap3A_197 = arith.constant 48 : index
        %swap3A_198 = tpu.vector_load %arg11[%swap3A_196, %swap3A_197] {strides = array<i32>} : memref<128x128xf32, #tpu.memory_space<vmem>>, vector<1x16xf32>,
        %swap3A_199 = vector.shape_cast %swap3A_198 : vector<1x16xf32> to vector<16xf32>
        %swap3A_200 = vector.shape_cast %broadcast_in_dim3A_195 : vector<16xf32> to vector<1x16xf32>
        tpu.vector_store %arg11[%swap3A_196, %swap3A_197], %swap3A_200 {strides = array<i32>} : memref<128x128xf32, #tpu.memory_space<vmem>>, vector<1x16xf32>,
        %broadcast_in_dim3A_201 = arith.constant 0.000000e+00 : f32
        %broadcast_in_dim3A_202 = vector.broadcast %broadcast_in_dim3A_201 : f32 to vector<16xf32>
        %swap3A_203 = arith.index_cast %scan3A_174 : i32 to index
        %swap3A_204 = arith.constant 64 : index
        %swap3A_205 = tpu.vector_load %arg11[%swap3A_203, %swap3A_204] {strides = array<i32>} : memref<128x128xf32, #tpu.memory_space<vmem>>, vector<1x16xf32>,
        %swap3A_206 = vector.shape_cast %swap3A_205 : vector<1x16xf32> to vector<16xf32>
        %swap3A_207 = vector.shape_cast %broadcast_in_dim3A_202 : vector<16xf32> to vector<1x16xf32>
        tpu.vector_store %arg11[%swap3A_203, %swap3A_204], %swap3A_207 {strides = array<i32>} : memref<128x128xf32, #tpu.memory_space<vmem>>, vector<1x16xf32>,
        %broadcast_in_dim3A_208 = arith.constant 0.000000e+00 : f32
        %broadcast_in_dim3A_209 = vector.broadcast %broadcast_in_dim3A_208 : f32 to vector<16xf32>
        %swap3A_210 = arith.index_cast %scan3A_174 : i32 to index
        %swap3A_211 = arith.constant 80 : index
        %swap3A_212 = tpu.vector_load %arg11[%swap3A_210, %swap3A_211] {strides = array<i32>} : memref<128x128xf32, #tpu.memory_space<vmem>>, vector<1x16xf32>,
        %swap3A_213 = vector.shape_cast %swap3A_212 : vector<1x16xf32> to vector<16xf32>
        %swap3A_214 = vector.shape_cast %broadcast_in_dim3A_209 : vector<16xf32> to vector<1x16xf32>
        tpu.vector_store %arg11[%swap3A_210, %swap3A_211], %swap3A_214 {strides = array<i32>} : memref<128x128xf32, #tpu.memory_space<vmem>>, vector<1x16xf32>,
        %broadcast_in_dim3A_215 = arith.constant 0.000000e+00 : f32
        %broadcast_in_dim3A_216 = vector.broadcast %broadcast_in_dim3A_215 : f32 to vector<16xf32>
        %swap3A_217 = arith.index_cast %scan3A_174 : i32 to index
        %swap3A_218 = arith.constant 96 : index
        %swap3A_219 = tpu.vector_load %arg11[%swap3A_217, %swap3A_218] {strides = array<i32>} : memref<128x128xf32, #tpu.memory_space<vmem>>, vector<1x16xf32>,
        %swap3A_220 = vector.shape_cast %swap3A_219 : vector<1x16xf32> to vector<16xf32>
        %swap3A_221 = vector.shape_cast %broadcast_in_dim3A_216 : vector<16xf32> to vector<1x16xf32>
        tpu.vector_store %arg11[%swap3A_217, %swap3A_218], %swap3A_221 {strides = array<i32>} : memref<128x128xf32, #tpu.memory_space<vmem>>, vector<1x16xf32>,
        %broadcast_in_dim3A_222 = arith.constant 0.000000e+00 : f32
        %broadcast_in_dim3A_223 = vector.broadcast %broadcast_in_dim3A_222 : f32 to vector<16xf32>
        %swap3A_224 = arith.index_cast %scan3A_174 : i32 to index
        %swap3A_225 = arith.constant 112 : index
        %swap3A_226 = tpu.vector_load %arg11[%swap3A_224, %swap3A_225] {strides = array<i32>} : memref<128x128xf32, #tpu.memory_space<vmem>>, vector<1x16xf32>,
        %swap3A_227 = vector.shape_cast %swap3A_226 : vector<1x16xf32> to vector<16xf32>
        %swap3A_228 = vector.shape_cast %broadcast_in_dim3A_223 : vector<16xf32> to vector<1x16xf32>
        tpu.vector_store %arg11[%swap3A_224, %swap3A_225], %swap3A_228 {strides = array<i32>} : memref<128x128xf32, #tpu.memory_space<vmem>>, vector<1x16xf32>,
      }
      %scan3A_93 = arith.constant 128 : i32
      %add3A_94 = arith.constant 0 : i32
      %add3A_95 = arith.addi %mul3A_2, %add3A_94 : i32
      "tpu.region"() ({
        %run_scoped3A = tpu.sem_alloc : memref<!tpu.dma_semaphore, #tpu.memory_space<semaphore_mem>>
        %dma_start3A_174 = arith.constant 0 : i32
        %dma_start3A_175 = tpu.memref_slice %arg8[%add3A_95, %dma_start3A_174] : memref<10240x128xf32, #tpu.memory_space<vmem_shared>> -> memref<128x128xf32, #tpu.memory_space<vmem_shared>>
        %dma_start3A_176 = arith.constant 0 : i32
        %dma_start3A_177 = tpu.memref_slice %arg8[%add3A_95, %dma_start3A_176] : memref<10240x128xf32, #tpu.memory_space<vmem_shared>> -> memref<128x128xf32, #tpu.memory_space<vmem_shared>>
        tpu.enqueue_dma source(%arg11 : memref<128x128xf32, #tpu.memory_space<vmem>>) target(%dma_start3A_177 : memref<128x128xf32, #tpu.memory_space<vmem_shared>>) target_semaphore(%run_scoped3A : memref<!tpu.dma_semaphore, #tpu.memory_space<semaphore_mem>>)
        %dma_wait3A_178 = arith.constant 0 : i32
        %dma_wait3A_179 = tpu.memref_slice %arg8[%add3A_95, %dma_wait3A_178] : memref<10240x128xf32, #tpu.memory_space<vmem_shared>> -> memref<128x128xf32, #tpu.memory_space<vmem_shared>>
        %dma_wait3A_180 = arith.constant 0 : i32
        %dma_wait3A_181 = tpu.memref_slice %arg8[%add3A_95, %dma_wait3A_180] : memref<10240x128xf32, #tpu.memory_space<vmem_shared>> -> memref<128x128xf32, #tpu.memory_space<vmem_shared>>
        tpu.wait_dma2 semaphore(%run_scoped3A : memref<!tpu.dma_semaphore, #tpu.memory_space<semaphore_mem>>) src(%arg11 : memref<128x128xf32, #tpu.memory_space<vmem>>) dst(%dma_wait3A_181 : memref<128x128xf32, #tpu.memory_space<vmem_shared>>)
        tpu.yield
      }) : () -> ()
      %add3A_96 = arith.constant 128 : i32
      %add3A_97 = arith.addi %mul3A_2, %add3A_96 : i32
      "tpu.region"() ({
        %run_scoped3A = tpu.sem_alloc : memref<!tpu.dma_semaphore, #tpu.memory_space<semaphore_mem>>
        %dma_start3A_174 = arith.constant 0 : i32
        %dma_start3A_175 = tpu.memref_slice %arg8[%add3A_97, %dma_start3A_174] : memref<10240x128xf32, #tpu.memory_space<vmem_shared>> -> memref<128x128xf32, #tpu.memory_space<vmem_shared>>
        %dma_start3A_176 = arith.constant 0 : i32
        %dma_start3A_177 = tpu.memref_slice %arg8[%add3A_97, %dma_start3A_176] : memref<10240x128xf32, #tpu.memory_space<vmem_shared>> -> memref<128x128xf32, #tpu.memory_space<vmem_shared>>
        tpu.enqueue_dma source(%arg11 : memref<128x128xf32, #tpu.memory_space<vmem>>) target(%dma_start3A_177 : memref<128x128xf32, #tpu.memory_space<vmem_shared>>) target_semaphore(%run_scoped3A : memref<!tpu.dma_semaphore, #tpu.memory_space<semaphore_mem>>)
        %dma_wait3A_178 = arith.constant 0 : i32
        %dma_wait3A_179 = tpu.memref_slice %arg8[%add3A_97, %dma_wait3A_178] : memref<10240x128xf32, #tpu.memory_space<vmem_shared>> -> memref<128x128xf32, #tpu.memory_space<vmem_shared>>
        %dma_wait3A_180 = arith.constant 0 : i32
        %dma_wait3A_181 = tpu.memref_slice %arg8[%add3A_97, %dma_wait3A_180] : memref<10240x128xf32, #tpu.memory_space<vmem_shared>> -> memref<128x128xf32, #tpu.memory_space<vmem_shared>>
        tpu.wait_dma2 semaphore(%run_scoped3A : memref<!tpu.dma_semaphore, #tpu.memory_space<semaphore_mem>>) src(%arg11 : memref<128x128xf32, #tpu.memory_space<vmem>>) dst(%dma_wait3A_181 : memref<128x128xf32, #tpu.memory_space<vmem_shared>>)
        tpu.yield
      }) : () -> ()
      %add3A_98 = arith.constant 256 : i32
      %add3A_99 = arith.addi %mul3A_2, %add3A_98 : i32
      "tpu.region"() ({
        %run_scoped3A = tpu.sem_alloc : memref<!tpu.dma_semaphore, #tpu.memory_space<semaphore_mem>>
        %dma_start3A_174 = arith.constant 0 : i32
        %dma_start3A_175 = tpu.memref_slice %arg8[%add3A_99, %dma_start3A_174] : memref<10240x128xf32, #tpu.memory_space<vmem_shared>> -> memref<128x128xf32, #tpu.memory_space<vmem_shared>>
        %dma_start3A_176 = arith.constant 0 : i32
        %dma_start3A_177 = tpu.memref_slice %arg8[%add3A_99, %dma_start3A_176] : memref<10240x128xf32, #tpu.memory_space<vmem_shared>> -> memref<128x128xf32, #tpu.memory_space<vmem_shared>>
        tpu.enqueue_dma source(%arg11 : memref<128x128xf32, #tpu.memory_space<vmem>>) target(%dma_start3A_177 : memref<128x128xf32, #tpu.memory_space<vmem_shared>>) target_semaphore(%run_scoped3A : memref<!tpu.dma_semaphore, #tpu.memory_space<semaphore_mem>>)
        %dma_wait3A_178 = arith.constant 0 : i32
        %dma_wait3A_179 = tpu.memref_slice %arg8[%add3A_99, %dma_wait3A_178] : memref<10240x128xf32, #tpu.memory_space<vmem_shared>> -> memref<128x128xf32, #tpu.memory_space<vmem_shared>>
        %dma_wait3A_180 = arith.constant 0 : i32
        %dma_wait3A_181 = tpu.memref_slice %arg8[%add3A_99, %dma_wait3A_180] : memref<10240x128xf32, #tpu.memory_space<vmem_shared>> -> memref<128x128xf32, #tpu.memory_space<vmem_shared>>
        tpu.wait_dma2 semaphore(%run_scoped3A : memref<!tpu.dma_semaphore, #tpu.memory_space<semaphore_mem>>) src(%arg11 : memref<128x128xf32, #tpu.memory_space<vmem>>) dst(%dma_wait3A_181 : memref<128x128xf32, #tpu.memory_space<vmem_shared>>)
        tpu.yield
      }) : () -> ()
      %add3A_100 = arith.constant 384 : i32
      %add3A_101 = arith.addi %mul3A_2, %add3A_100 : i32
      "tpu.region"() ({
        %run_scoped3A = tpu.sem_alloc : memref<!tpu.dma_semaphore, #tpu.memory_space<semaphore_mem>>
        %dma_start3A_174 = arith.constant 0 : i32
        %dma_start3A_175 = tpu.memref_slice %arg8[%add3A_101, %dma_start3A_174] : memref<10240x128xf32, #tpu.memory_space<vmem_shared>> -> memref<128x128xf32, #tpu.memory_space<vmem_shared>>
        %dma_start3A_176 = arith.constant 0 : i32
        %dma_start3A_177 = tpu.memref_slice %arg8[%add3A_101, %dma_start3A_176] : memref<10240x128xf32, #tpu.memory_space<vmem_shared>> -> memref<128x128xf32, #tpu.memory_space<vmem_shared>>
        tpu.enqueue_dma source(%arg11 : memref<128x128xf32, #tpu.memory_space<vmem>>) target(%dma_start3A_177 : memref<128x128xf32, #tpu.memory_space<vmem_shared>>) target_semaphore(%run_scoped3A : memref<!tpu.dma_semaphore, #tpu.memory_space<semaphore_mem>>)
        %dma_wait3A_178 = arith.constant 0 : i32
        %dma_wait3A_179 = tpu.memref_slice %arg8[%add3A_101, %dma_wait3A_178] : memref<10240x128xf32, #tpu.memory_space<vmem_shared>> -> memref<128x128xf32, #tpu.memory_space<vmem_shared>>
        %dma_wait3A_180 = arith.constant 0 : i32
        %dma_wait3A_181 = tpu.memref_slice %arg8[%add3A_101, %dma_wait3A_180] : memref<10240x128xf32, #tpu.memory_space<vmem_shared>> -> memref<128x128xf32, #tpu.memory_space<vmem_shared>>
        tpu.wait_dma2 semaphore(%run_scoped3A : memref<!tpu.dma_semaphore, #tpu.memory_space<semaphore_mem>>) src(%arg11 : memref<128x128xf32, #tpu.memory_space<vmem>>) dst(%dma_wait3A_181 : memref<128x128xf32, #tpu.memory_space<vmem_shared>>)
        tpu.yield
      }) : () -> ()
      %add3A_102 = arith.constant 512 : i32
      %add3A_103 = arith.addi %mul3A_2, %add3A_102 : i32
      "tpu.region"() ({
        %run_scoped3A = tpu.sem_alloc : memref<!tpu.dma_semaphore, #tpu.memory_space<semaphore_mem>>
        %dma_start3A_174 = arith.constant 0 : i32
        %dma_start3A_175 = tpu.memref_slice %arg8[%add3A_103, %dma_start3A_174] : memref<10240x128xf32, #tpu.memory_space<vmem_shared>> -> memref<128x128xf32, #tpu.memory_space<vmem_shared>>
        %dma_start3A_176 = arith.constant 0 : i32
        %dma_start3A_177 = tpu.memref_slice %arg8[%add3A_103, %dma_start3A_176] : memref<10240x128xf32, #tpu.memory_space<vmem_shared>> -> memref<128x128xf32, #tpu.memory_space<vmem_shared>>
        tpu.enqueue_dma source(%arg11 : memref<128x128xf32, #tpu.memory_space<vmem>>) target(%dma_start3A_177 : memref<128x128xf32, #tpu.memory_space<vmem_shared>>) target_semaphore(%run_scoped3A : memref<!tpu.dma_semaphore, #tpu.memory_space<semaphore_mem>>)
        %dma_wait3A_178 = arith.constant 0 : i32
        %dma_wait3A_179 = tpu.memref_slice %arg8[%add3A_103, %dma_wait3A_178] : memref<10240x128xf32, #tpu.memory_space<vmem_shared>> -> memref<128x128xf32, #tpu.memory_space<vmem_shared>>
        %dma_wait3A_180 = arith.constant 0 : i32
        %dma_wait3A_181 = tpu.memref_slice %arg8[%add3A_103, %dma_wait3A_180] : memref<10240x128xf32, #tpu.memory_space<vmem_shared>> -> memref<128x128xf32, #tpu.memory_space<vmem_shared>>
        tpu.wait_dma2 semaphore(%run_scoped3A : memref<!tpu.dma_semaphore, #tpu.memory_space<semaphore_mem>>) src(%arg11 : memref<128x128xf32, #tpu.memory_space<vmem>>) dst(%dma_wait3A_181 : memref<128x128xf32, #tpu.memory_space<vmem_shared>>)
        tpu.yield
      }) : () -> ()
      %barrier3A_104 = arith.constant 0 : index
      tpu.barrier barrier_id(%barrier3A_104)
      %jit3A_105 = arith.constant 2 : i32
      %div3A_106 = arith.divsi %select_n3A, %jit3A_105 : i32
      %sign3A_107 = arith.constant 0 : i32
      %sign3A_108 = arith.cmpi sgt, %select_n3A, %sign3A_107 : i32
      %sign3A_109 = arith.extui %sign3A_108 : i1 to i32
      %sign3A_110 = arith.constant 0 : i32
      %sign3A_111 = arith.cmpi slt, %select_n3A, %sign3A_110 : i32
      %sign3A_112 = arith.extui %sign3A_111 : i1 to i32
      %sign3A_113 = arith.subi %sign3A_109, %sign3A_112 : i32
      %sign3A_114 = arith.constant 0 : i32
      %sign3A_115 = arith.cmpi sgt, %jit3A_105, %sign3A_114 : i32
      %sign3A_116 = arith.extui %sign3A_115 : i1 to i32
      %sign3A_117 = arith.constant 0 : i32
      %sign3A_118 = arith.cmpi slt, %jit3A_105, %sign3A_117 : i32
      %sign3A_119 = arith.extui %sign3A_118 : i1 to i32
      %sign3A_120 = arith.subi %sign3A_116, %sign3A_119 : i32
      %ne3A_121 = arith.cmpi ne, %sign3A_113, %sign3A_120 : i32
      %rem3A_122 = arith.remsi %select_n3A, %jit3A_105 : i32
      %ne3A_123 = arith.constant 0 : i32
      %ne3A_124 = arith.cmpi ne, %rem3A_122, %ne3A_123 : i32
      %and3A_125 = arith.andi %ne3A_121, %ne3A_124 : i1
      %sub3A_126 = arith.constant 1 : i32
      %sub3A_127 = arith.subi %div3A_106, %sub3A_126 : i32
      %select_n3A_128 = arith.select %and3A_125, %sub3A_127, %div3A_106 : i32
      %while3A_129 = arith.constant 0 : i32
      %while3A_130 = arith.constant 0 : i32
      %while3A_131 = arith.subi %select_n3A_128, %while3A_130 : i32
      %while3A_132 = arith.addi %while3A_130, %while3A_131 : i32
      %while3A_133 = arith.constant 1 : i32
      %while3A_134 = arith.divsi %while3A_131, %while3A_133 : i32
      %while3A_135 = arith.muli %while3A_134, %while3A_133 : i32
      %while3A_136 = arith.addi %while3A_130, %while3A_135 : i32
      %while3A_137 = arith.constant 1 : i32
      scf.for %while3A_174 = %while3A_130 to %while3A_136 step %while3A_137  : i32 {
        %mul3A_175 = arith.constant 2 : i32
        %mul3A_176 = arith.muli %mul3A_175, %while3A_174 : i32
        %add3A_177 = arith.constant 0 : i32
        %add3A_178 = arith.addi %mul3A_176, %add3A_177 : i32
        %ge3A = arith.constant 1 : i32
        %ge3A_179 = arith.cmpi sge, %while3A_174, %ge3A : i32
        %convert_element_type3A_180 = arith.extui %ge3A_179 : i1 to i32
        %cond3A_181 = arith.constant 0 : i32
        %cond3A_182 = arith.cmpi ne, %convert_element_type3A_180, %cond3A_181 : i32
        scf.if %cond3A_182 {
          %sub3A_220 = arith.constant 2 : i32
          %sub3A_221 = arith.subi %add3A_178, %sub3A_220 : i32
          %dma_wait3A_222 = arith.constant 0 : i32
          %dma_wait3A_223 = tpu.memref_slice %arg10[%sub3A_221, %dma_wait3A_222] : memref<52x128xi32, #tpu.memory_space<vmem>> -> memref<1x128xi32, #tpu.memory_space<vmem>>
          %dma_wait3A_224 = tpu.memref_squeeze %dma_wait3A_223 : memref<1x128xi32, #tpu.memory_space<vmem>> -> memref<128xi32, #tpu.memory_space<vmem>>
          %dma_wait3A_225 = arith.constant 0 : i32
          %dma_wait3A_226 = arith.constant 0 : i32
          %dma_wait3A_227 = tpu.memref_slice %arg8[%dma_wait3A_225, %dma_wait3A_226] : memref<10240x128xf32, #tpu.memory_space<vmem_shared>> -> memref<10240x128xf32, #tpu.memory_space<vmem_shared>>
          tpu.wait_indirect_dma semaphore(%arg15 : memref<!tpu.dma_semaphore, #tpu.memory_space<semaphore_mem>>) src(%arg11 : memref<128x128xf32, #tpu.memory_space<vmem>>) dst(%dma_wait3A_227 : memref<10240x128xf32, #tpu.memory_space<vmem_shared>>)
          %sub3A_228 = arith.constant 1 : i32
          %sub3A_229 = arith.subi %add3A_178, %sub3A_228 : i32
          %dma_wait3A_230 = arith.constant 0 : i32
          %dma_wait3A_231 = tpu.memref_slice %arg9[%sub3A_229, %dma_wait3A_230] : memref<52x128xi32, #tpu.memory_space<vmem>> -> memref<1x128xi32, #tpu.memory_space<vmem>>
          %dma_wait3A_232 = tpu.memref_squeeze %dma_wait3A_231 : memref<1x128xi32, #tpu.memory_space<vmem>> -> memref<128xi32, #tpu.memory_space<vmem>>
          %dma_wait3A_233 = arith.constant 0 : i32
          %dma_wait3A_234 = arith.constant 0 : i32
          %dma_wait3A_235 = tpu.memref_slice %arg2[%dma_wait3A_233, %dma_wait3A_234] : memref<10000x128xf32, #tpu.memory_space<hbm>> -> memref<10000x128xf32, #tpu.memory_space<hbm>>
          tpu.wait_indirect_dma semaphore(%arg14 : memref<!tpu.dma_semaphore, #tpu.memory_space<semaphore_mem>>) src(%dma_wait3A_235 : memref<10000x128xf32, #tpu.memory_space<hbm>>) dst(%arg12 : memref<128x128xf32, #tpu.memory_space<vmem>>)
          %sub3A_236 = arith.constant 1 : i32
          %sub3A_237 = arith.subi %add3A_178, %sub3A_236 : i32
          %dma_start3A_238 = arith.constant 0 : i32
          %dma_start3A_239 = tpu.memref_slice %arg10[%sub3A_237, %dma_start3A_238] : memref<52x128xi32, #tpu.memory_space<vmem>> -> memref<1x128xi32, #tpu.memory_space<vmem>>
          %dma_start3A_240 = tpu.memref_squeeze %dma_start3A_239 : memref<1x128xi32, #tpu.memory_space<vmem>> -> memref<128xi32, #tpu.memory_space<vmem>>
          %dma_start3A_241 = arith.constant 0 : i32
          %dma_start3A_242 = arith.constant 0 : i32
          %dma_start3A_243 = tpu.memref_slice %arg8[%dma_start3A_241, %dma_start3A_242] : memref<10240x128xf32, #tpu.memory_space<vmem_shared>> -> memref<10240x128xf32, #tpu.memory_space<vmem_shared>>
          tpu.enqueue_indirect_dma source(%arg12 : memref<128x128xf32, #tpu.memory_space<vmem>>) target(%dma_start3A_243 : memref<10240x128xf32, #tpu.memory_space<vmem_shared>>) offsets(%dma_start3A_240 : memref<128xi32, #tpu.memory_space<vmem>>) semaphore(%arg16 : memref<!tpu.dma_semaphore, #tpu.memory_space<semaphore_mem>>) {add = true}
        } else {
        }
        %dma_start3A_183 = arith.constant 0 : i32
        %dma_start3A_184 = tpu.memref_slice %arg9[%add3A_178, %dma_start3A_183] : memref<52x128xi32, #tpu.memory_space<vmem>> -> memref<1x128xi32, #tpu.memory_space<vmem>>
        %dma_start3A_185 = tpu.memref_squeeze %dma_start3A_184 : memref<1x128xi32, #tpu.memory_space<vmem>> -> memref<128xi32, #tpu.memory_space<vmem>>
        %dma_start3A_186 = arith.constant 0 : i32
        %dma_start3A_187 = arith.constant 0 : i32
        %dma_start3A_188 = tpu.memref_slice %arg2[%dma_start3A_186, %dma_start3A_187] : memref<10000x128xf32, #tpu.memory_space<hbm>> -> memref<10000x128xf32, #tpu.memory_space<hbm>>
        tpu.enqueue_indirect_dma source(%dma_start3A_188 : memref<10000x128xf32, #tpu.memory_space<hbm>>) target(%arg11 : memref<128x128xf32, #tpu.memory_space<vmem>>) offsets(%dma_start3A_185 : memref<128xi32, #tpu.memory_space<vmem>>) semaphore(%arg13 : memref<!tpu.dma_semaphore, #tpu.memory_space<semaphore_mem>>)
        %mul3A_189 = arith.constant 2 : i32
        %mul3A_190 = arith.muli %mul3A_189, %while3A_174 : i32
        %add3A_191 = arith.constant 1 : i32
        %add3A_192 = arith.addi %mul3A_190, %add3A_191 : i32
        %ge3A_193 = arith.constant 1 : i32
        %ge3A_194 = arith.cmpi sge, %while3A_174, %ge3A_193 : i32
        %convert_element_type3A_195 = arith.extui %ge3A_194 : i1 to i32
        %cond3A_196 = arith.constant 0 : i32
        %cond3A_197 = arith.cmpi ne, %convert_element_type3A_195, %cond3A_196 : i32
        scf.if %cond3A_197 {
          %sub3A_220 = arith.constant 2 : i32
          %sub3A_221 = arith.subi %add3A_192, %sub3A_220 : i32
          %dma_wait3A_222 = arith.constant 0 : i32
          %dma_wait3A_223 = tpu.memref_slice %arg10[%sub3A_221, %dma_wait3A_222] : memref<52x128xi32, #tpu.memory_space<vmem>> -> memref<1x128xi32, #tpu.memory_space<vmem>>
          %dma_wait3A_224 = tpu.memref_squeeze %dma_wait3A_223 : memref<1x128xi32, #tpu.memory_space<vmem>> -> memref<128xi32, #tpu.memory_space<vmem>>
          %dma_wait3A_225 = arith.constant 0 : i32
          %dma_wait3A_226 = arith.constant 0 : i32
          %dma_wait3A_227 = tpu.memref_slice %arg8[%dma_wait3A_225, %dma_wait3A_226] : memref<10240x128xf32, #tpu.memory_space<vmem_shared>> -> memref<10240x128xf32, #tpu.memory_space<vmem_shared>>
          tpu.wait_indirect_dma semaphore(%arg16 : memref<!tpu.dma_semaphore, #tpu.memory_space<semaphore_mem>>) src(%arg12 : memref<128x128xf32, #tpu.memory_space<vmem>>) dst(%dma_wait3A_227 : memref<10240x128xf32, #tpu.memory_space<vmem_shared>>)
        } else {
        }
        %dma_start3A_198 = arith.constant 0 : i32
        %dma_start3A_199 = tpu.memref_slice %arg9[%add3A_192, %dma_start3A_198] : memref<52x128xi32, #tpu.memory_space<vmem>> -> memref<1x128xi32, #tpu.memory_space<vmem>>
        %dma_start3A_200 = tpu.memref_squeeze %dma_start3A_199 : memref<1x128xi32, #tpu.memory_space<vmem>> -> memref<128xi32, #tpu.memory_space<vmem>>
        %dma_start3A_201 = arith.constant 0 : i32
        %dma_start3A_202 = arith.constant 0 : i32
        %dma_start3A_203 = tpu.memref_slice %arg2[%dma_start3A_201, %dma_start3A_202] : memref<10000x128xf32, #tpu.memory_space<hbm>> -> memref<10000x128xf32, #tpu.memory_space<hbm>>
        tpu.enqueue_indirect_dma source(%dma_start3A_203 : memref<10000x128xf32, #tpu.memory_space<hbm>>) target(%arg12 : memref<128x128xf32, #tpu.memory_space<vmem>>) offsets(%dma_start3A_200 : memref<128xi32, #tpu.memory_space<vmem>>) semaphore(%arg14 : memref<!tpu.dma_semaphore, #tpu.memory_space<semaphore_mem>>)
        %sub3A_204 = arith.constant 1 : i32
        %sub3A_205 = arith.subi %add3A_192, %sub3A_204 : i32
        %dma_wait3A_206 = arith.constant 0 : i32
        %dma_wait3A_207 = tpu.memref_slice %arg9[%sub3A_205, %dma_wait3A_206] : memref<52x128xi32, #tpu.memory_space<vmem>> -> memref<1x128xi32, #tpu.memory_space<vmem>>
        %dma_wait3A_208 = tpu.memref_squeeze %dma_wait3A_207 : memref<1x128xi32, #tpu.memory_space<vmem>> -> memref<128xi32, #tpu.memory_space<vmem>>
        %dma_wait3A_209 = arith.constant 0 : i32
        %dma_wait3A_210 = arith.constant 0 : i32
        %dma_wait3A_211 = tpu.memref_slice %arg2[%dma_wait3A_209, %dma_wait3A_210] : memref<10000x128xf32, #tpu.memory_space<hbm>> -> memref<10000x128xf32, #tpu.memory_space<hbm>>
        tpu.wait_indirect_dma semaphore(%arg13 : memref<!tpu.dma_semaphore, #tpu.memory_space<semaphore_mem>>) src(%dma_wait3A_211 : memref<10000x128xf32, #tpu.memory_space<hbm>>) dst(%arg11 : memref<128x128xf32, #tpu.memory_space<vmem>>)
        %sub3A_212 = arith.constant 1 : i32
        %sub3A_213 = arith.subi %add3A_192, %sub3A_212 : i32
        %dma_start3A_214 = arith.constant 0 : i32
        %dma_start3A_215 = tpu.memref_slice %arg10[%sub3A_213, %dma_start3A_214] : memref<52x128xi32, #tpu.memory_space<vmem>> -> memref<1x128xi32, #tpu.memory_space<vmem>>
        %dma_start3A_216 = tpu.memref_squeeze %dma_start3A_215 : memref<1x128xi32, #tpu.memory_space<vmem>> -> memref<128xi32, #tpu.memory_space<vmem>>
        %dma_start3A_217 = arith.constant 0 : i32
        %dma_start3A_218 = arith.constant 0 : i32
        %dma_start3A_219 = tpu.memref_slice %arg8[%dma_start3A_217, %dma_start3A_218] : memref<10240x128xf32, #tpu.memory_space<vmem_shared>> -> memref<10240x128xf32, #tpu.memory_space<vmem_shared>>
        tpu.enqueue_indirect_dma source(%arg11 : memref<128x128xf32, #tpu.memory_space<vmem>>) target(%dma_start3A_219 : memref<10240x128xf32, #tpu.memory_space<vmem_shared>>) offsets(%dma_start3A_216 : memref<128xi32, #tpu.memory_space<vmem>>) semaphore(%arg15 : memref<!tpu.dma_semaphore, #tpu.memory_space<semaphore_mem>>) {add = true}
      }
      %while3A_138 = arith.constant 1 : i32
      scf.for %while3A_174 = %while3A_136 to %while3A_132 step %while3A_138  : i32 {
        %mul3A_175 = arith.constant 2 : i32
        %mul3A_176 = arith.muli %mul3A_175, %while3A_174 : i32
        %add3A_177 = arith.constant 0 : i32
        %add3A_178 = arith.addi %mul3A_176, %add3A_177 : i32
        %ge3A = arith.constant 1 : i32
        %ge3A_179 = arith.cmpi sge, %while3A_174, %ge3A : i32
        %convert_element_type3A_180 = arith.extui %ge3A_179 : i1 to i32
        %cond3A_181 = arith.constant 0 : i32
        %cond3A_182 = arith.cmpi ne, %convert_element_type3A_180, %cond3A_181 : i32
        scf.if %cond3A_182 {
          %sub3A_220 = arith.constant 2 : i32
          %sub3A_221 = arith.subi %add3A_178, %sub3A_220 : i32
          %dma_wait3A_222 = arith.constant 0 : i32
          %dma_wait3A_223 = tpu.memref_slice %arg10[%sub3A_221, %dma_wait3A_222] : memref<52x128xi32, #tpu.memory_space<vmem>> -> memref<1x128xi32, #tpu.memory_space<vmem>>
          %dma_wait3A_224 = tpu.memref_squeeze %dma_wait3A_223 : memref<1x128xi32, #tpu.memory_space<vmem>> -> memref<128xi32, #tpu.memory_space<vmem>>
          %dma_wait3A_225 = arith.constant 0 : i32
          %dma_wait3A_226 = arith.constant 0 : i32
          %dma_wait3A_227 = tpu.memref_slice %arg8[%dma_wait3A_225, %dma_wait3A_226] : memref<10240x128xf32, #tpu.memory_space<vmem_shared>> -> memref<10240x128xf32, #tpu.memory_space<vmem_shared>>
          tpu.wait_indirect_dma semaphore(%arg15 : memref<!tpu.dma_semaphore, #tpu.memory_space<semaphore_mem>>) src(%arg11 : memref<128x128xf32, #tpu.memory_space<vmem>>) dst(%dma_wait3A_227 : memref<10240x128xf32, #tpu.memory_space<vmem_shared>>)
          %sub3A_228 = arith.constant 1 : i32
          %sub3A_229 = arith.subi %add3A_178, %sub3A_228 : i32
          %dma_wait3A_230 = arith.constant 0 : i32
          %dma_wait3A_231 = tpu.memref_slice %arg9[%sub3A_229, %dma_wait3A_230] : memref<52x128xi32, #tpu.memory_space<vmem>> -> memref<1x128xi32, #tpu.memory_space<vmem>>
          %dma_wait3A_232 = tpu.memref_squeeze %dma_wait3A_231 : memref<1x128xi32, #tpu.memory_space<vmem>> -> memref<128xi32, #tpu.memory_space<vmem>>
          %dma_wait3A_233 = arith.constant 0 : i32
          %dma_wait3A_234 = arith.constant 0 : i32
          %dma_wait3A_235 = tpu.memref_slice %arg2[%dma_wait3A_233, %dma_wait3A_234] : memref<10000x128xf32, #tpu.memory_space<hbm>> -> memref<10000x128xf32, #tpu.memory_space<hbm>>
          tpu.wait_indirect_dma semaphore(%arg14 : memref<!tpu.dma_semaphore, #tpu.memory_space<semaphore_mem>>) src(%dma_wait3A_235 : memref<10000x128xf32, #tpu.memory_space<hbm>>) dst(%arg12 : memref<128x128xf32, #tpu.memory_space<vmem>>)
          %sub3A_236 = arith.constant 1 : i32
          %sub3A_237 = arith.subi %add3A_178, %sub3A_236 : i32
          %dma_start3A_238 = arith.constant 0 : i32
          %dma_start3A_239 = tpu.memref_slice %arg10[%sub3A_237, %dma_start3A_238] : memref<52x128xi32, #tpu.memory_space<vmem>> -> memref<1x128xi32, #tpu.memory_space<vmem>>
          %dma_start3A_240 = tpu.memref_squeeze %dma_start3A_239 : memref<1x128xi32, #tpu.memory_space<vmem>> -> memref<128xi32, #tpu.memory_space<vmem>>
          %dma_start3A_241 = arith.constant 0 : i32
          %dma_start3A_242 = arith.constant 0 : i32
          %dma_start3A_243 = tpu.memref_slice %arg8[%dma_start3A_241, %dma_start3A_242] : memref<10240x128xf32, #tpu.memory_space<vmem_shared>> -> memref<10240x128xf32, #tpu.memory_space<vmem_shared>>
          tpu.enqueue_indirect_dma source(%arg12 : memref<128x128xf32, #tpu.memory_space<vmem>>) target(%dma_start3A_243 : memref<10240x128xf32, #tpu.memory_space<vmem_shared>>) offsets(%dma_start3A_240 : memref<128xi32, #tpu.memory_space<vmem>>) semaphore(%arg16 : memref<!tpu.dma_semaphore, #tpu.memory_space<semaphore_mem>>) {add = true}
        } else {
        }
        %dma_start3A_183 = arith.constant 0 : i32
        %dma_start3A_184 = tpu.memref_slice %arg9[%add3A_178, %dma_start3A_183] : memref<52x128xi32, #tpu.memory_space<vmem>> -> memref<1x128xi32, #tpu.memory_space<vmem>>
        %dma_start3A_185 = tpu.memref_squeeze %dma_start3A_184 : memref<1x128xi32, #tpu.memory_space<vmem>> -> memref<128xi32, #tpu.memory_space<vmem>>
        %dma_start3A_186 = arith.constant 0 : i32
        %dma_start3A_187 = arith.constant 0 : i32
        %dma_start3A_188 = tpu.memref_slice %arg2[%dma_start3A_186, %dma_start3A_187] : memref<10000x128xf32, #tpu.memory_space<hbm>> -> memref<10000x128xf32, #tpu.memory_space<hbm>>
        tpu.enqueue_indirect_dma source(%dma_start3A_188 : memref<10000x128xf32, #tpu.memory_space<hbm>>) target(%arg11 : memref<128x128xf32, #tpu.memory_space<vmem>>) offsets(%dma_start3A_185 : memref<128xi32, #tpu.memory_space<vmem>>) semaphore(%arg13 : memref<!tpu.dma_semaphore, #tpu.memory_space<semaphore_mem>>)
        %mul3A_189 = arith.constant 2 : i32
        %mul3A_190 = arith.muli %mul3A_189, %while3A_174 : i32
        %add3A_191 = arith.constant 1 : i32
        %add3A_192 = arith.addi %mul3A_190, %add3A_191 : i32
        %ge3A_193 = arith.constant 1 : i32
        %ge3A_194 = arith.cmpi sge, %while3A_174, %ge3A_193 : i32
        %convert_element_type3A_195 = arith.extui %ge3A_194 : i1 to i32
        %cond3A_196 = arith.constant 0 : i32
        %cond3A_197 = arith.cmpi ne, %convert_element_type3A_195, %cond3A_196 : i32
        scf.if %cond3A_197 {
          %sub3A_220 = arith.constant 2 : i32
          %sub3A_221 = arith.subi %add3A_192, %sub3A_220 : i32
          %dma_wait3A_222 = arith.constant 0 : i32
          %dma_wait3A_223 = tpu.memref_slice %arg10[%sub3A_221, %dma_wait3A_222] : memref<52x128xi32, #tpu.memory_space<vmem>> -> memref<1x128xi32, #tpu.memory_space<vmem>>
          %dma_wait3A_224 = tpu.memref_squeeze %dma_wait3A_223 : memref<1x128xi32, #tpu.memory_space<vmem>> -> memref<128xi32, #tpu.memory_space<vmem>>
          %dma_wait3A_225 = arith.constant 0 : i32
          %dma_wait3A_226 = arith.constant 0 : i32
          %dma_wait3A_227 = tpu.memref_slice %arg8[%dma_wait3A_225, %dma_wait3A_226] : memref<10240x128xf32, #tpu.memory_space<vmem_shared>> -> memref<10240x128xf32, #tpu.memory_space<vmem_shared>>
          tpu.wait_indirect_dma semaphore(%arg16 : memref<!tpu.dma_semaphore, #tpu.memory_space<semaphore_mem>>) src(%arg12 : memref<128x128xf32, #tpu.memory_space<vmem>>) dst(%dma_wait3A_227 : memref<10240x128xf32, #tpu.memory_space<vmem_shared>>)
        } else {
        }
        %dma_start3A_198 = arith.constant 0 : i32
        %dma_start3A_199 = tpu.memref_slice %arg9[%add3A_192, %dma_start3A_198] : memref<52x128xi32, #tpu.memory_space<vmem>> -> memref<1x128xi32, #tpu.memory_space<vmem>>
        %dma_start3A_200 = tpu.memref_squeeze %dma_start3A_199 : memref<1x128xi32, #tpu.memory_space<vmem>> -> memref<128xi32, #tpu.memory_space<vmem>>
        %dma_start3A_201 = arith.constant 0 : i32
        %dma_start3A_202 = arith.constant 0 : i32
        %dma_start3A_203 = tpu.memref_slice %arg2[%dma_start3A_201, %dma_start3A_202] : memref<10000x128xf32, #tpu.memory_space<hbm>> -> memref<10000x128xf32, #tpu.memory_space<hbm>>
        tpu.enqueue_indirect_dma source(%dma_start3A_203 : memref<10000x128xf32, #tpu.memory_space<hbm>>) target(%arg12 : memref<128x128xf32, #tpu.memory_space<vmem>>) offsets(%dma_start3A_200 : memref<128xi32, #tpu.memory_space<vmem>>) semaphore(%arg14 : memref<!tpu.dma_semaphore, #tpu.memory_space<semaphore_mem>>)
        %sub3A_204 = arith.constant 1 : i32
        %sub3A_205 = arith.subi %add3A_192, %sub3A_204 : i32
        %dma_wait3A_206 = arith.constant 0 : i32
        %dma_wait3A_207 = tpu.memref_slice %arg9[%sub3A_205, %dma_wait3A_206] : memref<52x128xi32, #tpu.memory_space<vmem>> -> memref<1x128xi32, #tpu.memory_space<vmem>>
        %dma_wait3A_208 = tpu.memref_squeeze %dma_wait3A_207 : memref<1x128xi32, #tpu.memory_space<vmem>> -> memref<128xi32, #tpu.memory_space<vmem>>
        %dma_wait3A_209 = arith.constant 0 : i32
        %dma_wait3A_210 = arith.constant 0 : i32
        %dma_wait3A_211 = tpu.memref_slice %arg2[%dma_wait3A_209, %dma_wait3A_210] : memref<10000x128xf32, #tpu.memory_space<hbm>> -> memref<10000x128xf32, #tpu.memory_space<hbm>>
        tpu.wait_indirect_dma semaphore(%arg13 : memref<!tpu.dma_semaphore, #tpu.memory_space<semaphore_mem>>) src(%dma_wait3A_211 : memref<10000x128xf32, #tpu.memory_space<hbm>>) dst(%arg11 : memref<128x128xf32, #tpu.memory_space<vmem>>)
        %sub3A_212 = arith.constant 1 : i32
        %sub3A_213 = arith.subi %add3A_192, %sub3A_212 : i32
        %dma_start3A_214 = arith.constant 0 : i32
        %dma_start3A_215 = tpu.memref_slice %arg10[%sub3A_213, %dma_start3A_214] : memref<52x128xi32, #tpu.memory_space<vmem>> -> memref<1x128xi32, #tpu.memory_space<vmem>>
        %dma_start3A_216 = tpu.memref_squeeze %dma_start3A_215 : memref<1x128xi32, #tpu.memory_space<vmem>> -> memref<128xi32, #tpu.memory_space<vmem>>
        %dma_start3A_217 = arith.constant 0 : i32
        %dma_start3A_218 = arith.constant 0 : i32
        %dma_start3A_219 = tpu.memref_slice %arg8[%dma_start3A_217, %dma_start3A_218] : memref<10240x128xf32, #tpu.memory_space<vmem_shared>> -> memref<10240x128xf32, #tpu.memory_space<vmem_shared>>
        tpu.enqueue_indirect_dma source(%arg11 : memref<128x128xf32, #tpu.memory_space<vmem>>) target(%dma_start3A_219 : memref<10240x128xf32, #tpu.memory_space<vmem_shared>>) offsets(%dma_start3A_216 : memref<128xi32, #tpu.memory_space<vmem>>) semaphore(%arg15 : memref<!tpu.dma_semaphore, #tpu.memory_space<semaphore_mem>>) {add = true}
      }
      %sub3A_139 = arith.constant 1 : i32
      %sub3A_140 = arith.subi %select_n3A, %sub3A_139 : i32
      %dma_wait3A_141 = arith.constant 0 : i32
      %dma_wait3A_142 = tpu.memref_slice %arg9[%sub3A_140, %dma_wait3A_141] : memref<52x128xi32, #tpu.memory_space<vmem>> -> memref<1x128xi32, #tpu.memory_space<vmem>>
      %dma_wait3A_143 = tpu.memref_squeeze %dma_wait3A_142 : memref<1x128xi32, #tpu.memory_space<vmem>> -> memref<128xi32, #tpu.memory_space<vmem>>
      %dma_wait3A_144 = arith.constant 0 : i32
      %dma_wait3A_145 = arith.constant 0 : i32
      %dma_wait3A_146 = tpu.memref_slice %arg2[%dma_wait3A_144, %dma_wait3A_145] : memref<10000x128xf32, #tpu.memory_space<hbm>> -> memref<10000x128xf32, #tpu.memory_space<hbm>>
      tpu.wait_indirect_dma semaphore(%arg14 : memref<!tpu.dma_semaphore, #tpu.memory_space<semaphore_mem>>) src(%dma_wait3A_146 : memref<10000x128xf32, #tpu.memory_space<hbm>>) dst(%arg12 : memref<128x128xf32, #tpu.memory_space<vmem>>)
      %dma_start3A_147 = arith.constant 0 : i32
      %dma_start3A_148 = tpu.memref_slice %arg10[%sub3A_140, %dma_start3A_147] : memref<52x128xi32, #tpu.memory_space<vmem>> -> memref<1x128xi32, #tpu.memory_space<vmem>>
      %dma_start3A_149 = tpu.memref_squeeze %dma_start3A_148 : memref<1x128xi32, #tpu.memory_space<vmem>> -> memref<128xi32, #tpu.memory_space<vmem>>
      %dma_start3A_150 = arith.constant 0 : i32
      %dma_start3A_151 = arith.constant 0 : i32
      %dma_start3A_152 = tpu.memref_slice %arg8[%dma_start3A_150, %dma_start3A_151] : memref<10240x128xf32, #tpu.memory_space<vmem_shared>> -> memref<10240x128xf32, #tpu.memory_space<vmem_shared>>
      tpu.enqueue_indirect_dma source(%arg12 : memref<128x128xf32, #tpu.memory_space<vmem>>) target(%dma_start3A_152 : memref<10240x128xf32, #tpu.memory_space<vmem_shared>>) offsets(%dma_start3A_149 : memref<128xi32, #tpu.memory_space<vmem>>) semaphore(%arg16 : memref<!tpu.dma_semaphore, #tpu.memory_space<semaphore_mem>>) {add = true}
      %sub3A_153 = arith.constant 2 : i32
      %sub3A_154 = arith.subi %select_n3A, %sub3A_153 : i32
      %add3A_155 = arith.constant 0 : i32
      %add3A_156 = arith.addi %sub3A_154, %add3A_155 : i32
      %dma_wait3A_157 = arith.constant 0 : i32
      %dma_wait3A_158 = tpu.memref_slice %arg10[%add3A_156, %dma_wait3A_157] : memref<52x128xi32, #tpu.memory_space<vmem>> -> memref<1x128xi32, #tpu.memory_space<vmem>>
      %dma_wait3A_159 = tpu.memref_squeeze %dma_wait3A_158 : memref<1x128xi32, #tpu.memory_space<vmem>> -> memref<128xi32, #tpu.memory_space<vmem>>
      %dma_wait3A_160 = arith.constant 0 : i32
      %dma_wait3A_161 = arith.constant 0 : i32
      %dma_wait3A_162 = tpu.memref_slice %arg8[%dma_wait3A_160, %dma_wait3A_161] : memref<10240x128xf32, #tpu.memory_space<vmem_shared>> -> memref<10240x128xf32, #tpu.memory_space<vmem_shared>>
      tpu.wait_indirect_dma semaphore(%arg15 : memref<!tpu.dma_semaphore, #tpu.memory_space<semaphore_mem>>) src(%arg11 : memref<128x128xf32, #tpu.memory_space<vmem>>) dst(%dma_wait3A_162 : memref<10240x128xf32, #tpu.memory_space<vmem_shared>>)
      %sub3A_163 = arith.constant 2 : i32
      %sub3A_164 = arith.subi %select_n3A, %sub3A_163 : i32
      %add3A_165 = arith.constant 1 : i32
      %add3A_166 = arith.addi %sub3A_164, %add3A_165 : i32
      %dma_wait3A_167 = arith.constant 0 : i32
      %dma_wait3A_168 = tpu.memref_slice %arg10[%add3A_166, %dma_wait3A_167] : memref<52x128xi32, #tpu.memory_space<vmem>> -> memref<1x128xi32, #tpu.memory_space<vmem>>
      %dma_wait3A_169 = tpu.memref_squeeze %dma_wait3A_168 : memref<1x128xi32, #tpu.memory_space<vmem>> -> memref<128xi32, #tpu.memory_space<vmem>>
      %dma_wait3A_170 = arith.constant 0 : i32
      %dma_wait3A_171 = arith.constant 0 : i32
      %dma_wait3A_172 = tpu.memref_slice %arg8[%dma_wait3A_170, %dma_wait3A_171] : memref<10240x128xf32, #tpu.memory_space<vmem_shared>> -> memref<10240x128xf32, #tpu.memory_space<vmem_shared>>
      tpu.wait_indirect_dma semaphore(%arg16 : memref<!tpu.dma_semaphore, #tpu.memory_space<semaphore_mem>>) src(%arg12 : memref<128x128xf32, #tpu.memory_space<vmem>>) dst(%dma_wait3A_172 : memref<10240x128xf32, #tpu.memory_space<vmem_shared>>)
      %barrier3A_173 = arith.constant 0 : index
      tpu.barrier barrier_id(%barrier3A_173)
      "tpu.region"() ({
        %run_scoped3A = tpu.sem_alloc : memref<!tpu.dma_semaphore, #tpu.memory_space<semaphore_mem>>
        %dma_start3A_174 = arith.constant 0 : i32
        %dma_start3A_175 = tpu.memref_slice %arg6[%arg0, %mul3A_2, %dma_start3A_174] : memref<2x10240x128xf32, #tpu.memory_space<hbm>> -> memref<1x640x128xf32, #tpu.memory_space<hbm>>
        %dma_start3A_176 = tpu.memref_squeeze %dma_start3A_175 : memref<1x640x128xf32, #tpu.memory_space<hbm>> -> memref<640x128xf32, #tpu.memory_space<hbm>>
        %dma_start3A_177 = arith.constant 0 : i32
        %dma_start3A_178 = tpu.memref_slice %arg8[%mul3A_2, %dma_start3A_177] : memref<10240x128xf32, #tpu.memory_space<vmem_shared>> -> memref<640x128xf32, #tpu.memory_space<vmem_shared>>
        tpu.enqueue_dma source(%dma_start3A_178 : memref<640x128xf32, #tpu.memory_space<vmem_shared>>) target(%dma_start3A_176 : memref<640x128xf32, #tpu.memory_space<hbm>>) target_semaphore(%run_scoped3A : memref<!tpu.dma_semaphore, #tpu.memory_space<semaphore_mem>>)
        %dma_wait3A_179 = arith.constant 0 : i32
        %dma_wait3A_180 = tpu.memref_slice %arg6[%arg0, %mul3A_2, %dma_wait3A_179] : memref<2x10240x128xf32, #tpu.memory_space<hbm>> -> memref<1x640x128xf32, #tpu.memory_space<hbm>>
        %dma_wait3A_181 = tpu.memref_squeeze %dma_wait3A_180 : memref<1x640x128xf32, #tpu.memory_space<hbm>> -> memref<640x128xf32, #tpu.memory_space<hbm>>
        %dma_wait3A_182 = arith.constant 0 : i32
        %dma_wait3A_183 = tpu.memref_slice %arg8[%mul3A_2, %dma_wait3A_182] : memref<10240x128xf32, #tpu.memory_space<vmem_shared>> -> memref<640x128xf32, #tpu.memory_space<vmem_shared>>
        tpu.wait_dma2 semaphore(%run_scoped3A : memref<!tpu.dma_semaphore, #tpu.memory_space<semaphore_mem>>) src(%dma_wait3A_183 : memref<640x128xf32, #tpu.memory_space<vmem_shared>>) dst(%dma_wait3A_181 : memref<640x128xf32, #tpu.memory_space<hbm>>)
        tpu.yield
      }) : () -> ()
    } else {
    }
    return
  }
}

module attributes {stable_mosaic.version = 14 : i64} {
  func.func @_prep_body(%arg0: memref<10240x2xf32, #tpu.memory_space<vmem>>, %arg1: memref<10000x256xf32, #tpu.memory_space<vmem>>, %arg2: memref<10240x1xf32, #tpu.memory_space<vmem>>, %arg3: memref<10000x128xf32, #tpu.memory_space<vmem>>, %arg4: memref<10000x128xf32, #tpu.memory_space<vmem>>) attributes {dimension_semantics = [], scalar_prefetch = 0 : i64, scratch_operands = 0 : i64, tpu.core_type = #tpu.core_type<tc>} {
    %get3A = arith.constant 0 : index
    %get3A_0 = arith.constant 0 : index
    %get3A_1 = vector.load %arg0[%get3A, %get3A_0] : memref<10240x2xf32, #tpu.memory_space<vmem>>, vector<10240x1xf32>
    %get3A_2 = arith.constant 0 : index
    %get3A_3 = arith.constant 1 : index
    %get3A_4 = vector.load %arg0[%get3A_2, %get3A_3] : memref<10240x2xf32, #tpu.memory_space<vmem>>, vector<10240x1xf32>
    %add3A = arith.addf %get3A_1, %get3A_4 : vector<10240x1xf32>
    %add3A_5 = arith.constant 1.000000e+00 : f32
    %add3A_6 = vector.broadcast %add3A_5 : f32 to vector<10240x1xf32>
    %add3A_7 = arith.addf %add3A, %add3A_6 : vector<10240x1xf32>
    %rsqrt3A = math.rsqrt %add3A_7 : vector<10240x1xf32>
    %swap3A = arith.constant 0 : index
    %swap3A_8 = arith.constant 0 : index
    %swap3A_9 = vector.load %arg2[%swap3A, %swap3A_8] : memref<10240x1xf32, #tpu.memory_space<vmem>>, vector<10240x1xf32>
    tpu.vector_store %arg2[%swap3A, %swap3A_8], %rsqrt3A {strides = array<i32>} : memref<10240x1xf32, #tpu.memory_space<vmem>>, vector<10240x1xf32>,
    %slice3A = vector.extract_strided_slice %rsqrt3A {offsets = [0, 0], sizes = [10000, 1], strides = [1, 1]} : vector<10240x1xf32> to vector<10000x1xf32>
    %get3A_10 = arith.constant 0 : index
    %get3A_11 = arith.constant 0 : index
    %get3A_12 = vector.load %arg1[%get3A_10, %get3A_11] : memref<10000x256xf32, #tpu.memory_space<vmem>>, vector<10000x256xf32>
    %slice3A_13 = vector.extract_strided_slice %get3A_12 {offsets = [0, 0], sizes = [10000, 128], strides = [1, 1]} : vector<10000x256xf32> to vector<10000x128xf32>
    %mul3A = vector.broadcast %slice3A : vector<10000x1xf32> to vector<10000x128xf32>
    %mul3A_14 = arith.mulf %slice3A_13, %mul3A : vector<10000x128xf32>
    %swap3A_15 = arith.constant 0 : index
    %swap3A_16 = arith.constant 0 : index
    %swap3A_17 = vector.load %arg3[%swap3A_15, %swap3A_16] : memref<10000x128xf32, #tpu.memory_space<vmem>>, vector<10000x128xf32>
    tpu.vector_store %arg3[%swap3A_15, %swap3A_16], %mul3A_14 {strides = array<i32>} : memref<10000x128xf32, #tpu.memory_space<vmem>>, vector<10000x128xf32>,
    %slice3A_18 = vector.extract_strided_slice %get3A_12 {offsets = [0, 128], sizes = [10000, 128], strides = [1, 1]} : vector<10000x256xf32> to vector<10000x128xf32>
    %mul3A_19 = vector.broadcast %slice3A : vector<10000x1xf32> to vector<10000x128xf32>
    %mul3A_20 = arith.mulf %slice3A_18, %mul3A_19 : vector<10000x128xf32>
    %swap3A_21 = arith.constant 0 : index
    %swap3A_22 = arith.constant 0 : index
    %swap3A_23 = vector.load %arg4[%swap3A_21, %swap3A_22] : memref<10000x128xf32, #tpu.memory_space<vmem>>, vector<10000x128xf32>
    tpu.vector_store %arg4[%swap3A_21, %swap3A_22], %mul3A_20 {strides = array<i32>} : memref<10000x128xf32, #tpu.memory_space<vmem>>, vector<10000x128xf32>,
    return
  }
}

module attributes {stable_mosaic.version = 14 : i64} {
  func.func @_mid_body(%arg0: i32, %arg1: memref<2x2000x128xf32, #tpu.memory_space<vmem>>, %arg2: memref<2x2000x128xf32, #tpu.memory_space<vmem>>, %arg3: memref<2000x128xf32, #tpu.memory_space<vmem>>, %arg4: memref<2000x128xf32, #tpu.memory_space<vmem>>, %arg5: memref<2000x1xf32, #tpu.memory_space<vmem>>, %arg6: memref<256x512xf32, #tpu.memory_space<vmem>>, %arg7: memref<1x512xf32, #tpu.memory_space<vmem>>, %arg8: memref<512x256xf32, #tpu.memory_space<vmem>>, %arg9: memref<2000x128xf32, #tpu.memory_space<vmem>>, %arg10: memref<2000x128xf32, #tpu.memory_space<vmem>>) attributes {dimension_semantics = [#tpu.dimension_semantics<arbitrary>], iteration_bounds = array<i64: 5>, scalar_prefetch = 0 : i64, scratch_operands = 0 : i64, tpu.core_type = #tpu.core_type<tc>, window_params = [{transform_indices = @transform_0, window_bounds = array<i64: 2, 2000, 128>}, {transform_indices = @transform_1, window_bounds = array<i64: 2, 2000, 128>}, {transform_indices = @transform_2, window_bounds = array<i64: 2000, 128>}, {transform_indices = @transform_3, window_bounds = array<i64: 2000, 128>}, {transform_indices = @transform_4, window_bounds = array<i64: 2000, 1>}, {pipeline_mode = #tpu.pipeline_mode<synchronous>, transform_indices = @transform_5, window_bounds = array<i64: 256, 512>}, {pipeline_mode = #tpu.pipeline_mode<synchronous>, transform_indices = @transform_6, window_bounds = array<i64: 1, 512>}, {pipeline_mode = #tpu.pipeline_mode<synchronous>, transform_indices = @transform_7, window_bounds = array<i64: 512, 256>}, {transform_indices = @transform_8, window_bounds = array<i64: 2000, 128>}, {transform_indices = @transform_9, window_bounds = array<i64: 2000, 128>}]} {
    %get3A = arith.constant 0 : index
    %get3A_0 = arith.constant 0 : index
    %get3A_1 = vector.load %arg5[%get3A, %get3A_0] : memref<2000x1xf32, #tpu.memory_space<vmem>>, vector<2000x1xf32>
    %get3A_2 = arith.constant 0 : index
    %get3A_3 = arith.constant 0 : index
    %get3A_4 = arith.constant 0 : index
    %get3A_5 = vector.load %arg1[%get3A_2, %get3A_3, %get3A_4] : memref<2x2000x128xf32, #tpu.memory_space<vmem>>, vector<1x2000x128xf32>
    %get3A_6 = vector.shape_cast %get3A_5 : vector<1x2000x128xf32> to vector<2000x128xf32>
    %get3A_7 = arith.constant 1 : index
    %get3A_8 = arith.constant 0 : index
    %get3A_9 = arith.constant 0 : index
    %get3A_10 = vector.load %arg1[%get3A_7, %get3A_8, %get3A_9] : memref<2x2000x128xf32, #tpu.memory_space<vmem>>, vector<1x2000x128xf32>
    %get3A_11 = vector.shape_cast %get3A_10 : vector<1x2000x128xf32> to vector<2000x128xf32>
    %add3A = arith.addf %get3A_6, %get3A_11 : vector<2000x128xf32>
    %get3A_12 = arith.constant 0 : index
    %get3A_13 = arith.constant 0 : index
    %get3A_14 = vector.load %arg3[%get3A_12, %get3A_13] : memref<2000x128xf32, #tpu.memory_space<vmem>>, vector<2000x128xf32>
    %add3A_15 = arith.addf %add3A, %get3A_14 : vector<2000x128xf32>
    %mul3A = vector.broadcast %get3A_1 : vector<2000x1xf32> to vector<2000x128xf32>
    %mul3A_16 = arith.mulf %add3A_15, %mul3A : vector<2000x128xf32>
    %get3A_17 = arith.constant 0 : index
    %get3A_18 = arith.constant 0 : index
    %get3A_19 = arith.constant 0 : index
    %get3A_20 = vector.load %arg2[%get3A_17, %get3A_18, %get3A_19] : memref<2x2000x128xf32, #tpu.memory_space<vmem>>, vector<1x2000x128xf32>
    %get3A_21 = vector.shape_cast %get3A_20 : vector<1x2000x128xf32> to vector<2000x128xf32>
    %get3A_22 = arith.constant 1 : index
    %get3A_23 = arith.constant 0 : index
    %get3A_24 = arith.constant 0 : index
    %get3A_25 = vector.load %arg2[%get3A_22, %get3A_23, %get3A_24] : memref<2x2000x128xf32, #tpu.memory_space<vmem>>, vector<1x2000x128xf32>
    %get3A_26 = vector.shape_cast %get3A_25 : vector<1x2000x128xf32> to vector<2000x128xf32>
    %add3A_27 = arith.addf %get3A_21, %get3A_26 : vector<2000x128xf32>
    %get3A_28 = arith.constant 0 : index
    %get3A_29 = arith.constant 0 : index
    %get3A_30 = vector.load %arg4[%get3A_28, %get3A_29] : memref<2000x128xf32, #tpu.memory_space<vmem>>, vector<2000x128xf32>
    %add3A_31 = arith.addf %add3A_27, %get3A_30 : vector<2000x128xf32>
    %mul3A_32 = vector.broadcast %get3A_1 : vector<2000x1xf32> to vector<2000x128xf32>
    %mul3A_33 = arith.mulf %add3A_31, %mul3A_32 : vector<2000x128xf32>
    %concatenate3A = tpu.concatenate %mul3A_16, %mul3A_33 in 1 : vector<2000x128xf32>, vector<2000x128xf32> -> vector<2000x256xf32>
    %get3A_34 = arith.constant 0 : index
    %get3A_35 = arith.constant 0 : index
    %get3A_36 = vector.load %arg6[%get3A_34, %get3A_35] : memref<256x512xf32, #tpu.memory_space<vmem>>, vector<256x512xf32>
    %dot_general3A = arith.constant dense<0.000000e+00> : vector<2000x512xf32>
    %dot_general3A_37 = tpu.matmul %concatenate3A, %get3A_36, %dot_general3A {dimension_numbers = #tpu.dot_dimension_numbers<[1], [0], [0], [1], [0, 0, 1, 1], [], []>, transpose_lhs_hint = false} : vector<2000x256xf32>, vector<256x512xf32>, vector<2000x512xf32> -> vector<2000x512xf32>
    %get3A_38 = arith.constant 0 : index
    %get3A_39 = arith.constant 0 : index
    %get3A_40 = vector.load %arg7[%get3A_38, %get3A_39] : memref<1x512xf32, #tpu.memory_space<vmem>>, vector<1x512xf32>
    %add3A_41 = vector.broadcast %get3A_40 : vector<1x512xf32> to vector<2000x512xf32>
    %add3A_42 = arith.addf %dot_general3A_37, %add3A_41 : vector<2000x512xf32>
    %max3A = arith.constant 0.000000e+00 : f32
    %max3A_43 = vector.broadcast %max3A : f32 to vector<2000x512xf32>
    %max3A_44 = arith.maximumf %add3A_42, %max3A_43 : vector<2000x512xf32>
    %get3A_45 = arith.constant 0 : index
    %get3A_46 = arith.constant 0 : index
    %get3A_47 = vector.load %arg8[%get3A_45, %get3A_46] : memref<512x256xf32, #tpu.memory_space<vmem>>, vector<512x256xf32>
    %dot_general3A_48 = arith.constant dense<0.000000e+00> : vector<2000x256xf32>
    %dot_general3A_49 = tpu.matmul %max3A_44, %get3A_47, %dot_general3A_48 {dimension_numbers = #tpu.dot_dimension_numbers<[1], [0], [0], [1], [0, 0, 1, 1], [], []>, transpose_lhs_hint = false} : vector<2000x512xf32>, vector<512x256xf32>, vector<2000x256xf32> -> vector<2000x256xf32>
    %mul3A_50 = vector.broadcast %get3A_1 : vector<2000x1xf32> to vector<2000x256xf32>
    %mul3A_51 = arith.mulf %dot_general3A_49, %mul3A_50 : vector<2000x256xf32>
    %slice3A = vector.extract_strided_slice %mul3A_51 {offsets = [0, 0], sizes = [2000, 128], strides = [1, 1]} : vector<2000x256xf32> to vector<2000x128xf32>
    %swap3A = arith.constant 0 : index
    %swap3A_52 = arith.constant 0 : index
    %swap3A_53 = vector.load %arg9[%swap3A, %swap3A_52] : memref<2000x128xf32, #tpu.memory_space<vmem>>, vector<2000x128xf32>
    tpu.vector_store %arg9[%swap3A, %swap3A_52], %slice3A {strides = array<i32>} : memref<2000x128xf32, #tpu.memory_space<vmem>>, vector<2000x128xf32>,
    %slice3A_54 = vector.extract_strided_slice %mul3A_51 {offsets = [0, 128], sizes = [2000, 128], strides = [1, 1]} : vector<2000x256xf32> to vector<2000x128xf32>
    %swap3A_55 = arith.constant 0 : index
    %swap3A_56 = arith.constant 0 : index
    %swap3A_57 = vector.load %arg10[%swap3A_55, %swap3A_56] : memref<2000x128xf32, #tpu.memory_space<vmem>>, vector<2000x128xf32>
    tpu.vector_store %arg10[%swap3A_55, %swap3A_56], %slice3A_54 {strides = array<i32>} : memref<2000x128xf32, #tpu.memory_space<vmem>>, vector<2000x128xf32>,
    return
  }
  func.func @transform_0(%arg0: i32) -> (i32, i32, i32) {
    %c0_i32 = arith.constant 0 : i32
    %c0_i32_0 = arith.constant 0 : i32
    %c0_i32_1 = arith.constant 0 : i32
    return %c0_i32, %arg0, %c0_i32_0 : i32, i32, i32
  }
  func.func @transform_1(%arg0: i32) -> (i32, i32, i32) {
    %c0_i32 = arith.constant 0 : i32
    %c0_i32_0 = arith.constant 0 : i32
    %c0_i32_1 = arith.constant 0 : i32
    return %c0_i32, %arg0, %c0_i32_0 : i32, i32, i32
  }
  func.func @transform_2(%arg0: i32) -> (i32, i32) {
    %c0_i32 = arith.constant 0 : i32
    %c0_i32_0 = arith.constant 0 : i32
    return %arg0, %c0_i32 : i32, i32
  }
  func.func @transform_3(%arg0: i32) -> (i32, i32) {
    %c0_i32 = arith.constant 0 : i32
    %c0_i32_0 = arith.constant 0 : i32
    return %arg0, %c0_i32 : i32, i32
  }
  func.func @transform_4(%arg0: i32) -> (i32, i32) {
    %c0_i32 = arith.constant 0 : i32
    %c0_i32_0 = arith.constant 0 : i32
    return %arg0, %c0_i32 : i32, i32
  }
  func.func @transform_5(%arg0: i32) -> (i32, i32) {
    %c0_i32 = arith.constant 0 : i32
    %c0_i32_0 = arith.constant 0 : i32
    %c0_i32_1 = arith.constant 0 : i32
    return %c0_i32, %c0_i32_0 : i32, i32
  }
  func.func @transform_6(%arg0: i32) -> (i32, i32) {
    %c0_i32 = arith.constant 0 : i32
    %c0_i32_0 = arith.constant 0 : i32
    %c0_i32_1 = arith.constant 0 : i32
    return %c0_i32, %c0_i32_0 : i32, i32
  }
  func.func @transform_7(%arg0: i32) -> (i32, i32) {
    %c0_i32 = arith.constant 0 : i32
    %c0_i32_0 = arith.constant 0 : i32
    %c0_i32_1 = arith.constant 0 : i32
    return %c0_i32, %c0_i32_0 : i32, i32
  }
  func.func @transform_8(%arg0: i32) -> (i32, i32) {
    %c0_i32 = arith.constant 0 : i32
    %c0_i32_0 = arith.constant 0 : i32
    return %arg0, %c0_i32 : i32, i32
  }
  func.func @transform_9(%arg0: i32) -> (i32, i32) {
    %c0_i32 = arith.constant 0 : i32
    %c0_i32_0 = arith.constant 0 : i32
    return %arg0, %c0_i32 : i32, i32
  }
}

module attributes {stable_mosaic.version = 14 : i64} {
  func.func @_out_body(%arg0: i32, %arg1: memref<2x2000x128xf32, #tpu.memory_space<vmem>>, %arg2: memref<2x2000x128xf32, #tpu.memory_space<vmem>>, %arg3: memref<2000x128xf32, #tpu.memory_space<vmem>>, %arg4: memref<2000x128xf32, #tpu.memory_space<vmem>>, %arg5: memref<2000x1xf32, #tpu.memory_space<vmem>>, %arg6: memref<1x256xf32, #tpu.memory_space<vmem>>, %arg7: memref<256x1xf32, #tpu.memory_space<vmem>>, %arg8: memref<1x1xf32, #tpu.memory_space<vmem>>, %arg9: memref<2000x256xf32, #tpu.memory_space<vmem>>, %arg10: memref<2000x1xf32, #tpu.memory_space<vmem>>) attributes {dimension_semantics = [#tpu.dimension_semantics<arbitrary>], iteration_bounds = array<i64: 5>, scalar_prefetch = 0 : i64, scratch_operands = 0 : i64, tpu.core_type = #tpu.core_type<tc>, window_params = [{transform_indices = @transform_0, window_bounds = array<i64: 2, 2000, 128>}, {transform_indices = @transform_1, window_bounds = array<i64: 2, 2000, 128>}, {transform_indices = @transform_2, window_bounds = array<i64: 2000, 128>}, {transform_indices = @transform_3, window_bounds = array<i64: 2000, 128>}, {transform_indices = @transform_4, window_bounds = array<i64: 2000, 1>}, {pipeline_mode = #tpu.pipeline_mode<synchronous>, transform_indices = @transform_5, window_bounds = array<i64: 1, 256>}, {pipeline_mode = #tpu.pipeline_mode<synchronous>, transform_indices = @transform_6, window_bounds = array<i64: 256, 1>}, {pipeline_mode = #tpu.pipeline_mode<synchronous>, transform_indices = @transform_7, window_bounds = array<i64: 1, 1>}, {transform_indices = @transform_8, window_bounds = array<i64: 2000, 256>}, {transform_indices = @transform_9, window_bounds = array<i64: 2000, 1>}]} {
    %get3A = arith.constant 0 : index
    %get3A_0 = arith.constant 0 : index
    %get3A_1 = vector.load %arg5[%get3A, %get3A_0] : memref<2000x1xf32, #tpu.memory_space<vmem>>, vector<2000x1xf32>
    %get3A_2 = arith.constant 0 : index
    %get3A_3 = arith.constant 0 : index
    %get3A_4 = arith.constant 0 : index
    %get3A_5 = vector.load %arg1[%get3A_2, %get3A_3, %get3A_4] : memref<2x2000x128xf32, #tpu.memory_space<vmem>>, vector<1x2000x128xf32>
    %get3A_6 = vector.shape_cast %get3A_5 : vector<1x2000x128xf32> to vector<2000x128xf32>
    %get3A_7 = arith.constant 1 : index
    %get3A_8 = arith.constant 0 : index
    %get3A_9 = arith.constant 0 : index
    %get3A_10 = vector.load %arg1[%get3A_7, %get3A_8, %get3A_9] : memref<2x2000x128xf32, #tpu.memory_space<vmem>>, vector<1x2000x128xf32>
    %get3A_11 = vector.shape_cast %get3A_10 : vector<1x2000x128xf32> to vector<2000x128xf32>
    %add3A = arith.addf %get3A_6, %get3A_11 : vector<2000x128xf32>
    %get3A_12 = arith.constant 0 : index
    %get3A_13 = arith.constant 0 : index
    %get3A_14 = vector.load %arg3[%get3A_12, %get3A_13] : memref<2000x128xf32, #tpu.memory_space<vmem>>, vector<2000x128xf32>
    %add3A_15 = arith.addf %add3A, %get3A_14 : vector<2000x128xf32>
    %mul3A = vector.broadcast %get3A_1 : vector<2000x1xf32> to vector<2000x128xf32>
    %mul3A_16 = arith.mulf %add3A_15, %mul3A : vector<2000x128xf32>
    %get3A_17 = arith.constant 0 : index
    %get3A_18 = arith.constant 0 : index
    %get3A_19 = arith.constant 0 : index
    %get3A_20 = vector.load %arg2[%get3A_17, %get3A_18, %get3A_19] : memref<2x2000x128xf32, #tpu.memory_space<vmem>>, vector<1x2000x128xf32>
    %get3A_21 = vector.shape_cast %get3A_20 : vector<1x2000x128xf32> to vector<2000x128xf32>
    %get3A_22 = arith.constant 1 : index
    %get3A_23 = arith.constant 0 : index
    %get3A_24 = arith.constant 0 : index
    %get3A_25 = vector.load %arg2[%get3A_22, %get3A_23, %get3A_24] : memref<2x2000x128xf32, #tpu.memory_space<vmem>>, vector<1x2000x128xf32>
    %get3A_26 = vector.shape_cast %get3A_25 : vector<1x2000x128xf32> to vector<2000x128xf32>
    %add3A_27 = arith.addf %get3A_21, %get3A_26 : vector<2000x128xf32>
    %get3A_28 = arith.constant 0 : index
    %get3A_29 = arith.constant 0 : index
    %get3A_30 = vector.load %arg4[%get3A_28, %get3A_29] : memref<2000x128xf32, #tpu.memory_space<vmem>>, vector<2000x128xf32>
    %add3A_31 = arith.addf %add3A_27, %get3A_30 : vector<2000x128xf32>
    %mul3A_32 = vector.broadcast %get3A_1 : vector<2000x1xf32> to vector<2000x128xf32>
    %mul3A_33 = arith.mulf %add3A_31, %mul3A_32 : vector<2000x128xf32>
    %concatenate3A = tpu.concatenate %mul3A_16, %mul3A_33 in 1 : vector<2000x128xf32>, vector<2000x128xf32> -> vector<2000x256xf32>
    %get3A_34 = arith.constant 0 : index
    %get3A_35 = arith.constant 0 : index
    %get3A_36 = vector.load %arg6[%get3A_34, %get3A_35] : memref<1x256xf32, #tpu.memory_space<vmem>>, vector<1x256xf32>
    %add3A_37 = vector.broadcast %get3A_36 : vector<1x256xf32> to vector<2000x256xf32>
    %add3A_38 = arith.addf %concatenate3A, %add3A_37 : vector<2000x256xf32>
    %swap3A = arith.constant 0 : index
    %swap3A_39 = arith.constant 0 : index
    %swap3A_40 = vector.load %arg9[%swap3A, %swap3A_39] : memref<2000x256xf32, #tpu.memory_space<vmem>>, vector<2000x256xf32>
    tpu.vector_store %arg9[%swap3A, %swap3A_39], %add3A_38 {strides = array<i32>} : memref<2000x256xf32, #tpu.memory_space<vmem>>, vector<2000x256xf32>,
    %get3A_41 = arith.constant 0 : index
    %get3A_42 = arith.constant 0 : index
    %get3A_43 = vector.load %arg7[%get3A_41, %get3A_42] : memref<256x1xf32, #tpu.memory_space<vmem>>, vector<256x1xf32>
    %dot_general3A = arith.constant dense<0.000000e+00> : vector<2000x1xf32>
    %dot_general3A_44 = tpu.matmul %add3A_38, %get3A_43, %dot_general3A {dimension_numbers = #tpu.dot_dimension_numbers<[1], [0], [0], [1], [0, 0, 1, 1], [], []>, transpose_lhs_hint = false} : vector<2000x256xf32>, vector<256x1xf32>, vector<2000x1xf32> -> vector<2000x1xf32>
    %get3A_45 = arith.constant 0 : index
    %get3A_46 = arith.constant 0 : index
    %get3A_47 = vector.load %arg8[%get3A_45, %get3A_46] : memref<1x1xf32, #tpu.memory_space<vmem>>, vector<1x1xf32>
    %add3A_48 = vector.broadcast %get3A_47 : vector<1x1xf32> to vector<2000x1xf32>
    %add3A_49 = arith.addf %dot_general3A_44, %add3A_48 : vector<2000x1xf32>
    %logistic3A = arith.negf %add3A_49 : vector<2000x1xf32>
    %logistic3A_50 = math.exp %logistic3A : vector<2000x1xf32>
    %logistic3A_51 = arith.constant 1.000000e+00 : f32
    %logistic3A_52 = vector.broadcast %logistic3A_51 : f32 to vector<2000x1xf32>
    %logistic3A_53 = arith.addf %logistic3A_52, %logistic3A_50 : vector<2000x1xf32>
    %logistic3A_54 = arith.divf %logistic3A_52, %logistic3A_53 : vector<2000x1xf32>
    %swap3A_55 = arith.constant 0 : index
    %swap3A_56 = arith.constant 0 : index
    %swap3A_57 = vector.load %arg10[%swap3A_55, %swap3A_56] : memref<2000x1xf32, #tpu.memory_space<vmem>>, vector<2000x1xf32>
    tpu.vector_store %arg10[%swap3A_55, %swap3A_56], %logistic3A_54 {strides = array<i32>} : memref<2000x1xf32, #tpu.memory_space<vmem>>, vector<2000x1xf32>,
    return
  }
  func.func @transform_0(%arg0: i32) -> (i32, i32, i32) {
    %c0_i32 = arith.constant 0 : i32
    %c0_i32_0 = arith.constant 0 : i32
    %c0_i32_1 = arith.constant 0 : i32
    return %c0_i32, %arg0, %c0_i32_0 : i32, i32, i32
  }
  func.func @transform_1(%arg0: i32) -> (i32, i32, i32) {
    %c0_i32 = arith.constant 0 : i32
    %c0_i32_0 = arith.constant 0 : i32
    %c0_i32_1 = arith.constant 0 : i32
    return %c0_i32, %arg0, %c0_i32_0 : i32, i32, i32
  }
  func.func @transform_2(%arg0: i32) -> (i32, i32) {
    %c0_i32 = arith.constant 0 : i32
    %c0_i32_0 = arith.constant 0 : i32
    return %arg0, %c0_i32 : i32, i32
  }
  func.func @transform_3(%arg0: i32) -> (i32, i32) {
    %c0_i32 = arith.constant 0 : i32
    %c0_i32_0 = arith.constant 0 : i32
    return %arg0, %c0_i32 : i32, i32
  }
  func.func @transform_4(%arg0: i32) -> (i32, i32) {
    %c0_i32 = arith.constant 0 : i32
    %c0_i32_0 = arith.constant 0 : i32
    return %arg0, %c0_i32 : i32, i32
  }
  func.func @transform_5(%arg0: i32) -> (i32, i32) {
    %c0_i32 = arith.constant 0 : i32
    %c0_i32_0 = arith.constant 0 : i32
    %c0_i32_1 = arith.constant 0 : i32
    return %c0_i32, %c0_i32_0 : i32, i32
  }
  func.func @transform_6(%arg0: i32) -> (i32, i32) {
    %c0_i32 = arith.constant 0 : i32
    %c0_i32_0 = arith.constant 0 : i32
    %c0_i32_1 = arith.constant 0 : i32
    return %c0_i32, %c0_i32_0 : i32, i32
  }
  func.func @transform_7(%arg0: i32) -> (i32, i32) {
    %c0_i32 = arith.constant 0 : i32
    %c0_i32_0 = arith.constant 0 : i32
    %c0_i32_1 = arith.constant 0 : i32
    return %c0_i32, %c0_i32_0 : i32, i32
  }
  func.func @transform_8(%arg0: i32) -> (i32, i32) {
    %c0_i32 = arith.constant 0 : i32
    %c0_i32_0 = arith.constant 0 : i32
    return %arg0, %c0_i32 : i32, i32
  }
  func.func @transform_9(%arg0: i32) -> (i32, i32) {
    %c0_i32 = arith.constant 0 : i32
    %c0_i32_0 = arith.constant 0 : i32
    return %arg0, %c0_i32 : i32, i32
  }
}

</mosaic_0001>

<sc_bundles>
// kernel: kernel.11.cloned.1.call-start
scs
__scs_entry_jumppad:
0x0: {  	(pc) =	sbr.rel $0x88, $3  }
0x1: {  	(tag) =	ssettag $0x0;
	lr =	simm.s32 $0x1  }
0x2: {  	[smem:$0x3F99] =	sst lr;
	_ =	strace $0xD0000000  }
0x3: {  	_ = 	snop  }
0x4: {  	_ = 	snop  }
0x5: {  	_ = 	snop  }
0x6: {  	_ = 	snop  }
0x7: {  	_ = 	snop  }
__scs_overlays_trampoline_lowered:
0x8: {  	[smem:$0x3FA8] =	sst s0  }
0x9: {  	[smem:$0x3FA9] =	sst s1  }
0xa: {  	[smem:$0x3FAA] =	sst s2  }
0xb: {  	[smem:$0x3FAB] =	sst s3  }
0xc: {  	[smem:$0x3FAC] =	sst s4  }
0xd: {  	[smem:$0x3FAD] =	sst s5  }
0xe: {  	[smem:$0x3FAE] =	sst s6  }
0xf: {  	[smem:$0x3FAF] =	sst s7  }
0x10: {  	[smem:$0x3FB0] =	sst s8  }
0x11: {  	[smem:$0x3FB1] =	sst s9;
	s0 =	simm.s32 @!p0 $0x0  }
0x12: {  	s1 =	sld [smem:$0x3F97];
	s0 =	simm.s32 @p0 $0x1  }
0x13: {  	[smem:$0x3FB2] =	sst s0;
	s0 =	simm.s32 @!p1 $0x0  }
0x14: {  	s2 =	sld [smem:$0x3F96];
	s0 =	simm.s32 @p1 $0x1  }
0x15: {  	[smem:$0x3FB3] =	sst s0;
	s0 =	simm.s32 @!p2 $0x0  }
0x16: {  	s3 =	sld [smem:$0x3FDB];
	s0 =	simm.s32 @p2 $0x1  }
0x17: {  	s4 =	simm.s32 $0x1BF5;
	[smem:$0x3FB5] =	sst s0  }
0x18: {  	s0 =	sld [smem:$0x3F98];
	_ =	swait.ge [sflag:s4], $0x0  }
0x19: {  	s7 =	sld [smem:$0x3F99]  }
0x1a: {  	s8 =	sadd.s32 $0xFFFFE003, lr  }
0x1b: {  	s9 =	sadd.s32 $0xFFFFFEF7, lr;
	s5 =	simm.s32 $0xFFFFFFFF;
	p2 =	slt.u32 s8, $0xFFFFF086  }
0x1c: {  	p1 =	slt.u32 s9, $0xF7A;
	s5 =	simm.s32 @!p2 $0x0  }
0x1d: {  	s5 =	simm.s32 @p1 $0x1;
	p0 =	seq.s32 s7, s2  }
0x1e: {  	s7 =	smul.u32 @!p0 $0xF7A, s2;
	p2 =	seq.s32 @!p0 s5, $0x0  }
0x1f: {  	s9 =	smul.u32 $0xF7A, s1;
	s8 =	simm.s32 @!p0 $0x1BF5;
	p2 =	por !p2, p0  }
0x20: {  	[sflag:s8] =	ssyncset.s32 @!p0 $0xFFFFF086;
	s6 =	sadd.s32 @!p0 s3, s7;
	s7 =	simm.s32 @!p0 $0x108  }
0x21: {  	s3 =	sadd.s32 s3, s9;
	s6 =	sadd.s32 @!p0 $0x88, s6;
	s7 =	simm.s32 @p2 $0x1082  }
0x22: {  	[simem:s7], [sflag:s8] =	dma.local @!p0 [hbm:s6], $0xF7A  }
0x23: {  	s9 =	sor.u32 $0xD0000000, s2;
	s6 =	simm.s32 $0x108;
	_ =	swait.ge @!p0 [sflag:s8], $0x0  }
0x24: {  	s3 =	sadd.s32 $0x88, s3;
	s6 =	simm.s32 @!p1 $0x1082;
	[sflag:s4] =	ssyncset.s32 $0xFFFFF086  }
0x25: {  	[simem:s6], [sflag:s4] =	dma.local [hbm:s3], $0xF7A  }
0x26: {  	[smem:$0x3F99] =	sst s1;
	(tag) =	ssettag s2;
	_ =	strace s9  }
0x27: {  	s1 =	sld [smem:$0x3FA9]  }
0x28: {  	s2 =	sld [smem:$0x3FAA]  }
0x29: {  	s4 =	sld [smem:$0x3FAC]  }
0x2a: {  	p0 =	seq.s32 s5, $0x0;
	s5 =	sld [smem:$0x3FAD]  }
0x2b: {  	s6 =	sld [smem:$0x3FAE]  }
0x2c: {  	s7 =	sld [smem:$0x3FAF]  }
0x2d: {  	s3 =	simm.s32 $0x108;
	s8 =	sld [smem:$0x3FB0]  }
0x2e: {  	s3 =	simm.s32 @!p0 $0x1082;
	s9 =	sld [smem:$0x3FB1]  }
0x2f: {  	lr =	sadd.s32 s0, s3;
	s0 =	sld [smem:$0x3FA8]  }
0x30: {  	s3 =	sld [smem:$0x3FAB]  }
0x31: {  	[smem:$0x3FB4] =	sst s10  }
0x32: {  	s10 =	sld [smem:$0x3FB2];
	_ =	sdelay $0x3  }
0x33: {  	p0 =	seq.s32 s10, $0x1;
	s10 =	sld [smem:$0x3FB4];
	_ =	sdelay $0x3  }
0x34: {  	[smem:$0x3FB4] =	sst s10  }
0x35: {  	s10 =	sld [smem:$0x3FB3];
	_ =	sdelay $0x3  }
0x36: {  	p1 =	seq.s32 s10, $0x1;
	s10 =	sld [smem:$0x3FB4];
	_ =	sdelay $0x3  }
0x37: {  	[smem:$0x3FB4] =	sst s10  }
0x38: {  	s10 =	sld [smem:$0x3FB5]  }
0x39: {  	_ = 	snop;
	(pc) =	sbr.ind lr, $3  }
0x3a: {  	_ = 	snop  }
0x3b: {  	_ = 	snop  }
0x3c: {  	p2 =	seq.s32 s10, $0x1;
	s10 =	sld [smem:$0x3FB4]  }
0x3d: {  	_ =	shalt  }
0x3e: {  	_ =	shalt  }
0x3f: {  	_ =	shalt  }
0x40: {  	_ =	shalt  }
0x41: {  	_ =	shalt  }
0x42: {  	_ =	shalt  }
0x43: {  	_ =	shalt  }
0x44: {  	_ =	shalt  }
0x45: {  	_ =	shalt  }
0x46: {  	_ =	shalt  }
0x47: {  	_ =	shalt  }
0x48: {  	_ =	shalt  }
0x49: {  	_ =	shalt  }
0x4a: {  	_ =	shalt  }
0x4b: {  	_ =	shalt  }
0x4c: {  	_ =	shalt  }
0x4d: {  	_ =	shalt  }
0x4e: {  	_ =	shalt  }
0x4f: {  	_ =	shalt  }
0x50: {  	_ =	shalt  }
0x51: {  	_ =	shalt  }
0x52: {  	_ =	shalt  }
0x53: {  	_ =	shalt  }
0x54: {  	_ =	shalt  }
0x55: {  	_ =	shalt  }
0x56: {  	_ =	shalt  }
0x57: {  	_ =	shalt  }
0x58: {  	_ =	shalt  }
0x59: {  	_ =	shalt  }
0x5a: {  	_ =	shalt  }
0x5b: {  	_ =	shalt  }
0x5c: {  	_ =	shalt  }
0x5d: {  	_ =	shalt  }
0x5e: {  	_ =	shalt  }
0x5f: {  	_ =	shalt  }
0x60: {  	_ =	shalt  }
0x61: {  	_ =	shalt  }
0x62: {  	_ =	shalt  }
0x63: {  	_ =	shalt  }
0x64: {  	_ =	shalt  }
0x65: {  	_ =	shalt  }
0x66: {  	_ =	shalt  }
0x67: {  	_ =	shalt  }
0x68: {  	_ =	shalt  }
0x69: {  	_ =	shalt  }
0x6a: {  	_ =	shalt  }
0x6b: {  	_ =	shalt  }
0x6c: {  	_ =	shalt  }
0x6d: {  	_ =	shalt  }
0x6e: {  	_ =	shalt  }
0x6f: {  	_ =	shalt  }
0x70: {  	_ =	shalt  }
0x71: {  	_ =	shalt  }
0x72: {  	_ =	shalt  }
0x73: {  	_ =	shalt  }
0x74: {  	_ =	shalt  }
0x75: {  	_ =	shalt  }
0x76: {  	_ =	shalt  }
0x77: {  	_ =	shalt  }
0x78: {  	_ =	shalt  }
0x79: {  	_ =	shalt  }
0x7a: {  	_ =	shalt  }
0x7b: {  	_ =	shalt  }
0x7c: {  	_ =	shalt  }
0x7d: {  	_ =	shalt  }
0x7e: {  	_ =	shalt  }
0x7f: {  	_ =	shalt  }
0x80: {  	_ =	shalt  }
0x81: {  	_ =	shalt  }
0x82: {  	_ =	shalt  }
0x83: {  	_ =	shalt  }
0x84: {  	_ =	shalt  }
0x85: {  	_ =	shalt  }
0x86: {  	_ =	shalt  }
0x87: {  	_ =	shalt  }
.Lfunc_end0:
.L_simem_size_0:
called_computation.1_lowered:
.L_overlay_start_0:
0x88: {  	s2 =	sld [smem:$0x3FD9]  }
0x89: {  	s3 =	sld [smem:$0x3FFE];
	_ =	sdelay $0x1  }
0x8a: {  	s1 =	srdreg.scid  }
0x8b: {  	s0 =	sand.u32 $0x1, s1  }
0x8c: {  	s16 =	sshll.u32 s0, $0xA;
	s2 =	sadd.s32 s3, s2  }
0x8d: {  	s2 =	sadd.s32 s2, s16  }
0x8e: {  	[smem:$0x3FC0] =	sst s2  }
0x8f: {  	_ = 	snop  }
0x90: {  	(tm) =	ssettm $0x1  }
0x91: {  	s17 =	sld [smem:$0x3FFB];
	_ =	sdelay $0x3  }
0x92: {  	_ =	strace s17  }
0x93: {  	s2 =	sld [smem:$0x3FFC];
	_ =	sdelay $0x3  }
0x94: {  	_ =	strace s2  }
0x95: {  	s2 =	sld [smem:$0x3FFD];
	_ =	sdelay $0x3  }
0x96: {  	_ =	strace s2  }
0x97: {  	_ =	strace $0x8FFFFFFF  }
0x98: {  	s18 =	sld [smem:$0x3FDB];
	_ =	sdelay $0x1  }
0x99: {  	s19 =	simm.s32 $_scs_section_size  }
0x9a: {  	s4 =	simm.s32 $_size__tile_overlayer_lowered;
	s5 =	simm.s32 $_tile_overlayer_lowered  }
0x9b: {  	s22 =	simm.s32 $0x1BFF;
	s21 =	sshll.u32 s5, $0x1;
	s2 =	sadd.s32 s19, s18  }
0x9c: {  	s6 =	simm.s32 $0x0;
	s20 =	sshll.u32 s4, $0x1;
	s4 =	sadd.s32 s21, s2  }
0x9d: {  	[timem:s6], [sflag:s22] =	dma.local [hbm:s4], s20  }
0x9e: {  	_ =	swait.ge [sflag:s22], s20  }
0x9f: {  	s3 =	ssub.s32 $0x0, s20;
	[sflag:s22] =	ssyncset.done $0x0  }
0xa0: {  	[sflag:s22] =	ssyncadd.s32 s3;
	_ =	sdelay $0x1  }
0xa1: {  	s23 =	simm.s32 $0x1B8B  }
0xa2: {  	_ =	swait.ge [sflag:s23], $0x1  }
0xa3: {  	[sflag:s23] =	ssyncset.done $0x0  }
0xa4: {  	s25 =	simm.s32 $0x1B8E;
	s24 =	sld [smem:$0x3FFE];
	[sflag:s23] =	ssyncadd.s32 $0xFFFFFFFF  }
0xa5: {  	s26 =	simm.s32 $execute0_lowered;
	[smem:$0x3FD2] =	sst s25  }
0xa6: {  	s4 =	sshll.u32 s26, $0x1;
	_ =	strace $0x80000049;
	[dreg:$0x1] =	wrdreg $0xFFFFFFFF  }
0xa7: {  	s28 =	simm.s32 $_size_execute0_lowered;
	s2 =	sadd.s32 s2, s4;
	[dreg:$0x0] =	wrdreg $0x0  }
0xa8: {  	s4 =	sshll.u32 s28, $0x1;
	[dreg:$0x2] =	wrdreg s2  }
0xa9: {  	[dreg:$0x3] =	wrdreg s4  }
0xaa: {  	[dreg:$0x4] =	wrdreg $0xC0  }
0xab: {  	_ =	task [dreg:s6], $0x5FFFF  }
0xac: {  	[dreg:$0x1] =	wrdreg $0xFFFFFFFF  }
0xad: {  	[dreg:$0x0] =	wrdreg $0x60  }
0xae: {  	[dreg:$0x2] =	wrdreg s24  }
0xaf: {  	[dreg:$0x3] =	wrdreg $0x0  }
0xb0: {  	[dreg:$0x4] =	wrdreg $0x9  }
0xb1: {  	_ =	task.clear_ibuf [dreg:s6], $0x5FFFF;
	_ =	strace $0x90000049  }
0xb2: {  	s29 =	simm.s32 $0x9;
	_ =	strace $0x8000004B  }
0xb3: {  	_ =	swait.ge [sflag:s29], $0x1  }
0xb4: {  	[sflag:s29] =	ssyncadd.s32 $0xFFFFFFFF  }
0xb5: {  	_ =	strace $0x9000004B  }
0xb6: {  	_ =	sfence  }
0xb7: {  	s30 =	sld [smem:$0x0];
	_ =	sdelay $0x2  }
0xb8: {  	s31 =	sshll.u32 s1, $0xD;
	s1 =	sshrl.u32 s1, $0x2  }
0xb9: {  	s3 =	sand.u32 $0x4000, s31;
	s1 =	sadd.s32 s1, s30  }
0xba: {  	s0 =	sor.u32 s3, s0;
	s1 =	sshll.u32 s1, $0x11  }
0xbb: {  	s0 =	sor.u32 s1, s0  }
0xbc: {  	s0 =	sadd.s32 $0x8F2B, s0  }
0xbd: {  	[sflag:s0] =	ssyncadd.remote.s32 $0x1  }
0xbe: {  	_ =	sfence.sel $0xFFFF  }
0xbf: {  	[dreg:$0x0] =	wrdreg $0xFFFFFFFF;
	(pc) =	sbr.abs _section_cstart, $3  }
0xc0: {  	[dreg:$0x1] =	wrdreg $0xFFFFFFFF  }
0xc1: {  	_ =	task.clear_ibuf [dreg:s6], $0x2FFFF;
	_ =	strace $0x9FFFFFFF  }
0xc2: {  	(tm) =	ssettm $0x7FFFFFFF  }
0xc3: {  	_ =	shalt  }
tec
execute0_lowered:
.L_overlay_start_1:
0x0: {  	(tag) =	ssettag $0x1  }
0x1: {  	s1 =	rddreg [dreg:$0x0]  }
0x2: {  	s0 =	srdreg.scid;
	s2 =	rddreg [dreg:$0x1]  }
0x3: {  	s18 =	stileid.u32;
	s3 =	simm.s32 $0x0;
	s13 =	simm.s32 $0x34  }
0x4: {  	s20 =	simm.s32 $0x14000;
	s21 =	simm.s32 $0x5;
	s28 =	simm.s32 $0x1  }
0x5: {  	s29 =	simm.s32 $0x3;
	s30 =	simm.s32 $0x2;
	s31 =	simm.s32 $0x4  }
0x6: {  	s0 =	sand.u32 $0x1, s0;
	[smem:$0x7FF] =	sst s3;
	s7 =	smul.u32 $0x50000, s18  }
0x7: {  	s5 =	sadd.s32 $0x38000, s1;
	s14 =	sadd.s32 $0x5F200, s1;
	s16 =	smul.u32 $0x14000, s18  }
0x8: {  	s4 =	sshll.u32 s0, $0x4;
	_ =	strace $0x8000004A;
	s22 =	ssub.s32 $0x2, s0  }
0x9: {  	p0 =	seq.s32 s0, $0x0;
	s4 =	sor.u32 s18, s4;
	s9 =	sshrl.u32 s22, $0x1  }
0xa: {  	s13 =	simm.s32 @!p0 $0x1C;
	s7 =	sshrl.u32 s7, $0x2;
	s16 =	sshrl.u32 s16, $0x3  }
0xb: {  	s18 =	smul.u32 $0x2800, s18;
	p0 =	sne.s32 s0, $0x0;
	s0 =	simm.s32 $0x0  }
0xc: {  	s6 =	smul.u32 $0x380, s4;
	s4 =	sadd.s32 $0x10E00, s1;
	s15 =	ssub.s32 s22, s9  }
0xd: {  	s7 =	sadd.s32 s7, s2;
	s17 =	sshll.u32 s13, $0x7;
	s16 =	sadd.s32 $0x28000, s16  }
0xe: {  	s19 =	sshrl.u32 s13, $0x1;
	s22 =	simm.s32 $0x15C00;
	s9 =	sadd.s32 $0x4000, s7  }
0xf: {  	s10 =	sadd.s32 $0x8000, s7;
	s11 =	sadd.s32 $0xC000, s7;
	s12 =	sadd.s32 $0x10000, s7  }
0x10: {  	s13 =	sadd.s32 $0x15B80, s17;
	s25 =	sadd.s32 s14, s16;
	s26 =	sadd.s32 s14, s18  }
0x11: {  	s19 =	sadd.s32 $0xFFFFFFFF, s19;
	s8 =	sadd.s32 s6, s1;
	[dreg:$0x5] =	wrdreg s25  }
.Ltmp0:
0x12: {  	s1 =	sadd.s32 $0xAF200, s1;
	[dreg:$0x6] =	wrdreg s26;
	(pc) =	sbr.rel .LBB2_1-.Ltmp0, $4  }
0x13: {  	s25 =	simm.s32 $0x14080;
	s26 =	simm.s32 $0x1B800;
	s23 =	sadd.s32 $0x9E00, s8  }
0x14: {  	s8 =	sadd.s32 $0x2E00, s8;
	s24 =	sadd.s32 s1, s16;
	[dreg:$0x3] =	wrdreg s23  }
0x15: {  	s1 =	sadd.s32 s1, s18;
	s18 =	smax.u32 s15, $0x1;
	[dreg:$0x4] =	wrdreg s24  }
0x16: {  	v0 =	vimm.f32 $0.0e+00;
	[dreg:$0x7] =	wrdreg s1;
	s23 =	simm.s32 $0x17800;
	s24 =	simm.s32 $0x80  }
.LBB2_17:
0x17: {  	[spmem:s2] =	stream.indirect.scatter.add.f32 [tilespmem:s23], [sflag:$0x3], $0x80, s17, s24, $0xb8;
	[tilespmem:$0x1F800] =	vst v63  }
0x18: {  	s1 =	rddreg [dreg:$0x5]  }
.LBB2_18:
0x19: {  	_ =	swait.ge [sflag:s30], $0x4000  }
0x1a: {  	[sflag:s30] =	ssyncset.done $0x0  }
0x1b: {  	[sflag:s30] =	ssyncadd.s32 $0xFFFFC000  }
0x1c: {  	[spmem:s2] =	stream.indirect.scatter.add.f32 [tilespmem:s26], [sflag:$0x4], $0x80, s13, s24, $0xb8;
	[tilespmem:$0x1F800] =	vst v63  }
0x1d: {  	_ =	swait.ge [sflag:s29], $0x4000  }
0x1e: {  	[sflag:s29] =	ssyncset.done $0x0  }
0x1f: {  	[sflag:s29] =	ssyncadd.s32 $0xFFFFC000  }
0x20: {  	_ =	swait.ge [sflag:s31], $0x4000  }
0x21: {  	s0 =	sadd.s32 $0x1, s0;
	[sflag:s31] =	ssyncset.done $0x0  }
0x22: {  	p1 =	sne.s32 s0, s18;
	[sflag:s31] =	ssyncadd.s32 $0xFFFFC000  }
.Ltmp1:
0x23: {  	s6 =	sshrl.u32 s7, $0x3;
	[bflag:$0x0] =	sbarrier.arrive $0xFFFF;
	(pc) =	sbr.rel @!p1 .LBB2_19-.Ltmp1, $4  }
0x24: {  	[hbm:s1], [sflag:s14] =	dma.local [spmem:s6], $0x2800  }
0x25: {  	_ =	swait.ge [sflag:s21], $0x2800  }
0x26: {  	[sflag:s21] =	ssyncset.done $0x0  }
0x27: {  	[sflag:s21] =	ssyncadd.s32 $0xFFFFD800  }
.LBB2_1:
0x28: {  	s1 =	rddreg [dreg:$0x3]  }
0x29: {  	[tilespmem:s20], [sflag:$0x5] =	stream.linear.gather [hbm4b:s1+s3], $0x1A00, $0x38;
	[tilespmem:$0x1F800] =	vst v63  }
0x2a: {  	_ =	swait.ge [sflag:s21], $0x1A00  }
0x2b: {  	[sflag:s21] =	ssyncset.done $0x0  }
.Ltmp2:
0x2c: {  	[sflag:s21] =	ssyncadd.s32 $0xFFFFE600;
	(pc) =	sbr.rel @p0 .LBB2_10-.Ltmp2, $4  }
0x2d: {  	[tilespmem:s22], [sflag:$0x5] =	stream.linear.gather [hbm4b:s8+s3], $0x1A00, $0x38;
	[tilespmem:$0x1F800] =	vst v63  }
0x2e: {  	_ =	swait.ge [sflag:s21], $0x1A00  }
0x2f: {  	[sflag:s21] =	ssyncset.done $0x0  }
0x30: {  	s14 =	sadd.s32 $0x200, s3;
	s1 =	sshra.s32 s3, $0x2;
	[sflag:s21] =	ssyncadd.s32 $0xFFFFE600  }
.LBB2_2:
0x31: {  	p1 =	sne.s32 s14, $0xFE00;
	[tilespmem:s1+$0x17870] =	vst v0  }
0x32: {  	[tilespmem:s1+$0x17800] =	vst v0  }
0x33: {  	[tilespmem:s1+$0x17810] =	vst v0  }
.Ltmp3:
0x34: {  	[tilespmem:s1+$0x17820] =	vst v0;
	(pc) =	sbr.rel @p1 .LBB2_2-.Ltmp3, $4  }
0x35: {  	[tilespmem:s1+$0x17830] =	vst v0  }
0x36: {  	[tilespmem:s1+$0x17840] =	vst v0  }
0x37: {  	[tilespmem:s1+$0x17850] =	vst v0  }
0x38: {  	[tilespmem:s1+$0x17860] =	vst v0;
	s1 =	sshra.s32 s14, $0x2;
	s14 =	sadd.s32 $0x200, s14  }
0x39: {  	[tilespmem:s1+$0x17870] =	vst v0  }
0x3a: {  	[tilespmem:s1+$0x17800] =	vst v0  }
0x3b: {  	[tilespmem:s1+$0x17810] =	vst v0  }
0x3c: {  	[tilespmem:s1+$0x17820] =	vst v0  }
0x3d: {  	[tilespmem:s1+$0x17830] =	vst v0  }
0x3e: {  	[tilespmem:s1+$0x17840] =	vst v0  }
0x3f: {  	[tilespmem:s1+$0x17850] =	vst v0  }
0x40: {  	[tilespmem:s1+$0x17860] =	vst v0  }
0x41: {  	[spmem:s7] =	stream.linear.scatter [tilespmem:s23], [sflag:$0x5], $0x4000, $0x38;
	[tilespmem:$0x1F800] =	vst v63  }
0x42: {  	_ =	swait.ge [sflag:s21], $0x4000  }
0x43: {  	[sflag:s21] =	ssyncset.done $0x0  }
0x44: {  	[sflag:s21] =	ssyncadd.s32 $0xFFFFC000  }
0x45: {  	[spmem:s9] =	stream.linear.scatter [tilespmem:s23], [sflag:$0x5], $0x4000, $0x38;
	[tilespmem:$0x1F800] =	vst v63  }
0x46: {  	_ =	swait.ge [sflag:s21], $0x4000  }
0x47: {  	[sflag:s21] =	ssyncset.done $0x0  }
0x48: {  	[sflag:s21] =	ssyncadd.s32 $0xFFFFC000  }
0x49: {  	[spmem:s10] =	stream.linear.scatter [tilespmem:s23], [sflag:$0x5], $0x4000, $0x38;
	[tilespmem:$0x1F800] =	vst v63  }
0x4a: {  	_ =	swait.ge [sflag:s21], $0x4000  }
0x4b: {  	[sflag:s21] =	ssyncset.done $0x0  }
0x4c: {  	[sflag:s21] =	ssyncadd.s32 $0xFFFFC000  }
0x4d: {  	[spmem:s11] =	stream.linear.scatter [tilespmem:s23], [sflag:$0x5], $0x4000, $0x38;
	[tilespmem:$0x1F800] =	vst v63  }
0x4e: {  	_ =	swait.ge [sflag:s21], $0x4000  }
0x4f: {  	[sflag:s21] =	ssyncset.done $0x0  }
0x50: {  	[sflag:s21] =	ssyncadd.s32 $0xFFFFC000  }
0x51: {  	[spmem:s12] =	stream.linear.scatter [tilespmem:s23], [sflag:$0x5], $0x4000, $0x38;
	[tilespmem:$0x1F800] =	vst v63  }
0x52: {  	_ =	swait.ge [sflag:s21], $0x4000  }
0x53: {  	[sflag:s21] =	ssyncset.done $0x0  }
0x54: {  	[sflag:s21] =	ssyncadd.s32 $0xFFFFC000  }
0x55: {  	[bflag:$0x0] =	sbarrier.arrive $0xFFFF  }
0x56: {  	[tilespmem:s23], [sflag:$0x1] =	stream.indirect.gather [hbm4b:s4+s24], $0x80, s20, s24, $0xb8;
	[tilespmem:$0x1F800] =	vst v63  }
0x57: {  	_ = 	snop  }
0x58: {  	[tilespmem:s26], [sflag:$0x2] =	stream.indirect.gather [hbm4b:s4+s24], $0x80, s25, s24, $0xb8;
	[tilespmem:$0x1F800] =	vst v63  }
0x59: {  	_ =	swait.ge [sflag:s28], $0x4000  }
0x5a: {  	[sflag:s28] =	ssyncset.done $0x0  }
0x5b: {  	[sflag:s28] =	ssyncadd.s32 $0xFFFFC000  }
0x5c: {  	[spmem:s2] =	stream.indirect.scatter.add.f32 [tilespmem:s23], [sflag:$0x3], $0x80, s22, s24, $0xb8;
	[tilespmem:$0x1F800] =	vst v63  }
0x5d: {  	_ =	swait.ge [sflag:s29], $0x4000  }
0x5e: {  	[sflag:s29] =	ssyncset.done $0x0  }
0x5f: {  	[sflag:s29] =	ssyncadd.s32 $0xFFFFC000  }
0x60: {  	_ =	swait.ge [sflag:s30], $0x4000  }
0x61: {  	[sflag:s30] =	ssyncset.done $0x0  }
0x62: {  	s15 =	simm.s32 $0x15C80;
	[sflag:s30] =	ssyncadd.s32 $0xFFFFC000  }
0x63: {  	[spmem:s2] =	stream.indirect.scatter.add.f32 [tilespmem:s26], [sflag:$0x4], $0x80, s15, s24, $0xb8;
	[tilespmem:$0x1F800] =	vst v63  }
0x64: {  	s16 =	simm.s32 $0x14100  }
0x65: {  	[tilespmem:s23], [sflag:$0x1] =	stream.indirect.gather [hbm4b:s4+s24], $0x80, s16, s24, $0xb8;
	[tilespmem:$0x1F800] =	vst v63  }
0x66: {  	_ =	swait.ge [sflag:s31], $0x4000  }
0x67: {  	p1 =	sne.s32 s19, $0x1;
	[sflag:s31] =	ssyncset.done $0x0  }
.Ltmp4:
0x68: {  	s17 =	simm.s32 $0x14180;
	[sflag:s31] =	ssyncadd.s32 $0xFFFFC000;
	(pc) =	sbr.rel @!p1 .LBB2_5-.Ltmp4, $4  }
0x69: {  	[tilespmem:s26], [sflag:$0x2] =	stream.indirect.gather [hbm4b:s4+s24], $0x80, s17, s24, $0xb8;
	[tilespmem:$0x1F800] =	vst v63  }
0x6a: {  	_ =	swait.ge [sflag:s28], $0x4000  }
0x6b: {  	s14 =	sadd.s32 $0xFFFFFFFF, s19;
	s15 =	simm.s32 $0x15E00;
	[sflag:s28] =	ssyncset.done $0x0  }
0x6c: {  	s16 =	simm.s32 $0x15D00;
	s17 =	simm.s32 $0x14200;
	[sflag:s28] =	ssyncadd.s32 $0xFFFFC000  }
.LBB2_4:
0x6d: {  	[spmem:s2] =	stream.indirect.scatter.add.f32 [tilespmem:s23], [sflag:$0x3], $0x80, s16, s24, $0xb8;
	[tilespmem:$0x1F800] =	vst v63  }
0x6e: {  	p1 =	sne.s32 s14, $0x1;
	s14 =	sadd.s32 $0xFFFFFFFF, s14;
	_ =	swait.ge [sflag:s29], $0x4000  }
0x6f: {  	s16 =	smov.u32 s15;
	[sflag:s29] =	ssyncset.done $0x0  }
0x70: {  	[sflag:s29] =	ssyncadd.s32 $0xFFFFC000  }
0x71: {  	_ =	swait.ge [sflag:s30], $0x4000  }
0x72: {  	[sflag:s30] =	ssyncset.done $0x0  }
0x73: {  	s1 =	sadd.s32 $0xFFFFFF80, s15;
	[sflag:s30] =	ssyncadd.s32 $0xFFFFC000  }
0x74: {  	[spmem:s2] =	stream.indirect.scatter.add.f32 [tilespmem:s26], [sflag:$0x4], $0x80, s1, s24, $0xb8;
	[tilespmem:$0x1F800] =	vst v63  }
0x75: {  	_ = 	snop  }
0x76: {  	[tilespmem:s23], [sflag:$0x1] =	stream.indirect.gather [hbm4b:s4+s24], $0x80, s17, s24, $0xb8;
	[tilespmem:$0x1F800] =	vst v63  }
0x77: {  	_ =	swait.ge [sflag:s31], $0x4000  }
0x78: {  	[sflag:s31] =	ssyncset.done $0x0  }
.Ltmp5:
0x79: {  	s1 =	sadd.s32 $0x80, s17;
	[sflag:s31] =	ssyncadd.s32 $0xFFFFC000;
	(pc) =	sbr.rel @p1 .LBB2_4-.Ltmp5, $4  }
0x7a: {  	[tilespmem:s26], [sflag:$0x2] =	stream.indirect.gather [hbm4b:s4+s24], $0x80, s1, s24, $0xb8;
	[tilespmem:$0x1F800] =	vst v63  }
0x7b: {  	_ =	swait.ge [sflag:s28], $0x4000  }
0x7c: {  	[sflag:s28] =	ssyncset.done $0x0  }
0x7d: {  	s15 =	sadd.s32 $0x100, s15;
	s17 =	sadd.s32 $0x100, s17;
	[sflag:s28] =	ssyncadd.s32 $0xFFFFC000  }
.LBB2_5:
0x7e: {  	[spmem:s2] =	stream.indirect.scatter.add.f32 [tilespmem:s23], [sflag:$0x3], $0x80, s16, s24, $0xb8;
	[tilespmem:$0x1F800] =	vst v63  }
0x7f: {  	_ =	swait.ge [sflag:s30], $0x4000  }
0x80: {  	[sflag:s30] =	ssyncset.done $0x0  }
0x81: {  	[sflag:s30] =	ssyncadd.s32 $0xFFFFC000  }
0x82: {  	[spmem:s2] =	stream.indirect.scatter.add.f32 [tilespmem:s26], [sflag:$0x4], $0x80, s13, s24, $0xb8;
	[tilespmem:$0x1F800] =	vst v63  }
0x83: {  	_ =	swait.ge [sflag:s29], $0x4000  }
0x84: {  	[sflag:s29] =	ssyncset.done $0x0  }
0x85: {  	[sflag:s29] =	ssyncadd.s32 $0xFFFFC000  }
0x86: {  	_ =	swait.ge [sflag:s31], $0x4000  }
0x87: {  	[sflag:s31] =	ssyncset.done $0x0  }
0x88: {  	s1 =	stileid.u32;
	[sflag:s31] =	ssyncadd.s32 $0xFFFFC000  }
0x89: {  	s1 =	sshll.u32 s1, $0x6;
	[bflag:$0x0] =	sbarrier.arrive $0xFFFF  }
0x8a: {  	s17 =	sshrl.u32 s7, $0x3;
	s14 =	sor.u32 $0x1C05, s1;
	s6 =	rddreg [dreg:$0x6]  }
0x8b: {  	[hbm:s6], [sflag:s14] =	dma.local [spmem:s17], $0x2800  }
0x8c: {  	_ =	swait.ge [sflag:s21], $0x2800  }
0x8d: {  	[sflag:s21] =	ssyncset.done $0x0  }
0x8e: {  	s15 =	simm.s32 $0x200;
	s1 =	simm.s32 $0x0;
	[sflag:s21] =	ssyncadd.s32 $0xFFFFD800  }
.LBB2_6:
0x8f: {  	p1 =	sne.s32 s15, $0xFE00;
	[tilespmem:s1+$0x17870] =	vst v0  }
0x90: {  	[tilespmem:s1+$0x17800] =	vst v0  }
0x91: {  	[tilespmem:s1+$0x17810] =	vst v0  }
.Ltmp6:
0x92: {  	[tilespmem:s1+$0x17820] =	vst v0;
	(pc) =	sbr.rel @p1 .LBB2_6-.Ltmp6, $4  }
0x93: {  	[tilespmem:s1+$0x17830] =	vst v0  }
0x94: {  	[tilespmem:s1+$0x17840] =	vst v0  }
0x95: {  	[tilespmem:s1+$0x17850] =	vst v0  }
0x96: {  	[tilespmem:s1+$0x17860] =	vst v0;
	s1 =	sshra.s32 s15, $0x2;
	s15 =	sadd.s32 $0x200, s15  }
0x97: {  	[tilespmem:s1+$0x17870] =	vst v0  }
0x98: {  	[tilespmem:s1+$0x17800] =	vst v0  }
0x99: {  	[tilespmem:s1+$0x17810] =	vst v0  }
0x9a: {  	[tilespmem:s1+$0x17820] =	vst v0  }
0x9b: {  	[tilespmem:s1+$0x17830] =	vst v0  }
0x9c: {  	[tilespmem:s1+$0x17840] =	vst v0  }
0x9d: {  	[tilespmem:s1+$0x17850] =	vst v0  }
0x9e: {  	[tilespmem:s1+$0x17860] =	vst v0  }
0x9f: {  	[spmem:s7] =	stream.linear.scatter [tilespmem:s23], [sflag:$0x5], $0x4000, $0x38;
	[tilespmem:$0x1F800] =	vst v63  }
0xa0: {  	_ =	swait.ge [sflag:s21], $0x4000  }
0xa1: {  	[sflag:s21] =	ssyncset.done $0x0  }
0xa2: {  	[sflag:s21] =	ssyncadd.s32 $0xFFFFC000  }
0xa3: {  	[spmem:s9] =	stream.linear.scatter [tilespmem:s23], [sflag:$0x5], $0x4000, $0x38;
	[tilespmem:$0x1F800] =	vst v63  }
0xa4: {  	_ =	swait.ge [sflag:s21], $0x4000  }
0xa5: {  	[sflag:s21] =	ssyncset.done $0x0  }
0xa6: {  	[sflag:s21] =	ssyncadd.s32 $0xFFFFC000  }
0xa7: {  	[spmem:s10] =	stream.linear.scatter [tilespmem:s23], [sflag:$0x5], $0x4000, $0x38;
	[tilespmem:$0x1F800] =	vst v63  }
0xa8: {  	_ =	swait.ge [sflag:s21], $0x4000  }
0xa9: {  	[sflag:s21] =	ssyncset.done $0x0  }
0xaa: {  	[sflag:s21] =	ssyncadd.s32 $0xFFFFC000  }
0xab: {  	[spmem:s11] =	stream.linear.scatter [tilespmem:s23], [sflag:$0x5], $0x4000, $0x38;
	[tilespmem:$0x1F800] =	vst v63  }
0xac: {  	_ =	swait.ge [sflag:s21], $0x4000  }
0xad: {  	[sflag:s21] =	ssyncset.done $0x0  }
0xae: {  	[sflag:s21] =	ssyncadd.s32 $0xFFFFC000  }
0xaf: {  	[spmem:s12] =	stream.linear.scatter [tilespmem:s23], [sflag:$0x5], $0x4000, $0x38;
	[tilespmem:$0x1F800] =	vst v63  }
0xb0: {  	_ =	swait.ge [sflag:s21], $0x4000  }
0xb1: {  	[sflag:s21] =	ssyncset.done $0x0  }
0xb2: {  	[sflag:s21] =	ssyncadd.s32 $0xFFFFC000  }
0xb3: {  	[bflag:$0x0] =	sbarrier.arrive $0xFFFF  }
0xb4: {  	[tilespmem:s23], [sflag:$0x1] =	stream.indirect.gather [hbm4b:s5+s24], $0x80, s20, s24, $0xb8;
	[tilespmem:$0x1F800] =	vst v63  }
0xb5: {  	_ = 	snop  }
0xb6: {  	[tilespmem:s26], [sflag:$0x2] =	stream.indirect.gather [hbm4b:s5+s24], $0x80, s25, s24, $0xb8;
	[tilespmem:$0x1F800] =	vst v63  }
0xb7: {  	_ =	swait.ge [sflag:s28], $0x4000  }
0xb8: {  	[sflag:s28] =	ssyncset.done $0x0  }
0xb9: {  	[sflag:s28] =	ssyncadd.s32 $0xFFFFC000  }
0xba: {  	[spmem:s2] =	stream.indirect.scatter.add.f32 [tilespmem:s23], [sflag:$0x3], $0x80, s22, s24, $0xb8;
	[tilespmem:$0x1F800] =	vst v63  }
0xbb: {  	_ =	swait.ge [sflag:s29], $0x4000  }
0xbc: {  	[sflag:s29] =	ssyncset.done $0x0  }
0xbd: {  	[sflag:s29] =	ssyncadd.s32 $0xFFFFC000  }
0xbe: {  	_ =	swait.ge [sflag:s30], $0x4000  }
0xbf: {  	[sflag:s30] =	ssyncset.done $0x0  }
0xc0: {  	s15 =	simm.s32 $0x15C80;
	[sflag:s30] =	ssyncadd.s32 $0xFFFFC000  }
0xc1: {  	[spmem:s2] =	stream.indirect.scatter.add.f32 [tilespmem:s26], [sflag:$0x4], $0x80, s15, s24, $0xb8;
	[tilespmem:$0x1F800] =	vst v63  }
0xc2: {  	s16 =	simm.s32 $0x14100  }
0xc3: {  	[tilespmem:s23], [sflag:$0x1] =	stream.indirect.gather [hbm4b:s5+s24], $0x80, s16, s24, $0xb8;
	[tilespmem:$0x1F800] =	vst v63  }
0xc4: {  	_ =	swait.ge [sflag:s31], $0x4000  }
0xc5: {  	p1 =	seq.s32 s19, $0x1;
	[sflag:s31] =	ssyncset.done $0x0  }
.Ltmp7:
0xc6: {  	s17 =	simm.s32 $0x14180;
	[sflag:s31] =	ssyncadd.s32 $0xFFFFC000;
	(pc) =	sbr.rel @p1 .LBB2_9-.Ltmp7, $4  }
0xc7: {  	[tilespmem:s26], [sflag:$0x2] =	stream.indirect.gather [hbm4b:s5+s24], $0x80, s17, s24, $0xb8;
	[tilespmem:$0x1F800] =	vst v63  }
0xc8: {  	_ =	swait.ge [sflag:s28], $0x4000  }
0xc9: {  	s1 =	simm.s32 $0x14200;
	s15 =	simm.s32 $0x15D00;
	[sflag:s28] =	ssyncset.done $0x0  }
0xca: {  	s16 =	sadd.s32 $0xFFFFFFFF, s19;
	s17 =	simm.s32 $0x15E00;
	[sflag:s28] =	ssyncadd.s32 $0xFFFFC000  }
.LBB2_8:
0xcb: {  	[spmem:s2] =	stream.indirect.scatter.add.f32 [tilespmem:s23], [sflag:$0x3], $0x80, s15, s24, $0xb8;
	[tilespmem:$0x1F800] =	vst v63  }
0xcc: {  	p1 =	seq.s32 s16, $0x1;
	s16 =	sadd.s32 $0xFFFFFFFF, s16;
	_ =	swait.ge [sflag:s29], $0x4000  }
0xcd: {  	s15 =	smov.u32 s17;
	[sflag:s29] =	ssyncset.done $0x0  }
0xce: {  	[sflag:s29] =	ssyncadd.s32 $0xFFFFC000  }
0xcf: {  	_ =	swait.ge [sflag:s30], $0x4000  }
0xd0: {  	[sflag:s30] =	ssyncset.done $0x0  }
0xd1: {  	s6 =	sadd.s32 $0xFFFFFF80, s17;
	[sflag:s30] =	ssyncadd.s32 $0xFFFFC000  }
0xd2: {  	[spmem:s2] =	stream.indirect.scatter.add.f32 [tilespmem:s26], [sflag:$0x4], $0x80, s6, s24, $0xb8;
	[tilespmem:$0x1F800] =	vst v63  }
0xd3: {  	_ = 	snop  }
0xd4: {  	[tilespmem:s23], [sflag:$0x1] =	stream.indirect.gather [hbm4b:s5+s24], $0x80, s1, s24, $0xb8;
	[tilespmem:$0x1F800] =	vst v63  }
0xd5: {  	_ =	swait.ge [sflag:s31], $0x4000  }
0xd6: {  	[sflag:s31] =	ssyncset.done $0x0  }
.Ltmp8:
0xd7: {  	s6 =	sadd.s32 $0x80, s1;
	[sflag:s31] =	ssyncadd.s32 $0xFFFFC000;
	(pc) =	sbr.rel @!p1 .LBB2_8-.Ltmp8, $4  }
0xd8: {  	[tilespmem:s26], [sflag:$0x2] =	stream.indirect.gather [hbm4b:s5+s24], $0x80, s6, s24, $0xb8;
	[tilespmem:$0x1F800] =	vst v63  }
0xd9: {  	_ =	swait.ge [sflag:s28], $0x4000  }
0xda: {  	[sflag:s28] =	ssyncset.done $0x0  }
0xdb: {  	s17 =	sadd.s32 $0x100, s17;
	s1 =	sadd.s32 $0x100, s1;
	[sflag:s28] =	ssyncadd.s32 $0xFFFFC000  }
.LBB2_9:
.Ltmp9:
0xdc: {  	(pc) =	sbr.rel .LBB2_18-.Ltmp9, $3  }
0xdd: {  	_ =	sdelay $0x1  }
0xde: {  	[spmem:s2] =	stream.indirect.scatter.add.f32 [tilespmem:s23], [sflag:$0x3], $0x80, s15, s24, $0xb8;
	[tilespmem:$0x1F800] =	vst v63  }
0xdf: {  	s1 =	rddreg [dreg:$0x7]  }
.LBB2_10:
0xe0: {  	p1 =	sne.s32 s14, $0xFE00;
	[tilespmem:s1+$0x17870] =	vst v0  }
0xe1: {  	[tilespmem:s1+$0x17800] =	vst v0  }
0xe2: {  	[tilespmem:s1+$0x17810] =	vst v0  }
.Ltmp10:
0xe3: {  	[tilespmem:s1+$0x17820] =	vst v0;
	(pc) =	sbr.rel @p1 .LBB2_10-.Ltmp10, $4  }
0xe4: {  	[tilespmem:s1+$0x17830] =	vst v0  }
0xe5: {  	[tilespmem:s1+$0x17840] =	vst v0  }
0xe6: {  	[tilespmem:s1+$0x17850] =	vst v0  }
0xe7: {  	[tilespmem:s1+$0x17860] =	vst v0;
	s1 =	sshra.s32 s14, $0x2;
	s14 =	sadd.s32 $0x200, s14  }
0xe8: {  	[tilespmem:s1+$0x17870] =	vst v0  }
0xe9: {  	[tilespmem:s1+$0x17800] =	vst v0  }
0xea: {  	[tilespmem:s1+$0x17810] =	vst v0  }
0xeb: {  	[tilespmem:s1+$0x17820] =	vst v0  }
0xec: {  	[tilespmem:s1+$0x17830] =	vst v0  }
0xed: {  	[tilespmem:s1+$0x17840] =	vst v0  }
0xee: {  	[tilespmem:s1+$0x17850] =	vst v0  }
0xef: {  	[tilespmem:s1+$0x17860] =	vst v0  }
0xf0: {  	[spmem:s7] =	stream.linear.scatter [tilespmem:s23], [sflag:$0x5], $0x4000, $0x38;
	[tilespmem:$0x1F800] =	vst v63  }
0xf1: {  	_ =	swait.ge [sflag:s21], $0x4000  }
0xf2: {  	[sflag:s21] =	ssyncset.done $0x0  }
0xf3: {  	[sflag:s21] =	ssyncadd.s32 $0xFFFFC000  }
0xf4: {  	[spmem:s9] =	stream.linear.scatter [tilespmem:s23], [sflag:$0x5], $0x4000, $0x38;
	[tilespmem:$0x1F800] =	vst v63  }
0xf5: {  	_ =	swait.ge [sflag:s21], $0x4000  }
0xf6: {  	[sflag:s21] =	ssyncset.done $0x0  }
0xf7: {  	[sflag:s21] =	ssyncadd.s32 $0xFFFFC000  }
0xf8: {  	[spmem:s10] =	stream.linear.scatter [tilespmem:s23], [sflag:$0x5], $0x4000, $0x38;
	[tilespmem:$0x1F800] =	vst v63  }
0xf9: {  	_ =	swait.ge [sflag:s21], $0x4000  }
0xfa: {  	[sflag:s21] =	ssyncset.done $0x0  }
0xfb: {  	[sflag:s21] =	ssyncadd.s32 $0xFFFFC000  }
0xfc: {  	[spmem:s11] =	stream.linear.scatter [tilespmem:s23], [sflag:$0x5], $0x4000, $0x38;
	[tilespmem:$0x1F800] =	vst v63  }
0xfd: {  	_ =	swait.ge [sflag:s21], $0x4000  }
0xfe: {  	[sflag:s21] =	ssyncset.done $0x0  }
0xff: {  	[sflag:s21] =	ssyncadd.s32 $0xFFFFC000  }
0x100: {  	[spmem:s12] =	stream.linear.scatter [tilespmem:s23], [sflag:$0x5], $0x4000, $0x38;
	[tilespmem:$0x1F800] =	vst v63  }
0x101: {  	_ =	swait.ge [sflag:s21], $0x4000  }
0x102: {  	[sflag:s21] =	ssyncset.done $0x0  }
0x103: {  	[sflag:s21] =	ssyncadd.s32 $0xFFFFC000  }
0x104: {  	[bflag:$0x0] =	sbarrier.arrive $0xFFFF  }
0x105: {  	[tilespmem:s23], [sflag:$0x1] =	stream.indirect.gather [hbm4b:s5+s24], $0x80, s20, s24, $0xb8;
	[tilespmem:$0x1F800] =	vst v63  }
0x106: {  	_ = 	snop  }
0x107: {  	[tilespmem:s26], [sflag:$0x2] =	stream.indirect.gather [hbm4b:s5+s24], $0x80, s25, s24, $0xb8;
	[tilespmem:$0x1F800] =	vst v63  }
0x108: {  	_ =	swait.ge [sflag:s28], $0x4000  }
0x109: {  	[sflag:s28] =	ssyncset.done $0x0  }
0x10a: {  	[sflag:s28] =	ssyncadd.s32 $0xFFFFC000  }
0x10b: {  	[spmem:s2] =	stream.indirect.scatter.add.f32 [tilespmem:s23], [sflag:$0x3], $0x80, s22, s24, $0xb8;
	[tilespmem:$0x1F800] =	vst v63  }
0x10c: {  	_ =	swait.ge [sflag:s29], $0x4000  }
0x10d: {  	[sflag:s29] =	ssyncset.done $0x0  }
0x10e: {  	[sflag:s29] =	ssyncadd.s32 $0xFFFFC000  }
0x10f: {  	_ =	swait.ge [sflag:s30], $0x4000  }
0x110: {  	[sflag:s30] =	ssyncset.done $0x0  }
0x111: {  	s15 =	simm.s32 $0x15C80;
	[sflag:s30] =	ssyncadd.s32 $0xFFFFC000  }
0x112: {  	[spmem:s2] =	stream.indirect.scatter.add.f32 [tilespmem:s26], [sflag:$0x4], $0x80, s15, s24, $0xb8;
	[tilespmem:$0x1F800] =	vst v63  }
0x113: {  	s16 =	simm.s32 $0x14100  }
0x114: {  	[tilespmem:s23], [sflag:$0x1] =	stream.indirect.gather [hbm4b:s5+s24], $0x80, s16, s24, $0xb8;
	[tilespmem:$0x1F800] =	vst v63  }
0x115: {  	_ =	swait.ge [sflag:s31], $0x4000  }
0x116: {  	p1 =	sne.s32 s19, $0x1;
	[sflag:s31] =	ssyncset.done $0x0  }
.Ltmp11:
0x117: {  	s17 =	simm.s32 $0x14180;
	[sflag:s31] =	ssyncadd.s32 $0xFFFFC000;
	(pc) =	sbr.rel @!p1 .LBB2_13-.Ltmp11, $4  }
0x118: {  	[tilespmem:s26], [sflag:$0x2] =	stream.indirect.gather [hbm4b:s5+s24], $0x80, s17, s24, $0xb8;
	[tilespmem:$0x1F800] =	vst v63  }
0x119: {  	_ =	swait.ge [sflag:s28], $0x4000  }
0x11a: {  	s14 =	sadd.s32 $0xFFFFFFFF, s19;
	s1 =	simm.s32 $0x14200;
	[sflag:s28] =	ssyncset.done $0x0  }
0x11b: {  	s15 =	simm.s32 $0x15D00;
	s16 =	simm.s32 $0x15E00;
	[sflag:s28] =	ssyncadd.s32 $0xFFFFC000  }
.LBB2_12:
0x11c: {  	[spmem:s2] =	stream.indirect.scatter.add.f32 [tilespmem:s23], [sflag:$0x3], $0x80, s15, s24, $0xb8;
	[tilespmem:$0x1F800] =	vst v63  }
0x11d: {  	p2 =	sne.s32 s14, $0x1;
	s14 =	sadd.s32 $0xFFFFFFFF, s14;
	_ =	swait.ge [sflag:s29], $0x4000  }
0x11e: {  	s15 =	smov.u32 s16;
	[sflag:s29] =	ssyncset.done $0x0  }
0x11f: {  	[sflag:s29] =	ssyncadd.s32 $0xFFFFC000  }
0x120: {  	_ =	swait.ge [sflag:s30], $0x4000  }
0x121: {  	[sflag:s30] =	ssyncset.done $0x0  }
0x122: {  	s6 =	sadd.s32 $0xFFFFFF80, s16;
	[sflag:s30] =	ssyncadd.s32 $0xFFFFC000  }
0x123: {  	[spmem:s2] =	stream.indirect.scatter.add.f32 [tilespmem:s26], [sflag:$0x4], $0x80, s6, s24, $0xb8;
	[tilespmem:$0x1F800] =	vst v63  }
0x124: {  	_ = 	snop  }
0x125: {  	[tilespmem:s23], [sflag:$0x1] =	stream.indirect.gather [hbm4b:s5+s24], $0x80, s1, s24, $0xb8;
	[tilespmem:$0x1F800] =	vst v63  }
0x126: {  	_ =	swait.ge [sflag:s31], $0x4000  }
0x127: {  	[sflag:s31] =	ssyncset.done $0x0  }
.Ltmp12:
0x128: {  	s6 =	sadd.s32 $0x80, s1;
	[sflag:s31] =	ssyncadd.s32 $0xFFFFC000;
	(pc) =	sbr.rel @p2 .LBB2_12-.Ltmp12, $4  }
0x129: {  	[tilespmem:s26], [sflag:$0x2] =	stream.indirect.gather [hbm4b:s5+s24], $0x80, s6, s24, $0xb8;
	[tilespmem:$0x1F800] =	vst v63  }
0x12a: {  	_ =	swait.ge [sflag:s28], $0x4000  }
0x12b: {  	[sflag:s28] =	ssyncset.done $0x0  }
0x12c: {  	s16 =	sadd.s32 $0x100, s16;
	s1 =	sadd.s32 $0x100, s1;
	[sflag:s28] =	ssyncadd.s32 $0xFFFFC000  }
.LBB2_13:
0x12d: {  	[spmem:s2] =	stream.indirect.scatter.add.f32 [tilespmem:s23], [sflag:$0x3], $0x80, s15, s24, $0xb8;
	[tilespmem:$0x1F800] =	vst v63  }
0x12e: {  	_ =	swait.ge [sflag:s30], $0x4000  }
0x12f: {  	[sflag:s30] =	ssyncset.done $0x0  }
0x130: {  	[sflag:s30] =	ssyncadd.s32 $0xFFFFC000  }
0x131: {  	[spmem:s2] =	stream.indirect.scatter.add.f32 [tilespmem:s26], [sflag:$0x4], $0x80, s13, s24, $0xb8;
	[tilespmem:$0x1F800] =	vst v63  }
0x132: {  	_ =	swait.ge [sflag:s29], $0x4000  }
0x133: {  	[sflag:s29] =	ssyncset.done $0x0  }
0x134: {  	[sflag:s29] =	ssyncadd.s32 $0xFFFFC000  }
0x135: {  	_ =	swait.ge [sflag:s31], $0x4000  }
0x136: {  	[sflag:s31] =	ssyncset.done $0x0  }
0x137: {  	s1 =	stileid.u32;
	[sflag:s31] =	ssyncadd.s32 $0xFFFFC000  }
0x138: {  	s1 =	sshll.u32 s1, $0x6;
	[bflag:$0x0] =	sbarrier.arrive $0xFFFF  }
0x139: {  	s17 =	sshrl.u32 s7, $0x3;
	s14 =	sor.u32 $0x1C05, s1;
	s6 =	rddreg [dreg:$0x4]  }
0x13a: {  	[hbm:s6], [sflag:s14] =	dma.local [spmem:s17], $0x2800  }
0x13b: {  	_ =	swait.ge [sflag:s21], $0x2800  }
0x13c: {  	[sflag:s21] =	ssyncset.done $0x0  }
0x13d: {  	s15 =	simm.s32 $0x200;
	s1 =	simm.s32 $0x0;
	[sflag:s21] =	ssyncadd.s32 $0xFFFFD800  }
.LBB2_14:
0x13e: {  	p2 =	sne.s32 s15, $0xFE00;
	[tilespmem:s1+$0x17870] =	vst v0  }
0x13f: {  	[tilespmem:s1+$0x17800] =	vst v0  }
0x140: {  	[tilespmem:s1+$0x17810] =	vst v0  }
.Ltmp13:
0x141: {  	[tilespmem:s1+$0x17820] =	vst v0;
	(pc) =	sbr.rel @p2 .LBB2_14-.Ltmp13, $4  }
0x142: {  	[tilespmem:s1+$0x17830] =	vst v0  }
0x143: {  	[tilespmem:s1+$0x17840] =	vst v0  }
0x144: {  	[tilespmem:s1+$0x17850] =	vst v0  }
0x145: {  	[tilespmem:s1+$0x17860] =	vst v0;
	s1 =	sshra.s32 s15, $0x2;
	s15 =	sadd.s32 $0x200, s15  }
0x146: {  	[tilespmem:s1+$0x17870] =	vst v0  }
0x147: {  	[tilespmem:s1+$0x17800] =	vst v0  }
0x148: {  	[tilespmem:s1+$0x17810] =	vst v0  }
0x149: {  	[tilespmem:s1+$0x17820] =	vst v0  }
0x14a: {  	[tilespmem:s1+$0x17830] =	vst v0  }
0x14b: {  	[tilespmem:s1+$0x17840] =	vst v0  }
0x14c: {  	[tilespmem:s1+$0x17850] =	vst v0  }
0x14d: {  	[tilespmem:s1+$0x17860] =	vst v0  }
0x14e: {  	[spmem:s7] =	stream.linear.scatter [tilespmem:s23], [sflag:$0x5], $0x4000, $0x38;
	[tilespmem:$0x1F800] =	vst v63  }
0x14f: {  	_ =	swait.ge [sflag:s21], $0x4000  }
0x150: {  	[sflag:s21] =	ssyncset.done $0x0  }
0x151: {  	[sflag:s21] =	ssyncadd.s32 $0xFFFFC000  }
0x152: {  	[spmem:s9] =	stream.linear.scatter [tilespmem:s23], [sflag:$0x5], $0x4000, $0x38;
	[tilespmem:$0x1F800] =	vst v63  }
0x153: {  	_ =	swait.ge [sflag:s21], $0x4000  }
0x154: {  	[sflag:s21] =	ssyncset.done $0x0  }
0x155: {  	[sflag:s21] =	ssyncadd.s32 $0xFFFFC000  }
0x156: {  	[spmem:s10] =	stream.linear.scatter [tilespmem:s23], [sflag:$0x5], $0x4000, $0x38;
	[tilespmem:$0x1F800] =	vst v63  }
0x157: {  	_ =	swait.ge [sflag:s21], $0x4000  }
0x158: {  	[sflag:s21] =	ssyncset.done $0x0  }
0x159: {  	[sflag:s21] =	ssyncadd.s32 $0xFFFFC000  }
0x15a: {  	[spmem:s11] =	stream.linear.scatter [tilespmem:s23], [sflag:$0x5], $0x4000, $0x38;
	[tilespmem:$0x1F800] =	vst v63  }
0x15b: {  	_ =	swait.ge [sflag:s21], $0x4000  }
0x15c: {  	[sflag:s21] =	ssyncset.done $0x0  }
0x15d: {  	[sflag:s21] =	ssyncadd.s32 $0xFFFFC000  }
0x15e: {  	[spmem:s12] =	stream.linear.scatter [tilespmem:s23], [sflag:$0x5], $0x4000, $0x38;
	[tilespmem:$0x1F800] =	vst v63  }
0x15f: {  	_ =	swait.ge [sflag:s21], $0x4000  }
0x160: {  	[sflag:s21] =	ssyncset.done $0x0  }
0x161: {  	[sflag:s21] =	ssyncadd.s32 $0xFFFFC000  }
0x162: {  	[bflag:$0x0] =	sbarrier.arrive $0xFFFF  }
0x163: {  	[tilespmem:s23], [sflag:$0x1] =	stream.indirect.gather [hbm4b:s4+s24], $0x80, s20, s24, $0xb8;
	[tilespmem:$0x1F800] =	vst v63  }
0x164: {  	_ = 	snop  }
0x165: {  	[tilespmem:s26], [sflag:$0x2] =	stream.indirect.gather [hbm4b:s4+s24], $0x80, s25, s24, $0xb8;
	[tilespmem:$0x1F800] =	vst v63  }
0x166: {  	_ =	swait.ge [sflag:s28], $0x4000  }
0x167: {  	[sflag:s28] =	ssyncset.done $0x0  }
0x168: {  	[sflag:s28] =	ssyncadd.s32 $0xFFFFC000  }
0x169: {  	[spmem:s2] =	stream.indirect.scatter.add.f32 [tilespmem:s23], [sflag:$0x3], $0x80, s22, s24, $0xb8;
	[tilespmem:$0x1F800] =	vst v63  }
0x16a: {  	_ =	swait.ge [sflag:s29], $0x4000  }
0x16b: {  	[sflag:s29] =	ssyncset.done $0x0  }
0x16c: {  	[sflag:s29] =	ssyncadd.s32 $0xFFFFC000  }
0x16d: {  	_ =	swait.ge [sflag:s30], $0x4000  }
0x16e: {  	[sflag:s30] =	ssyncset.done $0x0  }
0x16f: {  	s15 =	simm.s32 $0x15C80;
	[sflag:s30] =	ssyncadd.s32 $0xFFFFC000  }
0x170: {  	[spmem:s2] =	stream.indirect.scatter.add.f32 [tilespmem:s26], [sflag:$0x4], $0x80, s15, s24, $0xb8;
	[tilespmem:$0x1F800] =	vst v63  }
0x171: {  	s16 =	simm.s32 $0x14100  }
0x172: {  	[tilespmem:s23], [sflag:$0x1] =	stream.indirect.gather [hbm4b:s4+s24], $0x80, s16, s24, $0xb8;
	[tilespmem:$0x1F800] =	vst v63  }
0x173: {  	_ =	swait.ge [sflag:s31], $0x4000  }
0x174: {  	[sflag:s31] =	ssyncset.done $0x0  }
.Ltmp14:
0x175: {  	s17 =	simm.s32 $0x14180;
	[sflag:s31] =	ssyncadd.s32 $0xFFFFC000;
	(pc) =	sbr.rel @!p1 .LBB2_17-.Ltmp14, $4  }
0x176: {  	[tilespmem:s26], [sflag:$0x2] =	stream.indirect.gather [hbm4b:s4+s24], $0x80, s17, s24, $0xb8;
	[tilespmem:$0x1F800] =	vst v63  }
0x177: {  	_ =	swait.ge [sflag:s28], $0x4000  }
0x178: {  	s1 =	simm.s32 $0x14200;
	s15 =	simm.s32 $0x15E00;
	[sflag:s28] =	ssyncset.done $0x0  }
0x179: {  	s16 =	sadd.s32 $0xFFFFFFFF, s19;
	s17 =	simm.s32 $0x15D00;
	[sflag:s28] =	ssyncadd.s32 $0xFFFFC000  }
.LBB2_16:
0x17a: {  	[spmem:s2] =	stream.indirect.scatter.add.f32 [tilespmem:s23], [sflag:$0x3], $0x80, s17, s24, $0xb8;
	[tilespmem:$0x1F800] =	vst v63  }
0x17b: {  	p1 =	sne.s32 s16, $0x1;
	s16 =	sadd.s32 $0xFFFFFFFF, s16;
	_ =	swait.ge [sflag:s29], $0x4000  }
0x17c: {  	s17 =	smov.u32 s15;
	[sflag:s29] =	ssyncset.done $0x0  }
0x17d: {  	[sflag:s29] =	ssyncadd.s32 $0xFFFFC000  }
0x17e: {  	_ =	swait.ge [sflag:s30], $0x4000  }
0x17f: {  	[sflag:s30] =	ssyncset.done $0x0  }
0x180: {  	s6 =	sadd.s32 $0xFFFFFF80, s15;
	[sflag:s30] =	ssyncadd.s32 $0xFFFFC000  }
0x181: {  	[spmem:s2] =	stream.indirect.scatter.add.f32 [tilespmem:s26], [sflag:$0x4], $0x80, s6, s24, $0xb8;
	[tilespmem:$0x1F800] =	vst v63  }
0x182: {  	_ = 	snop  }
0x183: {  	[tilespmem:s23], [sflag:$0x1] =	stream.indirect.gather [hbm4b:s4+s24], $0x80, s1, s24, $0xb8;
	[tilespmem:$0x1F800] =	vst v63  }
0x184: {  	_ =	swait.ge [sflag:s31], $0x4000  }
0x185: {  	[sflag:s31] =	ssyncset.done $0x0  }
.Ltmp15:
0x186: {  	s6 =	sadd.s32 $0x80, s1;
	[sflag:s31] =	ssyncadd.s32 $0xFFFFC000;
	(pc) =	sbr.rel @p1 .LBB2_16-.Ltmp15, $4  }
0x187: {  	[tilespmem:s26], [sflag:$0x2] =	stream.indirect.gather [hbm4b:s4+s24], $0x80, s6, s24, $0xb8;
	[tilespmem:$0x1F800] =	vst v63  }
0x188: {  	_ =	swait.ge [sflag:s28], $0x4000  }
0x189: {  	[sflag:s28] =	ssyncset.done $0x0  }
0x18a: {  	s15 =	sadd.s32 $0x100, s15;
	s1 =	sadd.s32 $0x100, s1;
	[sflag:s28] =	ssyncadd.s32 $0xFFFFC000  }
.Ltmp16:
0x18b: {  	_ = 	snop;
	(pc) =	sbr.rel .LBB2_17-.Ltmp16, $1  }
0x18c: {  	_ =	sdelay $0x3  }
.LBB2_19:
0x18d: {  	_ =	sfence.sel $0x180000  }
0x18e: {  	[bflag:$0x0] =	sbarrier.arrive $0xFFFF  }
0x18f: {  	_ =	strace $0x9000004A  }
0x190: {  	s0 =	stileid.u32;
	[bflag:$0x2] =	sbarrier.arrive $0xFFFF  }
0x191: {  	p0 =	sne.s32 s0, $0x0;
	s0 =	rddreg [dreg:$0x2]  }
0x192: {  	s0 =	sadd.s32 @!p0 $0x100000, s0  }
0x193: {  	[sflag:s0] =	ssyncadd.tile.s32 @!p0 $0x1;
	_ =	shalt  }
.Lfunc_end2:
_tile_overlayer_lowered:
.L_overlay_start_2:
0x194: {  	(tag) =	ssettag $0x2  }
0x195: {  	s0 =	rddreg [dreg:$0x0];
	s2 =	stileid.u32  }
0x196: {  	s1 =	rddreg [dreg:$0x1];
	p0 =	sne.s32 s2, $0x0  }
0x197: {  	s3 =	rddreg [dreg:$0x2];
	[bflag:$0x3] =	sbarrier.arrive $0xFFFF;
	s2 =	simm.s32 @!p0 $0x1C05  }
0x198: {  	[timem:s3], [sflag:s2] =	dma.local @!p0 [hbm:s0], s1  }
0x199: {  	s0 =	simm.s32 @!p0 $0x5  }
0x19a: {  	_ =	swait.ge @!p0 [sflag:s0], s1  }
0x19b: {  	s1 =	ssub.s32 @!p0 $0x0, s1;
	[sflag:s0] =	ssyncset.done @!p0 $0x0  }
0x19c: {  	[sflag:s0] =	ssyncadd.s32 @!p0 s1  }
0x19d: {  	[bflag:$0x3] =	sbarrier.arrive $0xFFFF  }
0x19e: {  	_ =	shalt  }

// kernel: kernel.14.cloned.1.call-start
scs
__scs_entry_jumppad:
0x0: {  	(pc) =	sbr.rel $0x88, $3  }
0x1: {  	(tag) =	ssettag $0x0;
	lr =	simm.s32 $0x1  }
0x2: {  	[smem:$0x3F99] =	sst lr;
	_ =	strace $0xD0000000  }
0x3: {  	_ = 	snop  }
0x4: {  	_ = 	snop  }
0x5: {  	_ = 	snop  }
0x6: {  	_ = 	snop  }
0x7: {  	_ = 	snop  }
__scs_overlays_trampoline_lowered:
0x8: {  	[smem:$0x3FA8] =	sst s0  }
0x9: {  	[smem:$0x3FA9] =	sst s1  }
0xa: {  	[smem:$0x3FAA] =	sst s2  }
0xb: {  	[smem:$0x3FAB] =	sst s3  }
0xc: {  	[smem:$0x3FAC] =	sst s4  }
0xd: {  	[smem:$0x3FAD] =	sst s5  }
0xe: {  	[smem:$0x3FAE] =	sst s6  }
0xf: {  	[smem:$0x3FAF] =	sst s7  }
0x10: {  	[smem:$0x3FB0] =	sst s8  }
0x11: {  	[smem:$0x3FB1] =	sst s9;
	s0 =	simm.s32 @!p0 $0x0  }
0x12: {  	s1 =	sld [smem:$0x3F97];
	s0 =	simm.s32 @p0 $0x1  }
0x13: {  	[smem:$0x3FB2] =	sst s0;
	s0 =	simm.s32 @!p1 $0x0  }
0x14: {  	s2 =	sld [smem:$0x3F96];
	s0 =	simm.s32 @p1 $0x1  }
0x15: {  	[smem:$0x3FB3] =	sst s0;
	s0 =	simm.s32 @!p2 $0x0  }
0x16: {  	s3 =	sld [smem:$0x3FDB];
	s0 =	simm.s32 @p2 $0x1  }
0x17: {  	s4 =	simm.s32 $0x1BF5;
	[smem:$0x3FB5] =	sst s0  }
0x18: {  	s0 =	sld [smem:$0x3F98];
	_ =	swait.ge [sflag:s4], $0x0  }
0x19: {  	s7 =	sld [smem:$0x3F99]  }
0x1a: {  	s8 =	sadd.s32 $0xFFFFE003, lr  }
0x1b: {  	s9 =	sadd.s32 $0xFFFFFEF7, lr;
	s5 =	simm.s32 $0xFFFFFFFF;
	p2 =	slt.u32 s8, $0xFFFFF086  }
0x1c: {  	p1 =	slt.u32 s9, $0xF7A;
	s5 =	simm.s32 @!p2 $0x0  }
0x1d: {  	s5 =	simm.s32 @p1 $0x1;
	p0 =	seq.s32 s7, s2  }
0x1e: {  	s7 =	smul.u32 @!p0 $0xF7A, s2;
	p2 =	seq.s32 @!p0 s5, $0x0  }
0x1f: {  	s9 =	smul.u32 $0xF7A, s1;
	s8 =	simm.s32 @!p0 $0x1BF5;
	p2 =	por !p2, p0  }
0x20: {  	[sflag:s8] =	ssyncset.s32 @!p0 $0xFFFFF086;
	s6 =	sadd.s32 @!p0 s3, s7;
	s7 =	simm.s32 @!p0 $0x108  }
0x21: {  	s3 =	sadd.s32 s3, s9;
	s6 =	sadd.s32 @!p0 $0x88, s6;
	s7 =	simm.s32 @p2 $0x1082  }
0x22: {  	[simem:s7], [sflag:s8] =	dma.local @!p0 [hbm:s6], $0xF7A  }
0x23: {  	s9 =	sor.u32 $0xD0000000, s2;
	s6 =	simm.s32 $0x108;
	_ =	swait.ge @!p0 [sflag:s8], $0x0  }
0x24: {  	s3 =	sadd.s32 $0x88, s3;
	s6 =	simm.s32 @!p1 $0x1082;
	[sflag:s4] =	ssyncset.s32 $0xFFFFF086  }
0x25: {  	[simem:s6], [sflag:s4] =	dma.local [hbm:s3], $0xF7A  }
0x26: {  	[smem:$0x3F99] =	sst s1;
	(tag) =	ssettag s2;
	_ =	strace s9  }
0x27: {  	s1 =	sld [smem:$0x3FA9]  }
0x28: {  	s2 =	sld [smem:$0x3FAA]  }
0x29: {  	s4 =	sld [smem:$0x3FAC]  }
0x2a: {  	p0 =	seq.s32 s5, $0x0;
	s5 =	sld [smem:$0x3FAD]  }
0x2b: {  	s6 =	sld [smem:$0x3FAE]  }
0x2c: {  	s7 =	sld [smem:$0x3FAF]  }
0x2d: {  	s3 =	simm.s32 $0x108;
	s8 =	sld [smem:$0x3FB0]  }
0x2e: {  	s3 =	simm.s32 @!p0 $0x1082;
	s9 =	sld [smem:$0x3FB1]  }
0x2f: {  	lr =	sadd.s32 s0, s3;
	s0 =	sld [smem:$0x3FA8]  }
0x30: {  	s3 =	sld [smem:$0x3FAB]  }
0x31: {  	[smem:$0x3FB4] =	sst s10  }
0x32: {  	s10 =	sld [smem:$0x3FB2];
	_ =	sdelay $0x3  }
0x33: {  	p0 =	seq.s32 s10, $0x1;
	s10 =	sld [smem:$0x3FB4];
	_ =	sdelay $0x3  }
0x34: {  	[smem:$0x3FB4] =	sst s10  }
0x35: {  	s10 =	sld [smem:$0x3FB3];
	_ =	sdelay $0x3  }
0x36: {  	p1 =	seq.s32 s10, $0x1;
	s10 =	sld [smem:$0x3FB4];
	_ =	sdelay $0x3  }
0x37: {  	[smem:$0x3FB4] =	sst s10  }
0x38: {  	s10 =	sld [smem:$0x3FB5]  }
0x39: {  	_ = 	snop;
	(pc) =	sbr.ind lr, $3  }
0x3a: {  	_ = 	snop  }
0x3b: {  	_ = 	snop  }
0x3c: {  	p2 =	seq.s32 s10, $0x1;
	s10 =	sld [smem:$0x3FB4]  }
0x3d: {  	_ =	shalt  }
0x3e: {  	_ =	shalt  }
0x3f: {  	_ =	shalt  }
0x40: {  	_ =	shalt  }
0x41: {  	_ =	shalt  }
0x42: {  	_ =	shalt  }
0x43: {  	_ =	shalt  }
0x44: {  	_ =	shalt  }
0x45: {  	_ =	shalt  }
0x46: {  	_ =	shalt  }
0x47: {  	_ =	shalt  }
0x48: {  	_ =	shalt  }
0x49: {  	_ =	shalt  }
0x4a: {  	_ =	shalt  }
0x4b: {  	_ =	shalt  }
0x4c: {  	_ =	shalt  }
0x4d: {  	_ =	shalt  }
0x4e: {  	_ =	shalt  }
0x4f: {  	_ =	shalt  }
0x50: {  	_ =	shalt  }
0x51: {  	_ =	shalt  }
0x52: {  	_ =	shalt  }
0x53: {  	_ =	shalt  }
0x54: {  	_ =	shalt  }
0x55: {  	_ =	shalt  }
0x56: {  	_ =	shalt  }
0x57: {  	_ =	shalt  }
0x58: {  	_ =	shalt  }
0x59: {  	_ =	shalt  }
0x5a: {  	_ =	shalt  }
0x5b: {  	_ =	shalt  }
0x5c: {  	_ =	shalt  }
0x5d: {  	_ =	shalt  }
0x5e: {  	_ =	shalt  }
0x5f: {  	_ =	shalt  }
0x60: {  	_ =	shalt  }
0x61: {  	_ =	shalt  }
0x62: {  	_ =	shalt  }
0x63: {  	_ =	shalt  }
0x64: {  	_ =	shalt  }
0x65: {  	_ =	shalt  }
0x66: {  	_ =	shalt  }
0x67: {  	_ =	shalt  }
0x68: {  	_ =	shalt  }
0x69: {  	_ =	shalt  }
0x6a: {  	_ =	shalt  }
0x6b: {  	_ =	shalt  }
0x6c: {  	_ =	shalt  }
0x6d: {  	_ =	shalt  }
0x6e: {  	_ =	shalt  }
0x6f: {  	_ =	shalt  }
0x70: {  	_ =	shalt  }
0x71: {  	_ =	shalt  }
0x72: {  	_ =	shalt  }
0x73: {  	_ =	shalt  }
0x74: {  	_ =	shalt  }
0x75: {  	_ =	shalt  }
0x76: {  	_ =	shalt  }
0x77: {  	_ =	shalt  }
0x78: {  	_ =	shalt  }
0x79: {  	_ =	shalt  }
0x7a: {  	_ =	shalt  }
0x7b: {  	_ =	shalt  }
0x7c: {  	_ =	shalt  }
0x7d: {  	_ =	shalt  }
0x7e: {  	_ =	shalt  }
0x7f: {  	_ =	shalt  }
0x80: {  	_ =	shalt  }
0x81: {  	_ =	shalt  }
0x82: {  	_ =	shalt  }
0x83: {  	_ =	shalt  }
0x84: {  	_ =	shalt  }
0x85: {  	_ =	shalt  }
0x86: {  	_ =	shalt  }
0x87: {  	_ =	shalt  }
.Lfunc_end0:
.L_simem_size_0:
called_computation.2_lowered:
.L_overlay_start_0:
0x88: {  	s2 =	sld [smem:$0x3FD9]  }
0x89: {  	s3 =	sld [smem:$0x3FFE];
	_ =	sdelay $0x1  }
0x8a: {  	s1 =	srdreg.scid  }
0x8b: {  	s0 =	sand.u32 $0x1, s1  }
0x8c: {  	s16 =	sshll.u32 s0, $0xA;
	s2 =	sadd.s32 s3, s2  }
0x8d: {  	s2 =	sadd.s32 s2, s16  }
0x8e: {  	[smem:$0x3FC0] =	sst s2  }
0x8f: {  	_ = 	snop  }
0x90: {  	(tm) =	ssettm $0x1  }
0x91: {  	s17 =	sld [smem:$0x3FFB];
	_ =	sdelay $0x3  }
0x92: {  	_ =	strace s17  }
0x93: {  	s2 =	sld [smem:$0x3FFC];
	_ =	sdelay $0x3  }
0x94: {  	_ =	strace s2  }
0x95: {  	s2 =	sld [smem:$0x3FFD];
	_ =	sdelay $0x3  }
0x96: {  	_ =	strace s2  }
0x97: {  	_ =	strace $0x8FFFFFFF  }
0x98: {  	s18 =	sld [smem:$0x3FDB];
	_ =	sdelay $0x1  }
0x99: {  	s19 =	simm.s32 $_scs_section_size  }
0x9a: {  	s4 =	simm.s32 $_size__tile_overlayer_lowered;
	s5 =	simm.s32 $_tile_overlayer_lowered  }
0x9b: {  	s22 =	simm.s32 $0x1BFF;
	s21 =	sshll.u32 s5, $0x1;
	s2 =	sadd.s32 s19, s18  }
0x9c: {  	s6 =	simm.s32 $0x0;
	s20 =	sshll.u32 s4, $0x1;
	s4 =	sadd.s32 s21, s2  }
0x9d: {  	[timem:s6], [sflag:s22] =	dma.local [hbm:s4], s20  }
0x9e: {  	_ =	swait.ge [sflag:s22], s20  }
0x9f: {  	s3 =	ssub.s32 $0x0, s20;
	[sflag:s22] =	ssyncset.done $0x0  }
0xa0: {  	[sflag:s22] =	ssyncadd.s32 s3;
	_ =	sdelay $0x1  }
0xa1: {  	s23 =	simm.s32 $0x1B8B  }
0xa2: {  	_ =	swait.ge [sflag:s23], $0x1  }
0xa3: {  	[sflag:s23] =	ssyncset.done $0x0  }
0xa4: {  	s25 =	simm.s32 $0x1B8E;
	s24 =	sld [smem:$0x3FFE];
	[sflag:s23] =	ssyncadd.s32 $0xFFFFFFFF  }
0xa5: {  	s26 =	simm.s32 $execute0_lowered;
	[smem:$0x3FD2] =	sst s25  }
0xa6: {  	s4 =	sshll.u32 s26, $0x1;
	_ =	strace $0x8000004C;
	[dreg:$0x1] =	wrdreg $0xFFFFFFFF  }
0xa7: {  	s28 =	simm.s32 $_size_execute0_lowered;
	s2 =	sadd.s32 s2, s4;
	[dreg:$0x0] =	wrdreg $0x0  }
0xa8: {  	s4 =	sshll.u32 s28, $0x1;
	[dreg:$0x2] =	wrdreg s2  }
0xa9: {  	[dreg:$0x3] =	wrdreg s4  }
0xaa: {  	[dreg:$0x4] =	wrdreg $0xC0  }
0xab: {  	_ =	task [dreg:s6], $0x5FFFF  }
0xac: {  	[dreg:$0x1] =	wrdreg $0xFFFFFFFF  }
0xad: {  	[dreg:$0x0] =	wrdreg $0x60  }
0xae: {  	[dreg:$0x2] =	wrdreg s24  }
0xaf: {  	[dreg:$0x3] =	wrdreg $0x0  }
0xb0: {  	[dreg:$0x4] =	wrdreg $0x9  }
0xb1: {  	_ =	task.clear_ibuf [dreg:s6], $0x5FFFF;
	_ =	strace $0x9000004C  }
0xb2: {  	s29 =	simm.s32 $0x9;
	_ =	strace $0x8000004E  }
0xb3: {  	_ =	swait.ge [sflag:s29], $0x1  }
0xb4: {  	[sflag:s29] =	ssyncadd.s32 $0xFFFFFFFF  }
0xb5: {  	_ =	strace $0x9000004E  }
0xb6: {  	_ =	sfence  }
0xb7: {  	s30 =	sld [smem:$0x0];
	_ =	sdelay $0x2  }
0xb8: {  	s31 =	sshll.u32 s1, $0xD;
	s1 =	sshrl.u32 s1, $0x2  }
0xb9: {  	s3 =	sand.u32 $0x4000, s31;
	s1 =	sadd.s32 s1, s30  }
0xba: {  	s0 =	sor.u32 s3, s0;
	s1 =	sshll.u32 s1, $0x11  }
0xbb: {  	s0 =	sor.u32 s1, s0  }
0xbc: {  	s0 =	sadd.s32 $0x8F2B, s0  }
0xbd: {  	[sflag:s0] =	ssyncadd.remote.s32 $0x1  }
0xbe: {  	_ =	sfence.sel $0xFFFF  }
0xbf: {  	[dreg:$0x0] =	wrdreg $0xFFFFFFFF;
	(pc) =	sbr.abs _section_cstart, $3  }
0xc0: {  	[dreg:$0x1] =	wrdreg $0xFFFFFFFF  }
0xc1: {  	_ =	task.clear_ibuf [dreg:s6], $0x2FFFF;
	_ =	strace $0x9FFFFFFF  }
0xc2: {  	(tm) =	ssettm $0x7FFFFFFF  }
0xc3: {  	_ =	shalt  }
tec
execute0_lowered:
.L_overlay_start_1:
0x0: {  	(tag) =	ssettag $0x1  }
0x1: {  	s1 =	rddreg [dreg:$0x0]  }
0x2: {  	s0 =	srdreg.scid;
	s2 =	rddreg [dreg:$0x1]  }
0x3: {  	s18 =	stileid.u32;
	s3 =	simm.s32 $0x0;
	s13 =	simm.s32 $0x34  }
0x4: {  	s20 =	simm.s32 $0x14000;
	s21 =	simm.s32 $0x5;
	s28 =	simm.s32 $0x1  }
0x5: {  	s29 =	simm.s32 $0x3;
	s30 =	simm.s32 $0x2;
	s31 =	simm.s32 $0x4  }
0x6: {  	s0 =	sand.u32 $0x1, s0;
	[smem:$0x7FF] =	sst s3;
	s7 =	smul.u32 $0x50000, s18  }
0x7: {  	s5 =	sadd.s32 $0x38000, s1;
	s14 =	sadd.s32 $0x5F200, s1;
	s16 =	smul.u32 $0x14000, s18  }
0x8: {  	s4 =	sshll.u32 s0, $0x4;
	_ =	strace $0x8000004D;
	s22 =	ssub.s32 $0x2, s0  }
0x9: {  	p0 =	seq.s32 s0, $0x0;
	s4 =	sor.u32 s18, s4;
	s9 =	sshrl.u32 s22, $0x1  }
0xa: {  	s13 =	simm.s32 @!p0 $0x1C;
	s7 =	sshrl.u32 s7, $0x2;
	s16 =	sshrl.u32 s16, $0x3  }
0xb: {  	s18 =	smul.u32 $0x2800, s18;
	p0 =	sne.s32 s0, $0x0;
	s0 =	simm.s32 $0x0  }
0xc: {  	s6 =	smul.u32 $0x380, s4;
	s4 =	sadd.s32 $0x10E00, s1;
	s15 =	ssub.s32 s22, s9  }
0xd: {  	s7 =	sadd.s32 s7, s2;
	s17 =	sshll.u32 s13, $0x7;
	s16 =	sadd.s32 $0x28000, s16  }
0xe: {  	s19 =	sshrl.u32 s13, $0x1;
	s22 =	simm.s32 $0x15C00;
	s9 =	sadd.s32 $0x4000, s7  }
0xf: {  	s10 =	sadd.s32 $0x8000, s7;
	s11 =	sadd.s32 $0xC000, s7;
	s12 =	sadd.s32 $0x10000, s7  }
0x10: {  	s13 =	sadd.s32 $0x15B80, s17;
	s25 =	sadd.s32 s14, s16;
	s26 =	sadd.s32 s14, s18  }
0x11: {  	s19 =	sadd.s32 $0xFFFFFFFF, s19;
	s8 =	sadd.s32 s6, s1;
	[dreg:$0x5] =	wrdreg s25  }
.Ltmp0:
0x12: {  	s1 =	sadd.s32 $0xAF200, s1;
	[dreg:$0x6] =	wrdreg s26;
	(pc) =	sbr.rel .LBB2_1-.Ltmp0, $4  }
0x13: {  	s25 =	simm.s32 $0x14080;
	s26 =	simm.s32 $0x1B800;
	s23 =	sadd.s32 $0x9E00, s8  }
0x14: {  	s8 =	sadd.s32 $0x2E00, s8;
	s24 =	sadd.s32 s1, s16;
	[dreg:$0x3] =	wrdreg s23  }
0x15: {  	s1 =	sadd.s32 s1, s18;
	s18 =	smax.u32 s15, $0x1;
	[dreg:$0x4] =	wrdreg s24  }
0x16: {  	v0 =	vimm.f32 $0.0e+00;
	[dreg:$0x7] =	wrdreg s1;
	s23 =	simm.s32 $0x17800;
	s24 =	simm.s32 $0x80  }
.LBB2_17:
0x17: {  	[spmem:s2] =	stream.indirect.scatter.add.f32 [tilespmem:s23], [sflag:$0x3], $0x80, s17, s24, $0xb8;
	[tilespmem:$0x1F800] =	vst v63  }
0x18: {  	s1 =	rddreg [dreg:$0x5]  }
.LBB2_18:
0x19: {  	_ =	swait.ge [sflag:s30], $0x4000  }
0x1a: {  	[sflag:s30] =	ssyncset.done $0x0  }
0x1b: {  	[sflag:s30] =	ssyncadd.s32 $0xFFFFC000  }
0x1c: {  	[spmem:s2] =	stream.indirect.scatter.add.f32 [tilespmem:s26], [sflag:$0x4], $0x80, s13, s24, $0xb8;
	[tilespmem:$0x1F800] =	vst v63  }
0x1d: {  	_ =	swait.ge [sflag:s29], $0x4000  }
0x1e: {  	[sflag:s29] =	ssyncset.done $0x0  }
0x1f: {  	[sflag:s29] =	ssyncadd.s32 $0xFFFFC000  }
0x20: {  	_ =	swait.ge [sflag:s31], $0x4000  }
0x21: {  	s0 =	sadd.s32 $0x1, s0;
	[sflag:s31] =	ssyncset.done $0x0  }
0x22: {  	p1 =	sne.s32 s0, s18;
	[sflag:s31] =	ssyncadd.s32 $0xFFFFC000  }
.Ltmp1:
0x23: {  	s6 =	sshrl.u32 s7, $0x3;
	[bflag:$0x0] =	sbarrier.arrive $0xFFFF;
	(pc) =	sbr.rel @!p1 .LBB2_19-.Ltmp1, $4  }
0x24: {  	[hbm:s1], [sflag:s14] =	dma.local [spmem:s6], $0x2800  }
0x25: {  	_ =	swait.ge [sflag:s21], $0x2800  }
0x26: {  	[sflag:s21] =	ssyncset.done $0x0  }
0x27: {  	[sflag:s21] =	ssyncadd.s32 $0xFFFFD800  }
.LBB2_1:
0x28: {  	s1 =	rddreg [dreg:$0x3]  }
0x29: {  	[tilespmem:s20], [sflag:$0x5] =	stream.linear.gather [hbm4b:s1+s3], $0x1A00, $0x38;
	[tilespmem:$0x1F800] =	vst v63  }
0x2a: {  	_ =	swait.ge [sflag:s21], $0x1A00  }
0x2b: {  	[sflag:s21] =	ssyncset.done $0x0  }
.Ltmp2:
0x2c: {  	[sflag:s21] =	ssyncadd.s32 $0xFFFFE600;
	(pc) =	sbr.rel @p0 .LBB2_10-.Ltmp2, $4  }
0x2d: {  	[tilespmem:s22], [sflag:$0x5] =	stream.linear.gather [hbm4b:s8+s3], $0x1A00, $0x38;
	[tilespmem:$0x1F800] =	vst v63  }
0x2e: {  	_ =	swait.ge [sflag:s21], $0x1A00  }
0x2f: {  	[sflag:s21] =	ssyncset.done $0x0  }
0x30: {  	s14 =	sadd.s32 $0x200, s3;
	s1 =	sshra.s32 s3, $0x2;
	[sflag:s21] =	ssyncadd.s32 $0xFFFFE600  }
.LBB2_2:
0x31: {  	p1 =	sne.s32 s14, $0xFE00;
	[tilespmem:s1+$0x17870] =	vst v0  }
0x32: {  	[tilespmem:s1+$0x17800] =	vst v0  }
0x33: {  	[tilespmem:s1+$0x17810] =	vst v0  }
.Ltmp3:
0x34: {  	[tilespmem:s1+$0x17820] =	vst v0;
	(pc) =	sbr.rel @p1 .LBB2_2-.Ltmp3, $4  }
0x35: {  	[tilespmem:s1+$0x17830] =	vst v0  }
0x36: {  	[tilespmem:s1+$0x17840] =	vst v0  }
0x37: {  	[tilespmem:s1+$0x17850] =	vst v0  }
0x38: {  	[tilespmem:s1+$0x17860] =	vst v0;
	s1 =	sshra.s32 s14, $0x2;
	s14 =	sadd.s32 $0x200, s14  }
0x39: {  	[tilespmem:s1+$0x17870] =	vst v0  }
0x3a: {  	[tilespmem:s1+$0x17800] =	vst v0  }
0x3b: {  	[tilespmem:s1+$0x17810] =	vst v0  }
0x3c: {  	[tilespmem:s1+$0x17820] =	vst v0  }
0x3d: {  	[tilespmem:s1+$0x17830] =	vst v0  }
0x3e: {  	[tilespmem:s1+$0x17840] =	vst v0  }
0x3f: {  	[tilespmem:s1+$0x17850] =	vst v0  }
0x40: {  	[tilespmem:s1+$0x17860] =	vst v0  }
0x41: {  	[spmem:s7] =	stream.linear.scatter [tilespmem:s23], [sflag:$0x5], $0x4000, $0x38;
	[tilespmem:$0x1F800] =	vst v63  }
0x42: {  	_ =	swait.ge [sflag:s21], $0x4000  }
0x43: {  	[sflag:s21] =	ssyncset.done $0x0  }
0x44: {  	[sflag:s21] =	ssyncadd.s32 $0xFFFFC000  }
0x45: {  	[spmem:s9] =	stream.linear.scatter [tilespmem:s23], [sflag:$0x5], $0x4000, $0x38;
	[tilespmem:$0x1F800] =	vst v63  }
0x46: {  	_ =	swait.ge [sflag:s21], $0x4000  }
0x47: {  	[sflag:s21] =	ssyncset.done $0x0  }
0x48: {  	[sflag:s21] =	ssyncadd.s32 $0xFFFFC000  }
0x49: {  	[spmem:s10] =	stream.linear.scatter [tilespmem:s23], [sflag:$0x5], $0x4000, $0x38;
	[tilespmem:$0x1F800] =	vst v63  }
0x4a: {  	_ =	swait.ge [sflag:s21], $0x4000  }
0x4b: {  	[sflag:s21] =	ssyncset.done $0x0  }
0x4c: {  	[sflag:s21] =	ssyncadd.s32 $0xFFFFC000  }
0x4d: {  	[spmem:s11] =	stream.linear.scatter [tilespmem:s23], [sflag:$0x5], $0x4000, $0x38;
	[tilespmem:$0x1F800] =	vst v63  }
0x4e: {  	_ =	swait.ge [sflag:s21], $0x4000  }
0x4f: {  	[sflag:s21] =	ssyncset.done $0x0  }
0x50: {  	[sflag:s21] =	ssyncadd.s32 $0xFFFFC000  }
0x51: {  	[spmem:s12] =	stream.linear.scatter [tilespmem:s23], [sflag:$0x5], $0x4000, $0x38;
	[tilespmem:$0x1F800] =	vst v63  }
0x52: {  	_ =	swait.ge [sflag:s21], $0x4000  }
0x53: {  	[sflag:s21] =	ssyncset.done $0x0  }
0x54: {  	[sflag:s21] =	ssyncadd.s32 $0xFFFFC000  }
0x55: {  	[bflag:$0x0] =	sbarrier.arrive $0xFFFF  }
0x56: {  	[tilespmem:s23], [sflag:$0x1] =	stream.indirect.gather [hbm4b:s4+s24], $0x80, s20, s24, $0xb8;
	[tilespmem:$0x1F800] =	vst v63  }
0x57: {  	_ = 	snop  }
0x58: {  	[tilespmem:s26], [sflag:$0x2] =	stream.indirect.gather [hbm4b:s4+s24], $0x80, s25, s24, $0xb8;
	[tilespmem:$0x1F800] =	vst v63  }
0x59: {  	_ =	swait.ge [sflag:s28], $0x4000  }
0x5a: {  	[sflag:s28] =	ssyncset.done $0x0  }
0x5b: {  	[sflag:s28] =	ssyncadd.s32 $0xFFFFC000  }
0x5c: {  	[spmem:s2] =	stream.indirect.scatter.add.f32 [tilespmem:s23], [sflag:$0x3], $0x80, s22, s24, $0xb8;
	[tilespmem:$0x1F800] =	vst v63  }
0x5d: {  	_ =	swait.ge [sflag:s29], $0x4000  }
0x5e: {  	[sflag:s29] =	ssyncset.done $0x0  }
0x5f: {  	[sflag:s29] =	ssyncadd.s32 $0xFFFFC000  }
0x60: {  	_ =	swait.ge [sflag:s30], $0x4000  }
0x61: {  	[sflag:s30] =	ssyncset.done $0x0  }
0x62: {  	s15 =	simm.s32 $0x15C80;
	[sflag:s30] =	ssyncadd.s32 $0xFFFFC000  }
0x63: {  	[spmem:s2] =	stream.indirect.scatter.add.f32 [tilespmem:s26], [sflag:$0x4], $0x80, s15, s24, $0xb8;
	[tilespmem:$0x1F800] =	vst v63  }
0x64: {  	s16 =	simm.s32 $0x14100  }
0x65: {  	[tilespmem:s23], [sflag:$0x1] =	stream.indirect.gather [hbm4b:s4+s24], $0x80, s16, s24, $0xb8;
	[tilespmem:$0x1F800] =	vst v63  }
0x66: {  	_ =	swait.ge [sflag:s31], $0x4000  }
0x67: {  	p1 =	sne.s32 s19, $0x1;
	[sflag:s31] =	ssyncset.done $0x0  }
.Ltmp4:
0x68: {  	s17 =	simm.s32 $0x14180;
	[sflag:s31] =	ssyncadd.s32 $0xFFFFC000;
	(pc) =	sbr.rel @!p1 .LBB2_5-.Ltmp4, $4  }
0x69: {  	[tilespmem:s26], [sflag:$0x2] =	stream.indirect.gather [hbm4b:s4+s24], $0x80, s17, s24, $0xb8;
	[tilespmem:$0x1F800] =	vst v63  }
0x6a: {  	_ =	swait.ge [sflag:s28], $0x4000  }
0x6b: {  	s14 =	sadd.s32 $0xFFFFFFFF, s19;
	s15 =	simm.s32 $0x15E00;
	[sflag:s28] =	ssyncset.done $0x0  }
0x6c: {  	s16 =	simm.s32 $0x15D00;
	s17 =	simm.s32 $0x14200;
	[sflag:s28] =	ssyncadd.s32 $0xFFFFC000  }
.LBB2_4:
0x6d: {  	[spmem:s2] =	stream.indirect.scatter.add.f32 [tilespmem:s23], [sflag:$0x3], $0x80, s16, s24, $0xb8;
	[tilespmem:$0x1F800] =	vst v63  }
0x6e: {  	p1 =	sne.s32 s14, $0x1;
	s14 =	sadd.s32 $0xFFFFFFFF, s14;
	_ =	swait.ge [sflag:s29], $0x4000  }
0x6f: {  	s16 =	smov.u32 s15;
	[sflag:s29] =	ssyncset.done $0x0  }
0x70: {  	[sflag:s29] =	ssyncadd.s32 $0xFFFFC000  }
0x71: {  	_ =	swait.ge [sflag:s30], $0x4000  }
0x72: {  	[sflag:s30] =	ssyncset.done $0x0  }
0x73: {  	s1 =	sadd.s32 $0xFFFFFF80, s15;
	[sflag:s30] =	ssyncadd.s32 $0xFFFFC000  }
0x74: {  	[spmem:s2] =	stream.indirect.scatter.add.f32 [tilespmem:s26], [sflag:$0x4], $0x80, s1, s24, $0xb8;
	[tilespmem:$0x1F800] =	vst v63  }
0x75: {  	_ = 	snop  }
0x76: {  	[tilespmem:s23], [sflag:$0x1] =	stream.indirect.gather [hbm4b:s4+s24], $0x80, s17, s24, $0xb8;
	[tilespmem:$0x1F800] =	vst v63  }
0x77: {  	_ =	swait.ge [sflag:s31], $0x4000  }
0x78: {  	[sflag:s31] =	ssyncset.done $0x0  }
.Ltmp5:
0x79: {  	s1 =	sadd.s32 $0x80, s17;
	[sflag:s31] =	ssyncadd.s32 $0xFFFFC000;
	(pc) =	sbr.rel @p1 .LBB2_4-.Ltmp5, $4  }
0x7a: {  	[tilespmem:s26], [sflag:$0x2] =	stream.indirect.gather [hbm4b:s4+s24], $0x80, s1, s24, $0xb8;
	[tilespmem:$0x1F800] =	vst v63  }
0x7b: {  	_ =	swait.ge [sflag:s28], $0x4000  }
0x7c: {  	[sflag:s28] =	ssyncset.done $0x0  }
0x7d: {  	s15 =	sadd.s32 $0x100, s15;
	s17 =	sadd.s32 $0x100, s17;
	[sflag:s28] =	ssyncadd.s32 $0xFFFFC000  }
.LBB2_5:
0x7e: {  	[spmem:s2] =	stream.indirect.scatter.add.f32 [tilespmem:s23], [sflag:$0x3], $0x80, s16, s24, $0xb8;
	[tilespmem:$0x1F800] =	vst v63  }
0x7f: {  	_ =	swait.ge [sflag:s30], $0x4000  }
0x80: {  	[sflag:s30] =	ssyncset.done $0x0  }
0x81: {  	[sflag:s30] =	ssyncadd.s32 $0xFFFFC000  }
0x82: {  	[spmem:s2] =	stream.indirect.scatter.add.f32 [tilespmem:s26], [sflag:$0x4], $0x80, s13, s24, $0xb8;
	[tilespmem:$0x1F800] =	vst v63  }
0x83: {  	_ =	swait.ge [sflag:s29], $0x4000  }
0x84: {  	[sflag:s29] =	ssyncset.done $0x0  }
0x85: {  	[sflag:s29] =	ssyncadd.s32 $0xFFFFC000  }
0x86: {  	_ =	swait.ge [sflag:s31], $0x4000  }
0x87: {  	[sflag:s31] =	ssyncset.done $0x0  }
0x88: {  	s1 =	stileid.u32;
	[sflag:s31] =	ssyncadd.s32 $0xFFFFC000  }
0x89: {  	s1 =	sshll.u32 s1, $0x6;
	[bflag:$0x0] =	sbarrier.arrive $0xFFFF  }
0x8a: {  	s17 =	sshrl.u32 s7, $0x3;
	s14 =	sor.u32 $0x1C05, s1;
	s6 =	rddreg [dreg:$0x6]  }
0x8b: {  	[hbm:s6], [sflag:s14] =	dma.local [spmem:s17], $0x2800  }
0x8c: {  	_ =	swait.ge [sflag:s21], $0x2800  }
0x8d: {  	[sflag:s21] =	ssyncset.done $0x0  }
0x8e: {  	s15 =	simm.s32 $0x200;
	s1 =	simm.s32 $0x0;
	[sflag:s21] =	ssyncadd.s32 $0xFFFFD800  }
.LBB2_6:
0x8f: {  	p1 =	sne.s32 s15, $0xFE00;
	[tilespmem:s1+$0x17870] =	vst v0  }
0x90: {  	[tilespmem:s1+$0x17800] =	vst v0  }
0x91: {  	[tilespmem:s1+$0x17810] =	vst v0  }
.Ltmp6:
0x92: {  	[tilespmem:s1+$0x17820] =	vst v0;
	(pc) =	sbr.rel @p1 .LBB2_6-.Ltmp6, $4  }
0x93: {  	[tilespmem:s1+$0x17830] =	vst v0  }
0x94: {  	[tilespmem:s1+$0x17840] =	vst v0  }
0x95: {  	[tilespmem:s1+$0x17850] =	vst v0  }
0x96: {  	[tilespmem:s1+$0x17860] =	vst v0;
	s1 =	sshra.s32 s15, $0x2;
	s15 =	sadd.s32 $0x200, s15  }
0x97: {  	[tilespmem:s1+$0x17870] =	vst v0  }
0x98: {  	[tilespmem:s1+$0x17800] =	vst v0  }
0x99: {  	[tilespmem:s1+$0x17810] =	vst v0  }
0x9a: {  	[tilespmem:s1+$0x17820] =	vst v0  }
0x9b: {  	[tilespmem:s1+$0x17830] =	vst v0  }
0x9c: {  	[tilespmem:s1+$0x17840] =	vst v0  }
0x9d: {  	[tilespmem:s1+$0x17850] =	vst v0  }
0x9e: {  	[tilespmem:s1+$0x17860] =	vst v0  }
0x9f: {  	[spmem:s7] =	stream.linear.scatter [tilespmem:s23], [sflag:$0x5], $0x4000, $0x38;
	[tilespmem:$0x1F800] =	vst v63  }
0xa0: {  	_ =	swait.ge [sflag:s21], $0x4000  }
0xa1: {  	[sflag:s21] =	ssyncset.done $0x0  }
0xa2: {  	[sflag:s21] =	ssyncadd.s32 $0xFFFFC000  }
0xa3: {  	[spmem:s9] =	stream.linear.scatter [tilespmem:s23], [sflag:$0x5], $0x4000, $0x38;
	[tilespmem:$0x1F800] =	vst v63  }
0xa4: {  	_ =	swait.ge [sflag:s21], $0x4000  }
0xa5: {  	[sflag:s21] =	ssyncset.done $0x0  }
0xa6: {  	[sflag:s21] =	ssyncadd.s32 $0xFFFFC000  }
0xa7: {  	[spmem:s10] =	stream.linear.scatter [tilespmem:s23], [sflag:$0x5], $0x4000, $0x38;
	[tilespmem:$0x1F800] =	vst v63  }
0xa8: {  	_ =	swait.ge [sflag:s21], $0x4000  }
0xa9: {  	[sflag:s21] =	ssyncset.done $0x0  }
0xaa: {  	[sflag:s21] =	ssyncadd.s32 $0xFFFFC000  }
0xab: {  	[spmem:s11] =	stream.linear.scatter [tilespmem:s23], [sflag:$0x5], $0x4000, $0x38;
	[tilespmem:$0x1F800] =	vst v63  }
0xac: {  	_ =	swait.ge [sflag:s21], $0x4000  }
0xad: {  	[sflag:s21] =	ssyncset.done $0x0  }
0xae: {  	[sflag:s21] =	ssyncadd.s32 $0xFFFFC000  }
0xaf: {  	[spmem:s12] =	stream.linear.scatter [tilespmem:s23], [sflag:$0x5], $0x4000, $0x38;
	[tilespmem:$0x1F800] =	vst v63  }
0xb0: {  	_ =	swait.ge [sflag:s21], $0x4000  }
0xb1: {  	[sflag:s21] =	ssyncset.done $0x0  }
0xb2: {  	[sflag:s21] =	ssyncadd.s32 $0xFFFFC000  }
0xb3: {  	[bflag:$0x0] =	sbarrier.arrive $0xFFFF  }
0xb4: {  	[tilespmem:s23], [sflag:$0x1] =	stream.indirect.gather [hbm4b:s5+s24], $0x80, s20, s24, $0xb8;
	[tilespmem:$0x1F800] =	vst v63  }
0xb5: {  	_ = 	snop  }
0xb6: {  	[tilespmem:s26], [sflag:$0x2] =	stream.indirect.gather [hbm4b:s5+s24], $0x80, s25, s24, $0xb8;
	[tilespmem:$0x1F800] =	vst v63  }
0xb7: {  	_ =	swait.ge [sflag:s28], $0x4000  }
0xb8: {  	[sflag:s28] =	ssyncset.done $0x0  }
0xb9: {  	[sflag:s28] =	ssyncadd.s32 $0xFFFFC000  }
0xba: {  	[spmem:s2] =	stream.indirect.scatter.add.f32 [tilespmem:s23], [sflag:$0x3], $0x80, s22, s24, $0xb8;
	[tilespmem:$0x1F800] =	vst v63  }
0xbb: {  	_ =	swait.ge [sflag:s29], $0x4000  }
0xbc: {  	[sflag:s29] =	ssyncset.done $0x0  }
0xbd: {  	[sflag:s29] =	ssyncadd.s32 $0xFFFFC000  }
0xbe: {  	_ =	swait.ge [sflag:s30], $0x4000  }
0xbf: {  	[sflag:s30] =	ssyncset.done $0x0  }
0xc0: {  	s15 =	simm.s32 $0x15C80;
	[sflag:s30] =	ssyncadd.s32 $0xFFFFC000  }
0xc1: {  	[spmem:s2] =	stream.indirect.scatter.add.f32 [tilespmem:s26], [sflag:$0x4], $0x80, s15, s24, $0xb8;
	[tilespmem:$0x1F800] =	vst v63  }
0xc2: {  	s16 =	simm.s32 $0x14100  }
0xc3: {  	[tilespmem:s23], [sflag:$0x1] =	stream.indirect.gather [hbm4b:s5+s24], $0x80, s16, s24, $0xb8;
	[tilespmem:$0x1F800] =	vst v63  }
0xc4: {  	_ =	swait.ge [sflag:s31], $0x4000  }
0xc5: {  	p1 =	seq.s32 s19, $0x1;
	[sflag:s31] =	ssyncset.done $0x0  }
.Ltmp7:
0xc6: {  	s17 =	simm.s32 $0x14180;
	[sflag:s31] =	ssyncadd.s32 $0xFFFFC000;
	(pc) =	sbr.rel @p1 .LBB2_9-.Ltmp7, $4  }
0xc7: {  	[tilespmem:s26], [sflag:$0x2] =	stream.indirect.gather [hbm4b:s5+s24], $0x80, s17, s24, $0xb8;
	[tilespmem:$0x1F800] =	vst v63  }
0xc8: {  	_ =	swait.ge [sflag:s28], $0x4000  }
0xc9: {  	s1 =	simm.s32 $0x14200;
	s15 =	simm.s32 $0x15D00;
	[sflag:s28] =	ssyncset.done $0x0  }
0xca: {  	s16 =	sadd.s32 $0xFFFFFFFF, s19;
	s17 =	simm.s32 $0x15E00;
	[sflag:s28] =	ssyncadd.s32 $0xFFFFC000  }
.LBB2_8:
0xcb: {  	[spmem:s2] =	stream.indirect.scatter.add.f32 [tilespmem:s23], [sflag:$0x3], $0x80, s15, s24, $0xb8;
	[tilespmem:$0x1F800] =	vst v63  }
0xcc: {  	p1 =	seq.s32 s16, $0x1;
	s16 =	sadd.s32 $0xFFFFFFFF, s16;
	_ =	swait.ge [sflag:s29], $0x4000  }
0xcd: {  	s15 =	smov.u32 s17;
	[sflag:s29] =	ssyncset.done $0x0  }
0xce: {  	[sflag:s29] =	ssyncadd.s32 $0xFFFFC000  }
0xcf: {  	_ =	swait.ge [sflag:s30], $0x4000  }
0xd0: {  	[sflag:s30] =	ssyncset.done $0x0  }
0xd1: {  	s6 =	sadd.s32 $0xFFFFFF80, s17;
	[sflag:s30] =	ssyncadd.s32 $0xFFFFC000  }
0xd2: {  	[spmem:s2] =	stream.indirect.scatter.add.f32 [tilespmem:s26], [sflag:$0x4], $0x80, s6, s24, $0xb8;
	[tilespmem:$0x1F800] =	vst v63  }
0xd3: {  	_ = 	snop  }
0xd4: {  	[tilespmem:s23], [sflag:$0x1] =	stream.indirect.gather [hbm4b:s5+s24], $0x80, s1, s24, $0xb8;
	[tilespmem:$0x1F800] =	vst v63  }
0xd5: {  	_ =	swait.ge [sflag:s31], $0x4000  }
0xd6: {  	[sflag:s31] =	ssyncset.done $0x0  }
.Ltmp8:
0xd7: {  	s6 =	sadd.s32 $0x80, s1;
	[sflag:s31] =	ssyncadd.s32 $0xFFFFC000;
	(pc) =	sbr.rel @!p1 .LBB2_8-.Ltmp8, $4  }
0xd8: {  	[tilespmem:s26], [sflag:$0x2] =	stream.indirect.gather [hbm4b:s5+s24], $0x80, s6, s24, $0xb8;
	[tilespmem:$0x1F800] =	vst v63  }
0xd9: {  	_ =	swait.ge [sflag:s28], $0x4000  }
0xda: {  	[sflag:s28] =	ssyncset.done $0x0  }
0xdb: {  	s17 =	sadd.s32 $0x100, s17;
	s1 =	sadd.s32 $0x100, s1;
	[sflag:s28] =	ssyncadd.s32 $0xFFFFC000  }
.LBB2_9:
.Ltmp9:
0xdc: {  	(pc) =	sbr.rel .LBB2_18-.Ltmp9, $3  }
0xdd: {  	_ =	sdelay $0x1  }
0xde: {  	[spmem:s2] =	stream.indirect.scatter.add.f32 [tilespmem:s23], [sflag:$0x3], $0x80, s15, s24, $0xb8;
	[tilespmem:$0x1F800] =	vst v63  }
0xdf: {  	s1 =	rddreg [dreg:$0x7]  }
.LBB2_10:
0xe0: {  	p1 =	sne.s32 s14, $0xFE00;
	[tilespmem:s1+$0x17870] =	vst v0  }
0xe1: {  	[tilespmem:s1+$0x17800] =	vst v0  }
0xe2: {  	[tilespmem:s1+$0x17810] =	vst v0  }
.Ltmp10:
0xe3: {  	[tilespmem:s1+$0x17820] =	vst v0;
	(pc) =	sbr.rel @p1 .LBB2_10-.Ltmp10, $4  }
0xe4: {  	[tilespmem:s1+$0x17830] =	vst v0  }
0xe5: {  	[tilespmem:s1+$0x17840] =	vst v0  }
0xe6: {  	[tilespmem:s1+$0x17850] =	vst v0  }
0xe7: {  	[tilespmem:s1+$0x17860] =	vst v0;
	s1 =	sshra.s32 s14, $0x2;
	s14 =	sadd.s32 $0x200, s14  }
0xe8: {  	[tilespmem:s1+$0x17870] =	vst v0  }
0xe9: {  	[tilespmem:s1+$0x17800] =	vst v0  }
0xea: {  	[tilespmem:s1+$0x17810] =	vst v0  }
0xeb: {  	[tilespmem:s1+$0x17820] =	vst v0  }
0xec: {  	[tilespmem:s1+$0x17830] =	vst v0  }
0xed: {  	[tilespmem:s1+$0x17840] =	vst v0  }
0xee: {  	[tilespmem:s1+$0x17850] =	vst v0  }
0xef: {  	[tilespmem:s1+$0x17860] =	vst v0  }
0xf0: {  	[spmem:s7] =	stream.linear.scatter [tilespmem:s23], [sflag:$0x5], $0x4000, $0x38;
	[tilespmem:$0x1F800] =	vst v63  }
0xf1: {  	_ =	swait.ge [sflag:s21], $0x4000  }
0xf2: {  	[sflag:s21] =	ssyncset.done $0x0  }
0xf3: {  	[sflag:s21] =	ssyncadd.s32 $0xFFFFC000  }
0xf4: {  	[spmem:s9] =	stream.linear.scatter [tilespmem:s23], [sflag:$0x5], $0x4000, $0x38;
	[tilespmem:$0x1F800] =	vst v63  }
0xf5: {  	_ =	swait.ge [sflag:s21], $0x4000  }
0xf6: {  	[sflag:s21] =	ssyncset.done $0x0  }
0xf7: {  	[sflag:s21] =	ssyncadd.s32 $0xFFFFC000  }
0xf8: {  	[spmem:s10] =	stream.linear.scatter [tilespmem:s23], [sflag:$0x5], $0x4000, $0x38;
	[tilespmem:$0x1F800] =	vst v63  }
0xf9: {  	_ =	swait.ge [sflag:s21], $0x4000  }
0xfa: {  	[sflag:s21] =	ssyncset.done $0x0  }
0xfb: {  	[sflag:s21] =	ssyncadd.s32 $0xFFFFC000  }
0xfc: {  	[spmem:s11] =	stream.linear.scatter [tilespmem:s23], [sflag:$0x5], $0x4000, $0x38;
	[tilespmem:$0x1F800] =	vst v63  }
0xfd: {  	_ =	swait.ge [sflag:s21], $0x4000  }
0xfe: {  	[sflag:s21] =	ssyncset.done $0x0  }
0xff: {  	[sflag:s21] =	ssyncadd.s32 $0xFFFFC000  }
0x100: {  	[spmem:s12] =	stream.linear.scatter [tilespmem:s23], [sflag:$0x5], $0x4000, $0x38;
	[tilespmem:$0x1F800] =	vst v63  }
0x101: {  	_ =	swait.ge [sflag:s21], $0x4000  }
0x102: {  	[sflag:s21] =	ssyncset.done $0x0  }
0x103: {  	[sflag:s21] =	ssyncadd.s32 $0xFFFFC000  }
0x104: {  	[bflag:$0x0] =	sbarrier.arrive $0xFFFF  }
0x105: {  	[tilespmem:s23], [sflag:$0x1] =	stream.indirect.gather [hbm4b:s5+s24], $0x80, s20, s24, $0xb8;
	[tilespmem:$0x1F800] =	vst v63  }
0x106: {  	_ = 	snop  }
0x107: {  	[tilespmem:s26], [sflag:$0x2] =	stream.indirect.gather [hbm4b:s5+s24], $0x80, s25, s24, $0xb8;
	[tilespmem:$0x1F800] =	vst v63  }
0x108: {  	_ =	swait.ge [sflag:s28], $0x4000  }
0x109: {  	[sflag:s28] =	ssyncset.done $0x0  }
0x10a: {  	[sflag:s28] =	ssyncadd.s32 $0xFFFFC000  }
0x10b: {  	[spmem:s2] =	stream.indirect.scatter.add.f32 [tilespmem:s23], [sflag:$0x3], $0x80, s22, s24, $0xb8;
	[tilespmem:$0x1F800] =	vst v63  }
0x10c: {  	_ =	swait.ge [sflag:s29], $0x4000  }
0x10d: {  	[sflag:s29] =	ssyncset.done $0x0  }
0x10e: {  	[sflag:s29] =	ssyncadd.s32 $0xFFFFC000  }
0x10f: {  	_ =	swait.ge [sflag:s30], $0x4000  }
0x110: {  	[sflag:s30] =	ssyncset.done $0x0  }
0x111: {  	s15 =	simm.s32 $0x15C80;
	[sflag:s30] =	ssyncadd.s32 $0xFFFFC000  }
0x112: {  	[spmem:s2] =	stream.indirect.scatter.add.f32 [tilespmem:s26], [sflag:$0x4], $0x80, s15, s24, $0xb8;
	[tilespmem:$0x1F800] =	vst v63  }
0x113: {  	s16 =	simm.s32 $0x14100  }
0x114: {  	[tilespmem:s23], [sflag:$0x1] =	stream.indirect.gather [hbm4b:s5+s24], $0x80, s16, s24, $0xb8;
	[tilespmem:$0x1F800] =	vst v63  }
0x115: {  	_ =	swait.ge [sflag:s31], $0x4000  }
0x116: {  	p1 =	sne.s32 s19, $0x1;
	[sflag:s31] =	ssyncset.done $0x0  }
.Ltmp11:
0x117: {  	s17 =	simm.s32 $0x14180;
	[sflag:s31] =	ssyncadd.s32 $0xFFFFC000;
	(pc) =	sbr.rel @!p1 .LBB2_13-.Ltmp11, $4  }
0x118: {  	[tilespmem:s26], [sflag:$0x2] =	stream.indirect.gather [hbm4b:s5+s24], $0x80, s17, s24, $0xb8;
	[tilespmem:$0x1F800] =	vst v63  }
0x119: {  	_ =	swait.ge [sflag:s28], $0x4000  }
0x11a: {  	s14 =	sadd.s32 $0xFFFFFFFF, s19;
	s1 =	simm.s32 $0x14200;
	[sflag:s28] =	ssyncset.done $0x0  }
0x11b: {  	s15 =	simm.s32 $0x15D00;
	s16 =	simm.s32 $0x15E00;
	[sflag:s28] =	ssyncadd.s32 $0xFFFFC000  }
.LBB2_12:
0x11c: {  	[spmem:s2] =	stream.indirect.scatter.add.f32 [tilespmem:s23], [sflag:$0x3], $0x80, s15, s24, $0xb8;
	[tilespmem:$0x1F800] =	vst v63  }
0x11d: {  	p2 =	sne.s32 s14, $0x1;
	s14 =	sadd.s32 $0xFFFFFFFF, s14;
	_ =	swait.ge [sflag:s29], $0x4000  }
0x11e: {  	s15 =	smov.u32 s16;
	[sflag:s29] =	ssyncset.done $0x0  }
0x11f: {  	[sflag:s29] =	ssyncadd.s32 $0xFFFFC000  }
0x120: {  	_ =	swait.ge [sflag:s30], $0x4000  }
0x121: {  	[sflag:s30] =	ssyncset.done $0x0  }
0x122: {  	s6 =	sadd.s32 $0xFFFFFF80, s16;
	[sflag:s30] =	ssyncadd.s32 $0xFFFFC000  }
0x123: {  	[spmem:s2] =	stream.indirect.scatter.add.f32 [tilespmem:s26], [sflag:$0x4], $0x80, s6, s24, $0xb8;
	[tilespmem:$0x1F800] =	vst v63  }
0x124: {  	_ = 	snop  }
0x125: {  	[tilespmem:s23], [sflag:$0x1] =	stream.indirect.gather [hbm4b:s5+s24], $0x80, s1, s24, $0xb8;
	[tilespmem:$0x1F800] =	vst v63  }
0x126: {  	_ =	swait.ge [sflag:s31], $0x4000  }
0x127: {  	[sflag:s31] =	ssyncset.done $0x0  }
.Ltmp12:
0x128: {  	s6 =	sadd.s32 $0x80, s1;
	[sflag:s31] =	ssyncadd.s32 $0xFFFFC000;
	(pc) =	sbr.rel @p2 .LBB2_12-.Ltmp12, $4  }
0x129: {  	[tilespmem:s26], [sflag:$0x2] =	stream.indirect.gather [hbm4b:s5+s24], $0x80, s6, s24, $0xb8;
	[tilespmem:$0x1F800] =	vst v63  }
0x12a: {  	_ =	swait.ge [sflag:s28], $0x4000  }
0x12b: {  	[sflag:s28] =	ssyncset.done $0x0  }
0x12c: {  	s16 =	sadd.s32 $0x100, s16;
	s1 =	sadd.s32 $0x100, s1;
	[sflag:s28] =	ssyncadd.s32 $0xFFFFC000  }
.LBB2_13:
0x12d: {  	[spmem:s2] =	stream.indirect.scatter.add.f32 [tilespmem:s23], [sflag:$0x3], $0x80, s15, s24, $0xb8;
	[tilespmem:$0x1F800] =	vst v63  }
0x12e: {  	_ =	swait.ge [sflag:s30], $0x4000  }
0x12f: {  	[sflag:s30] =	ssyncset.done $0x0  }
0x130: {  	[sflag:s30] =	ssyncadd.s32 $0xFFFFC000  }
0x131: {  	[spmem:s2] =	stream.indirect.scatter.add.f32 [tilespmem:s26], [sflag:$0x4], $0x80, s13, s24, $0xb8;
	[tilespmem:$0x1F800] =	vst v63  }
0x132: {  	_ =	swait.ge [sflag:s29], $0x4000  }
0x133: {  	[sflag:s29] =	ssyncset.done $0x0  }
0x134: {  	[sflag:s29] =	ssyncadd.s32 $0xFFFFC000  }
0x135: {  	_ =	swait.ge [sflag:s31], $0x4000  }
0x136: {  	[sflag:s31] =	ssyncset.done $0x0  }
0x137: {  	s1 =	stileid.u32;
	[sflag:s31] =	ssyncadd.s32 $0xFFFFC000  }
0x138: {  	s1 =	sshll.u32 s1, $0x6;
	[bflag:$0x0] =	sbarrier.arrive $0xFFFF  }
0x139: {  	s17 =	sshrl.u32 s7, $0x3;
	s14 =	sor.u32 $0x1C05, s1;
	s6 =	rddreg [dreg:$0x4]  }
0x13a: {  	[hbm:s6], [sflag:s14] =	dma.local [spmem:s17], $0x2800  }
0x13b: {  	_ =	swait.ge [sflag:s21], $0x2800  }
0x13c: {  	[sflag:s21] =	ssyncset.done $0x0  }
0x13d: {  	s15 =	simm.s32 $0x200;
	s1 =	simm.s32 $0x0;
	[sflag:s21] =	ssyncadd.s32 $0xFFFFD800  }
.LBB2_14:
0x13e: {  	p2 =	sne.s32 s15, $0xFE00;
	[tilespmem:s1+$0x17870] =	vst v0  }
0x13f: {  	[tilespmem:s1+$0x17800] =	vst v0  }
0x140: {  	[tilespmem:s1+$0x17810] =	vst v0  }
.Ltmp13:
0x141: {  	[tilespmem:s1+$0x17820] =	vst v0;
	(pc) =	sbr.rel @p2 .LBB2_14-.Ltmp13, $4  }
0x142: {  	[tilespmem:s1+$0x17830] =	vst v0  }
0x143: {  	[tilespmem:s1+$0x17840] =	vst v0  }
0x144: {  	[tilespmem:s1+$0x17850] =	vst v0  }
0x145: {  	[tilespmem:s1+$0x17860] =	vst v0;
	s1 =	sshra.s32 s15, $0x2;
	s15 =	sadd.s32 $0x200, s15  }
0x146: {  	[tilespmem:s1+$0x17870] =	vst v0  }
0x147: {  	[tilespmem:s1+$0x17800] =	vst v0  }
0x148: {  	[tilespmem:s1+$0x17810] =	vst v0  }
0x149: {  	[tilespmem:s1+$0x17820] =	vst v0  }
0x14a: {  	[tilespmem:s1+$0x17830] =	vst v0  }
0x14b: {  	[tilespmem:s1+$0x17840] =	vst v0  }
0x14c: {  	[tilespmem:s1+$0x17850] =	vst v0  }
0x14d: {  	[tilespmem:s1+$0x17860] =	vst v0  }
0x14e: {  	[spmem:s7] =	stream.linear.scatter [tilespmem:s23], [sflag:$0x5], $0x4000, $0x38;
	[tilespmem:$0x1F800] =	vst v63  }
0x14f: {  	_ =	swait.ge [sflag:s21], $0x4000  }
0x150: {  	[sflag:s21] =	ssyncset.done $0x0  }
0x151: {  	[sflag:s21] =	ssyncadd.s32 $0xFFFFC000  }
0x152: {  	[spmem:s9] =	stream.linear.scatter [tilespmem:s23], [sflag:$0x5], $0x4000, $0x38;
	[tilespmem:$0x1F800] =	vst v63  }
0x153: {  	_ =	swait.ge [sflag:s21], $0x4000  }
0x154: {  	[sflag:s21] =	ssyncset.done $0x0  }
0x155: {  	[sflag:s21] =	ssyncadd.s32 $0xFFFFC000  }
0x156: {  	[spmem:s10] =	stream.linear.scatter [tilespmem:s23], [sflag:$0x5], $0x4000, $0x38;
	[tilespmem:$0x1F800] =	vst v63  }
0x157: {  	_ =	swait.ge [sflag:s21], $0x4000  }
0x158: {  	[sflag:s21] =	ssyncset.done $0x0  }
0x159: {  	[sflag:s21] =	ssyncadd.s32 $0xFFFFC000  }
0x15a: {  	[spmem:s11] =	stream.linear.scatter [tilespmem:s23], [sflag:$0x5], $0x4000, $0x38;
	[tilespmem:$0x1F800] =	vst v63  }
0x15b: {  	_ =	swait.ge [sflag:s21], $0x4000  }
0x15c: {  	[sflag:s21] =	ssyncset.done $0x0  }
0x15d: {  	[sflag:s21] =	ssyncadd.s32 $0xFFFFC000  }
0x15e: {  	[spmem:s12] =	stream.linear.scatter [tilespmem:s23], [sflag:$0x5], $0x4000, $0x38;
	[tilespmem:$0x1F800] =	vst v63  }
0x15f: {  	_ =	swait.ge [sflag:s21], $0x4000  }
0x160: {  	[sflag:s21] =	ssyncset.done $0x0  }
0x161: {  	[sflag:s21] =	ssyncadd.s32 $0xFFFFC000  }
0x162: {  	[bflag:$0x0] =	sbarrier.arrive $0xFFFF  }
0x163: {  	[tilespmem:s23], [sflag:$0x1] =	stream.indirect.gather [hbm4b:s4+s24], $0x80, s20, s24, $0xb8;
	[tilespmem:$0x1F800] =	vst v63  }
0x164: {  	_ = 	snop  }
0x165: {  	[tilespmem:s26], [sflag:$0x2] =	stream.indirect.gather [hbm4b:s4+s24], $0x80, s25, s24, $0xb8;
	[tilespmem:$0x1F800] =	vst v63  }
0x166: {  	_ =	swait.ge [sflag:s28], $0x4000  }
0x167: {  	[sflag:s28] =	ssyncset.done $0x0  }
0x168: {  	[sflag:s28] =	ssyncadd.s32 $0xFFFFC000  }
0x169: {  	[spmem:s2] =	stream.indirect.scatter.add.f32 [tilespmem:s23], [sflag:$0x3], $0x80, s22, s24, $0xb8;
	[tilespmem:$0x1F800] =	vst v63  }
0x16a: {  	_ =	swait.ge [sflag:s29], $0x4000  }
0x16b: {  	[sflag:s29] =	ssyncset.done $0x0  }
0x16c: {  	[sflag:s29] =	ssyncadd.s32 $0xFFFFC000  }
0x16d: {  	_ =	swait.ge [sflag:s30], $0x4000  }
0x16e: {  	[sflag:s30] =	ssyncset.done $0x0  }
0x16f: {  	s15 =	simm.s32 $0x15C80;
	[sflag:s30] =	ssyncadd.s32 $0xFFFFC000  }
0x170: {  	[spmem:s2] =	stream.indirect.scatter.add.f32 [tilespmem:s26], [sflag:$0x4], $0x80, s15, s24, $0xb8;
	[tilespmem:$0x1F800] =	vst v63  }
0x171: {  	s16 =	simm.s32 $0x14100  }
0x172: {  	[tilespmem:s23], [sflag:$0x1] =	stream.indirect.gather [hbm4b:s4+s24], $0x80, s16, s24, $0xb8;
	[tilespmem:$0x1F800] =	vst v63  }
0x173: {  	_ =	swait.ge [sflag:s31], $0x4000  }
0x174: {  	[sflag:s31] =	ssyncset.done $0x0  }
.Ltmp14:
0x175: {  	s17 =	simm.s32 $0x14180;
	[sflag:s31] =	ssyncadd.s32 $0xFFFFC000;
	(pc) =	sbr.rel @!p1 .LBB2_17-.Ltmp14, $4  }
0x176: {  	[tilespmem:s26], [sflag:$0x2] =	stream.indirect.gather [hbm4b:s4+s24], $0x80, s17, s24, $0xb8;
	[tilespmem:$0x1F800] =	vst v63  }
0x177: {  	_ =	swait.ge [sflag:s28], $0x4000  }
0x178: {  	s1 =	simm.s32 $0x14200;
	s15 =	simm.s32 $0x15E00;
	[sflag:s28] =	ssyncset.done $0x0  }
0x179: {  	s16 =	sadd.s32 $0xFFFFFFFF, s19;
	s17 =	simm.s32 $0x15D00;
	[sflag:s28] =	ssyncadd.s32 $0xFFFFC000  }
.LBB2_16:
0x17a: {  	[spmem:s2] =	stream.indirect.scatter.add.f32 [tilespmem:s23], [sflag:$0x3], $0x80, s17, s24, $0xb8;
	[tilespmem:$0x1F800] =	vst v63  }
0x17b: {  	p1 =	sne.s32 s16, $0x1;
	s16 =	sadd.s32 $0xFFFFFFFF, s16;
	_ =	swait.ge [sflag:s29], $0x4000  }
0x17c: {  	s17 =	smov.u32 s15;
	[sflag:s29] =	ssyncset.done $0x0  }
0x17d: {  	[sflag:s29] =	ssyncadd.s32 $0xFFFFC000  }
0x17e: {  	_ =	swait.ge [sflag:s30], $0x4000  }
0x17f: {  	[sflag:s30] =	ssyncset.done $0x0  }
0x180: {  	s6 =	sadd.s32 $0xFFFFFF80, s15;
	[sflag:s30] =	ssyncadd.s32 $0xFFFFC000  }
0x181: {  	[spmem:s2] =	stream.indirect.scatter.add.f32 [tilespmem:s26], [sflag:$0x4], $0x80, s6, s24, $0xb8;
	[tilespmem:$0x1F800] =	vst v63  }
0x182: {  	_ = 	snop  }
0x183: {  	[tilespmem:s23], [sflag:$0x1] =	stream.indirect.gather [hbm4b:s4+s24], $0x80, s1, s24, $0xb8;
	[tilespmem:$0x1F800] =	vst v63  }
0x184: {  	_ =	swait.ge [sflag:s31], $0x4000  }
0x185: {  	[sflag:s31] =	ssyncset.done $0x0  }
.Ltmp15:
0x186: {  	s6 =	sadd.s32 $0x80, s1;
	[sflag:s31] =	ssyncadd.s32 $0xFFFFC000;
	(pc) =	sbr.rel @p1 .LBB2_16-.Ltmp15, $4  }
0x187: {  	[tilespmem:s26], [sflag:$0x2] =	stream.indirect.gather [hbm4b:s4+s24], $0x80, s6, s24, $0xb8;
	[tilespmem:$0x1F800] =	vst v63  }
0x188: {  	_ =	swait.ge [sflag:s28], $0x4000  }
0x189: {  	[sflag:s28] =	ssyncset.done $0x0  }
0x18a: {  	s15 =	sadd.s32 $0x100, s15;
	s1 =	sadd.s32 $0x100, s1;
	[sflag:s28] =	ssyncadd.s32 $0xFFFFC000  }
.Ltmp16:
0x18b: {  	_ = 	snop;
	(pc) =	sbr.rel .LBB2_17-.Ltmp16, $1  }
0x18c: {  	_ =	sdelay $0x3  }
.LBB2_19:
0x18d: {  	_ =	sfence.sel $0x180000  }
0x18e: {  	[bflag:$0x0] =	sbarrier.arrive $0xFFFF  }
0x18f: {  	_ =	strace $0x9000004D  }
0x190: {  	s0 =	stileid.u32;
	[bflag:$0x2] =	sbarrier.arrive $0xFFFF  }
0x191: {  	p0 =	sne.s32 s0, $0x0;
	s0 =	rddreg [dreg:$0x2]  }
0x192: {  	s0 =	sadd.s32 @!p0 $0x100000, s0  }
0x193: {  	[sflag:s0] =	ssyncadd.tile.s32 @!p0 $0x1;
	_ =	shalt  }
.Lfunc_end2:
_tile_overlayer_lowered:
.L_overlay_start_2:
0x194: {  	(tag) =	ssettag $0x2  }
0x195: {  	s0 =	rddreg [dreg:$0x0];
	s2 =	stileid.u32  }
0x196: {  	s1 =	rddreg [dreg:$0x1];
	p0 =	sne.s32 s2, $0x0  }
0x197: {  	s3 =	rddreg [dreg:$0x2];
	[bflag:$0x3] =	sbarrier.arrive $0xFFFF;
	s2 =	simm.s32 @!p0 $0x1C05  }
0x198: {  	[timem:s3], [sflag:s2] =	dma.local @!p0 [hbm:s0], s1  }
0x199: {  	s0 =	simm.s32 @!p0 $0x5  }
0x19a: {  	_ =	swait.ge @!p0 [sflag:s0], s1  }
0x19b: {  	s1 =	ssub.s32 @!p0 $0x0, s1;
	[sflag:s0] =	ssyncset.done @!p0 $0x0  }
0x19c: {  	[sflag:s0] =	ssyncadd.s32 @!p0 s1  }
0x19d: {  	[bflag:$0x3] =	sbarrier.arrive $0xFFFF  }
0x19e: {  	_ =	shalt  }

// kernel: kernel.8.cloned.1.call-start
scs
__scs_entry_jumppad:
0x0: {  	(pc) =	sbr.rel $0x88, $3  }
0x1: {  	(tag) =	ssettag $0x0;
	lr =	simm.s32 $0x1  }
0x2: {  	[smem:$0x3F99] =	sst lr;
	_ =	strace $0xD0000000  }
0x3: {  	_ = 	snop  }
0x4: {  	_ = 	snop  }
0x5: {  	_ = 	snop  }
0x6: {  	_ = 	snop  }
0x7: {  	_ = 	snop  }
__scs_overlays_trampoline_lowered:
0x8: {  	[smem:$0x3FA8] =	sst s0  }
0x9: {  	[smem:$0x3FA9] =	sst s1  }
0xa: {  	[smem:$0x3FAA] =	sst s2  }
0xb: {  	[smem:$0x3FAB] =	sst s3  }
0xc: {  	[smem:$0x3FAC] =	sst s4  }
0xd: {  	[smem:$0x3FAD] =	sst s5  }
0xe: {  	[smem:$0x3FAE] =	sst s6  }
0xf: {  	[smem:$0x3FAF] =	sst s7  }
0x10: {  	[smem:$0x3FB0] =	sst s8  }
0x11: {  	[smem:$0x3FB1] =	sst s9;
	s0 =	simm.s32 @!p0 $0x0  }
0x12: {  	s1 =	sld [smem:$0x3F97];
	s0 =	simm.s32 @p0 $0x1  }
0x13: {  	[smem:$0x3FB2] =	sst s0;
	s0 =	simm.s32 @!p1 $0x0  }
0x14: {  	s2 =	sld [smem:$0x3F96];
	s0 =	simm.s32 @p1 $0x1  }
0x15: {  	[smem:$0x3FB3] =	sst s0;
	s0 =	simm.s32 @!p2 $0x0  }
0x16: {  	s3 =	sld [smem:$0x3FDB];
	s0 =	simm.s32 @p2 $0x1  }
0x17: {  	s4 =	simm.s32 $0x1BF5;
	[smem:$0x3FB5] =	sst s0  }
0x18: {  	s0 =	sld [smem:$0x3F98];
	_ =	swait.ge [sflag:s4], $0x0  }
0x19: {  	s7 =	sld [smem:$0x3F99]  }
0x1a: {  	s8 =	sadd.s32 $0xFFFFE003, lr  }
0x1b: {  	s9 =	sadd.s32 $0xFFFFFEF7, lr;
	s5 =	simm.s32 $0xFFFFFFFF;
	p2 =	slt.u32 s8, $0xFFFFF086  }
0x1c: {  	p1 =	slt.u32 s9, $0xF7A;
	s5 =	simm.s32 @!p2 $0x0  }
0x1d: {  	s5 =	simm.s32 @p1 $0x1;
	p0 =	seq.s32 s7, s2  }
0x1e: {  	s7 =	smul.u32 @!p0 $0xF7A, s2;
	p2 =	seq.s32 @!p0 s5, $0x0  }
0x1f: {  	s9 =	smul.u32 $0xF7A, s1;
	s8 =	simm.s32 @!p0 $0x1BF5;
	p2 =	por !p2, p0  }
0x20: {  	[sflag:s8] =	ssyncset.s32 @!p0 $0xFFFFF086;
	s6 =	sadd.s32 @!p0 s3, s7;
	s7 =	simm.s32 @!p0 $0x108  }
0x21: {  	s3 =	sadd.s32 s3, s9;
	s6 =	sadd.s32 @!p0 $0x88, s6;
	s7 =	simm.s32 @p2 $0x1082  }
0x22: {  	[simem:s7], [sflag:s8] =	dma.local @!p0 [hbm:s6], $0xF7A  }
0x23: {  	s9 =	sor.u32 $0xD0000000, s2;
	s6 =	simm.s32 $0x108;
	_ =	swait.ge @!p0 [sflag:s8], $0x0  }
0x24: {  	s3 =	sadd.s32 $0x88, s3;
	s6 =	simm.s32 @!p1 $0x1082;
	[sflag:s4] =	ssyncset.s32 $0xFFFFF086  }
0x25: {  	[simem:s6], [sflag:s4] =	dma.local [hbm:s3], $0xF7A  }
0x26: {  	[smem:$0x3F99] =	sst s1;
	(tag) =	ssettag s2;
	_ =	strace s9  }
0x27: {  	s1 =	sld [smem:$0x3FA9]  }
0x28: {  	s2 =	sld [smem:$0x3FAA]  }
0x29: {  	s4 =	sld [smem:$0x3FAC]  }
0x2a: {  	p0 =	seq.s32 s5, $0x0;
	s5 =	sld [smem:$0x3FAD]  }
0x2b: {  	s6 =	sld [smem:$0x3FAE]  }
0x2c: {  	s7 =	sld [smem:$0x3FAF]  }
0x2d: {  	s3 =	simm.s32 $0x108;
	s8 =	sld [smem:$0x3FB0]  }
0x2e: {  	s3 =	simm.s32 @!p0 $0x1082;
	s9 =	sld [smem:$0x3FB1]  }
0x2f: {  	lr =	sadd.s32 s0, s3;
	s0 =	sld [smem:$0x3FA8]  }
0x30: {  	s3 =	sld [smem:$0x3FAB]  }
0x31: {  	[smem:$0x3FB4] =	sst s10  }
0x32: {  	s10 =	sld [smem:$0x3FB2];
	_ =	sdelay $0x3  }
0x33: {  	p0 =	seq.s32 s10, $0x1;
	s10 =	sld [smem:$0x3FB4];
	_ =	sdelay $0x3  }
0x34: {  	[smem:$0x3FB4] =	sst s10  }
0x35: {  	s10 =	sld [smem:$0x3FB3];
	_ =	sdelay $0x3  }
0x36: {  	p1 =	seq.s32 s10, $0x1;
	s10 =	sld [smem:$0x3FB4];
	_ =	sdelay $0x3  }
0x37: {  	[smem:$0x3FB4] =	sst s10  }
0x38: {  	s10 =	sld [smem:$0x3FB5]  }
0x39: {  	_ = 	snop;
	(pc) =	sbr.ind lr, $3  }
0x3a: {  	_ = 	snop  }
0x3b: {  	_ = 	snop  }
0x3c: {  	p2 =	seq.s32 s10, $0x1;
	s10 =	sld [smem:$0x3FB4]  }
0x3d: {  	_ =	shalt  }
0x3e: {  	_ =	shalt  }
0x3f: {  	_ =	shalt  }
0x40: {  	_ =	shalt  }
0x41: {  	_ =	shalt  }
0x42: {  	_ =	shalt  }
0x43: {  	_ =	shalt  }
0x44: {  	_ =	shalt  }
0x45: {  	_ =	shalt  }
0x46: {  	_ =	shalt  }
0x47: {  	_ =	shalt  }
0x48: {  	_ =	shalt  }
0x49: {  	_ =	shalt  }
0x4a: {  	_ =	shalt  }
0x4b: {  	_ =	shalt  }
0x4c: {  	_ =	shalt  }
0x4d: {  	_ =	shalt  }
0x4e: {  	_ =	shalt  }
0x4f: {  	_ =	shalt  }
0x50: {  	_ =	shalt  }
0x51: {  	_ =	shalt  }
0x52: {  	_ =	shalt  }
0x53: {  	_ =	shalt  }
0x54: {  	_ =	shalt  }
0x55: {  	_ =	shalt  }
0x56: {  	_ =	shalt  }
0x57: {  	_ =	shalt  }
0x58: {  	_ =	shalt  }
0x59: {  	_ =	shalt  }
0x5a: {  	_ =	shalt  }
0x5b: {  	_ =	shalt  }
0x5c: {  	_ =	shalt  }
0x5d: {  	_ =	shalt  }
0x5e: {  	_ =	shalt  }
0x5f: {  	_ =	shalt  }
0x60: {  	_ =	shalt  }
0x61: {  	_ =	shalt  }
0x62: {  	_ =	shalt  }
0x63: {  	_ =	shalt  }
0x64: {  	_ =	shalt  }
0x65: {  	_ =	shalt  }
0x66: {  	_ =	shalt  }
0x67: {  	_ =	shalt  }
0x68: {  	_ =	shalt  }
0x69: {  	_ =	shalt  }
0x6a: {  	_ =	shalt  }
0x6b: {  	_ =	shalt  }
0x6c: {  	_ =	shalt  }
0x6d: {  	_ =	shalt  }
0x6e: {  	_ =	shalt  }
0x6f: {  	_ =	shalt  }
0x70: {  	_ =	shalt  }
0x71: {  	_ =	shalt  }
0x72: {  	_ =	shalt  }
0x73: {  	_ =	shalt  }
0x74: {  	_ =	shalt  }
0x75: {  	_ =	shalt  }
0x76: {  	_ =	shalt  }
0x77: {  	_ =	shalt  }
0x78: {  	_ =	shalt  }
0x79: {  	_ =	shalt  }
0x7a: {  	_ =	shalt  }
0x7b: {  	_ =	shalt  }
0x7c: {  	_ =	shalt  }
0x7d: {  	_ =	shalt  }
0x7e: {  	_ =	shalt  }
0x7f: {  	_ =	shalt  }
0x80: {  	_ =	shalt  }
0x81: {  	_ =	shalt  }
0x82: {  	_ =	shalt  }
0x83: {  	_ =	shalt  }
0x84: {  	_ =	shalt  }
0x85: {  	_ =	shalt  }
0x86: {  	_ =	shalt  }
0x87: {  	_ =	shalt  }
.Lfunc_end0:
.L_simem_size_0:
called_computation_lowered:
.L_overlay_start_0:
0x88: {  	s2 =	sld [smem:$0x3FD9]  }
0x89: {  	s3 =	sld [smem:$0x3FFE];
	_ =	sdelay $0x1  }
0x8a: {  	s1 =	srdreg.scid  }
0x8b: {  	s0 =	sand.u32 $0x1, s1  }
0x8c: {  	s14 =	sshll.u32 s0, $0xA;
	s2 =	sadd.s32 s3, s2  }
0x8d: {  	s2 =	sadd.s32 s2, s14  }
0x8e: {  	[smem:$0x3FC0] =	sst s2  }
0x8f: {  	_ = 	snop  }
0x90: {  	s2 =	sld [smem:$0x3FD0];
	_ =	sdelay $0x2  }
0x91: {  	s15 =	simm.s32 $0xA;
	s4 =	simm.s32 $0x10  }
0x92: {  	[smem:s4], [sflag:s15] =	dma.local [hbm:s2], $0x1  }
0x93: {  	_ =	swait.eq [sflag:s15], $0x1  }
0x94: {  	[sflag:s15] =	ssyncset.done $0x0  }
0x95: {  	s16 =	sld [smem:$0x10];
	[sflag:s15] =	ssyncadd.s32 $0xFFFFFFFF  }
0x96: {  	s17 =	sld [smem:$0x11];
	(tm) =	ssettm $0x1  }
0x97: {  	s18 =	sld [smem:$0x3FFB];
	_ =	sdelay $0x3  }
0x98: {  	_ =	strace s18  }
0x99: {  	s4 =	sld [smem:$0x3FFC];
	_ =	sdelay $0x3  }
0x9a: {  	_ =	strace s4  }
0x9b: {  	s4 =	sld [smem:$0x3FFD];
	_ =	sdelay $0x3  }
0x9c: {  	_ =	strace s4  }
0x9d: {  	_ =	strace $0x8FFFFFFF  }
0x9e: {  	s19 =	sld [smem:$0x3FDB];
	_ =	sdelay $0x1  }
0x9f: {  	s5 =	simm.s32 $_scs_section_size  }
0xa0: {  	s6 =	simm.s32 $_size__tile_overlayer_lowered;
	s7 =	simm.s32 $_tile_overlayer_lowered  }
0xa1: {  	s22 =	simm.s32 $0x1BFF;
	s21 =	sshll.u32 s7, $0x1;
	s4 =	sadd.s32 s5, s19  }
0xa2: {  	s8 =	simm.s32 $0x0;
	s20 =	sshll.u32 s6, $0x1;
	s6 =	sadd.s32 s21, s4  }
0xa3: {  	[timem:s8], [sflag:s22] =	dma.local [hbm:s6], s20  }
0xa4: {  	_ =	swait.ge [sflag:s22], s20  }
0xa5: {  	s5 =	ssub.s32 $0x0, s20;
	[sflag:s22] =	ssyncset.done $0x0  }
0xa6: {  	[sflag:s22] =	ssyncadd.s32 s5;
	_ =	sdelay $0x1  }
0xa7: {  	s23 =	simm.s32 $0x1B8B  }
0xa8: {  	_ =	swait.ge [sflag:s23], $0x1  }
0xa9: {  	[sflag:s23] =	ssyncset.done $0x0  }
0xaa: {  	s25 =	simm.s32 $0x1B8E;
	s24 =	sld [smem:$0x3FFE];
	[sflag:s23] =	ssyncadd.s32 $0xFFFFFFFF  }
0xab: {  	s26 =	simm.s32 $execute0_lowered;
	[smem:$0x3FD2] =	sst s25  }
0xac: {  	s6 =	sshll.u32 s26, $0x1;
	_ =	strace $0x80000046;
	[dreg:$0x1] =	wrdreg $0xFFFFFFFF  }
0xad: {  	s28 =	simm.s32 $_size_execute0_lowered;
	s4 =	sadd.s32 s4, s6;
	[dreg:$0x0] =	wrdreg $0x0  }
0xae: {  	s6 =	sshll.u32 s28, $0x1;
	[dreg:$0x2] =	wrdreg s4  }
0xaf: {  	[dreg:$0x3] =	wrdreg s6  }
0xb0: {  	[dreg:$0x4] =	wrdreg $0xC0  }
0xb1: {  	_ =	task [dreg:s8], $0x5FFFF  }
0xb2: {  	[dreg:$0x1] =	wrdreg $0xFFFFFFFF  }
0xb3: {  	[dreg:$0x0] =	wrdreg $0x60  }
0xb4: {  	[dreg:$0x2] =	wrdreg s16  }
0xb5: {  	[dreg:$0x3] =	wrdreg s17  }
0xb6: {  	[dreg:$0x4] =	wrdreg s24  }
0xb7: {  	[dreg:$0x5] =	wrdreg $0x0  }
0xb8: {  	[dreg:$0x6] =	wrdreg $0x9  }
0xb9: {  	_ =	task.clear_ibuf [dreg:s8], $0x7FFFF;
	_ =	strace $0x90000046  }
0xba: {  	s29 =	simm.s32 $0x9;
	_ =	strace $0x80000048  }
0xbb: {  	_ =	swait.ge [sflag:s29], $0x1  }
0xbc: {  	[sflag:s29] =	ssyncadd.s32 $0xFFFFFFFF  }
0xbd: {  	_ =	strace $0x90000048  }
0xbe: {  	_ =	sfence  }
0xbf: {  	s30 =	sld [smem:$0x0];
	_ =	sdelay $0x2  }
0xc0: {  	s31 =	sshll.u32 s1, $0xD;
	s1 =	sshrl.u32 s1, $0x2  }
0xc1: {  	s3 =	sand.u32 $0x4000, s31;
	s1 =	sadd.s32 s1, s30  }
0xc2: {  	s0 =	sor.u32 s3, s0;
	s1 =	sshll.u32 s1, $0x11  }
0xc3: {  	s0 =	sor.u32 s1, s0  }
0xc4: {  	s0 =	sadd.s32 $0x8F2B, s0  }
0xc5: {  	[sflag:s0] =	ssyncadd.remote.s32 $0x1  }
0xc6: {  	_ =	sfence.sel $0xFFFF  }
0xc7: {  	[dreg:$0x0] =	wrdreg $0xFFFFFFFF;
	(pc) =	sbr.abs _section_cstart, $3  }
0xc8: {  	[dreg:$0x1] =	wrdreg $0xFFFFFFFF  }
0xc9: {  	_ =	task.clear_ibuf [dreg:s8], $0x2FFFF;
	_ =	strace $0x9FFFFFFF  }
0xca: {  	(tm) =	ssettm $0x7FFFFFFF  }
0xcb: {  	_ =	shalt  }
tec
execute0_lowered:
.L_overlay_start_1:
0x0: {  	(tag) =	ssettag $0x1  }
0x1: {  	s1 =	rddreg [dreg:$0x0]  }
0x2: {  	s5 =	rddreg [dreg:$0x1]  }
0x3: {  	s6 =	rddreg [dreg:$0x2]  }
0x4: {  	s3 =	rddreg [dreg:$0x3]  }
0x5: {  	s0 =	rddreg [dreg:$0x4]  }
0x6: {  	s7 =	srdreg.scid;
	s2 =	stileid.u32;
	s4 =	simm.s32 $0x0  }
0x7: {  	s11 =	simm.s32 $0x1;
	s12 =	simm.s32 $0x300;
	s13 =	simm.s32 $0x80  }
0x8: {  	s14 =	simm.s32 $0x280;
	s15 =	simm.s32 $0x20;
	s16 =	simm.s32 $0x10  }
0x9: {  	s17 =	simm.s32 $0x0;
	s7 =	sand.u32 $0x1, s7;
	s8 =	smul.u32 $0x500, s2  }
0xa: {  	[smem:$0x7FF] =	sst s4;
	s10 =	smul.u32 $0x280, s2;
	s31 =	sshll.u32 s2, $0x6  }
0xb: {  	s9 =	sshll.u32 s7, $0x7;
	_ =	strace $0x80000047;
	s28 =	ssub.s32 $0x2, s7  }
0xc: {  	s7 =	sshll.u32 s7, $0x4;
	s8 =	sor.u32 s9, s8;
	s29 =	sshrl.u32 s28, $0x1  }
0xd: {  	s7 =	sor.u32 s2, s7;
	s30 =	sshrl.u32 s10, $0x3;
	s10 =	sadd.s32 s10, s3  }
0xe: {  	s8 =	sshrl.u32 s8, $0x3;
	s9 =	ssub.s32 s28, s29;
	s5 =	sadd.s32 s5, s30  }
0xf: {  	s7 =	smul.u32 $0x1400, s7;
	s10 =	sshrl.u32 s10, $0x3;
	s8 =	sadd.s32 s8, s6  }
0x10: {  	v0 =	vimm.f32 $1.000000000e+00;
	s6 =	sor.u32 $0x1C01, s31;
	s9 =	smax.u32 s9, $0x1;
	s8 =	sadd.s32 $0x2400, s8  }
.LBB2_1:
0x11: {  	[spmem:s10], [sflag:s6] =	dma.local [hbm:s5], $0x50  }
0x12: {  	_ =	swait.ge [sflag:s11], $0x50  }
0x13: {  	[sflag:s11] =	ssyncset.done $0x0  }
0x14: {  	[sflag:s11] =	ssyncadd.s32 $0xFFFFFFB0  }
0x15: {  	[tilespmem:$0x280] =	vst v0  }
0x16: {  	[tilespmem:$0x290] =	vst v0  }
0x17: {  	[tilespmem:$0x2A0] =	vst v0  }
0x18: {  	[tilespmem:$0x2B0] =	vst v0  }
0x19: {  	s18 =	sand.u32 $0x1C00, s4;
	[tilespmem:$0x2C0] =	vst v0  }
0x1a: {  	s19 =	sand.u32 $0x380, s4;
	s18 =	sadd.s32 s7, s18;
	[tilespmem:$0x2D0] =	vst v0  }
0x1b: {  	s18 =	sor.u32 s19, s18;
	[tilespmem:$0x2E0] =	vst v0  }
0x1c: {  	s18 =	sshrl.u32 s18, $0x3;
	[tilespmem:$0x2F0] =	vst v0  }
0x1d: {  	s18 =	sadd.s32 s1, s18;
	[bflag:$0x0] =	sbarrier.arrive $0xFFFF  }
0x1e: {  	[tilespmem:s12], [sflag:$0x1] =	stream.linear.gather [hbm4b:s18+s4], $0x80, $0x38;
	[tilespmem:$0x380] =	vst v63  }
0x1f: {  	_ =	swait.ge [sflag:s11], $0x80  }
0x20: {  	s30 =	simm.s32 $0x80;
	[sflag:s11] =	ssyncset.done $0x0  }
0x21: {  	s31 =	sand.u32 $0x1C00, s30;
	[sflag:s11] =	ssyncadd.s32 $0xFFFFFF80  }
0x22: {  	[spmem:s3] =	stream.indirect.scatter.add.f32 [tilespmem:s14], [sflag:$0x1], $0x1, s12, s13, $0xb8;
	[tilespmem:$0x380] =	vst v63  }
0x23: {  	s20 =	sand.u32 $0x380, s30;
	s19 =	sadd.s32 s7, s31;
	_ =	swait.ge [sflag:s11], $0x80  }
0x24: {  	s19 =	sor.u32 s20, s19;
	s18 =	simm.s32 $0x100;
	[sflag:s11] =	ssyncset.done $0x0  }
.LBB2_2:
0x25: {  	s19 =	sshrl.u32 s19, $0x3  }
0x26: {  	[sflag:s11] =	ssyncadd.s32 $0xFFFFFF80;
	s20 =	smov.u32 s18;
	s21 =	sadd.s32 $0x80, s18  }
0x27: {  	p0 =	sne.s32 s18, $0x1380;
	s18 =	sadd.s32 s1, s19  }
0x28: {  	[tilespmem:s12], [sflag:$0x1] =	stream.linear.gather [hbm4b:s18+s4], $0x80, $0x38;
	[tilespmem:$0x380] =	vst v63  }
0x29: {  	_ =	swait.ge [sflag:s11], $0x80  }
.Ltmp0:
0x2a: {  	[sflag:s11] =	ssyncset.done $0x0;
	(pc) =	sbr.rel @p0 .LBB2_2-.Ltmp0, $4  }
0x2b: {  	s18 =	sand.u32 $0x1C00, s20;
	[sflag:s11] =	ssyncadd.s32 $0xFFFFFF80  }
0x2c: {  	[spmem:s3] =	stream.indirect.scatter.add.f32 [tilespmem:s14], [sflag:$0x1], $0x1, s12, s13, $0xb8;
	[tilespmem:$0x380] =	vst v63  }
0x2d: {  	s19 =	sand.u32 $0x380, s20;
	s18 =	sadd.s32 s7, s18;
	_ =	swait.ge [sflag:s11], $0x80  }
0x2e: {  	s19 =	sor.u32 s19, s18;
	s18 =	smov.u32 s21;
	[sflag:s11] =	ssyncset.done $0x0  }
0x2f: {  	s18 =	sshrl.u32 s19, $0x3  }
0x30: {  	[sflag:s11] =	ssyncadd.s32 $0xFFFFFF80;
	s18 =	sadd.s32 s1, s18  }
0x31: {  	[tilespmem:s12], [sflag:$0x1] =	stream.linear.gather [hbm4b:s18+s4], $0x80, $0x38;
	[tilespmem:$0x380] =	vst v63  }
0x32: {  	_ =	swait.ge [sflag:s11], $0x80  }
0x33: {  	[sflag:s11] =	ssyncset.done $0x0  }
0x34: {  	[sflag:s11] =	ssyncadd.s32 $0xFFFFFF80  }
0x35: {  	[spmem:s3] =	stream.indirect.scatter.add.f32 [tilespmem:s14], [sflag:$0x1], $0x1, s12, s13, $0xb8;
	[tilespmem:$0x380] =	vst v63  }
0x36: {  	_ =	swait.ge [sflag:s11], $0x80  }
0x37: {  	s17 =	sadd.s32 $0x1, s17;
	[sflag:s11] =	ssyncset.done $0x0  }
0x38: {  	p0 =	sne.s32 s17, s9;
	[sflag:s11] =	ssyncadd.s32 $0xFFFFFF80  }
.Ltmp1:
0x39: {  	[bflag:$0x0] =	sbarrier.arrive $0xFFFF;
	(pc) =	sbr.rel @p0 .LBB2_1-.Ltmp1, $4  }
0x3a: {  	[hbm:s8@s15], [sflag:s6] =	dma.strided [spmem:s10@s16], $0x50, s11, $0x10   }
0x3b: {  	_ =	swait.ge [sflag:s11], $0x50  }
0x3c: {  	[sflag:s11] =	ssyncset.done $0x0  }
0x3d: {  	[sflag:s11] =	ssyncadd.s32 $0xFFFFFFB0  }
0x3e: {  	_ =	sfence.sel $0x180000  }
0x3f: {  	[bflag:$0x0] =	sbarrier.arrive $0xFFFF  }
0x40: {  	p0 =	sne.s32 s2, $0x0;
	_ =	strace $0x90000047  }
0x41: {  	s0 =	sadd.s32 @!p0 $0x100000, s0;
	[bflag:$0x2] =	sbarrier.arrive $0xFFFF  }
0x42: {  	[sflag:s0] =	ssyncadd.tile.s32 @!p0 $0x1;
	_ =	shalt  }
.Lfunc_end2:
_tile_overlayer_lowered:
.L_overlay_start_2:
0x43: {  	(tag) =	ssettag $0x2  }
0x44: {  	s0 =	rddreg [dreg:$0x0];
	s2 =	stileid.u32  }
0x45: {  	s1 =	rddreg [dreg:$0x1];
	p0 =	sne.s32 s2, $0x0  }
0x46: {  	s3 =	rddreg [dreg:$0x2];
	[bflag:$0x3] =	sbarrier.arrive $0xFFFF;
	s2 =	simm.s32 @!p0 $0x1C01  }
0x47: {  	[timem:s3], [sflag:s2] =	dma.local @!p0 [hbm:s0], s1  }
0x48: {  	s0 =	simm.s32 @!p0 $0x1  }
0x49: {  	_ =	swait.ge @!p0 [sflag:s0], s1  }
0x4a: {  	s1 =	ssub.s32 @!p0 $0x0, s1;
	[sflag:s0] =	ssyncset.done @!p0 $0x0  }
0x4b: {  	[sflag:s0] =	ssyncadd.s32 @!p0 s1  }
0x4c: {  	[bflag:$0x3] =	sbarrier.arrive $0xFFFF  }
0x4d: {  	_ =	shalt  }

</sc_bundles>
